<compile_context>
chip_gen: v7x
topology: tpu7x:2x2x1
jax: 0.10.2.dev20260603
libtpu: 0.0.44.dev20260713+nightly
codegen_flags: <defaults>
</compile_context>

<pallas_src>
import functools

import jax
import jax.numpy as jnp
from jax import lax
from jax.experimental import pallas as pl
from jax.experimental.pallas import tpu as pltpu
from jax.experimental.pallas import tpu_sc as plsc

_B = 4096
_N = 10000
_S = 50
_V = 128

_info = plsc.get_sparse_core_info()
_NC, _NS, _L = _info.num_cores, _info.num_subcores, _info.num_lanes
_NW = _NC * _NS
_EPW = _B // _NW
_NBUF = 5

_LN2 = 0.6931471805599453
_SQRT2 = 1.4142135623730951

_GDN = lax.GatherDimensionNumbers(
    offset_dims=(), collapsed_slice_dims=(0,), start_index_map=(0,)
)


def _lane_shuffle(v, idx):
    return lax.gather(
        v, idx[:, None], _GDN, (1,),
        mode=lax.GatherScatterMode.PROMISE_IN_BOUNDS,
    )


def _vlog(s):
    bits = lax.bitcast_convert_type(s, jnp.int32)
    e = lax.shift_right_logical(bits, 23) - 127
    mant = lax.bitcast_convert_type(
        jnp.bitwise_or(jnp.bitwise_and(bits, 0x007FFFFF), 0x3F800000),
        jnp.float32,
    )
    big = mant > _SQRT2
    mant = jnp.where(big, mant * 0.5, mant)
    e = jnp.where(big, e + 1, e)
    t = (mant - 1.0) / (mant + 1.0)
    t2 = t * t
    p = 1.0 + t2 * (1.0 / 3.0 + t2 * 0.2)
    return e.astype(jnp.float32) * _LN2 + (2.0 * t) * p


_PERMS = tuple((1, 2, 4, 8))


def _lsm_rows(buf, rows, perms):
    for r in rows:
        vs = [buf[r, pl.ds(16 * k, 16)] for k in range(8)]
        es = [jnp.exp(v) for v in vs]
        ssum = (
            ((es[0] + es[1]) + (es[2] + es[3]))
            + ((es[4] + es[5]) + (es[6] + es[7]))
        )
        for perm in perms:
            ssum = ssum + _lane_shuffle(ssum, perm)
        c = _vlog(ssum)
        for k in range(8):
            buf[r, pl.ds(16 * k, 16)] = vs[k] - c


def _make_kernel():
    mesh = plsc.VectorSubcoreMesh(core_axis_name="c", subcore_axis_name="s")

    @functools.partial(
        pl.kernel,
        mesh=mesh,
        out_type=jax.ShapeDtypeStruct((_S * _B, _V), jnp.float32),
        scratch_types=[
            pltpu.VMEM((_EPW,), jnp.int32),
            pltpu.VMEM((_S, _EPW), jnp.int32),
            pltpu.VMEM((_NBUF, _EPW, _V), jnp.float32),
            pltpu.SemaphoreType.DMA((_NBUF,)),
            pltpu.SemaphoreType.DMA((_NBUF,)),
        ],
    )
    def k(w_hbm, x_hbm, out_hbm, idx0, idxp, buf, gsem, ssem):
        wid = lax.axis_index("s") * _NC + lax.axis_index("c")
        ebase = wid * _EPW
        pltpu.sync_copy(x_hbm.at[pl.ds(ebase, _EPW)], idx0)
        perms = [lax.iota(jnp.int32, _L) ^ d for d in _PERMS]

        def fill_idx(p, carry):
            off = p * _N
            for kk in range(_EPW // _L):
                idxp[p, pl.ds(_L * kk, _L)] = idx0[pl.ds(_L * kk, _L)] + off
            return carry

        def start_gather(slot, p):
            pltpu.async_copy(w_hbm.at[idxp.at[p]], buf.at[slot], gsem.at[slot])

        for p0 in range(_NBUF - 1):
            fill_idx(p0, 0)
            start_gather(p0, p0)
        lax.fori_loop(_NBUF - 1, _S, fill_idx, 0)

        def stage(slot, p):
            pltpu.make_async_copy(
                w_hbm.at[idxp.at[p]], buf.at[slot], gsem.at[slot]
            ).wait()

            @plsc.parallel_loop(0, _EPW, 1, unroll=5)
            def _(r):
                _lsm_rows(buf.at[slot], (r,), perms)

            pltpu.async_copy(
                buf.at[slot],
                out_hbm.at[pl.ds(p * _B + ebase, _EPW)],
                ssem.at[slot],
            )
            nslot = (slot + _NBUF - 1) % _NBUF

            @pl.when(p + _NBUF - 1 < _S)
            def _():
                @pl.when(p >= 1)
                def _():
                    pltpu.make_async_copy(
                        buf.at[nslot],
                        out_hbm.at[pl.ds((p - 1) * _B + ebase, _EPW)],
                        ssem.at[nslot],
                    ).wait()

                start_gather(nslot, p + _NBUF - 1)

        def rounds(i, carry):
            for s in range(_NBUF):
                stage(s, _NBUF * i + s)
            return carry

        lax.fori_loop(0, _S // _NBUF, rounds, 0)
        for s in range(_NBUF):
            p = _S - _NBUF + s
            pltpu.make_async_copy(
                buf.at[s],
                out_hbm.at[pl.ds(p * _B + ebase, _EPW)],
                ssem.at[s],
            ).wait()

    return k


_sc_kernel = _make_kernel()


def kernel(x, weights):
    wt = jnp.transpose(weights, (1, 0, 2)).reshape(_S * _N, _V)
    out = _sc_kernel(wt, x)
    return out.reshape(_S, _B, _V).transpose(1, 0, 2)

# --- scband reference (transcript-rebuilt; emitter-appended) ---
"""Pipeline reference for scband-memorization-model-13202729468564 (READ-ONLY COPY).

The authoritative reference and input builder live on the scoring server;
editing this copy changes nothing except your own understanding.
"""

import jax, jax.numpy as jnp
import numpy as np

NUM_EXAMPLES = 10000
SEQ_LEN = 50
VOCAB_SIZE = 128
BATCH = 4096

def setup_inputs(seed: int = 0) -> dict:
    key = jax.random.key(seed)
    k1, k2 = jax.random.split(key)
    x = jax.random.randint(k1, (BATCH,), 0, NUM_EXAMPLES, dtype=jnp.int64 if jax.config.jax_enable_x64 else jnp.int32)
    weights = jax.random.normal(k2, (NUM_EXAMPLES, SEQ_LEN, VOCAB_SIZE), dtype=jnp.float32)
    return {"x": x, "weights": weights}

def reference(x, weights):
    # gather rows of the memorization table, then log_softmax over vocab dim
    gathered = jnp.take(weights, x, axis=0)  # [B, seq_len, vocab]
    return jax.nn.log_softmax(gathered, axis=-1)

if __name__ == "__main__":
    import jax
    _d = setup_inputs()
    print(jax.jit(kernel)(*tuple(_d.values())))

</pallas_src>

<mosaic_0001>
#map = affine_map<(d0, d1) -> (0, 0)>
#map1 = affine_map<(d0, d1) -> (0)>
module attributes {stable_mosaic.version = 14 : i64} {
  func.func @k(%arg0: i32, %arg1: i32, %arg2: memref<500000x128xf32, #tpu.memory_space<hbm>>, %arg3: memref<4096xi32, #tpu.memory_space<hbm>>, %arg4: memref<204800x128xf32, #tpu.memory_space<hbm>>, %arg5: memref<128xi32, #tpu.memory_space<vmem>>, %arg6: memref<50x128xi32, #tpu.memory_space<vmem>>, %arg7: memref<5x128x128xf32, #tpu.memory_space<vmem>>, %arg8: memref<5x!tpu.dma_semaphore, #tpu.memory_space<semaphore_mem>>, %arg9: memref<5x!tpu.dma_semaphore, #tpu.memory_space<semaphore_mem>>) attributes {dimension_semantics = [#tpu.dimension_semantics<core_parallel>, #tpu.dimension_semantics<subcore_parallel>], iteration_bounds = array<i64: 2, 16>, scalar_prefetch = 0 : i64, scratch_operands = 5 : i64, tpu.core_type = #tpu.core_type<sc_vector_subcore>, window_params = [{transform_indices = #map}, {transform_indices = #map1}, {transform_indices = #map}]} {
    %mul3A = arith.constant 2 : i32
    %mul3A_0 = arith.muli %arg1, %mul3A : i32
    %add3A = arith.addi %mul3A_0, %arg0 : i32
    %mul3A_1 = arith.constant 128 : i32
    %mul3A_2 = arith.muli %add3A, %mul3A_1 : i32
    "tpu.region"() ({
      %run_scoped3A = tpu.sem_alloc : memref<!tpu.dma_semaphore, #tpu.memory_space<semaphore_mem>>
      %dma_start3A_558 = tpu.memref_slice %arg3[%mul3A_2] : memref<4096xi32, #tpu.memory_space<hbm>> -> memref<128xi32, #tpu.memory_space<hbm>>
      %dma_start3A_559 = tpu.memref_slice %arg3[%mul3A_2] : memref<4096xi32, #tpu.memory_space<hbm>> -> memref<128xi32, #tpu.memory_space<hbm>>
      tpu.enqueue_dma source(%dma_start3A_559 : memref<128xi32, #tpu.memory_space<hbm>>) target(%arg5 : memref<128xi32, #tpu.memory_space<vmem>>) target_semaphore(%run_scoped3A : memref<!tpu.dma_semaphore, #tpu.memory_space<semaphore_mem>>)
      %dma_wait3A_560 = tpu.memref_slice %arg3[%mul3A_2] : memref<4096xi32, #tpu.memory_space<hbm>> -> memref<128xi32, #tpu.memory_space<hbm>>
      %dma_wait3A_561 = tpu.memref_slice %arg3[%mul3A_2] : memref<4096xi32, #tpu.memory_space<hbm>> -> memref<128xi32, #tpu.memory_space<hbm>>
      tpu.wait_dma2 semaphore(%run_scoped3A : memref<!tpu.dma_semaphore, #tpu.memory_space<semaphore_mem>>) src(%dma_wait3A_561 : memref<128xi32, #tpu.memory_space<hbm>>) dst(%arg5 : memref<128xi32, #tpu.memory_space<vmem>>)
      tpu.yield
    }) : () -> ()
    %iota3A = tpu.iota {dimensions = array<i32: 0>} : vector<16xi32>
    %xor3A = arith.constant 1 : i32
    %xor3A_3 = vector.broadcast %xor3A : i32 to vector<16xi32>
    %xor3A_4 = arith.xori %iota3A, %xor3A_3 : vector<16xi32>
    %iota3A_5 = tpu.iota {dimensions = array<i32: 0>} : vector<16xi32>
    %xor3A_6 = arith.constant 2 : i32
    %xor3A_7 = vector.broadcast %xor3A_6 : i32 to vector<16xi32>
    %xor3A_8 = arith.xori %iota3A_5, %xor3A_7 : vector<16xi32>
    %iota3A_9 = tpu.iota {dimensions = array<i32: 0>} : vector<16xi32>
    %xor3A_10 = arith.constant 4 : i32
    %xor3A_11 = vector.broadcast %xor3A_10 : i32 to vector<16xi32>
    %xor3A_12 = arith.xori %iota3A_9, %xor3A_11 : vector<16xi32>
    %iota3A_13 = tpu.iota {dimensions = array<i32: 0>} : vector<16xi32>
    %xor3A_14 = arith.constant 8 : i32
    %xor3A_15 = vector.broadcast %xor3A_14 : i32 to vector<16xi32>
    %xor3A_16 = arith.xori %iota3A_13, %xor3A_15 : vector<16xi32>
    %get3A = arith.constant 0 : index
    %get3A_17 = tpu.vector_load %arg5[%get3A] {strides = array<i32>} : memref<128xi32, #tpu.memory_space<vmem>>, vector<16xi32>,
    %get3A_18 = vector.shape_cast %get3A_17 : vector<16xi32> to vector<16xi32>
    %add3A_19 = arith.constant 0 : i32
    %add3A_20 = vector.broadcast %add3A_19 : i32 to vector<16xi32>
    %add3A_21 = arith.addi %get3A_18, %add3A_20 : vector<16xi32>
    %swap3A = arith.constant 0 : i32
    %swap3A_22 = arith.index_cast %swap3A : i32 to index
    %swap3A_23 = arith.constant 0 : index
    %swap3A_24 = tpu.vector_load %arg6[%swap3A_22, %swap3A_23] {strides = array<i32>} : memref<50x128xi32, #tpu.memory_space<vmem>>, vector<1x16xi32>,
    %swap3A_25 = vector.shape_cast %swap3A_24 : vector<1x16xi32> to vector<16xi32>
    %swap3A_26 = vector.shape_cast %add3A_21 : vector<16xi32> to vector<1x16xi32>
    tpu.vector_store %arg6[%swap3A_22, %swap3A_23], %swap3A_26 {strides = array<i32>} : memref<50x128xi32, #tpu.memory_space<vmem>>, vector<1x16xi32>,
    %get3A_27 = arith.constant 16 : index
    %get3A_28 = tpu.vector_load %arg5[%get3A_27] {strides = array<i32>} : memref<128xi32, #tpu.memory_space<vmem>>, vector<16xi32>,
    %get3A_29 = vector.shape_cast %get3A_28 : vector<16xi32> to vector<16xi32>
    %add3A_30 = arith.constant 0 : i32
    %add3A_31 = vector.broadcast %add3A_30 : i32 to vector<16xi32>
    %add3A_32 = arith.addi %get3A_29, %add3A_31 : vector<16xi32>
    %swap3A_33 = arith.constant 0 : i32
    %swap3A_34 = arith.index_cast %swap3A_33 : i32 to index
    %swap3A_35 = arith.constant 16 : index
    %swap3A_36 = tpu.vector_load %arg6[%swap3A_34, %swap3A_35] {strides = array<i32>} : memref<50x128xi32, #tpu.memory_space<vmem>>, vector<1x16xi32>,
    %swap3A_37 = vector.shape_cast %swap3A_36 : vector<1x16xi32> to vector<16xi32>
    %swap3A_38 = vector.shape_cast %add3A_32 : vector<16xi32> to vector<1x16xi32>
    tpu.vector_store %arg6[%swap3A_34, %swap3A_35], %swap3A_38 {strides = array<i32>} : memref<50x128xi32, #tpu.memory_space<vmem>>, vector<1x16xi32>,
    %get3A_39 = arith.constant 32 : index
    %get3A_40 = tpu.vector_load %arg5[%get3A_39] {strides = array<i32>} : memref<128xi32, #tpu.memory_space<vmem>>, vector<16xi32>,
    %get3A_41 = vector.shape_cast %get3A_40 : vector<16xi32> to vector<16xi32>
    %add3A_42 = arith.constant 0 : i32
    %add3A_43 = vector.broadcast %add3A_42 : i32 to vector<16xi32>
    %add3A_44 = arith.addi %get3A_41, %add3A_43 : vector<16xi32>
    %swap3A_45 = arith.constant 0 : i32
    %swap3A_46 = arith.index_cast %swap3A_45 : i32 to index
    %swap3A_47 = arith.constant 32 : index
    %swap3A_48 = tpu.vector_load %arg6[%swap3A_46, %swap3A_47] {strides = array<i32>} : memref<50x128xi32, #tpu.memory_space<vmem>>, vector<1x16xi32>,
    %swap3A_49 = vector.shape_cast %swap3A_48 : vector<1x16xi32> to vector<16xi32>
    %swap3A_50 = vector.shape_cast %add3A_44 : vector<16xi32> to vector<1x16xi32>
    tpu.vector_store %arg6[%swap3A_46, %swap3A_47], %swap3A_50 {strides = array<i32>} : memref<50x128xi32, #tpu.memory_space<vmem>>, vector<1x16xi32>,
    %get3A_51 = arith.constant 48 : index
    %get3A_52 = tpu.vector_load %arg5[%get3A_51] {strides = array<i32>} : memref<128xi32, #tpu.memory_space<vmem>>, vector<16xi32>,
    %get3A_53 = vector.shape_cast %get3A_52 : vector<16xi32> to vector<16xi32>
    %add3A_54 = arith.constant 0 : i32
    %add3A_55 = vector.broadcast %add3A_54 : i32 to vector<16xi32>
    %add3A_56 = arith.addi %get3A_53, %add3A_55 : vector<16xi32>
    %swap3A_57 = arith.constant 0 : i32
    %swap3A_58 = arith.index_cast %swap3A_57 : i32 to index
    %swap3A_59 = arith.constant 48 : index
    %swap3A_60 = tpu.vector_load %arg6[%swap3A_58, %swap3A_59] {strides = array<i32>} : memref<50x128xi32, #tpu.memory_space<vmem>>, vector<1x16xi32>,
    %swap3A_61 = vector.shape_cast %swap3A_60 : vector<1x16xi32> to vector<16xi32>
    %swap3A_62 = vector.shape_cast %add3A_56 : vector<16xi32> to vector<1x16xi32>
    tpu.vector_store %arg6[%swap3A_58, %swap3A_59], %swap3A_62 {strides = array<i32>} : memref<50x128xi32, #tpu.memory_space<vmem>>, vector<1x16xi32>,
    %get3A_63 = arith.constant 64 : index
    %get3A_64 = tpu.vector_load %arg5[%get3A_63] {strides = array<i32>} : memref<128xi32, #tpu.memory_space<vmem>>, vector<16xi32>,
    %get3A_65 = vector.shape_cast %get3A_64 : vector<16xi32> to vector<16xi32>
    %add3A_66 = arith.constant 0 : i32
    %add3A_67 = vector.broadcast %add3A_66 : i32 to vector<16xi32>
    %add3A_68 = arith.addi %get3A_65, %add3A_67 : vector<16xi32>
    %swap3A_69 = arith.constant 0 : i32
    %swap3A_70 = arith.index_cast %swap3A_69 : i32 to index
    %swap3A_71 = arith.constant 64 : index
    %swap3A_72 = tpu.vector_load %arg6[%swap3A_70, %swap3A_71] {strides = array<i32>} : memref<50x128xi32, #tpu.memory_space<vmem>>, vector<1x16xi32>,
    %swap3A_73 = vector.shape_cast %swap3A_72 : vector<1x16xi32> to vector<16xi32>
    %swap3A_74 = vector.shape_cast %add3A_68 : vector<16xi32> to vector<1x16xi32>
    tpu.vector_store %arg6[%swap3A_70, %swap3A_71], %swap3A_74 {strides = array<i32>} : memref<50x128xi32, #tpu.memory_space<vmem>>, vector<1x16xi32>,
    %get3A_75 = arith.constant 80 : index
    %get3A_76 = tpu.vector_load %arg5[%get3A_75] {strides = array<i32>} : memref<128xi32, #tpu.memory_space<vmem>>, vector<16xi32>,
    %get3A_77 = vector.shape_cast %get3A_76 : vector<16xi32> to vector<16xi32>
    %add3A_78 = arith.constant 0 : i32
    %add3A_79 = vector.broadcast %add3A_78 : i32 to vector<16xi32>
    %add3A_80 = arith.addi %get3A_77, %add3A_79 : vector<16xi32>
    %swap3A_81 = arith.constant 0 : i32
    %swap3A_82 = arith.index_cast %swap3A_81 : i32 to index
    %swap3A_83 = arith.constant 80 : index
    %swap3A_84 = tpu.vector_load %arg6[%swap3A_82, %swap3A_83] {strides = array<i32>} : memref<50x128xi32, #tpu.memory_space<vmem>>, vector<1x16xi32>,
    %swap3A_85 = vector.shape_cast %swap3A_84 : vector<1x16xi32> to vector<16xi32>
    %swap3A_86 = vector.shape_cast %add3A_80 : vector<16xi32> to vector<1x16xi32>
    tpu.vector_store %arg6[%swap3A_82, %swap3A_83], %swap3A_86 {strides = array<i32>} : memref<50x128xi32, #tpu.memory_space<vmem>>, vector<1x16xi32>,
    %get3A_87 = arith.constant 96 : index
    %get3A_88 = tpu.vector_load %arg5[%get3A_87] {strides = array<i32>} : memref<128xi32, #tpu.memory_space<vmem>>, vector<16xi32>,
    %get3A_89 = vector.shape_cast %get3A_88 : vector<16xi32> to vector<16xi32>
    %add3A_90 = arith.constant 0 : i32
    %add3A_91 = vector.broadcast %add3A_90 : i32 to vector<16xi32>
    %add3A_92 = arith.addi %get3A_89, %add3A_91 : vector<16xi32>
    %swap3A_93 = arith.constant 0 : i32
    %swap3A_94 = arith.index_cast %swap3A_93 : i32 to index
    %swap3A_95 = arith.constant 96 : index
    %swap3A_96 = tpu.vector_load %arg6[%swap3A_94, %swap3A_95] {strides = array<i32>} : memref<50x128xi32, #tpu.memory_space<vmem>>, vector<1x16xi32>,
    %swap3A_97 = vector.shape_cast %swap3A_96 : vector<1x16xi32> to vector<16xi32>
    %swap3A_98 = vector.shape_cast %add3A_92 : vector<16xi32> to vector<1x16xi32>
    tpu.vector_store %arg6[%swap3A_94, %swap3A_95], %swap3A_98 {strides = array<i32>} : memref<50x128xi32, #tpu.memory_space<vmem>>, vector<1x16xi32>,
    %get3A_99 = arith.constant 112 : index
    %get3A_100 = tpu.vector_load %arg5[%get3A_99] {strides = array<i32>} : memref<128xi32, #tpu.memory_space<vmem>>, vector<16xi32>,
    %get3A_101 = vector.shape_cast %get3A_100 : vector<16xi32> to vector<16xi32>
    %add3A_102 = arith.constant 0 : i32
    %add3A_103 = vector.broadcast %add3A_102 : i32 to vector<16xi32>
    %add3A_104 = arith.addi %get3A_101, %add3A_103 : vector<16xi32>
    %swap3A_105 = arith.constant 0 : i32
    %swap3A_106 = arith.index_cast %swap3A_105 : i32 to index
    %swap3A_107 = arith.constant 112 : index
    %swap3A_108 = tpu.vector_load %arg6[%swap3A_106, %swap3A_107] {strides = array<i32>} : memref<50x128xi32, #tpu.memory_space<vmem>>, vector<1x16xi32>,
    %swap3A_109 = vector.shape_cast %swap3A_108 : vector<1x16xi32> to vector<16xi32>
    %swap3A_110 = vector.shape_cast %add3A_104 : vector<16xi32> to vector<1x16xi32>
    tpu.vector_store %arg6[%swap3A_106, %swap3A_107], %swap3A_110 {strides = array<i32>} : memref<50x128xi32, #tpu.memory_space<vmem>>, vector<1x16xi32>,
    %dma_start3A = arith.constant 0 : i32
    %dma_start3A_111 = arith.constant 0 : i32
    %dma_start3A_112 = arith.constant 0 : i32
    %dma_start3A_113 = arith.constant 0 : i32
    %dma_start3A_114 = arith.constant 0 : i32
    %dma_start3A_115 = tpu.memref_slice %arg7[%dma_start3A_111, %dma_start3A_113, %dma_start3A_114] : memref<5x128x128xf32, #tpu.memory_space<vmem>> -> memref<1x128x128xf32, #tpu.memory_space<vmem>>
    %dma_start3A_116 = tpu.memref_squeeze %dma_start3A_115 : memref<1x128x128xf32, #tpu.memory_space<vmem>> -> memref<128x128xf32, #tpu.memory_space<vmem>>
    %dma_start3A_117 = arith.constant 0 : i32
    %dma_start3A_118 = tpu.memref_slice %arg6[%dma_start3A, %dma_start3A_117] : memref<50x128xi32, #tpu.memory_space<vmem>> -> memref<1x128xi32, #tpu.memory_space<vmem>>
    %dma_start3A_119 = tpu.memref_squeeze %dma_start3A_118 : memref<1x128xi32, #tpu.memory_space<vmem>> -> memref<128xi32, #tpu.memory_space<vmem>>
    %dma_start3A_120 = arith.constant 0 : i32
    %dma_start3A_121 = arith.constant 0 : i32
    %dma_start3A_122 = tpu.memref_slice %arg2[%dma_start3A_120, %dma_start3A_121] : memref<500000x128xf32, #tpu.memory_space<hbm>> -> memref<500000x128xf32, #tpu.memory_space<hbm>>
    %dma_start3A_123 = tpu.memref_slice %arg8[%dma_start3A_112] : memref<5x!tpu.dma_semaphore, #tpu.memory_space<semaphore_mem>> -> memref<1x!tpu.dma_semaphore, #tpu.memory_space<semaphore_mem>>
    %dma_start3A_124 = tpu.memref_squeeze %dma_start3A_123 : memref<1x!tpu.dma_semaphore, #tpu.memory_space<semaphore_mem>> -> memref<!tpu.dma_semaphore, #tpu.memory_space<semaphore_mem>>
    tpu.enqueue_indirect_dma source(%dma_start3A_122 : memref<500000x128xf32, #tpu.memory_space<hbm>>) target(%dma_start3A_116 : memref<128x128xf32, #tpu.memory_space<vmem>>) offsets(%dma_start3A_119 : memref<128xi32, #tpu.memory_space<vmem>>) semaphore(%dma_start3A_124 : memref<!tpu.dma_semaphore, #tpu.memory_space<semaphore_mem>>)
    %get3A_125 = arith.constant 0 : index
    %get3A_126 = tpu.vector_load %arg5[%get3A_125] {strides = array<i32>} : memref<128xi32, #tpu.memory_space<vmem>>, vector<16xi32>,
    %get3A_127 = vector.shape_cast %get3A_126 : vector<16xi32> to vector<16xi32>
    %add3A_128 = arith.constant 10000 : i32
    %add3A_129 = vector.broadcast %add3A_128 : i32 to vector<16xi32>
    %add3A_130 = arith.addi %get3A_127, %add3A_129 : vector<16xi32>
    %swap3A_131 = arith.constant 1 : i32
    %swap3A_132 = arith.index_cast %swap3A_131 : i32 to index
    %swap3A_133 = arith.constant 0 : index
    %swap3A_134 = tpu.vector_load %arg6[%swap3A_132, %swap3A_133] {strides = array<i32>} : memref<50x128xi32, #tpu.memory_space<vmem>>, vector<1x16xi32>,
    %swap3A_135 = vector.shape_cast %swap3A_134 : vector<1x16xi32> to vector<16xi32>
    %swap3A_136 = vector.shape_cast %add3A_130 : vector<16xi32> to vector<1x16xi32>
    tpu.vector_store %arg6[%swap3A_132, %swap3A_133], %swap3A_136 {strides = array<i32>} : memref<50x128xi32, #tpu.memory_space<vmem>>, vector<1x16xi32>,
    %get3A_137 = arith.constant 16 : index
    %get3A_138 = tpu.vector_load %arg5[%get3A_137] {strides = array<i32>} : memref<128xi32, #tpu.memory_space<vmem>>, vector<16xi32>,
    %get3A_139 = vector.shape_cast %get3A_138 : vector<16xi32> to vector<16xi32>
    %add3A_140 = arith.constant 10000 : i32
    %add3A_141 = vector.broadcast %add3A_140 : i32 to vector<16xi32>
    %add3A_142 = arith.addi %get3A_139, %add3A_141 : vector<16xi32>
    %swap3A_143 = arith.constant 1 : i32
    %swap3A_144 = arith.index_cast %swap3A_143 : i32 to index
    %swap3A_145 = arith.constant 16 : index
    %swap3A_146 = tpu.vector_load %arg6[%swap3A_144, %swap3A_145] {strides = array<i32>} : memref<50x128xi32, #tpu.memory_space<vmem>>, vector<1x16xi32>,
    %swap3A_147 = vector.shape_cast %swap3A_146 : vector<1x16xi32> to vector<16xi32>
    %swap3A_148 = vector.shape_cast %add3A_142 : vector<16xi32> to vector<1x16xi32>
    tpu.vector_store %arg6[%swap3A_144, %swap3A_145], %swap3A_148 {strides = array<i32>} : memref<50x128xi32, #tpu.memory_space<vmem>>, vector<1x16xi32>,
    %get3A_149 = arith.constant 32 : index
    %get3A_150 = tpu.vector_load %arg5[%get3A_149] {strides = array<i32>} : memref<128xi32, #tpu.memory_space<vmem>>, vector<16xi32>,
    %get3A_151 = vector.shape_cast %get3A_150 : vector<16xi32> to vector<16xi32>
    %add3A_152 = arith.constant 10000 : i32
    %add3A_153 = vector.broadcast %add3A_152 : i32 to vector<16xi32>
    %add3A_154 = arith.addi %get3A_151, %add3A_153 : vector<16xi32>
    %swap3A_155 = arith.constant 1 : i32
    %swap3A_156 = arith.index_cast %swap3A_155 : i32 to index
    %swap3A_157 = arith.constant 32 : index
    %swap3A_158 = tpu.vector_load %arg6[%swap3A_156, %swap3A_157] {strides = array<i32>} : memref<50x128xi32, #tpu.memory_space<vmem>>, vector<1x16xi32>,
    %swap3A_159 = vector.shape_cast %swap3A_158 : vector<1x16xi32> to vector<16xi32>
    %swap3A_160 = vector.shape_cast %add3A_154 : vector<16xi32> to vector<1x16xi32>
    tpu.vector_store %arg6[%swap3A_156, %swap3A_157], %swap3A_160 {strides = array<i32>} : memref<50x128xi32, #tpu.memory_space<vmem>>, vector<1x16xi32>,
    %get3A_161 = arith.constant 48 : index
    %get3A_162 = tpu.vector_load %arg5[%get3A_161] {strides = array<i32>} : memref<128xi32, #tpu.memory_space<vmem>>, vector<16xi32>,
    %get3A_163 = vector.shape_cast %get3A_162 : vector<16xi32> to vector<16xi32>
    %add3A_164 = arith.constant 10000 : i32
    %add3A_165 = vector.broadcast %add3A_164 : i32 to vector<16xi32>
    %add3A_166 = arith.addi %get3A_163, %add3A_165 : vector<16xi32>
    %swap3A_167 = arith.constant 1 : i32
    %swap3A_168 = arith.index_cast %swap3A_167 : i32 to index
    %swap3A_169 = arith.constant 48 : index
    %swap3A_170 = tpu.vector_load %arg6[%swap3A_168, %swap3A_169] {strides = array<i32>} : memref<50x128xi32, #tpu.memory_space<vmem>>, vector<1x16xi32>,
    %swap3A_171 = vector.shape_cast %swap3A_170 : vector<1x16xi32> to vector<16xi32>
    %swap3A_172 = vector.shape_cast %add3A_166 : vector<16xi32> to vector<1x16xi32>
    tpu.vector_store %arg6[%swap3A_168, %swap3A_169], %swap3A_172 {strides = array<i32>} : memref<50x128xi32, #tpu.memory_space<vmem>>, vector<1x16xi32>,
    %get3A_173 = arith.constant 64 : index
    %get3A_174 = tpu.vector_load %arg5[%get3A_173] {strides = array<i32>} : memref<128xi32, #tpu.memory_space<vmem>>, vector<16xi32>,
    %get3A_175 = vector.shape_cast %get3A_174 : vector<16xi32> to vector<16xi32>
    %add3A_176 = arith.constant 10000 : i32
    %add3A_177 = vector.broadcast %add3A_176 : i32 to vector<16xi32>
    %add3A_178 = arith.addi %get3A_175, %add3A_177 : vector<16xi32>
    %swap3A_179 = arith.constant 1 : i32
    %swap3A_180 = arith.index_cast %swap3A_179 : i32 to index
    %swap3A_181 = arith.constant 64 : index
    %swap3A_182 = tpu.vector_load %arg6[%swap3A_180, %swap3A_181] {strides = array<i32>} : memref<50x128xi32, #tpu.memory_space<vmem>>, vector<1x16xi32>,
    %swap3A_183 = vector.shape_cast %swap3A_182 : vector<1x16xi32> to vector<16xi32>
    %swap3A_184 = vector.shape_cast %add3A_178 : vector<16xi32> to vector<1x16xi32>
    tpu.vector_store %arg6[%swap3A_180, %swap3A_181], %swap3A_184 {strides = array<i32>} : memref<50x128xi32, #tpu.memory_space<vmem>>, vector<1x16xi32>,
    %get3A_185 = arith.constant 80 : index
    %get3A_186 = tpu.vector_load %arg5[%get3A_185] {strides = array<i32>} : memref<128xi32, #tpu.memory_space<vmem>>, vector<16xi32>,
    %get3A_187 = vector.shape_cast %get3A_186 : vector<16xi32> to vector<16xi32>
    %add3A_188 = arith.constant 10000 : i32
    %add3A_189 = vector.broadcast %add3A_188 : i32 to vector<16xi32>
    %add3A_190 = arith.addi %get3A_187, %add3A_189 : vector<16xi32>
    %swap3A_191 = arith.constant 1 : i32
    %swap3A_192 = arith.index_cast %swap3A_191 : i32 to index
    %swap3A_193 = arith.constant 80 : index
    %swap3A_194 = tpu.vector_load %arg6[%swap3A_192, %swap3A_193] {strides = array<i32>} : memref<50x128xi32, #tpu.memory_space<vmem>>, vector<1x16xi32>,
    %swap3A_195 = vector.shape_cast %swap3A_194 : vector<1x16xi32> to vector<16xi32>
    %swap3A_196 = vector.shape_cast %add3A_190 : vector<16xi32> to vector<1x16xi32>
    tpu.vector_store %arg6[%swap3A_192, %swap3A_193], %swap3A_196 {strides = array<i32>} : memref<50x128xi32, #tpu.memory_space<vmem>>, vector<1x16xi32>,
    %get3A_197 = arith.constant 96 : index
    %get3A_198 = tpu.vector_load %arg5[%get3A_197] {strides = array<i32>} : memref<128xi32, #tpu.memory_space<vmem>>, vector<16xi32>,
    %get3A_199 = vector.shape_cast %get3A_198 : vector<16xi32> to vector<16xi32>
    %add3A_200 = arith.constant 10000 : i32
    %add3A_201 = vector.broadcast %add3A_200 : i32 to vector<16xi32>
    %add3A_202 = arith.addi %get3A_199, %add3A_201 : vector<16xi32>
    %swap3A_203 = arith.constant 1 : i32
    %swap3A_204 = arith.index_cast %swap3A_203 : i32 to index
    %swap3A_205 = arith.constant 96 : index
    %swap3A_206 = tpu.vector_load %arg6[%swap3A_204, %swap3A_205] {strides = array<i32>} : memref<50x128xi32, #tpu.memory_space<vmem>>, vector<1x16xi32>,
    %swap3A_207 = vector.shape_cast %swap3A_206 : vector<1x16xi32> to vector<16xi32>
    %swap3A_208 = vector.shape_cast %add3A_202 : vector<16xi32> to vector<1x16xi32>
    tpu.vector_store %arg6[%swap3A_204, %swap3A_205], %swap3A_208 {strides = array<i32>} : memref<50x128xi32, #tpu.memory_space<vmem>>, vector<1x16xi32>,
    %get3A_209 = arith.constant 112 : index
    %get3A_210 = tpu.vector_load %arg5[%get3A_209] {strides = array<i32>} : memref<128xi32, #tpu.memory_space<vmem>>, vector<16xi32>,
    %get3A_211 = vector.shape_cast %get3A_210 : vector<16xi32> to vector<16xi32>
    %add3A_212 = arith.constant 10000 : i32
    %add3A_213 = vector.broadcast %add3A_212 : i32 to vector<16xi32>
    %add3A_214 = arith.addi %get3A_211, %add3A_213 : vector<16xi32>
    %swap3A_215 = arith.constant 1 : i32
    %swap3A_216 = arith.index_cast %swap3A_215 : i32 to index
    %swap3A_217 = arith.constant 112 : index
    %swap3A_218 = tpu.vector_load %arg6[%swap3A_216, %swap3A_217] {strides = array<i32>} : memref<50x128xi32, #tpu.memory_space<vmem>>, vector<1x16xi32>,
    %swap3A_219 = vector.shape_cast %swap3A_218 : vector<1x16xi32> to vector<16xi32>
    %swap3A_220 = vector.shape_cast %add3A_214 : vector<16xi32> to vector<1x16xi32>
    tpu.vector_store %arg6[%swap3A_216, %swap3A_217], %swap3A_220 {strides = array<i32>} : memref<50x128xi32, #tpu.memory_space<vmem>>, vector<1x16xi32>,
    %dma_start3A_221 = arith.constant 1 : i32
    %dma_start3A_222 = arith.constant 1 : i32
    %dma_start3A_223 = arith.constant 1 : i32
    %dma_start3A_224 = arith.constant 0 : i32
    %dma_start3A_225 = arith.constant 0 : i32
    %dma_start3A_226 = tpu.memref_slice %arg7[%dma_start3A_222, %dma_start3A_224, %dma_start3A_225] : memref<5x128x128xf32, #tpu.memory_space<vmem>> -> memref<1x128x128xf32, #tpu.memory_space<vmem>>
    %dma_start3A_227 = tpu.memref_squeeze %dma_start3A_226 : memref<1x128x128xf32, #tpu.memory_space<vmem>> -> memref<128x128xf32, #tpu.memory_space<vmem>>
    %dma_start3A_228 = arith.constant 0 : i32
    %dma_start3A_229 = tpu.memref_slice %arg6[%dma_start3A_221, %dma_start3A_228] : memref<50x128xi32, #tpu.memory_space<vmem>> -> memref<1x128xi32, #tpu.memory_space<vmem>>
    %dma_start3A_230 = tpu.memref_squeeze %dma_start3A_229 : memref<1x128xi32, #tpu.memory_space<vmem>> -> memref<128xi32, #tpu.memory_space<vmem>>
    %dma_start3A_231 = arith.constant 0 : i32
    %dma_start3A_232 = arith.constant 0 : i32
    %dma_start3A_233 = tpu.memref_slice %arg2[%dma_start3A_231, %dma_start3A_232] : memref<500000x128xf32, #tpu.memory_space<hbm>> -> memref<500000x128xf32, #tpu.memory_space<hbm>>
    %dma_start3A_234 = tpu.memref_slice %arg8[%dma_start3A_223] : memref<5x!tpu.dma_semaphore, #tpu.memory_space<semaphore_mem>> -> memref<1x!tpu.dma_semaphore, #tpu.memory_space<semaphore_mem>>
    %dma_start3A_235 = tpu.memref_squeeze %dma_start3A_234 : memref<1x!tpu.dma_semaphore, #tpu.memory_space<semaphore_mem>> -> memref<!tpu.dma_semaphore, #tpu.memory_space<semaphore_mem>>
    tpu.enqueue_indirect_dma source(%dma_start3A_233 : memref<500000x128xf32, #tpu.memory_space<hbm>>) target(%dma_start3A_227 : memref<128x128xf32, #tpu.memory_space<vmem>>) offsets(%dma_start3A_230 : memref<128xi32, #tpu.memory_space<vmem>>) semaphore(%dma_start3A_235 : memref<!tpu.dma_semaphore, #tpu.memory_space<semaphore_mem>>)
    %get3A_236 = arith.constant 0 : index
    %get3A_237 = tpu.vector_load %arg5[%get3A_236] {strides = array<i32>} : memref<128xi32, #tpu.memory_space<vmem>>, vector<16xi32>,
    %get3A_238 = vector.shape_cast %get3A_237 : vector<16xi32> to vector<16xi32>
    %add3A_239 = arith.constant 20000 : i32
    %add3A_240 = vector.broadcast %add3A_239 : i32 to vector<16xi32>
    %add3A_241 = arith.addi %get3A_238, %add3A_240 : vector<16xi32>
    %swap3A_242 = arith.constant 2 : i32
    %swap3A_243 = arith.index_cast %swap3A_242 : i32 to index
    %swap3A_244 = arith.constant 0 : index
    %swap3A_245 = tpu.vector_load %arg6[%swap3A_243, %swap3A_244] {strides = array<i32>} : memref<50x128xi32, #tpu.memory_space<vmem>>, vector<1x16xi32>,
    %swap3A_246 = vector.shape_cast %swap3A_245 : vector<1x16xi32> to vector<16xi32>
    %swap3A_247 = vector.shape_cast %add3A_241 : vector<16xi32> to vector<1x16xi32>
    tpu.vector_store %arg6[%swap3A_243, %swap3A_244], %swap3A_247 {strides = array<i32>} : memref<50x128xi32, #tpu.memory_space<vmem>>, vector<1x16xi32>,
    %get3A_248 = arith.constant 16 : index
    %get3A_249 = tpu.vector_load %arg5[%get3A_248] {strides = array<i32>} : memref<128xi32, #tpu.memory_space<vmem>>, vector<16xi32>,
    %get3A_250 = vector.shape_cast %get3A_249 : vector<16xi32> to vector<16xi32>
    %add3A_251 = arith.constant 20000 : i32
    %add3A_252 = vector.broadcast %add3A_251 : i32 to vector<16xi32>
    %add3A_253 = arith.addi %get3A_250, %add3A_252 : vector<16xi32>
    %swap3A_254 = arith.constant 2 : i32
    %swap3A_255 = arith.index_cast %swap3A_254 : i32 to index
    %swap3A_256 = arith.constant 16 : index
    %swap3A_257 = tpu.vector_load %arg6[%swap3A_255, %swap3A_256] {strides = array<i32>} : memref<50x128xi32, #tpu.memory_space<vmem>>, vector<1x16xi32>,
    %swap3A_258 = vector.shape_cast %swap3A_257 : vector<1x16xi32> to vector<16xi32>
    %swap3A_259 = vector.shape_cast %add3A_253 : vector<16xi32> to vector<1x16xi32>
    tpu.vector_store %arg6[%swap3A_255, %swap3A_256], %swap3A_259 {strides = array<i32>} : memref<50x128xi32, #tpu.memory_space<vmem>>, vector<1x16xi32>,
    %get3A_260 = arith.constant 32 : index
    %get3A_261 = tpu.vector_load %arg5[%get3A_260] {strides = array<i32>} : memref<128xi32, #tpu.memory_space<vmem>>, vector<16xi32>,
    %get3A_262 = vector.shape_cast %get3A_261 : vector<16xi32> to vector<16xi32>
    %add3A_263 = arith.constant 20000 : i32
    %add3A_264 = vector.broadcast %add3A_263 : i32 to vector<16xi32>
    %add3A_265 = arith.addi %get3A_262, %add3A_264 : vector<16xi32>
    %swap3A_266 = arith.constant 2 : i32
    %swap3A_267 = arith.index_cast %swap3A_266 : i32 to index
    %swap3A_268 = arith.constant 32 : index
    %swap3A_269 = tpu.vector_load %arg6[%swap3A_267, %swap3A_268] {strides = array<i32>} : memref<50x128xi32, #tpu.memory_space<vmem>>, vector<1x16xi32>,
    %swap3A_270 = vector.shape_cast %swap3A_269 : vector<1x16xi32> to vector<16xi32>
    %swap3A_271 = vector.shape_cast %add3A_265 : vector<16xi32> to vector<1x16xi32>
    tpu.vector_store %arg6[%swap3A_267, %swap3A_268], %swap3A_271 {strides = array<i32>} : memref<50x128xi32, #tpu.memory_space<vmem>>, vector<1x16xi32>,
    %get3A_272 = arith.constant 48 : index
    %get3A_273 = tpu.vector_load %arg5[%get3A_272] {strides = array<i32>} : memref<128xi32, #tpu.memory_space<vmem>>, vector<16xi32>,
    %get3A_274 = vector.shape_cast %get3A_273 : vector<16xi32> to vector<16xi32>
    %add3A_275 = arith.constant 20000 : i32
    %add3A_276 = vector.broadcast %add3A_275 : i32 to vector<16xi32>
    %add3A_277 = arith.addi %get3A_274, %add3A_276 : vector<16xi32>
    %swap3A_278 = arith.constant 2 : i32
    %swap3A_279 = arith.index_cast %swap3A_278 : i32 to index
    %swap3A_280 = arith.constant 48 : index
    %swap3A_281 = tpu.vector_load %arg6[%swap3A_279, %swap3A_280] {strides = array<i32>} : memref<50x128xi32, #tpu.memory_space<vmem>>, vector<1x16xi32>,
    %swap3A_282 = vector.shape_cast %swap3A_281 : vector<1x16xi32> to vector<16xi32>
    %swap3A_283 = vector.shape_cast %add3A_277 : vector<16xi32> to vector<1x16xi32>
    tpu.vector_store %arg6[%swap3A_279, %swap3A_280], %swap3A_283 {strides = array<i32>} : memref<50x128xi32, #tpu.memory_space<vmem>>, vector<1x16xi32>,
    %get3A_284 = arith.constant 64 : index
    %get3A_285 = tpu.vector_load %arg5[%get3A_284] {strides = array<i32>} : memref<128xi32, #tpu.memory_space<vmem>>, vector<16xi32>,
    %get3A_286 = vector.shape_cast %get3A_285 : vector<16xi32> to vector<16xi32>
    %add3A_287 = arith.constant 20000 : i32
    %add3A_288 = vector.broadcast %add3A_287 : i32 to vector<16xi32>
    %add3A_289 = arith.addi %get3A_286, %add3A_288 : vector<16xi32>
    %swap3A_290 = arith.constant 2 : i32
    %swap3A_291 = arith.index_cast %swap3A_290 : i32 to index
    %swap3A_292 = arith.constant 64 : index
    %swap3A_293 = tpu.vector_load %arg6[%swap3A_291, %swap3A_292] {strides = array<i32>} : memref<50x128xi32, #tpu.memory_space<vmem>>, vector<1x16xi32>,
    %swap3A_294 = vector.shape_cast %swap3A_293 : vector<1x16xi32> to vector<16xi32>
    %swap3A_295 = vector.shape_cast %add3A_289 : vector<16xi32> to vector<1x16xi32>
    tpu.vector_store %arg6[%swap3A_291, %swap3A_292], %swap3A_295 {strides = array<i32>} : memref<50x128xi32, #tpu.memory_space<vmem>>, vector<1x16xi32>,
    %get3A_296 = arith.constant 80 : index
    %get3A_297 = tpu.vector_load %arg5[%get3A_296] {strides = array<i32>} : memref<128xi32, #tpu.memory_space<vmem>>, vector<16xi32>,
    %get3A_298 = vector.shape_cast %get3A_297 : vector<16xi32> to vector<16xi32>
    %add3A_299 = arith.constant 20000 : i32
    %add3A_300 = vector.broadcast %add3A_299 : i32 to vector<16xi32>
    %add3A_301 = arith.addi %get3A_298, %add3A_300 : vector<16xi32>
    %swap3A_302 = arith.constant 2 : i32
    %swap3A_303 = arith.index_cast %swap3A_302 : i32 to index
    %swap3A_304 = arith.constant 80 : index
    %swap3A_305 = tpu.vector_load %arg6[%swap3A_303, %swap3A_304] {strides = array<i32>} : memref<50x128xi32, #tpu.memory_space<vmem>>, vector<1x16xi32>,
    %swap3A_306 = vector.shape_cast %swap3A_305 : vector<1x16xi32> to vector<16xi32>
    %swap3A_307 = vector.shape_cast %add3A_301 : vector<16xi32> to vector<1x16xi32>
    tpu.vector_store %arg6[%swap3A_303, %swap3A_304], %swap3A_307 {strides = array<i32>} : memref<50x128xi32, #tpu.memory_space<vmem>>, vector<1x16xi32>,
    %get3A_308 = arith.constant 96 : index
    %get3A_309 = tpu.vector_load %arg5[%get3A_308] {strides = array<i32>} : memref<128xi32, #tpu.memory_space<vmem>>, vector<16xi32>,
    %get3A_310 = vector.shape_cast %get3A_309 : vector<16xi32> to vector<16xi32>
    %add3A_311 = arith.constant 20000 : i32
    %add3A_312 = vector.broadcast %add3A_311 : i32 to vector<16xi32>
    %add3A_313 = arith.addi %get3A_310, %add3A_312 : vector<16xi32>
    %swap3A_314 = arith.constant 2 : i32
    %swap3A_315 = arith.index_cast %swap3A_314 : i32 to index
    %swap3A_316 = arith.constant 96 : index
    %swap3A_317 = tpu.vector_load %arg6[%swap3A_315, %swap3A_316] {strides = array<i32>} : memref<50x128xi32, #tpu.memory_space<vmem>>, vector<1x16xi32>,
    %swap3A_318 = vector.shape_cast %swap3A_317 : vector<1x16xi32> to vector<16xi32>
    %swap3A_319 = vector.shape_cast %add3A_313 : vector<16xi32> to vector<1x16xi32>
    tpu.vector_store %arg6[%swap3A_315, %swap3A_316], %swap3A_319 {strides = array<i32>} : memref<50x128xi32, #tpu.memory_space<vmem>>, vector<1x16xi32>,
    %get3A_320 = arith.constant 112 : index
    %get3A_321 = tpu.vector_load %arg5[%get3A_320] {strides = array<i32>} : memref<128xi32, #tpu.memory_space<vmem>>, vector<16xi32>,
    %get3A_322 = vector.shape_cast %get3A_321 : vector<16xi32> to vector<16xi32>
    %add3A_323 = arith.constant 20000 : i32
    %add3A_324 = vector.broadcast %add3A_323 : i32 to vector<16xi32>
    %add3A_325 = arith.addi %get3A_322, %add3A_324 : vector<16xi32>
    %swap3A_326 = arith.constant 2 : i32
    %swap3A_327 = arith.index_cast %swap3A_326 : i32 to index
    %swap3A_328 = arith.constant 112 : index
    %swap3A_329 = tpu.vector_load %arg6[%swap3A_327, %swap3A_328] {strides = array<i32>} : memref<50x128xi32, #tpu.memory_space<vmem>>, vector<1x16xi32>,
    %swap3A_330 = vector.shape_cast %swap3A_329 : vector<1x16xi32> to vector<16xi32>
    %swap3A_331 = vector.shape_cast %add3A_325 : vector<16xi32> to vector<1x16xi32>
    tpu.vector_store %arg6[%swap3A_327, %swap3A_328], %swap3A_331 {strides = array<i32>} : memref<50x128xi32, #tpu.memory_space<vmem>>, vector<1x16xi32>,
    %dma_start3A_332 = arith.constant 2 : i32
    %dma_start3A_333 = arith.constant 2 : i32
    %dma_start3A_334 = arith.constant 2 : i32
    %dma_start3A_335 = arith.constant 0 : i32
    %dma_start3A_336 = arith.constant 0 : i32
    %dma_start3A_337 = tpu.memref_slice %arg7[%dma_start3A_333, %dma_start3A_335, %dma_start3A_336] : memref<5x128x128xf32, #tpu.memory_space<vmem>> -> memref<1x128x128xf32, #tpu.memory_space<vmem>>
    %dma_start3A_338 = tpu.memref_squeeze %dma_start3A_337 : memref<1x128x128xf32, #tpu.memory_space<vmem>> -> memref<128x128xf32, #tpu.memory_space<vmem>>
    %dma_start3A_339 = arith.constant 0 : i32
    %dma_start3A_340 = tpu.memref_slice %arg6[%dma_start3A_332, %dma_start3A_339] : memref<50x128xi32, #tpu.memory_space<vmem>> -> memref<1x128xi32, #tpu.memory_space<vmem>>
    %dma_start3A_341 = tpu.memref_squeeze %dma_start3A_340 : memref<1x128xi32, #tpu.memory_space<vmem>> -> memref<128xi32, #tpu.memory_space<vmem>>
    %dma_start3A_342 = arith.constant 0 : i32
    %dma_start3A_343 = arith.constant 0 : i32
    %dma_start3A_344 = tpu.memref_slice %arg2[%dma_start3A_342, %dma_start3A_343] : memref<500000x128xf32, #tpu.memory_space<hbm>> -> memref<500000x128xf32, #tpu.memory_space<hbm>>
    %dma_start3A_345 = tpu.memref_slice %arg8[%dma_start3A_334] : memref<5x!tpu.dma_semaphore, #tpu.memory_space<semaphore_mem>> -> memref<1x!tpu.dma_semaphore, #tpu.memory_space<semaphore_mem>>
    %dma_start3A_346 = tpu.memref_squeeze %dma_start3A_345 : memref<1x!tpu.dma_semaphore, #tpu.memory_space<semaphore_mem>> -> memref<!tpu.dma_semaphore, #tpu.memory_space<semaphore_mem>>
    tpu.enqueue_indirect_dma source(%dma_start3A_344 : memref<500000x128xf32, #tpu.memory_space<hbm>>) target(%dma_start3A_338 : memref<128x128xf32, #tpu.memory_space<vmem>>) offsets(%dma_start3A_341 : memref<128xi32, #tpu.memory_space<vmem>>) semaphore(%dma_start3A_346 : memref<!tpu.dma_semaphore, #tpu.memory_space<semaphore_mem>>)
    %get3A_347 = arith.constant 0 : index
    %get3A_348 = tpu.vector_load %arg5[%get3A_347] {strides = array<i32>} : memref<128xi32, #tpu.memory_space<vmem>>, vector<16xi32>,
    %get3A_349 = vector.shape_cast %get3A_348 : vector<16xi32> to vector<16xi32>
    %add3A_350 = arith.constant 30000 : i32
    %add3A_351 = vector.broadcast %add3A_350 : i32 to vector<16xi32>
    %add3A_352 = arith.addi %get3A_349, %add3A_351 : vector<16xi32>
    %swap3A_353 = arith.constant 3 : i32
    %swap3A_354 = arith.index_cast %swap3A_353 : i32 to index
    %swap3A_355 = arith.constant 0 : index
    %swap3A_356 = tpu.vector_load %arg6[%swap3A_354, %swap3A_355] {strides = array<i32>} : memref<50x128xi32, #tpu.memory_space<vmem>>, vector<1x16xi32>,
    %swap3A_357 = vector.shape_cast %swap3A_356 : vector<1x16xi32> to vector<16xi32>
    %swap3A_358 = vector.shape_cast %add3A_352 : vector<16xi32> to vector<1x16xi32>
    tpu.vector_store %arg6[%swap3A_354, %swap3A_355], %swap3A_358 {strides = array<i32>} : memref<50x128xi32, #tpu.memory_space<vmem>>, vector<1x16xi32>,
    %get3A_359 = arith.constant 16 : index
    %get3A_360 = tpu.vector_load %arg5[%get3A_359] {strides = array<i32>} : memref<128xi32, #tpu.memory_space<vmem>>, vector<16xi32>,
    %get3A_361 = vector.shape_cast %get3A_360 : vector<16xi32> to vector<16xi32>
    %add3A_362 = arith.constant 30000 : i32
    %add3A_363 = vector.broadcast %add3A_362 : i32 to vector<16xi32>
    %add3A_364 = arith.addi %get3A_361, %add3A_363 : vector<16xi32>
    %swap3A_365 = arith.constant 3 : i32
    %swap3A_366 = arith.index_cast %swap3A_365 : i32 to index
    %swap3A_367 = arith.constant 16 : index
    %swap3A_368 = tpu.vector_load %arg6[%swap3A_366, %swap3A_367] {strides = array<i32>} : memref<50x128xi32, #tpu.memory_space<vmem>>, vector<1x16xi32>,
    %swap3A_369 = vector.shape_cast %swap3A_368 : vector<1x16xi32> to vector<16xi32>
    %swap3A_370 = vector.shape_cast %add3A_364 : vector<16xi32> to vector<1x16xi32>
    tpu.vector_store %arg6[%swap3A_366, %swap3A_367], %swap3A_370 {strides = array<i32>} : memref<50x128xi32, #tpu.memory_space<vmem>>, vector<1x16xi32>,
    %get3A_371 = arith.constant 32 : index
    %get3A_372 = tpu.vector_load %arg5[%get3A_371] {strides = array<i32>} : memref<128xi32, #tpu.memory_space<vmem>>, vector<16xi32>,
    %get3A_373 = vector.shape_cast %get3A_372 : vector<16xi32> to vector<16xi32>
    %add3A_374 = arith.constant 30000 : i32
    %add3A_375 = vector.broadcast %add3A_374 : i32 to vector<16xi32>
    %add3A_376 = arith.addi %get3A_373, %add3A_375 : vector<16xi32>
    %swap3A_377 = arith.constant 3 : i32
    %swap3A_378 = arith.index_cast %swap3A_377 : i32 to index
    %swap3A_379 = arith.constant 32 : index
    %swap3A_380 = tpu.vector_load %arg6[%swap3A_378, %swap3A_379] {strides = array<i32>} : memref<50x128xi32, #tpu.memory_space<vmem>>, vector<1x16xi32>,
    %swap3A_381 = vector.shape_cast %swap3A_380 : vector<1x16xi32> to vector<16xi32>
    %swap3A_382 = vector.shape_cast %add3A_376 : vector<16xi32> to vector<1x16xi32>
    tpu.vector_store %arg6[%swap3A_378, %swap3A_379], %swap3A_382 {strides = array<i32>} : memref<50x128xi32, #tpu.memory_space<vmem>>, vector<1x16xi32>,
    %get3A_383 = arith.constant 48 : index
    %get3A_384 = tpu.vector_load %arg5[%get3A_383] {strides = array<i32>} : memref<128xi32, #tpu.memory_space<vmem>>, vector<16xi32>,
    %get3A_385 = vector.shape_cast %get3A_384 : vector<16xi32> to vector<16xi32>
    %add3A_386 = arith.constant 30000 : i32
    %add3A_387 = vector.broadcast %add3A_386 : i32 to vector<16xi32>
    %add3A_388 = arith.addi %get3A_385, %add3A_387 : vector<16xi32>
    %swap3A_389 = arith.constant 3 : i32
    %swap3A_390 = arith.index_cast %swap3A_389 : i32 to index
    %swap3A_391 = arith.constant 48 : index
    %swap3A_392 = tpu.vector_load %arg6[%swap3A_390, %swap3A_391] {strides = array<i32>} : memref<50x128xi32, #tpu.memory_space<vmem>>, vector<1x16xi32>,
    %swap3A_393 = vector.shape_cast %swap3A_392 : vector<1x16xi32> to vector<16xi32>
    %swap3A_394 = vector.shape_cast %add3A_388 : vector<16xi32> to vector<1x16xi32>
    tpu.vector_store %arg6[%swap3A_390, %swap3A_391], %swap3A_394 {strides = array<i32>} : memref<50x128xi32, #tpu.memory_space<vmem>>, vector<1x16xi32>,
    %get3A_395 = arith.constant 64 : index
    %get3A_396 = tpu.vector_load %arg5[%get3A_395] {strides = array<i32>} : memref<128xi32, #tpu.memory_space<vmem>>, vector<16xi32>,
    %get3A_397 = vector.shape_cast %get3A_396 : vector<16xi32> to vector<16xi32>
    %add3A_398 = arith.constant 30000 : i32
    %add3A_399 = vector.broadcast %add3A_398 : i32 to vector<16xi32>
    %add3A_400 = arith.addi %get3A_397, %add3A_399 : vector<16xi32>
    %swap3A_401 = arith.constant 3 : i32
    %swap3A_402 = arith.index_cast %swap3A_401 : i32 to index
    %swap3A_403 = arith.constant 64 : index
    %swap3A_404 = tpu.vector_load %arg6[%swap3A_402, %swap3A_403] {strides = array<i32>} : memref<50x128xi32, #tpu.memory_space<vmem>>, vector<1x16xi32>,
    %swap3A_405 = vector.shape_cast %swap3A_404 : vector<1x16xi32> to vector<16xi32>
    %swap3A_406 = vector.shape_cast %add3A_400 : vector<16xi32> to vector<1x16xi32>
    tpu.vector_store %arg6[%swap3A_402, %swap3A_403], %swap3A_406 {strides = array<i32>} : memref<50x128xi32, #tpu.memory_space<vmem>>, vector<1x16xi32>,
    %get3A_407 = arith.constant 80 : index
    %get3A_408 = tpu.vector_load %arg5[%get3A_407] {strides = array<i32>} : memref<128xi32, #tpu.memory_space<vmem>>, vector<16xi32>,
    %get3A_409 = vector.shape_cast %get3A_408 : vector<16xi32> to vector<16xi32>
    %add3A_410 = arith.constant 30000 : i32
    %add3A_411 = vector.broadcast %add3A_410 : i32 to vector<16xi32>
    %add3A_412 = arith.addi %get3A_409, %add3A_411 : vector<16xi32>
    %swap3A_413 = arith.constant 3 : i32
    %swap3A_414 = arith.index_cast %swap3A_413 : i32 to index
    %swap3A_415 = arith.constant 80 : index
    %swap3A_416 = tpu.vector_load %arg6[%swap3A_414, %swap3A_415] {strides = array<i32>} : memref<50x128xi32, #tpu.memory_space<vmem>>, vector<1x16xi32>,
    %swap3A_417 = vector.shape_cast %swap3A_416 : vector<1x16xi32> to vector<16xi32>
    %swap3A_418 = vector.shape_cast %add3A_412 : vector<16xi32> to vector<1x16xi32>
    tpu.vector_store %arg6[%swap3A_414, %swap3A_415], %swap3A_418 {strides = array<i32>} : memref<50x128xi32, #tpu.memory_space<vmem>>, vector<1x16xi32>,
    %get3A_419 = arith.constant 96 : index
    %get3A_420 = tpu.vector_load %arg5[%get3A_419] {strides = array<i32>} : memref<128xi32, #tpu.memory_space<vmem>>, vector<16xi32>,
    %get3A_421 = vector.shape_cast %get3A_420 : vector<16xi32> to vector<16xi32>
    %add3A_422 = arith.constant 30000 : i32
    %add3A_423 = vector.broadcast %add3A_422 : i32 to vector<16xi32>
    %add3A_424 = arith.addi %get3A_421, %add3A_423 : vector<16xi32>
    %swap3A_425 = arith.constant 3 : i32
    %swap3A_426 = arith.index_cast %swap3A_425 : i32 to index
    %swap3A_427 = arith.constant 96 : index
    %swap3A_428 = tpu.vector_load %arg6[%swap3A_426, %swap3A_427] {strides = array<i32>} : memref<50x128xi32, #tpu.memory_space<vmem>>, vector<1x16xi32>,
    %swap3A_429 = vector.shape_cast %swap3A_428 : vector<1x16xi32> to vector<16xi32>
    %swap3A_430 = vector.shape_cast %add3A_424 : vector<16xi32> to vector<1x16xi32>
    tpu.vector_store %arg6[%swap3A_426, %swap3A_427], %swap3A_430 {strides = array<i32>} : memref<50x128xi32, #tpu.memory_space<vmem>>, vector<1x16xi32>,
    %get3A_431 = arith.constant 112 : index
    %get3A_432 = tpu.vector_load %arg5[%get3A_431] {strides = array<i32>} : memref<128xi32, #tpu.memory_space<vmem>>, vector<16xi32>,
    %get3A_433 = vector.shape_cast %get3A_432 : vector<16xi32> to vector<16xi32>
    %add3A_434 = arith.constant 30000 : i32
    %add3A_435 = vector.broadcast %add3A_434 : i32 to vector<16xi32>
    %add3A_436 = arith.addi %get3A_433, %add3A_435 : vector<16xi32>
    %swap3A_437 = arith.constant 3 : i32
    %swap3A_438 = arith.index_cast %swap3A_437 : i32 to index
    %swap3A_439 = arith.constant 112 : index
    %swap3A_440 = tpu.vector_load %arg6[%swap3A_438, %swap3A_439] {strides = array<i32>} : memref<50x128xi32, #tpu.memory_space<vmem>>, vector<1x16xi32>,
    %swap3A_441 = vector.shape_cast %swap3A_440 : vector<1x16xi32> to vector<16xi32>
    %swap3A_442 = vector.shape_cast %add3A_436 : vector<16xi32> to vector<1x16xi32>
    tpu.vector_store %arg6[%swap3A_438, %swap3A_439], %swap3A_442 {strides = array<i32>} : memref<50x128xi32, #tpu.memory_space<vmem>>, vector<1x16xi32>,
    %dma_start3A_443 = arith.constant 3 : i32
    %dma_start3A_444 = arith.constant 3 : i32
    %dma_start3A_445 = arith.constant 3 : i32
    %dma_start3A_446 = arith.constant 0 : i32
    %dma_start3A_447 = arith.constant 0 : i32
    %dma_start3A_448 = tpu.memref_slice %arg7[%dma_start3A_444, %dma_start3A_446, %dma_start3A_447] : memref<5x128x128xf32, #tpu.memory_space<vmem>> -> memref<1x128x128xf32, #tpu.memory_space<vmem>>
    %dma_start3A_449 = tpu.memref_squeeze %dma_start3A_448 : memref<1x128x128xf32, #tpu.memory_space<vmem>> -> memref<128x128xf32, #tpu.memory_space<vmem>>
    %dma_start3A_450 = arith.constant 0 : i32
    %dma_start3A_451 = tpu.memref_slice %arg6[%dma_start3A_443, %dma_start3A_450] : memref<50x128xi32, #tpu.memory_space<vmem>> -> memref<1x128xi32, #tpu.memory_space<vmem>>
    %dma_start3A_452 = tpu.memref_squeeze %dma_start3A_451 : memref<1x128xi32, #tpu.memory_space<vmem>> -> memref<128xi32, #tpu.memory_space<vmem>>
    %dma_start3A_453 = arith.constant 0 : i32
    %dma_start3A_454 = arith.constant 0 : i32
    %dma_start3A_455 = tpu.memref_slice %arg2[%dma_start3A_453, %dma_start3A_454] : memref<500000x128xf32, #tpu.memory_space<hbm>> -> memref<500000x128xf32, #tpu.memory_space<hbm>>
    %dma_start3A_456 = tpu.memref_slice %arg8[%dma_start3A_445] : memref<5x!tpu.dma_semaphore, #tpu.memory_space<semaphore_mem>> -> memref<1x!tpu.dma_semaphore, #tpu.memory_space<semaphore_mem>>
    %dma_start3A_457 = tpu.memref_squeeze %dma_start3A_456 : memref<1x!tpu.dma_semaphore, #tpu.memory_space<semaphore_mem>> -> memref<!tpu.dma_semaphore, #tpu.memory_space<semaphore_mem>>
    tpu.enqueue_indirect_dma source(%dma_start3A_455 : memref<500000x128xf32, #tpu.memory_space<hbm>>) target(%dma_start3A_449 : memref<128x128xf32, #tpu.memory_space<vmem>>) offsets(%dma_start3A_452 : memref<128xi32, #tpu.memory_space<vmem>>) semaphore(%dma_start3A_457 : memref<!tpu.dma_semaphore, #tpu.memory_space<semaphore_mem>>)
    %scan3A = arith.constant 0 : i32
    %scan3A_458 = arith.constant 4 : i32
    %scan3A_459 = arith.constant 46 : i32
    %scan3A_460 = arith.addi %scan3A_458, %scan3A_459 : i32
    %scan3A_461 = arith.constant 1 : i32
    scf.for %scan3A_558 = %scan3A_458 to %scan3A_460 step %scan3A_461  : i32 {
      %mul3A_559 = arith.constant 10000 : i32
      %mul3A_560 = arith.muli %scan3A_558, %mul3A_559 : i32
      %get3A_561 = arith.constant 0 : index
      %get3A_562 = tpu.vector_load %arg5[%get3A_561] {strides = array<i32>} : memref<128xi32, #tpu.memory_space<vmem>>, vector<16xi32>,
      %get3A_563 = vector.shape_cast %get3A_562 : vector<16xi32> to vector<16xi32>
      %add3A_564 = vector.broadcast %mul3A_560 : i32 to vector<16xi32>
      %add3A_565 = arith.addi %get3A_563, %add3A_564 : vector<16xi32>
      %swap3A_566 = arith.index_cast %scan3A_558 : i32 to index
      %swap3A_567 = arith.constant 0 : index
      %swap3A_568 = tpu.vector_load %arg6[%swap3A_566, %swap3A_567] {strides = array<i32>} : memref<50x128xi32, #tpu.memory_space<vmem>>, vector<1x16xi32>,
      %swap3A_569 = vector.shape_cast %swap3A_568 : vector<1x16xi32> to vector<16xi32>
      %swap3A_570 = vector.shape_cast %add3A_565 : vector<16xi32> to vector<1x16xi32>
      tpu.vector_store %arg6[%swap3A_566, %swap3A_567], %swap3A_570 {strides = array<i32>} : memref<50x128xi32, #tpu.memory_space<vmem>>, vector<1x16xi32>,
      %get3A_571 = arith.constant 16 : index
      %get3A_572 = tpu.vector_load %arg5[%get3A_571] {strides = array<i32>} : memref<128xi32, #tpu.memory_space<vmem>>, vector<16xi32>,
      %get3A_573 = vector.shape_cast %get3A_572 : vector<16xi32> to vector<16xi32>
      %add3A_574 = vector.broadcast %mul3A_560 : i32 to vector<16xi32>
      %add3A_575 = arith.addi %get3A_573, %add3A_574 : vector<16xi32>
      %swap3A_576 = arith.index_cast %scan3A_558 : i32 to index
      %swap3A_577 = arith.constant 16 : index
      %swap3A_578 = tpu.vector_load %arg6[%swap3A_576, %swap3A_577] {strides = array<i32>} : memref<50x128xi32, #tpu.memory_space<vmem>>, vector<1x16xi32>,
      %swap3A_579 = vector.shape_cast %swap3A_578 : vector<1x16xi32> to vector<16xi32>
      %swap3A_580 = vector.shape_cast %add3A_575 : vector<16xi32> to vector<1x16xi32>
      tpu.vector_store %arg6[%swap3A_576, %swap3A_577], %swap3A_580 {strides = array<i32>} : memref<50x128xi32, #tpu.memory_space<vmem>>, vector<1x16xi32>,
      %get3A_581 = arith.constant 32 : index
      %get3A_582 = tpu.vector_load %arg5[%get3A_581] {strides = array<i32>} : memref<128xi32, #tpu.memory_space<vmem>>, vector<16xi32>,
      %get3A_583 = vector.shape_cast %get3A_582 : vector<16xi32> to vector<16xi32>
      %add3A_584 = vector.broadcast %mul3A_560 : i32 to vector<16xi32>
      %add3A_585 = arith.addi %get3A_583, %add3A_584 : vector<16xi32>
      %swap3A_586 = arith.index_cast %scan3A_558 : i32 to index
      %swap3A_587 = arith.constant 32 : index
      %swap3A_588 = tpu.vector_load %arg6[%swap3A_586, %swap3A_587] {strides = array<i32>} : memref<50x128xi32, #tpu.memory_space<vmem>>, vector<1x16xi32>,
      %swap3A_589 = vector.shape_cast %swap3A_588 : vector<1x16xi32> to vector<16xi32>
      %swap3A_590 = vector.shape_cast %add3A_585 : vector<16xi32> to vector<1x16xi32>
      tpu.vector_store %arg6[%swap3A_586, %swap3A_587], %swap3A_590 {strides = array<i32>} : memref<50x128xi32, #tpu.memory_space<vmem>>, vector<1x16xi32>,
      %get3A_591 = arith.constant 48 : index
      %get3A_592 = tpu.vector_load %arg5[%get3A_591] {strides = array<i32>} : memref<128xi32, #tpu.memory_space<vmem>>, vector<16xi32>,
      %get3A_593 = vector.shape_cast %get3A_592 : vector<16xi32> to vector<16xi32>
      %add3A_594 = vector.broadcast %mul3A_560 : i32 to vector<16xi32>
      %add3A_595 = arith.addi %get3A_593, %add3A_594 : vector<16xi32>
      %swap3A_596 = arith.index_cast %scan3A_558 : i32 to index
      %swap3A_597 = arith.constant 48 : index
      %swap3A_598 = tpu.vector_load %arg6[%swap3A_596, %swap3A_597] {strides = array<i32>} : memref<50x128xi32, #tpu.memory_space<vmem>>, vector<1x16xi32>,
      %swap3A_599 = vector.shape_cast %swap3A_598 : vector<1x16xi32> to vector<16xi32>
      %swap3A_600 = vector.shape_cast %add3A_595 : vector<16xi32> to vector<1x16xi32>
      tpu.vector_store %arg6[%swap3A_596, %swap3A_597], %swap3A_600 {strides = array<i32>} : memref<50x128xi32, #tpu.memory_space<vmem>>, vector<1x16xi32>,
      %get3A_601 = arith.constant 64 : index
      %get3A_602 = tpu.vector_load %arg5[%get3A_601] {strides = array<i32>} : memref<128xi32, #tpu.memory_space<vmem>>, vector<16xi32>,
      %get3A_603 = vector.shape_cast %get3A_602 : vector<16xi32> to vector<16xi32>
      %add3A_604 = vector.broadcast %mul3A_560 : i32 to vector<16xi32>
      %add3A_605 = arith.addi %get3A_603, %add3A_604 : vector<16xi32>
      %swap3A_606 = arith.index_cast %scan3A_558 : i32 to index
      %swap3A_607 = arith.constant 64 : index
      %swap3A_608 = tpu.vector_load %arg6[%swap3A_606, %swap3A_607] {strides = array<i32>} : memref<50x128xi32, #tpu.memory_space<vmem>>, vector<1x16xi32>,
      %swap3A_609 = vector.shape_cast %swap3A_608 : vector<1x16xi32> to vector<16xi32>
      %swap3A_610 = vector.shape_cast %add3A_605 : vector<16xi32> to vector<1x16xi32>
      tpu.vector_store %arg6[%swap3A_606, %swap3A_607], %swap3A_610 {strides = array<i32>} : memref<50x128xi32, #tpu.memory_space<vmem>>, vector<1x16xi32>,
      %get3A_611 = arith.constant 80 : index
      %get3A_612 = tpu.vector_load %arg5[%get3A_611] {strides = array<i32>} : memref<128xi32, #tpu.memory_space<vmem>>, vector<16xi32>,
      %get3A_613 = vector.shape_cast %get3A_612 : vector<16xi32> to vector<16xi32>
      %add3A_614 = vector.broadcast %mul3A_560 : i32 to vector<16xi32>
      %add3A_615 = arith.addi %get3A_613, %add3A_614 : vector<16xi32>
      %swap3A_616 = arith.index_cast %scan3A_558 : i32 to index
      %swap3A_617 = arith.constant 80 : index
      %swap3A_618 = tpu.vector_load %arg6[%swap3A_616, %swap3A_617] {strides = array<i32>} : memref<50x128xi32, #tpu.memory_space<vmem>>, vector<1x16xi32>,
      %swap3A_619 = vector.shape_cast %swap3A_618 : vector<1x16xi32> to vector<16xi32>
      %swap3A_620 = vector.shape_cast %add3A_615 : vector<16xi32> to vector<1x16xi32>
      tpu.vector_store %arg6[%swap3A_616, %swap3A_617], %swap3A_620 {strides = array<i32>} : memref<50x128xi32, #tpu.memory_space<vmem>>, vector<1x16xi32>,
      %get3A_621 = arith.constant 96 : index
      %get3A_622 = tpu.vector_load %arg5[%get3A_621] {strides = array<i32>} : memref<128xi32, #tpu.memory_space<vmem>>, vector<16xi32>,
      %get3A_623 = vector.shape_cast %get3A_622 : vector<16xi32> to vector<16xi32>
      %add3A_624 = vector.broadcast %mul3A_560 : i32 to vector<16xi32>
      %add3A_625 = arith.addi %get3A_623, %add3A_624 : vector<16xi32>
      %swap3A_626 = arith.index_cast %scan3A_558 : i32 to index
      %swap3A_627 = arith.constant 96 : index
      %swap3A_628 = tpu.vector_load %arg6[%swap3A_626, %swap3A_627] {strides = array<i32>} : memref<50x128xi32, #tpu.memory_space<vmem>>, vector<1x16xi32>,
      %swap3A_629 = vector.shape_cast %swap3A_628 : vector<1x16xi32> to vector<16xi32>
      %swap3A_630 = vector.shape_cast %add3A_625 : vector<16xi32> to vector<1x16xi32>
      tpu.vector_store %arg6[%swap3A_626, %swap3A_627], %swap3A_630 {strides = array<i32>} : memref<50x128xi32, #tpu.memory_space<vmem>>, vector<1x16xi32>,
      %get3A_631 = arith.constant 112 : index
      %get3A_632 = tpu.vector_load %arg5[%get3A_631] {strides = array<i32>} : memref<128xi32, #tpu.memory_space<vmem>>, vector<16xi32>,
      %get3A_633 = vector.shape_cast %get3A_632 : vector<16xi32> to vector<16xi32>
      %add3A_634 = vector.broadcast %mul3A_560 : i32 to vector<16xi32>
      %add3A_635 = arith.addi %get3A_633, %add3A_634 : vector<16xi32>
      %swap3A_636 = arith.index_cast %scan3A_558 : i32 to index
      %swap3A_637 = arith.constant 112 : index
      %swap3A_638 = tpu.vector_load %arg6[%swap3A_636, %swap3A_637] {strides = array<i32>} : memref<50x128xi32, #tpu.memory_space<vmem>>, vector<1x16xi32>,
      %swap3A_639 = vector.shape_cast %swap3A_638 : vector<1x16xi32> to vector<16xi32>
      %swap3A_640 = vector.shape_cast %add3A_635 : vector<16xi32> to vector<1x16xi32>
      tpu.vector_store %arg6[%swap3A_636, %swap3A_637], %swap3A_640 {strides = array<i32>} : memref<50x128xi32, #tpu.memory_space<vmem>>, vector<1x16xi32>,
    }
    %scan3A_462 = arith.constant 46 : i32
    %scan3A_463 = arith.constant 0 : i32
    %scan3A_464 = arith.constant 0 : i32
    %scan3A_465 = arith.constant 10 : i32
    %scan3A_466 = arith.addi %scan3A_464, %scan3A_465 : i32
    %scan3A_467 = arith.constant 1 : i32
    scf.for %scan3A_558 = %scan3A_464 to %scan3A_466 step %scan3A_467  : i32 {
      %mul3A_559 = arith.constant 5 : i32
      %mul3A_560 = arith.muli %mul3A_559, %scan3A_558 : i32
      %add3A_561 = arith.constant 0 : i32
      %add3A_562 = arith.addi %mul3A_560, %add3A_561 : i32
      %dma_wait3A_563 = arith.constant 0 : i32
      %dma_wait3A_564 = arith.constant 0 : i32
      %dma_wait3A_565 = arith.constant 0 : i32
      %dma_wait3A_566 = arith.constant 0 : i32
      %dma_wait3A_567 = tpu.memref_slice %arg7[%dma_wait3A_563, %dma_wait3A_565, %dma_wait3A_566] : memref<5x128x128xf32, #tpu.memory_space<vmem>> -> memref<1x128x128xf32, #tpu.memory_space<vmem>>
      %dma_wait3A_568 = tpu.memref_squeeze %dma_wait3A_567 : memref<1x128x128xf32, #tpu.memory_space<vmem>> -> memref<128x128xf32, #tpu.memory_space<vmem>>
      %dma_wait3A_569 = arith.constant 0 : i32
      %dma_wait3A_570 = tpu.memref_slice %arg6[%add3A_562, %dma_wait3A_569] : memref<50x128xi32, #tpu.memory_space<vmem>> -> memref<1x128xi32, #tpu.memory_space<vmem>>
      %dma_wait3A_571 = tpu.memref_squeeze %dma_wait3A_570 : memref<1x128xi32, #tpu.memory_space<vmem>> -> memref<128xi32, #tpu.memory_space<vmem>>
      %dma_wait3A_572 = arith.constant 0 : i32
      %dma_wait3A_573 = arith.constant 0 : i32
      %dma_wait3A_574 = tpu.memref_slice %arg2[%dma_wait3A_572, %dma_wait3A_573] : memref<500000x128xf32, #tpu.memory_space<hbm>> -> memref<500000x128xf32, #tpu.memory_space<hbm>>
      %dma_wait3A_575 = tpu.memref_slice %arg8[%dma_wait3A_564] : memref<5x!tpu.dma_semaphore, #tpu.memory_space<semaphore_mem>> -> memref<1x!tpu.dma_semaphore, #tpu.memory_space<semaphore_mem>>
      %dma_wait3A_576 = tpu.memref_squeeze %dma_wait3A_575 : memref<1x!tpu.dma_semaphore, #tpu.memory_space<semaphore_mem>> -> memref<!tpu.dma_semaphore, #tpu.memory_space<semaphore_mem>>
      tpu.wait_indirect_dma semaphore(%dma_wait3A_576 : memref<!tpu.dma_semaphore, #tpu.memory_space<semaphore_mem>>) src(%dma_wait3A_574 : memref<500000x128xf32, #tpu.memory_space<hbm>>) dst(%dma_wait3A_568 : memref<128x128xf32, #tpu.memory_space<vmem>>)
      %parallel_loop3A = arith.constant 0 : i32
      %parallel_loop3A_577 = arith.constant 128 : i32
      %parallel_loop3A_578 = arith.constant 1 : i32
      scf.for %parallel_loop3A_799 = %parallel_loop3A to %parallel_loop3A_577 step %parallel_loop3A_578  : i32 {
        %parallel_loop3A_800 = arith.constant 0 : i32
        %parallel_loop3A_801 = arith.constant 0 : i32
        %parallel_loop3A_802 = arith.constant 0 : i32
        %parallel_loop3A_803 = tpu.memref_slice %arg7[%parallel_loop3A_800, %parallel_loop3A_801, %parallel_loop3A_802] : memref<5x128x128xf32, #tpu.memory_space<vmem>> -> memref<1x128x128xf32, #tpu.memory_space<vmem>>
        %parallel_loop3A_804 = tpu.memref_squeeze %parallel_loop3A_803 : memref<1x128x128xf32, #tpu.memory_space<vmem>> -> memref<128x128xf32, #tpu.memory_space<vmem>>
        %parallel_loop3A_805 = arith.index_cast %parallel_loop3A_799 : i32 to index
        %parallel_loop3A_806 = arith.constant 0 : index
        %parallel_loop3A_807 = tpu.vector_load %parallel_loop3A_804[%parallel_loop3A_805, %parallel_loop3A_806] {strides = array<i32>} : memref<128x128xf32, #tpu.memory_space<vmem>>, vector<1x16xf32>,
        %parallel_loop3A_808 = vector.shape_cast %parallel_loop3A_807 : vector<1x16xf32> to vector<16xf32>
        %parallel_loop3A_809 = arith.constant 0 : i32
        %parallel_loop3A_810 = arith.constant 0 : i32
        %parallel_loop3A_811 = arith.constant 0 : i32
        %parallel_loop3A_812 = tpu.memref_slice %arg7[%parallel_loop3A_809, %parallel_loop3A_810, %parallel_loop3A_811] : memref<5x128x128xf32, #tpu.memory_space<vmem>> -> memref<1x128x128xf32, #tpu.memory_space<vmem>>
        %parallel_loop3A_813 = tpu.memref_squeeze %parallel_loop3A_812 : memref<1x128x128xf32, #tpu.memory_space<vmem>> -> memref<128x128xf32, #tpu.memory_space<vmem>>
        %parallel_loop3A_814 = arith.index_cast %parallel_loop3A_799 : i32 to index
        %parallel_loop3A_815 = arith.constant 16 : index
        %parallel_loop3A_816 = tpu.vector_load %parallel_loop3A_813[%parallel_loop3A_814, %parallel_loop3A_815] {strides = array<i32>} : memref<128x128xf32, #tpu.memory_space<vmem>>, vector<1x16xf32>,
        %parallel_loop3A_817 = vector.shape_cast %parallel_loop3A_816 : vector<1x16xf32> to vector<16xf32>
        %parallel_loop3A_818 = arith.constant 0 : i32
        %parallel_loop3A_819 = arith.constant 0 : i32
        %parallel_loop3A_820 = arith.constant 0 : i32
        %parallel_loop3A_821 = tpu.memref_slice %arg7[%parallel_loop3A_818, %parallel_loop3A_819, %parallel_loop3A_820] : memref<5x128x128xf32, #tpu.memory_space<vmem>> -> memref<1x128x128xf32, #tpu.memory_space<vmem>>
        %parallel_loop3A_822 = tpu.memref_squeeze %parallel_loop3A_821 : memref<1x128x128xf32, #tpu.memory_space<vmem>> -> memref<128x128xf32, #tpu.memory_space<vmem>>
        %parallel_loop3A_823 = arith.index_cast %parallel_loop3A_799 : i32 to index
        %parallel_loop3A_824 = arith.constant 32 : index
        %parallel_loop3A_825 = tpu.vector_load %parallel_loop3A_822[%parallel_loop3A_823, %parallel_loop3A_824] {strides = array<i32>} : memref<128x128xf32, #tpu.memory_space<vmem>>, vector<1x16xf32>,
        %parallel_loop3A_826 = vector.shape_cast %parallel_loop3A_825 : vector<1x16xf32> to vector<16xf32>
        %parallel_loop3A_827 = arith.constant 0 : i32
        %parallel_loop3A_828 = arith.constant 0 : i32
        %parallel_loop3A_829 = arith.constant 0 : i32
        %parallel_loop3A_830 = tpu.memref_slice %arg7[%parallel_loop3A_827, %parallel_loop3A_828, %parallel_loop3A_829] : memref<5x128x128xf32, #tpu.memory_space<vmem>> -> memref<1x128x128xf32, #tpu.memory_space<vmem>>
        %parallel_loop3A_831 = tpu.memref_squeeze %parallel_loop3A_830 : memref<1x128x128xf32, #tpu.memory_space<vmem>> -> memref<128x128xf32, #tpu.memory_space<vmem>>
        %parallel_loop3A_832 = arith.index_cast %parallel_loop3A_799 : i32 to index
        %parallel_loop3A_833 = arith.constant 48 : index
        %parallel_loop3A_834 = tpu.vector_load %parallel_loop3A_831[%parallel_loop3A_832, %parallel_loop3A_833] {strides = array<i32>} : memref<128x128xf32, #tpu.memory_space<vmem>>, vector<1x16xf32>,
        %parallel_loop3A_835 = vector.shape_cast %parallel_loop3A_834 : vector<1x16xf32> to vector<16xf32>
        %parallel_loop3A_836 = arith.constant 0 : i32
        %parallel_loop3A_837 = arith.constant 0 : i32
        %parallel_loop3A_838 = arith.constant 0 : i32
        %parallel_loop3A_839 = tpu.memref_slice %arg7[%parallel_loop3A_836, %parallel_loop3A_837, %parallel_loop3A_838] : memref<5x128x128xf32, #tpu.memory_space<vmem>> -> memref<1x128x128xf32, #tpu.memory_space<vmem>>
        %parallel_loop3A_840 = tpu.memref_squeeze %parallel_loop3A_839 : memref<1x128x128xf32, #tpu.memory_space<vmem>> -> memref<128x128xf32, #tpu.memory_space<vmem>>
        %parallel_loop3A_841 = arith.index_cast %parallel_loop3A_799 : i32 to index
        %parallel_loop3A_842 = arith.constant 64 : index
        %parallel_loop3A_843 = tpu.vector_load %parallel_loop3A_840[%parallel_loop3A_841, %parallel_loop3A_842] {strides = array<i32>} : memref<128x128xf32, #tpu.memory_space<vmem>>, vector<1x16xf32>,
        %parallel_loop3A_844 = vector.shape_cast %parallel_loop3A_843 : vector<1x16xf32> to vector<16xf32>
        %parallel_loop3A_845 = arith.constant 0 : i32
        %parallel_loop3A_846 = arith.constant 0 : i32
        %parallel_loop3A_847 = arith.constant 0 : i32
        %parallel_loop3A_848 = tpu.memref_slice %arg7[%parallel_loop3A_845, %parallel_loop3A_846, %parallel_loop3A_847] : memref<5x128x128xf32, #tpu.memory_space<vmem>> -> memref<1x128x128xf32, #tpu.memory_space<vmem>>
        %parallel_loop3A_849 = tpu.memref_squeeze %parallel_loop3A_848 : memref<1x128x128xf32, #tpu.memory_space<vmem>> -> memref<128x128xf32, #tpu.memory_space<vmem>>
        %parallel_loop3A_850 = arith.index_cast %parallel_loop3A_799 : i32 to index
        %parallel_loop3A_851 = arith.constant 80 : index
        %parallel_loop3A_852 = tpu.vector_load %parallel_loop3A_849[%parallel_loop3A_850, %parallel_loop3A_851] {strides = array<i32>} : memref<128x128xf32, #tpu.memory_space<vmem>>, vector<1x16xf32>,
        %parallel_loop3A_853 = vector.shape_cast %parallel_loop3A_852 : vector<1x16xf32> to vector<16xf32>
        %parallel_loop3A_854 = arith.constant 0 : i32
        %parallel_loop3A_855 = arith.constant 0 : i32
        %parallel_loop3A_856 = arith.constant 0 : i32
        %parallel_loop3A_857 = tpu.memref_slice %arg7[%parallel_loop3A_854, %parallel_loop3A_855, %parallel_loop3A_856] : memref<5x128x128xf32, #tpu.memory_space<vmem>> -> memref<1x128x128xf32, #tpu.memory_space<vmem>>
        %parallel_loop3A_858 = tpu.memref_squeeze %parallel_loop3A_857 : memref<1x128x128xf32, #tpu.memory_space<vmem>> -> memref<128x128xf32, #tpu.memory_space<vmem>>
        %parallel_loop3A_859 = arith.index_cast %parallel_loop3A_799 : i32 to index
        %parallel_loop3A_860 = arith.constant 96 : index
        %parallel_loop3A_861 = tpu.vector_load %parallel_loop3A_858[%parallel_loop3A_859, %parallel_loop3A_860] {strides = array<i32>} : memref<128x128xf32, #tpu.memory_space<vmem>>, vector<1x16xf32>,
        %parallel_loop3A_862 = vector.shape_cast %parallel_loop3A_861 : vector<1x16xf32> to vector<16xf32>
        %parallel_loop3A_863 = arith.constant 0 : i32
        %parallel_loop3A_864 = arith.constant 0 : i32
        %parallel_loop3A_865 = arith.constant 0 : i32
        %parallel_loop3A_866 = tpu.memref_slice %arg7[%parallel_loop3A_863, %parallel_loop3A_864, %parallel_loop3A_865] : memref<5x128x128xf32, #tpu.memory_space<vmem>> -> memref<1x128x128xf32, #tpu.memory_space<vmem>>
        %parallel_loop3A_867 = tpu.memref_squeeze %parallel_loop3A_866 : memref<1x128x128xf32, #tpu.memory_space<vmem>> -> memref<128x128xf32, #tpu.memory_space<vmem>>
        %parallel_loop3A_868 = arith.index_cast %parallel_loop3A_799 : i32 to index
        %parallel_loop3A_869 = arith.constant 112 : index
        %parallel_loop3A_870 = tpu.vector_load %parallel_loop3A_867[%parallel_loop3A_868, %parallel_loop3A_869] {strides = array<i32>} : memref<128x128xf32, #tpu.memory_space<vmem>>, vector<1x16xf32>,
        %parallel_loop3A_871 = vector.shape_cast %parallel_loop3A_870 : vector<1x16xf32> to vector<16xf32>
        %parallel_loop3A_872 = math.exp %parallel_loop3A_808 : vector<16xf32>
        %parallel_loop3A_873 = math.exp %parallel_loop3A_817 : vector<16xf32>
        %parallel_loop3A_874 = math.exp %parallel_loop3A_826 : vector<16xf32>
        %parallel_loop3A_875 = math.exp %parallel_loop3A_835 : vector<16xf32>
        %parallel_loop3A_876 = math.exp %parallel_loop3A_844 : vector<16xf32>
        %parallel_loop3A_877 = math.exp %parallel_loop3A_853 : vector<16xf32>
        %parallel_loop3A_878 = math.exp %parallel_loop3A_862 : vector<16xf32>
        %parallel_loop3A_879 = math.exp %parallel_loop3A_871 : vector<16xf32>
        %parallel_loop3A_880 = arith.addf %parallel_loop3A_872, %parallel_loop3A_873 : vector<16xf32>
        %parallel_loop3A_881 = arith.addf %parallel_loop3A_874, %parallel_loop3A_875 : vector<16xf32>
        %parallel_loop3A_882 = arith.addf %parallel_loop3A_880, %parallel_loop3A_881 : vector<16xf32>
        %parallel_loop3A_883 = arith.addf %parallel_loop3A_876, %parallel_loop3A_877 : vector<16xf32>
        %parallel_loop3A_884 = arith.addf %parallel_loop3A_878, %parallel_loop3A_879 : vector<16xf32>
        %parallel_loop3A_885 = arith.addf %parallel_loop3A_883, %parallel_loop3A_884 : vector<16xf32>
        %parallel_loop3A_886 = arith.addf %parallel_loop3A_882, %parallel_loop3A_885 : vector<16xf32>
        %parallel_loop3A_887 = vector.shape_cast %xor3A_4 : vector<16xi32> to vector<16x1xi32>
        %parallel_loop3A_888 = vector.shape_cast %parallel_loop3A_887 : vector<16x1xi32> to vector<16xi32>
        %parallel_loop3A_889 = tpu.dynamic_gather %parallel_loop3A_886[%parallel_loop3A_888] in [0] : vector<16xf32>, vector<16xi32> -> vector<16xf32>
        %parallel_loop3A_890 = arith.addf %parallel_loop3A_886, %parallel_loop3A_889 : vector<16xf32>
        %parallel_loop3A_891 = vector.shape_cast %xor3A_8 : vector<16xi32> to vector<16x1xi32>
        %parallel_loop3A_892 = vector.shape_cast %parallel_loop3A_891 : vector<16x1xi32> to vector<16xi32>
        %parallel_loop3A_893 = tpu.dynamic_gather %parallel_loop3A_890[%parallel_loop3A_892] in [0] : vector<16xf32>, vector<16xi32> -> vector<16xf32>
        %parallel_loop3A_894 = arith.addf %parallel_loop3A_890, %parallel_loop3A_893 : vector<16xf32>
        %parallel_loop3A_895 = vector.shape_cast %xor3A_12 : vector<16xi32> to vector<16x1xi32>
        %parallel_loop3A_896 = vector.shape_cast %parallel_loop3A_895 : vector<16x1xi32> to vector<16xi32>
        %parallel_loop3A_897 = tpu.dynamic_gather %parallel_loop3A_894[%parallel_loop3A_896] in [0] : vector<16xf32>, vector<16xi32> -> vector<16xf32>
        %parallel_loop3A_898 = arith.addf %parallel_loop3A_894, %parallel_loop3A_897 : vector<16xf32>
        %parallel_loop3A_899 = vector.shape_cast %xor3A_16 : vector<16xi32> to vector<16x1xi32>
        %parallel_loop3A_900 = vector.shape_cast %parallel_loop3A_899 : vector<16x1xi32> to vector<16xi32>
        %parallel_loop3A_901 = tpu.dynamic_gather %parallel_loop3A_898[%parallel_loop3A_900] in [0] : vector<16xf32>, vector<16xi32> -> vector<16xf32>
        %parallel_loop3A_902 = arith.addf %parallel_loop3A_898, %parallel_loop3A_901 : vector<16xf32>
        %parallel_loop3A_903 = tpu.bitcast %parallel_loop3A_902 : vector<16xf32> -> vector<16xi32>
        %parallel_loop3A_904 = arith.constant 23 : i32
        %parallel_loop3A_905 = vector.broadcast %parallel_loop3A_904 : i32 to vector<16xi32>
        %parallel_loop3A_906 = arith.shrui %parallel_loop3A_903, %parallel_loop3A_905 : vector<16xi32>
        %parallel_loop3A_907 = arith.constant 127 : i32
        %parallel_loop3A_908 = vector.broadcast %parallel_loop3A_907 : i32 to vector<16xi32>
        %parallel_loop3A_909 = arith.subi %parallel_loop3A_906, %parallel_loop3A_908 : vector<16xi32>
        %parallel_loop3A_910 = arith.constant 8388607 : i32
        %parallel_loop3A_911 = vector.broadcast %parallel_loop3A_910 : i32 to vector<16xi32>
        %parallel_loop3A_912 = arith.andi %parallel_loop3A_903, %parallel_loop3A_911 : vector<16xi32>
        %parallel_loop3A_913 = arith.constant 1065353216 : i32
        %parallel_loop3A_914 = vector.broadcast %parallel_loop3A_913 : i32 to vector<16xi32>
        %parallel_loop3A_915 = arith.ori %parallel_loop3A_912, %parallel_loop3A_914 : vector<16xi32>
        %parallel_loop3A_916 = tpu.bitcast %parallel_loop3A_915 : vector<16xi32> -> vector<16xf32>
        %parallel_loop3A_917 = arith.constant 1.41421354 : f32
        %parallel_loop3A_918 = vector.broadcast %parallel_loop3A_917 : f32 to vector<16xf32>
        %parallel_loop3A_919 = arith.cmpf ogt, %parallel_loop3A_916, %parallel_loop3A_918 : vector<16xf32>
        %parallel_loop3A_920 = arith.constant 5.000000e-01 : f32
        %parallel_loop3A_921 = vector.broadcast %parallel_loop3A_920 : f32 to vector<16xf32>
        %parallel_loop3A_922 = arith.mulf %parallel_loop3A_916, %parallel_loop3A_921 : vector<16xf32>
        %parallel_loop3A_923 = arith.select %parallel_loop3A_919, %parallel_loop3A_922, %parallel_loop3A_916 : vector<16xi1>, vector<16xf32>
        %parallel_loop3A_924 = arith.constant 1 : i32
        %parallel_loop3A_925 = vector.broadcast %parallel_loop3A_924 : i32 to vector<16xi32>
        %parallel_loop3A_926 = arith.addi %parallel_loop3A_909, %parallel_loop3A_925 : vector<16xi32>
        %parallel_loop3A_927 = arith.select %parallel_loop3A_919, %parallel_loop3A_926, %parallel_loop3A_909 : vector<16xi1>, vector<16xi32>
        %parallel_loop3A_928 = arith.constant 1.000000e+00 : f32
        %parallel_loop3A_929 = vector.broadcast %parallel_loop3A_928 : f32 to vector<16xf32>
        %parallel_loop3A_930 = arith.subf %parallel_loop3A_923, %parallel_loop3A_929 : vector<16xf32>
        %parallel_loop3A_931 = arith.constant 1.000000e+00 : f32
        %parallel_loop3A_932 = vector.broadcast %parallel_loop3A_931 : f32 to vector<16xf32>
        %parallel_loop3A_933 = arith.addf %parallel_loop3A_923, %parallel_loop3A_932 : vector<16xf32>
        %parallel_loop3A_934 = arith.divf %parallel_loop3A_930, %parallel_loop3A_933 : vector<16xf32>
        %parallel_loop3A_935 = arith.mulf %parallel_loop3A_934, %parallel_loop3A_934 : vector<16xf32>
        %parallel_loop3A_936 = arith.constant 2.000000e-01 : f32
        %parallel_loop3A_937 = vector.broadcast %parallel_loop3A_936 : f32 to vector<16xf32>
        %parallel_loop3A_938 = arith.mulf %parallel_loop3A_935, %parallel_loop3A_937 : vector<16xf32>
        %parallel_loop3A_939 = arith.constant 0.333333343 : f32
        %parallel_loop3A_940 = vector.broadcast %parallel_loop3A_939 : f32 to vector<16xf32>
        %parallel_loop3A_941 = arith.addf %parallel_loop3A_940, %parallel_loop3A_938 : vector<16xf32>
        %parallel_loop3A_942 = arith.mulf %parallel_loop3A_935, %parallel_loop3A_941 : vector<16xf32>
        %parallel_loop3A_943 = arith.constant 1.000000e+00 : f32
        %parallel_loop3A_944 = vector.broadcast %parallel_loop3A_943 : f32 to vector<16xf32>
        %parallel_loop3A_945 = arith.addf %parallel_loop3A_944, %parallel_loop3A_942 : vector<16xf32>
        %parallel_loop3A_946 = arith.sitofp %parallel_loop3A_927 : vector<16xi32> to vector<16xf32>
        %parallel_loop3A_947 = arith.constant 0.693147182 : f32
        %parallel_loop3A_948 = vector.broadcast %parallel_loop3A_947 : f32 to vector<16xf32>
        %parallel_loop3A_949 = arith.mulf %parallel_loop3A_946, %parallel_loop3A_948 : vector<16xf32>
        %parallel_loop3A_950 = arith.constant 2.000000e+00 : f32
        %parallel_loop3A_951 = vector.broadcast %parallel_loop3A_950 : f32 to vector<16xf32>
        %parallel_loop3A_952 = arith.mulf %parallel_loop3A_951, %parallel_loop3A_934 : vector<16xf32>
        %parallel_loop3A_953 = arith.mulf %parallel_loop3A_952, %parallel_loop3A_945 : vector<16xf32>
        %parallel_loop3A_954 = arith.addf %parallel_loop3A_949, %parallel_loop3A_953 : vector<16xf32>
        %parallel_loop3A_955 = arith.subf %parallel_loop3A_808, %parallel_loop3A_954 : vector<16xf32>
        %parallel_loop3A_956 = arith.constant 0 : i32
        %parallel_loop3A_957 = arith.constant 0 : i32
        %parallel_loop3A_958 = arith.constant 0 : i32
        %parallel_loop3A_959 = tpu.memref_slice %arg7[%parallel_loop3A_956, %parallel_loop3A_957, %parallel_loop3A_958] : memref<5x128x128xf32, #tpu.memory_space<vmem>> -> memref<1x128x128xf32, #tpu.memory_space<vmem>>
        %parallel_loop3A_960 = tpu.memref_squeeze %parallel_loop3A_959 : memref<1x128x128xf32, #tpu.memory_space<vmem>> -> memref<128x128xf32, #tpu.memory_space<vmem>>
        %parallel_loop3A_961 = arith.index_cast %parallel_loop3A_799 : i32 to index
        %parallel_loop3A_962 = arith.constant 0 : index
        %parallel_loop3A_963 = tpu.vector_load %parallel_loop3A_960[%parallel_loop3A_961, %parallel_loop3A_962] {strides = array<i32>} : memref<128x128xf32, #tpu.memory_space<vmem>>, vector<1x16xf32>,
        %parallel_loop3A_964 = vector.shape_cast %parallel_loop3A_963 : vector<1x16xf32> to vector<16xf32>
        %parallel_loop3A_965 = vector.shape_cast %parallel_loop3A_955 : vector<16xf32> to vector<1x16xf32>
        tpu.vector_store %parallel_loop3A_960[%parallel_loop3A_961, %parallel_loop3A_962], %parallel_loop3A_965 {strides = array<i32>} : memref<128x128xf32, #tpu.memory_space<vmem>>, vector<1x16xf32>,
        %parallel_loop3A_966 = arith.subf %parallel_loop3A_817, %parallel_loop3A_954 : vector<16xf32>
        %parallel_loop3A_967 = arith.constant 0 : i32
        %parallel_loop3A_968 = arith.constant 0 : i32
        %parallel_loop3A_969 = arith.constant 0 : i32
        %parallel_loop3A_970 = tpu.memref_slice %arg7[%parallel_loop3A_967, %parallel_loop3A_968, %parallel_loop3A_969] : memref<5x128x128xf32, #tpu.memory_space<vmem>> -> memref<1x128x128xf32, #tpu.memory_space<vmem>>
        %parallel_loop3A_971 = tpu.memref_squeeze %parallel_loop3A_970 : memref<1x128x128xf32, #tpu.memory_space<vmem>> -> memref<128x128xf32, #tpu.memory_space<vmem>>
        %parallel_loop3A_972 = arith.index_cast %parallel_loop3A_799 : i32 to index
        %parallel_loop3A_973 = arith.constant 16 : index
        %parallel_loop3A_974 = tpu.vector_load %parallel_loop3A_971[%parallel_loop3A_972, %parallel_loop3A_973] {strides = array<i32>} : memref<128x128xf32, #tpu.memory_space<vmem>>, vector<1x16xf32>,
        %parallel_loop3A_975 = vector.shape_cast %parallel_loop3A_974 : vector<1x16xf32> to vector<16xf32>
        %parallel_loop3A_976 = vector.shape_cast %parallel_loop3A_966 : vector<16xf32> to vector<1x16xf32>
        tpu.vector_store %parallel_loop3A_971[%parallel_loop3A_972, %parallel_loop3A_973], %parallel_loop3A_976 {strides = array<i32>} : memref<128x128xf32, #tpu.memory_space<vmem>>, vector<1x16xf32>,
        %parallel_loop3A_977 = arith.subf %parallel_loop3A_826, %parallel_loop3A_954 : vector<16xf32>
        %parallel_loop3A_978 = arith.constant 0 : i32
        %parallel_loop3A_979 = arith.constant 0 : i32
        %parallel_loop3A_980 = arith.constant 0 : i32
        %parallel_loop3A_981 = tpu.memref_slice %arg7[%parallel_loop3A_978, %parallel_loop3A_979, %parallel_loop3A_980] : memref<5x128x128xf32, #tpu.memory_space<vmem>> -> memref<1x128x128xf32, #tpu.memory_space<vmem>>
        %parallel_loop3A_982 = tpu.memref_squeeze %parallel_loop3A_981 : memref<1x128x128xf32, #tpu.memory_space<vmem>> -> memref<128x128xf32, #tpu.memory_space<vmem>>
        %parallel_loop3A_983 = arith.index_cast %parallel_loop3A_799 : i32 to index
        %parallel_loop3A_984 = arith.constant 32 : index
        %parallel_loop3A_985 = tpu.vector_load %parallel_loop3A_982[%parallel_loop3A_983, %parallel_loop3A_984] {strides = array<i32>} : memref<128x128xf32, #tpu.memory_space<vmem>>, vector<1x16xf32>,
        %parallel_loop3A_986 = vector.shape_cast %parallel_loop3A_985 : vector<1x16xf32> to vector<16xf32>
        %parallel_loop3A_987 = vector.shape_cast %parallel_loop3A_977 : vector<16xf32> to vector<1x16xf32>
        tpu.vector_store %parallel_loop3A_982[%parallel_loop3A_983, %parallel_loop3A_984], %parallel_loop3A_987 {strides = array<i32>} : memref<128x128xf32, #tpu.memory_space<vmem>>, vector<1x16xf32>,
        %parallel_loop3A_988 = arith.subf %parallel_loop3A_835, %parallel_loop3A_954 : vector<16xf32>
        %parallel_loop3A_989 = arith.constant 0 : i32
        %parallel_loop3A_990 = arith.constant 0 : i32
        %parallel_loop3A_991 = arith.constant 0 : i32
        %parallel_loop3A_992 = tpu.memref_slice %arg7[%parallel_loop3A_989, %parallel_loop3A_990, %parallel_loop3A_991] : memref<5x128x128xf32, #tpu.memory_space<vmem>> -> memref<1x128x128xf32, #tpu.memory_space<vmem>>
        %parallel_loop3A_993 = tpu.memref_squeeze %parallel_loop3A_992 : memref<1x128x128xf32, #tpu.memory_space<vmem>> -> memref<128x128xf32, #tpu.memory_space<vmem>>
        %parallel_loop3A_994 = arith.index_cast %parallel_loop3A_799 : i32 to index
        %parallel_loop3A_995 = arith.constant 48 : index
        %parallel_loop3A_996 = tpu.vector_load %parallel_loop3A_993[%parallel_loop3A_994, %parallel_loop3A_995] {strides = array<i32>} : memref<128x128xf32, #tpu.memory_space<vmem>>, vector<1x16xf32>,
        %parallel_loop3A_997 = vector.shape_cast %parallel_loop3A_996 : vector<1x16xf32> to vector<16xf32>
        %parallel_loop3A_998 = vector.shape_cast %parallel_loop3A_988 : vector<16xf32> to vector<1x16xf32>
        tpu.vector_store %parallel_loop3A_993[%parallel_loop3A_994, %parallel_loop3A_995], %parallel_loop3A_998 {strides = array<i32>} : memref<128x128xf32, #tpu.memory_space<vmem>>, vector<1x16xf32>,
        %parallel_loop3A_999 = arith.subf %parallel_loop3A_844, %parallel_loop3A_954 : vector<16xf32>
        %parallel_loop3A_1000 = arith.constant 0 : i32
        %parallel_loop3A_1001 = arith.constant 0 : i32
        %parallel_loop3A_1002 = arith.constant 0 : i32
        %parallel_loop3A_1003 = tpu.memref_slice %arg7[%parallel_loop3A_1000, %parallel_loop3A_1001, %parallel_loop3A_1002] : memref<5x128x128xf32, #tpu.memory_space<vmem>> -> memref<1x128x128xf32, #tpu.memory_space<vmem>>
        %parallel_loop3A_1004 = tpu.memref_squeeze %parallel_loop3A_1003 : memref<1x128x128xf32, #tpu.memory_space<vmem>> -> memref<128x128xf32, #tpu.memory_space<vmem>>
        %parallel_loop3A_1005 = arith.index_cast %parallel_loop3A_799 : i32 to index
        %parallel_loop3A_1006 = arith.constant 64 : index
        %parallel_loop3A_1007 = tpu.vector_load %parallel_loop3A_1004[%parallel_loop3A_1005, %parallel_loop3A_1006] {strides = array<i32>} : memref<128x128xf32, #tpu.memory_space<vmem>>, vector<1x16xf32>,
        %parallel_loop3A_1008 = vector.shape_cast %parallel_loop3A_1007 : vector<1x16xf32> to vector<16xf32>
        %parallel_loop3A_1009 = vector.shape_cast %parallel_loop3A_999 : vector<16xf32> to vector<1x16xf32>
        tpu.vector_store %parallel_loop3A_1004[%parallel_loop3A_1005, %parallel_loop3A_1006], %parallel_loop3A_1009 {strides = array<i32>} : memref<128x128xf32, #tpu.memory_space<vmem>>, vector<1x16xf32>,
        %parallel_loop3A_1010 = arith.subf %parallel_loop3A_853, %parallel_loop3A_954 : vector<16xf32>
        %parallel_loop3A_1011 = arith.constant 0 : i32
        %parallel_loop3A_1012 = arith.constant 0 : i32
        %parallel_loop3A_1013 = arith.constant 0 : i32
        %parallel_loop3A_1014 = tpu.memref_slice %arg7[%parallel_loop3A_1011, %parallel_loop3A_1012, %parallel_loop3A_1013] : memref<5x128x128xf32, #tpu.memory_space<vmem>> -> memref<1x128x128xf32, #tpu.memory_space<vmem>>
        %parallel_loop3A_1015 = tpu.memref_squeeze %parallel_loop3A_1014 : memref<1x128x128xf32, #tpu.memory_space<vmem>> -> memref<128x128xf32, #tpu.memory_space<vmem>>
        %parallel_loop3A_1016 = arith.index_cast %parallel_loop3A_799 : i32 to index
        %parallel_loop3A_1017 = arith.constant 80 : index
        %parallel_loop3A_1018 = tpu.vector_load %parallel_loop3A_1015[%parallel_loop3A_1016, %parallel_loop3A_1017] {strides = array<i32>} : memref<128x128xf32, #tpu.memory_space<vmem>>, vector<1x16xf32>,
        %parallel_loop3A_1019 = vector.shape_cast %parallel_loop3A_1018 : vector<1x16xf32> to vector<16xf32>
        %parallel_loop3A_1020 = vector.shape_cast %parallel_loop3A_1010 : vector<16xf32> to vector<1x16xf32>
        tpu.vector_store %parallel_loop3A_1015[%parallel_loop3A_1016, %parallel_loop3A_1017], %parallel_loop3A_1020 {strides = array<i32>} : memref<128x128xf32, #tpu.memory_space<vmem>>, vector<1x16xf32>,
        %parallel_loop3A_1021 = arith.subf %parallel_loop3A_862, %parallel_loop3A_954 : vector<16xf32>
        %parallel_loop3A_1022 = arith.constant 0 : i32
        %parallel_loop3A_1023 = arith.constant 0 : i32
        %parallel_loop3A_1024 = arith.constant 0 : i32
        %parallel_loop3A_1025 = tpu.memref_slice %arg7[%parallel_loop3A_1022, %parallel_loop3A_1023, %parallel_loop3A_1024] : memref<5x128x128xf32, #tpu.memory_space<vmem>> -> memref<1x128x128xf32, #tpu.memory_space<vmem>>
        %parallel_loop3A_1026 = tpu.memref_squeeze %parallel_loop3A_1025 : memref<1x128x128xf32, #tpu.memory_space<vmem>> -> memref<128x128xf32, #tpu.memory_space<vmem>>
        %parallel_loop3A_1027 = arith.index_cast %parallel_loop3A_799 : i32 to index
        %parallel_loop3A_1028 = arith.constant 96 : index
        %parallel_loop3A_1029 = tpu.vector_load %parallel_loop3A_1026[%parallel_loop3A_1027, %parallel_loop3A_1028] {strides = array<i32>} : memref<128x128xf32, #tpu.memory_space<vmem>>, vector<1x16xf32>,
        %parallel_loop3A_1030 = vector.shape_cast %parallel_loop3A_1029 : vector<1x16xf32> to vector<16xf32>
        %parallel_loop3A_1031 = vector.shape_cast %parallel_loop3A_1021 : vector<16xf32> to vector<1x16xf32>
        tpu.vector_store %parallel_loop3A_1026[%parallel_loop3A_1027, %parallel_loop3A_1028], %parallel_loop3A_1031 {strides = array<i32>} : memref<128x128xf32, #tpu.memory_space<vmem>>, vector<1x16xf32>,
        %parallel_loop3A_1032 = arith.subf %parallel_loop3A_871, %parallel_loop3A_954 : vector<16xf32>
        %parallel_loop3A_1033 = arith.constant 0 : i32
        %parallel_loop3A_1034 = arith.constant 0 : i32
        %parallel_loop3A_1035 = arith.constant 0 : i32
        %parallel_loop3A_1036 = tpu.memref_slice %arg7[%parallel_loop3A_1033, %parallel_loop3A_1034, %parallel_loop3A_1035] : memref<5x128x128xf32, #tpu.memory_space<vmem>> -> memref<1x128x128xf32, #tpu.memory_space<vmem>>
        %parallel_loop3A_1037 = tpu.memref_squeeze %parallel_loop3A_1036 : memref<1x128x128xf32, #tpu.memory_space<vmem>> -> memref<128x128xf32, #tpu.memory_space<vmem>>
        %parallel_loop3A_1038 = arith.index_cast %parallel_loop3A_799 : i32 to index
        %parallel_loop3A_1039 = arith.constant 112 : index
        %parallel_loop3A_1040 = tpu.vector_load %parallel_loop3A_1037[%parallel_loop3A_1038, %parallel_loop3A_1039] {strides = array<i32>} : memref<128x128xf32, #tpu.memory_space<vmem>>, vector<1x16xf32>,
        %parallel_loop3A_1041 = vector.shape_cast %parallel_loop3A_1040 : vector<1x16xf32> to vector<16xf32>
        %parallel_loop3A_1042 = vector.shape_cast %parallel_loop3A_1032 : vector<16xf32> to vector<1x16xf32>
        tpu.vector_store %parallel_loop3A_1037[%parallel_loop3A_1038, %parallel_loop3A_1039], %parallel_loop3A_1042 {strides = array<i32>} : memref<128x128xf32, #tpu.memory_space<vmem>>, vector<1x16xf32>,
      } {sc.loop_unroll_factor = 5 : i64, sc.parallel_access}
      %mul3A_579 = arith.constant 4096 : i32
      %mul3A_580 = arith.muli %add3A_562, %mul3A_579 : i32
      %add3A_581 = arith.addi %mul3A_580, %mul3A_2 : i32
      %dma_start3A_582 = arith.constant 0 : i32
      %dma_start3A_583 = arith.constant 0 : i32
      %dma_start3A_584 = arith.constant 0 : i32
      %dma_start3A_585 = arith.constant 0 : i32
      %dma_start3A_586 = tpu.memref_slice %arg7[%dma_start3A_582, %dma_start3A_584, %dma_start3A_585] : memref<5x128x128xf32, #tpu.memory_space<vmem>> -> memref<1x128x128xf32, #tpu.memory_space<vmem>>
      %dma_start3A_587 = tpu.memref_squeeze %dma_start3A_586 : memref<1x128x128xf32, #tpu.memory_space<vmem>> -> memref<128x128xf32, #tpu.memory_space<vmem>>
      %dma_start3A_588 = arith.constant 0 : i32
      %dma_start3A_589 = tpu.memref_slice %arg4[%add3A_581, %dma_start3A_588] : memref<204800x128xf32, #tpu.memory_space<hbm>> -> memref<128x128xf32, #tpu.memory_space<hbm>>
      %dma_start3A_590 = tpu.memref_slice %arg9[%dma_start3A_583] : memref<5x!tpu.dma_semaphore, #tpu.memory_space<semaphore_mem>> -> memref<1x!tpu.dma_semaphore, #tpu.memory_space<semaphore_mem>>
      %dma_start3A_591 = tpu.memref_squeeze %dma_start3A_590 : memref<1x!tpu.dma_semaphore, #tpu.memory_space<semaphore_mem>> -> memref<!tpu.dma_semaphore, #tpu.memory_space<semaphore_mem>>
      %dma_start3A_592 = arith.constant 0 : i32
      %dma_start3A_593 = tpu.memref_slice %arg4[%add3A_581, %dma_start3A_592] : memref<204800x128xf32, #tpu.memory_space<hbm>> -> memref<128x128xf32, #tpu.memory_space<hbm>>
      %dma_start3A_594 = arith.constant 0 : i32
      %dma_start3A_595 = arith.constant 0 : i32
      %dma_start3A_596 = tpu.memref_slice %arg7[%dma_start3A_582, %dma_start3A_594, %dma_start3A_595] : memref<5x128x128xf32, #tpu.memory_space<vmem>> -> memref<1x128x128xf32, #tpu.memory_space<vmem>>
      %dma_start3A_597 = tpu.memref_squeeze %dma_start3A_596 : memref<1x128x128xf32, #tpu.memory_space<vmem>> -> memref<128x128xf32, #tpu.memory_space<vmem>>
      tpu.enqueue_dma source(%dma_start3A_597 : memref<128x128xf32, #tpu.memory_space<vmem>>) target(%dma_start3A_593 : memref<128x128xf32, #tpu.memory_space<hbm>>) target_semaphore(%dma_start3A_591 : memref<!tpu.dma_semaphore, #tpu.memory_space<semaphore_mem>>)
      %add3A_598 = arith.constant 5 : i32
      %add3A_599 = arith.addi %add3A_562, %add3A_598 : i32
      %sub3A = arith.constant 1 : i32
      %sub3A_600 = arith.subi %add3A_599, %sub3A : i32
      %lt3A = arith.constant 50 : i32
      %lt3A_601 = arith.cmpi slt, %sub3A_600, %lt3A : i32
      %convert_element_type3A = arith.extui %lt3A_601 : i1 to i32
      %cond3A = arith.constant 0 : i32
      %cond3A_602 = arith.cmpi ne, %convert_element_type3A, %cond3A : i32
      scf.if %cond3A_602 {
        %ge3A = arith.constant 1 : i32
        %ge3A_799 = arith.cmpi sge, %add3A_562, %ge3A : i32
        %convert_element_type3A_800 = arith.extui %ge3A_799 : i1 to i32
        %cond3A_801 = arith.constant 0 : i32
        %cond3A_802 = arith.cmpi ne, %convert_element_type3A_800, %cond3A_801 : i32
        scf.if %cond3A_802 {
          %sub3A_821 = arith.constant 1 : i32
          %sub3A_822 = arith.subi %add3A_562, %sub3A_821 : i32
          %mul3A_823 = arith.constant 4096 : i32
          %mul3A_824 = arith.muli %sub3A_822, %mul3A_823 : i32
          %add3A_825 = arith.addi %mul3A_824, %mul3A_2 : i32
          %dma_wait3A_826 = arith.constant 4 : i32
          %dma_wait3A_827 = arith.constant 4 : i32
          %dma_wait3A_828 = arith.constant 0 : i32
          %dma_wait3A_829 = arith.constant 0 : i32
          %dma_wait3A_830 = tpu.memref_slice %arg7[%dma_wait3A_826, %dma_wait3A_828, %dma_wait3A_829] : memref<5x128x128xf32, #tpu.memory_space<vmem>> -> memref<1x128x128xf32, #tpu.memory_space<vmem>>
          %dma_wait3A_831 = tpu.memref_squeeze %dma_wait3A_830 : memref<1x128x128xf32, #tpu.memory_space<vmem>> -> memref<128x128xf32, #tpu.memory_space<vmem>>
          %dma_wait3A_832 = arith.constant 0 : i32
          %dma_wait3A_833 = tpu.memref_slice %arg4[%add3A_825, %dma_wait3A_832] : memref<204800x128xf32, #tpu.memory_space<hbm>> -> memref<128x128xf32, #tpu.memory_space<hbm>>
          %dma_wait3A_834 = tpu.memref_slice %arg9[%dma_wait3A_827] : memref<5x!tpu.dma_semaphore, #tpu.memory_space<semaphore_mem>> -> memref<1x!tpu.dma_semaphore, #tpu.memory_space<semaphore_mem>>
          %dma_wait3A_835 = tpu.memref_squeeze %dma_wait3A_834 : memref<1x!tpu.dma_semaphore, #tpu.memory_space<semaphore_mem>> -> memref<!tpu.dma_semaphore, #tpu.memory_space<semaphore_mem>>
          %dma_wait3A_836 = arith.constant 0 : i32
          %dma_wait3A_837 = tpu.memref_slice %arg4[%add3A_825, %dma_wait3A_836] : memref<204800x128xf32, #tpu.memory_space<hbm>> -> memref<128x128xf32, #tpu.memory_space<hbm>>
          %dma_wait3A_838 = arith.constant 0 : i32
          %dma_wait3A_839 = arith.constant 0 : i32
          %dma_wait3A_840 = tpu.memref_slice %arg7[%dma_wait3A_826, %dma_wait3A_838, %dma_wait3A_839] : memref<5x128x128xf32, #tpu.memory_space<vmem>> -> memref<1x128x128xf32, #tpu.memory_space<vmem>>
          %dma_wait3A_841 = tpu.memref_squeeze %dma_wait3A_840 : memref<1x128x128xf32, #tpu.memory_space<vmem>> -> memref<128x128xf32, #tpu.memory_space<vmem>>
          tpu.wait_dma2 semaphore(%dma_wait3A_835 : memref<!tpu.dma_semaphore, #tpu.memory_space<semaphore_mem>>) src(%dma_wait3A_841 : memref<128x128xf32, #tpu.memory_space<vmem>>) dst(%dma_wait3A_837 : memref<128x128xf32, #tpu.memory_space<hbm>>)
        } else {
        }
        %add3A_803 = arith.constant 5 : i32
        %add3A_804 = arith.addi %add3A_562, %add3A_803 : i32
        %sub3A_805 = arith.constant 1 : i32
        %sub3A_806 = arith.subi %add3A_804, %sub3A_805 : i32
        %dma_start3A_807 = arith.constant 4 : i32
        %dma_start3A_808 = arith.constant 4 : i32
        %dma_start3A_809 = arith.constant 0 : i32
        %dma_start3A_810 = arith.constant 0 : i32
        %dma_start3A_811 = tpu.memref_slice %arg7[%dma_start3A_807, %dma_start3A_809, %dma_start3A_810] : memref<5x128x128xf32, #tpu.memory_space<vmem>> -> memref<1x128x128xf32, #tpu.memory_space<vmem>>
        %dma_start3A_812 = tpu.memref_squeeze %dma_start3A_811 : memref<1x128x128xf32, #tpu.memory_space<vmem>> -> memref<128x128xf32, #tpu.memory_space<vmem>>
        %dma_start3A_813 = arith.constant 0 : i32
        %dma_start3A_814 = tpu.memref_slice %arg6[%sub3A_806, %dma_start3A_813] : memref<50x128xi32, #tpu.memory_space<vmem>> -> memref<1x128xi32, #tpu.memory_space<vmem>>
        %dma_start3A_815 = tpu.memref_squeeze %dma_start3A_814 : memref<1x128xi32, #tpu.memory_space<vmem>> -> memref<128xi32, #tpu.memory_space<vmem>>
        %dma_start3A_816 = arith.constant 0 : i32
        %dma_start3A_817 = arith.constant 0 : i32
        %dma_start3A_818 = tpu.memref_slice %arg2[%dma_start3A_816, %dma_start3A_817] : memref<500000x128xf32, #tpu.memory_space<hbm>> -> memref<500000x128xf32, #tpu.memory_space<hbm>>
        %dma_start3A_819 = tpu.memref_slice %arg8[%dma_start3A_808] : memref<5x!tpu.dma_semaphore, #tpu.memory_space<semaphore_mem>> -> memref<1x!tpu.dma_semaphore, #tpu.memory_space<semaphore_mem>>
        %dma_start3A_820 = tpu.memref_squeeze %dma_start3A_819 : memref<1x!tpu.dma_semaphore, #tpu.memory_space<semaphore_mem>> -> memref<!tpu.dma_semaphore, #tpu.memory_space<semaphore_mem>>
        tpu.enqueue_indirect_dma source(%dma_start3A_818 : memref<500000x128xf32, #tpu.memory_space<hbm>>) target(%dma_start3A_812 : memref<128x128xf32, #tpu.memory_space<vmem>>) offsets(%dma_start3A_815 : memref<128xi32, #tpu.memory_space<vmem>>) semaphore(%dma_start3A_820 : memref<!tpu.dma_semaphore, #tpu.memory_space<semaphore_mem>>)
      } else {
      }
      %mul3A_603 = arith.constant 5 : i32
      %mul3A_604 = arith.muli %mul3A_603, %scan3A_558 : i32
      %add3A_605 = arith.constant 1 : i32
      %add3A_606 = arith.addi %mul3A_604, %add3A_605 : i32
      %dma_wait3A_607 = arith.constant 1 : i32
      %dma_wait3A_608 = arith.constant 1 : i32
      %dma_wait3A_609 = arith.constant 0 : i32
      %dma_wait3A_610 = arith.constant 0 : i32
      %dma_wait3A_611 = tpu.memref_slice %arg7[%dma_wait3A_607, %dma_wait3A_609, %dma_wait3A_610] : memref<5x128x128xf32, #tpu.memory_space<vmem>> -> memref<1x128x128xf32, #tpu.memory_space<vmem>>
      %dma_wait3A_612 = tpu.memref_squeeze %dma_wait3A_611 : memref<1x128x128xf32, #tpu.memory_space<vmem>> -> memref<128x128xf32, #tpu.memory_space<vmem>>
      %dma_wait3A_613 = arith.constant 0 : i32
      %dma_wait3A_614 = tpu.memref_slice %arg6[%add3A_606, %dma_wait3A_613] : memref<50x128xi32, #tpu.memory_space<vmem>> -> memref<1x128xi32, #tpu.memory_space<vmem>>
      %dma_wait3A_615 = tpu.memref_squeeze %dma_wait3A_614 : memref<1x128xi32, #tpu.memory_space<vmem>> -> memref<128xi32, #tpu.memory_space<vmem>>
      %dma_wait3A_616 = arith.constant 0 : i32
      %dma_wait3A_617 = arith.constant 0 : i32
      %dma_wait3A_618 = tpu.memref_slice %arg2[%dma_wait3A_616, %dma_wait3A_617] : memref<500000x128xf32, #tpu.memory_space<hbm>> -> memref<500000x128xf32, #tpu.memory_space<hbm>>
      %dma_wait3A_619 = tpu.memref_slice %arg8[%dma_wait3A_608] : memref<5x!tpu.dma_semaphore, #tpu.memory_space<semaphore_mem>> -> memref<1x!tpu.dma_semaphore, #tpu.memory_space<semaphore_mem>>
      %dma_wait3A_620 = tpu.memref_squeeze %dma_wait3A_619 : memref<1x!tpu.dma_semaphore, #tpu.memory_space<semaphore_mem>> -> memref<!tpu.dma_semaphore, #tpu.memory_space<semaphore_mem>>
      tpu.wait_indirect_dma semaphore(%dma_wait3A_620 : memref<!tpu.dma_semaphore, #tpu.memory_space<semaphore_mem>>) src(%dma_wait3A_618 : memref<500000x128xf32, #tpu.memory_space<hbm>>) dst(%dma_wait3A_612 : memref<128x128xf32, #tpu.memory_space<vmem>>)
      %parallel_loop3A_621 = arith.constant 0 : i32
      %parallel_loop3A_622 = arith.constant 128 : i32
      %parallel_loop3A_623 = arith.constant 1 : i32
      scf.for %parallel_loop3A_799 = %parallel_loop3A_621 to %parallel_loop3A_622 step %parallel_loop3A_623  : i32 {
        %parallel_loop3A_800 = arith.constant 1 : i32
        %parallel_loop3A_801 = arith.constant 0 : i32
        %parallel_loop3A_802 = arith.constant 0 : i32
        %parallel_loop3A_803 = tpu.memref_slice %arg7[%parallel_loop3A_800, %parallel_loop3A_801, %parallel_loop3A_802] : memref<5x128x128xf32, #tpu.memory_space<vmem>> -> memref<1x128x128xf32, #tpu.memory_space<vmem>>
        %parallel_loop3A_804 = tpu.memref_squeeze %parallel_loop3A_803 : memref<1x128x128xf32, #tpu.memory_space<vmem>> -> memref<128x128xf32, #tpu.memory_space<vmem>>
        %parallel_loop3A_805 = arith.index_cast %parallel_loop3A_799 : i32 to index
        %parallel_loop3A_806 = arith.constant 0 : index
        %parallel_loop3A_807 = tpu.vector_load %parallel_loop3A_804[%parallel_loop3A_805, %parallel_loop3A_806] {strides = array<i32>} : memref<128x128xf32, #tpu.memory_space<vmem>>, vector<1x16xf32>,
        %parallel_loop3A_808 = vector.shape_cast %parallel_loop3A_807 : vector<1x16xf32> to vector<16xf32>
        %parallel_loop3A_809 = arith.constant 1 : i32
        %parallel_loop3A_810 = arith.constant 0 : i32
        %parallel_loop3A_811 = arith.constant 0 : i32
        %parallel_loop3A_812 = tpu.memref_slice %arg7[%parallel_loop3A_809, %parallel_loop3A_810, %parallel_loop3A_811] : memref<5x128x128xf32, #tpu.memory_space<vmem>> -> memref<1x128x128xf32, #tpu.memory_space<vmem>>
        %parallel_loop3A_813 = tpu.memref_squeeze %parallel_loop3A_812 : memref<1x128x128xf32, #tpu.memory_space<vmem>> -> memref<128x128xf32, #tpu.memory_space<vmem>>
        %parallel_loop3A_814 = arith.index_cast %parallel_loop3A_799 : i32 to index
        %parallel_loop3A_815 = arith.constant 16 : index
        %parallel_loop3A_816 = tpu.vector_load %parallel_loop3A_813[%parallel_loop3A_814, %parallel_loop3A_815] {strides = array<i32>} : memref<128x128xf32, #tpu.memory_space<vmem>>, vector<1x16xf32>,
        %parallel_loop3A_817 = vector.shape_cast %parallel_loop3A_816 : vector<1x16xf32> to vector<16xf32>
        %parallel_loop3A_818 = arith.constant 1 : i32
        %parallel_loop3A_819 = arith.constant 0 : i32
        %parallel_loop3A_820 = arith.constant 0 : i32
        %parallel_loop3A_821 = tpu.memref_slice %arg7[%parallel_loop3A_818, %parallel_loop3A_819, %parallel_loop3A_820] : memref<5x128x128xf32, #tpu.memory_space<vmem>> -> memref<1x128x128xf32, #tpu.memory_space<vmem>>
        %parallel_loop3A_822 = tpu.memref_squeeze %parallel_loop3A_821 : memref<1x128x128xf32, #tpu.memory_space<vmem>> -> memref<128x128xf32, #tpu.memory_space<vmem>>
        %parallel_loop3A_823 = arith.index_cast %parallel_loop3A_799 : i32 to index
        %parallel_loop3A_824 = arith.constant 32 : index
        %parallel_loop3A_825 = tpu.vector_load %parallel_loop3A_822[%parallel_loop3A_823, %parallel_loop3A_824] {strides = array<i32>} : memref<128x128xf32, #tpu.memory_space<vmem>>, vector<1x16xf32>,
        %parallel_loop3A_826 = vector.shape_cast %parallel_loop3A_825 : vector<1x16xf32> to vector<16xf32>
        %parallel_loop3A_827 = arith.constant 1 : i32
        %parallel_loop3A_828 = arith.constant 0 : i32
        %parallel_loop3A_829 = arith.constant 0 : i32
        %parallel_loop3A_830 = tpu.memref_slice %arg7[%parallel_loop3A_827, %parallel_loop3A_828, %parallel_loop3A_829] : memref<5x128x128xf32, #tpu.memory_space<vmem>> -> memref<1x128x128xf32, #tpu.memory_space<vmem>>
        %parallel_loop3A_831 = tpu.memref_squeeze %parallel_loop3A_830 : memref<1x128x128xf32, #tpu.memory_space<vmem>> -> memref<128x128xf32, #tpu.memory_space<vmem>>
        %parallel_loop3A_832 = arith.index_cast %parallel_loop3A_799 : i32 to index
        %parallel_loop3A_833 = arith.constant 48 : index
        %parallel_loop3A_834 = tpu.vector_load %parallel_loop3A_831[%parallel_loop3A_832, %parallel_loop3A_833] {strides = array<i32>} : memref<128x128xf32, #tpu.memory_space<vmem>>, vector<1x16xf32>,
        %parallel_loop3A_835 = vector.shape_cast %parallel_loop3A_834 : vector<1x16xf32> to vector<16xf32>
        %parallel_loop3A_836 = arith.constant 1 : i32
        %parallel_loop3A_837 = arith.constant 0 : i32
        %parallel_loop3A_838 = arith.constant 0 : i32
        %parallel_loop3A_839 = tpu.memref_slice %arg7[%parallel_loop3A_836, %parallel_loop3A_837, %parallel_loop3A_838] : memref<5x128x128xf32, #tpu.memory_space<vmem>> -> memref<1x128x128xf32, #tpu.memory_space<vmem>>
        %parallel_loop3A_840 = tpu.memref_squeeze %parallel_loop3A_839 : memref<1x128x128xf32, #tpu.memory_space<vmem>> -> memref<128x128xf32, #tpu.memory_space<vmem>>
        %parallel_loop3A_841 = arith.index_cast %parallel_loop3A_799 : i32 to index
        %parallel_loop3A_842 = arith.constant 64 : index
        %parallel_loop3A_843 = tpu.vector_load %parallel_loop3A_840[%parallel_loop3A_841, %parallel_loop3A_842] {strides = array<i32>} : memref<128x128xf32, #tpu.memory_space<vmem>>, vector<1x16xf32>,
        %parallel_loop3A_844 = vector.shape_cast %parallel_loop3A_843 : vector<1x16xf32> to vector<16xf32>
        %parallel_loop3A_845 = arith.constant 1 : i32
        %parallel_loop3A_846 = arith.constant 0 : i32
        %parallel_loop3A_847 = arith.constant 0 : i32
        %parallel_loop3A_848 = tpu.memref_slice %arg7[%parallel_loop3A_845, %parallel_loop3A_846, %parallel_loop3A_847] : memref<5x128x128xf32, #tpu.memory_space<vmem>> -> memref<1x128x128xf32, #tpu.memory_space<vmem>>
        %parallel_loop3A_849 = tpu.memref_squeeze %parallel_loop3A_848 : memref<1x128x128xf32, #tpu.memory_space<vmem>> -> memref<128x128xf32, #tpu.memory_space<vmem>>
        %parallel_loop3A_850 = arith.index_cast %parallel_loop3A_799 : i32 to index
        %parallel_loop3A_851 = arith.constant 80 : index
        %parallel_loop3A_852 = tpu.vector_load %parallel_loop3A_849[%parallel_loop3A_850, %parallel_loop3A_851] {strides = array<i32>} : memref<128x128xf32, #tpu.memory_space<vmem>>, vector<1x16xf32>,
        %parallel_loop3A_853 = vector.shape_cast %parallel_loop3A_852 : vector<1x16xf32> to vector<16xf32>
        %parallel_loop3A_854 = arith.constant 1 : i32
        %parallel_loop3A_855 = arith.constant 0 : i32
        %parallel_loop3A_856 = arith.constant 0 : i32
        %parallel_loop3A_857 = tpu.memref_slice %arg7[%parallel_loop3A_854, %parallel_loop3A_855, %parallel_loop3A_856] : memref<5x128x128xf32, #tpu.memory_space<vmem>> -> memref<1x128x128xf32, #tpu.memory_space<vmem>>
        %parallel_loop3A_858 = tpu.memref_squeeze %parallel_loop3A_857 : memref<1x128x128xf32, #tpu.memory_space<vmem>> -> memref<128x128xf32, #tpu.memory_space<vmem>>
        %parallel_loop3A_859 = arith.index_cast %parallel_loop3A_799 : i32 to index
        %parallel_loop3A_860 = arith.constant 96 : index
        %parallel_loop3A_861 = tpu.vector_load %parallel_loop3A_858[%parallel_loop3A_859, %parallel_loop3A_860] {strides = array<i32>} : memref<128x128xf32, #tpu.memory_space<vmem>>, vector<1x16xf32>,
        %parallel_loop3A_862 = vector.shape_cast %parallel_loop3A_861 : vector<1x16xf32> to vector<16xf32>
        %parallel_loop3A_863 = arith.constant 1 : i32
        %parallel_loop3A_864 = arith.constant 0 : i32
        %parallel_loop3A_865 = arith.constant 0 : i32
        %parallel_loop3A_866 = tpu.memref_slice %arg7[%parallel_loop3A_863, %parallel_loop3A_864, %parallel_loop3A_865] : memref<5x128x128xf32, #tpu.memory_space<vmem>> -> memref<1x128x128xf32, #tpu.memory_space<vmem>>
        %parallel_loop3A_867 = tpu.memref_squeeze %parallel_loop3A_866 : memref<1x128x128xf32, #tpu.memory_space<vmem>> -> memref<128x128xf32, #tpu.memory_space<vmem>>
        %parallel_loop3A_868 = arith.index_cast %parallel_loop3A_799 : i32 to index
        %parallel_loop3A_869 = arith.constant 112 : index
        %parallel_loop3A_870 = tpu.vector_load %parallel_loop3A_867[%parallel_loop3A_868, %parallel_loop3A_869] {strides = array<i32>} : memref<128x128xf32, #tpu.memory_space<vmem>>, vector<1x16xf32>,
        %parallel_loop3A_871 = vector.shape_cast %parallel_loop3A_870 : vector<1x16xf32> to vector<16xf32>
        %parallel_loop3A_872 = math.exp %parallel_loop3A_808 : vector<16xf32>
        %parallel_loop3A_873 = math.exp %parallel_loop3A_817 : vector<16xf32>
        %parallel_loop3A_874 = math.exp %parallel_loop3A_826 : vector<16xf32>
        %parallel_loop3A_875 = math.exp %parallel_loop3A_835 : vector<16xf32>
        %parallel_loop3A_876 = math.exp %parallel_loop3A_844 : vector<16xf32>
        %parallel_loop3A_877 = math.exp %parallel_loop3A_853 : vector<16xf32>
        %parallel_loop3A_878 = math.exp %parallel_loop3A_862 : vector<16xf32>
        %parallel_loop3A_879 = math.exp %parallel_loop3A_871 : vector<16xf32>
        %parallel_loop3A_880 = arith.addf %parallel_loop3A_872, %parallel_loop3A_873 : vector<16xf32>
        %parallel_loop3A_881 = arith.addf %parallel_loop3A_874, %parallel_loop3A_875 : vector<16xf32>
        %parallel_loop3A_882 = arith.addf %parallel_loop3A_880, %parallel_loop3A_881 : vector<16xf32>
        %parallel_loop3A_883 = arith.addf %parallel_loop3A_876, %parallel_loop3A_877 : vector<16xf32>
        %parallel_loop3A_884 = arith.addf %parallel_loop3A_878, %parallel_loop3A_879 : vector<16xf32>
        %parallel_loop3A_885 = arith.addf %parallel_loop3A_883, %parallel_loop3A_884 : vector<16xf32>
        %parallel_loop3A_886 = arith.addf %parallel_loop3A_882, %parallel_loop3A_885 : vector<16xf32>
        %parallel_loop3A_887 = vector.shape_cast %xor3A_4 : vector<16xi32> to vector<16x1xi32>
        %parallel_loop3A_888 = vector.shape_cast %parallel_loop3A_887 : vector<16x1xi32> to vector<16xi32>
        %parallel_loop3A_889 = tpu.dynamic_gather %parallel_loop3A_886[%parallel_loop3A_888] in [0] : vector<16xf32>, vector<16xi32> -> vector<16xf32>
        %parallel_loop3A_890 = arith.addf %parallel_loop3A_886, %parallel_loop3A_889 : vector<16xf32>
        %parallel_loop3A_891 = vector.shape_cast %xor3A_8 : vector<16xi32> to vector<16x1xi32>
        %parallel_loop3A_892 = vector.shape_cast %parallel_loop3A_891 : vector<16x1xi32> to vector<16xi32>
        %parallel_loop3A_893 = tpu.dynamic_gather %parallel_loop3A_890[%parallel_loop3A_892] in [0] : vector<16xf32>, vector<16xi32> -> vector<16xf32>
        %parallel_loop3A_894 = arith.addf %parallel_loop3A_890, %parallel_loop3A_893 : vector<16xf32>
        %parallel_loop3A_895 = vector.shape_cast %xor3A_12 : vector<16xi32> to vector<16x1xi32>
        %parallel_loop3A_896 = vector.shape_cast %parallel_loop3A_895 : vector<16x1xi32> to vector<16xi32>
        %parallel_loop3A_897 = tpu.dynamic_gather %parallel_loop3A_894[%parallel_loop3A_896] in [0] : vector<16xf32>, vector<16xi32> -> vector<16xf32>
        %parallel_loop3A_898 = arith.addf %parallel_loop3A_894, %parallel_loop3A_897 : vector<16xf32>
        %parallel_loop3A_899 = vector.shape_cast %xor3A_16 : vector<16xi32> to vector<16x1xi32>
        %parallel_loop3A_900 = vector.shape_cast %parallel_loop3A_899 : vector<16x1xi32> to vector<16xi32>
        %parallel_loop3A_901 = tpu.dynamic_gather %parallel_loop3A_898[%parallel_loop3A_900] in [0] : vector<16xf32>, vector<16xi32> -> vector<16xf32>
        %parallel_loop3A_902 = arith.addf %parallel_loop3A_898, %parallel_loop3A_901 : vector<16xf32>
        %parallel_loop3A_903 = tpu.bitcast %parallel_loop3A_902 : vector<16xf32> -> vector<16xi32>
        %parallel_loop3A_904 = arith.constant 23 : i32
        %parallel_loop3A_905 = vector.broadcast %parallel_loop3A_904 : i32 to vector<16xi32>
        %parallel_loop3A_906 = arith.shrui %parallel_loop3A_903, %parallel_loop3A_905 : vector<16xi32>
        %parallel_loop3A_907 = arith.constant 127 : i32
        %parallel_loop3A_908 = vector.broadcast %parallel_loop3A_907 : i32 to vector<16xi32>
        %parallel_loop3A_909 = arith.subi %parallel_loop3A_906, %parallel_loop3A_908 : vector<16xi32>
        %parallel_loop3A_910 = arith.constant 8388607 : i32
        %parallel_loop3A_911 = vector.broadcast %parallel_loop3A_910 : i32 to vector<16xi32>
        %parallel_loop3A_912 = arith.andi %parallel_loop3A_903, %parallel_loop3A_911 : vector<16xi32>
        %parallel_loop3A_913 = arith.constant 1065353216 : i32
        %parallel_loop3A_914 = vector.broadcast %parallel_loop3A_913 : i32 to vector<16xi32>
        %parallel_loop3A_915 = arith.ori %parallel_loop3A_912, %parallel_loop3A_914 : vector<16xi32>
        %parallel_loop3A_916 = tpu.bitcast %parallel_loop3A_915 : vector<16xi32> -> vector<16xf32>
        %parallel_loop3A_917 = arith.constant 1.41421354 : f32
        %parallel_loop3A_918 = vector.broadcast %parallel_loop3A_917 : f32 to vector<16xf32>
        %parallel_loop3A_919 = arith.cmpf ogt, %parallel_loop3A_916, %parallel_loop3A_918 : vector<16xf32>
        %parallel_loop3A_920 = arith.constant 5.000000e-01 : f32
        %parallel_loop3A_921 = vector.broadcast %parallel_loop3A_920 : f32 to vector<16xf32>
        %parallel_loop3A_922 = arith.mulf %parallel_loop3A_916, %parallel_loop3A_921 : vector<16xf32>
        %parallel_loop3A_923 = arith.select %parallel_loop3A_919, %parallel_loop3A_922, %parallel_loop3A_916 : vector<16xi1>, vector<16xf32>
        %parallel_loop3A_924 = arith.constant 1 : i32
        %parallel_loop3A_925 = vector.broadcast %parallel_loop3A_924 : i32 to vector<16xi32>
        %parallel_loop3A_926 = arith.addi %parallel_loop3A_909, %parallel_loop3A_925 : vector<16xi32>
        %parallel_loop3A_927 = arith.select %parallel_loop3A_919, %parallel_loop3A_926, %parallel_loop3A_909 : vector<16xi1>, vector<16xi32>
        %parallel_loop3A_928 = arith.constant 1.000000e+00 : f32
        %parallel_loop3A_929 = vector.broadcast %parallel_loop3A_928 : f32 to vector<16xf32>
        %parallel_loop3A_930 = arith.subf %parallel_loop3A_923, %parallel_loop3A_929 : vector<16xf32>
        %parallel_loop3A_931 = arith.constant 1.000000e+00 : f32
        %parallel_loop3A_932 = vector.broadcast %parallel_loop3A_931 : f32 to vector<16xf32>
        %parallel_loop3A_933 = arith.addf %parallel_loop3A_923, %parallel_loop3A_932 : vector<16xf32>
        %parallel_loop3A_934 = arith.divf %parallel_loop3A_930, %parallel_loop3A_933 : vector<16xf32>
        %parallel_loop3A_935 = arith.mulf %parallel_loop3A_934, %parallel_loop3A_934 : vector<16xf32>
        %parallel_loop3A_936 = arith.constant 2.000000e-01 : f32
        %parallel_loop3A_937 = vector.broadcast %parallel_loop3A_936 : f32 to vector<16xf32>
        %parallel_loop3A_938 = arith.mulf %parallel_loop3A_935, %parallel_loop3A_937 : vector<16xf32>
        %parallel_loop3A_939 = arith.constant 0.333333343 : f32
        %parallel_loop3A_940 = vector.broadcast %parallel_loop3A_939 : f32 to vector<16xf32>
        %parallel_loop3A_941 = arith.addf %parallel_loop3A_940, %parallel_loop3A_938 : vector<16xf32>
        %parallel_loop3A_942 = arith.mulf %parallel_loop3A_935, %parallel_loop3A_941 : vector<16xf32>
        %parallel_loop3A_943 = arith.constant 1.000000e+00 : f32
        %parallel_loop3A_944 = vector.broadcast %parallel_loop3A_943 : f32 to vector<16xf32>
        %parallel_loop3A_945 = arith.addf %parallel_loop3A_944, %parallel_loop3A_942 : vector<16xf32>
        %parallel_loop3A_946 = arith.sitofp %parallel_loop3A_927 : vector<16xi32> to vector<16xf32>
        %parallel_loop3A_947 = arith.constant 0.693147182 : f32
        %parallel_loop3A_948 = vector.broadcast %parallel_loop3A_947 : f32 to vector<16xf32>
        %parallel_loop3A_949 = arith.mulf %parallel_loop3A_946, %parallel_loop3A_948 : vector<16xf32>
        %parallel_loop3A_950 = arith.constant 2.000000e+00 : f32
        %parallel_loop3A_951 = vector.broadcast %parallel_loop3A_950 : f32 to vector<16xf32>
        %parallel_loop3A_952 = arith.mulf %parallel_loop3A_951, %parallel_loop3A_934 : vector<16xf32>
        %parallel_loop3A_953 = arith.mulf %parallel_loop3A_952, %parallel_loop3A_945 : vector<16xf32>
        %parallel_loop3A_954 = arith.addf %parallel_loop3A_949, %parallel_loop3A_953 : vector<16xf32>
        %parallel_loop3A_955 = arith.subf %parallel_loop3A_808, %parallel_loop3A_954 : vector<16xf32>
        %parallel_loop3A_956 = arith.constant 1 : i32
        %parallel_loop3A_957 = arith.constant 0 : i32
        %parallel_loop3A_958 = arith.constant 0 : i32
        %parallel_loop3A_959 = tpu.memref_slice %arg7[%parallel_loop3A_956, %parallel_loop3A_957, %parallel_loop3A_958] : memref<5x128x128xf32, #tpu.memory_space<vmem>> -> memref<1x128x128xf32, #tpu.memory_space<vmem>>
        %parallel_loop3A_960 = tpu.memref_squeeze %parallel_loop3A_959 : memref<1x128x128xf32, #tpu.memory_space<vmem>> -> memref<128x128xf32, #tpu.memory_space<vmem>>
        %parallel_loop3A_961 = arith.index_cast %parallel_loop3A_799 : i32 to index
        %parallel_loop3A_962 = arith.constant 0 : index
        %parallel_loop3A_963 = tpu.vector_load %parallel_loop3A_960[%parallel_loop3A_961, %parallel_loop3A_962] {strides = array<i32>} : memref<128x128xf32, #tpu.memory_space<vmem>>, vector<1x16xf32>,
        %parallel_loop3A_964 = vector.shape_cast %parallel_loop3A_963 : vector<1x16xf32> to vector<16xf32>
        %parallel_loop3A_965 = vector.shape_cast %parallel_loop3A_955 : vector<16xf32> to vector<1x16xf32>
        tpu.vector_store %parallel_loop3A_960[%parallel_loop3A_961, %parallel_loop3A_962], %parallel_loop3A_965 {strides = array<i32>} : memref<128x128xf32, #tpu.memory_space<vmem>>, vector<1x16xf32>,
        %parallel_loop3A_966 = arith.subf %parallel_loop3A_817, %parallel_loop3A_954 : vector<16xf32>
        %parallel_loop3A_967 = arith.constant 1 : i32
        %parallel_loop3A_968 = arith.constant 0 : i32
        %parallel_loop3A_969 = arith.constant 0 : i32
        %parallel_loop3A_970 = tpu.memref_slice %arg7[%parallel_loop3A_967, %parallel_loop3A_968, %parallel_loop3A_969] : memref<5x128x128xf32, #tpu.memory_space<vmem>> -> memref<1x128x128xf32, #tpu.memory_space<vmem>>
        %parallel_loop3A_971 = tpu.memref_squeeze %parallel_loop3A_970 : memref<1x128x128xf32, #tpu.memory_space<vmem>> -> memref<128x128xf32, #tpu.memory_space<vmem>>
        %parallel_loop3A_972 = arith.index_cast %parallel_loop3A_799 : i32 to index
        %parallel_loop3A_973 = arith.constant 16 : index
        %parallel_loop3A_974 = tpu.vector_load %parallel_loop3A_971[%parallel_loop3A_972, %parallel_loop3A_973] {strides = array<i32>} : memref<128x128xf32, #tpu.memory_space<vmem>>, vector<1x16xf32>,
        %parallel_loop3A_975 = vector.shape_cast %parallel_loop3A_974 : vector<1x16xf32> to vector<16xf32>
        %parallel_loop3A_976 = vector.shape_cast %parallel_loop3A_966 : vector<16xf32> to vector<1x16xf32>
        tpu.vector_store %parallel_loop3A_971[%parallel_loop3A_972, %parallel_loop3A_973], %parallel_loop3A_976 {strides = array<i32>} : memref<128x128xf32, #tpu.memory_space<vmem>>, vector<1x16xf32>,
        %parallel_loop3A_977 = arith.subf %parallel_loop3A_826, %parallel_loop3A_954 : vector<16xf32>
        %parallel_loop3A_978 = arith.constant 1 : i32
        %parallel_loop3A_979 = arith.constant 0 : i32
        %parallel_loop3A_980 = arith.constant 0 : i32
        %parallel_loop3A_981 = tpu.memref_slice %arg7[%parallel_loop3A_978, %parallel_loop3A_979, %parallel_loop3A_980] : memref<5x128x128xf32, #tpu.memory_space<vmem>> -> memref<1x128x128xf32, #tpu.memory_space<vmem>>
        %parallel_loop3A_982 = tpu.memref_squeeze %parallel_loop3A_981 : memref<1x128x128xf32, #tpu.memory_space<vmem>> -> memref<128x128xf32, #tpu.memory_space<vmem>>
        %parallel_loop3A_983 = arith.index_cast %parallel_loop3A_799 : i32 to index
        %parallel_loop3A_984 = arith.constant 32 : index
        %parallel_loop3A_985 = tpu.vector_load %parallel_loop3A_982[%parallel_loop3A_983, %parallel_loop3A_984] {strides = array<i32>} : memref<128x128xf32, #tpu.memory_space<vmem>>, vector<1x16xf32>,
        %parallel_loop3A_986 = vector.shape_cast %parallel_loop3A_985 : vector<1x16xf32> to vector<16xf32>
        %parallel_loop3A_987 = vector.shape_cast %parallel_loop3A_977 : vector<16xf32> to vector<1x16xf32>
        tpu.vector_store %parallel_loop3A_982[%parallel_loop3A_983, %parallel_loop3A_984], %parallel_loop3A_987 {strides = array<i32>} : memref<128x128xf32, #tpu.memory_space<vmem>>, vector<1x16xf32>,
        %parallel_loop3A_988 = arith.subf %parallel_loop3A_835, %parallel_loop3A_954 : vector<16xf32>
        %parallel_loop3A_989 = arith.constant 1 : i32
        %parallel_loop3A_990 = arith.constant 0 : i32
        %parallel_loop3A_991 = arith.constant 0 : i32
        %parallel_loop3A_992 = tpu.memref_slice %arg7[%parallel_loop3A_989, %parallel_loop3A_990, %parallel_loop3A_991] : memref<5x128x128xf32, #tpu.memory_space<vmem>> -> memref<1x128x128xf32, #tpu.memory_space<vmem>>
        %parallel_loop3A_993 = tpu.memref_squeeze %parallel_loop3A_992 : memref<1x128x128xf32, #tpu.memory_space<vmem>> -> memref<128x128xf32, #tpu.memory_space<vmem>>
        %parallel_loop3A_994 = arith.index_cast %parallel_loop3A_799 : i32 to index
        %parallel_loop3A_995 = arith.constant 48 : index
        %parallel_loop3A_996 = tpu.vector_load %parallel_loop3A_993[%parallel_loop3A_994, %parallel_loop3A_995] {strides = array<i32>} : memref<128x128xf32, #tpu.memory_space<vmem>>, vector<1x16xf32>,
        %parallel_loop3A_997 = vector.shape_cast %parallel_loop3A_996 : vector<1x16xf32> to vector<16xf32>
        %parallel_loop3A_998 = vector.shape_cast %parallel_loop3A_988 : vector<16xf32> to vector<1x16xf32>
        tpu.vector_store %parallel_loop3A_993[%parallel_loop3A_994, %parallel_loop3A_995], %parallel_loop3A_998 {strides = array<i32>} : memref<128x128xf32, #tpu.memory_space<vmem>>, vector<1x16xf32>,
        %parallel_loop3A_999 = arith.subf %parallel_loop3A_844, %parallel_loop3A_954 : vector<16xf32>
        %parallel_loop3A_1000 = arith.constant 1 : i32
        %parallel_loop3A_1001 = arith.constant 0 : i32
        %parallel_loop3A_1002 = arith.constant 0 : i32
        %parallel_loop3A_1003 = tpu.memref_slice %arg7[%parallel_loop3A_1000, %parallel_loop3A_1001, %parallel_loop3A_1002] : memref<5x128x128xf32, #tpu.memory_space<vmem>> -> memref<1x128x128xf32, #tpu.memory_space<vmem>>
        %parallel_loop3A_1004 = tpu.memref_squeeze %parallel_loop3A_1003 : memref<1x128x128xf32, #tpu.memory_space<vmem>> -> memref<128x128xf32, #tpu.memory_space<vmem>>
        %parallel_loop3A_1005 = arith.index_cast %parallel_loop3A_799 : i32 to index
        %parallel_loop3A_1006 = arith.constant 64 : index
        %parallel_loop3A_1007 = tpu.vector_load %parallel_loop3A_1004[%parallel_loop3A_1005, %parallel_loop3A_1006] {strides = array<i32>} : memref<128x128xf32, #tpu.memory_space<vmem>>, vector<1x16xf32>,
        %parallel_loop3A_1008 = vector.shape_cast %parallel_loop3A_1007 : vector<1x16xf32> to vector<16xf32>
        %parallel_loop3A_1009 = vector.shape_cast %parallel_loop3A_999 : vector<16xf32> to vector<1x16xf32>
        tpu.vector_store %parallel_loop3A_1004[%parallel_loop3A_1005, %parallel_loop3A_1006], %parallel_loop3A_1009 {strides = array<i32>} : memref<128x128xf32, #tpu.memory_space<vmem>>, vector<1x16xf32>,
        %parallel_loop3A_1010 = arith.subf %parallel_loop3A_853, %parallel_loop3A_954 : vector<16xf32>
        %parallel_loop3A_1011 = arith.constant 1 : i32
        %parallel_loop3A_1012 = arith.constant 0 : i32
        %parallel_loop3A_1013 = arith.constant 0 : i32
        %parallel_loop3A_1014 = tpu.memref_slice %arg7[%parallel_loop3A_1011, %parallel_loop3A_1012, %parallel_loop3A_1013] : memref<5x128x128xf32, #tpu.memory_space<vmem>> -> memref<1x128x128xf32, #tpu.memory_space<vmem>>
        %parallel_loop3A_1015 = tpu.memref_squeeze %parallel_loop3A_1014 : memref<1x128x128xf32, #tpu.memory_space<vmem>> -> memref<128x128xf32, #tpu.memory_space<vmem>>
        %parallel_loop3A_1016 = arith.index_cast %parallel_loop3A_799 : i32 to index
        %parallel_loop3A_1017 = arith.constant 80 : index
        %parallel_loop3A_1018 = tpu.vector_load %parallel_loop3A_1015[%parallel_loop3A_1016, %parallel_loop3A_1017] {strides = array<i32>} : memref<128x128xf32, #tpu.memory_space<vmem>>, vector<1x16xf32>,
        %parallel_loop3A_1019 = vector.shape_cast %parallel_loop3A_1018 : vector<1x16xf32> to vector<16xf32>
        %parallel_loop3A_1020 = vector.shape_cast %parallel_loop3A_1010 : vector<16xf32> to vector<1x16xf32>
        tpu.vector_store %parallel_loop3A_1015[%parallel_loop3A_1016, %parallel_loop3A_1017], %parallel_loop3A_1020 {strides = array<i32>} : memref<128x128xf32, #tpu.memory_space<vmem>>, vector<1x16xf32>,
        %parallel_loop3A_1021 = arith.subf %parallel_loop3A_862, %parallel_loop3A_954 : vector<16xf32>
        %parallel_loop3A_1022 = arith.constant 1 : i32
        %parallel_loop3A_1023 = arith.constant 0 : i32
        %parallel_loop3A_1024 = arith.constant 0 : i32
        %parallel_loop3A_1025 = tpu.memref_slice %arg7[%parallel_loop3A_1022, %parallel_loop3A_1023, %parallel_loop3A_1024] : memref<5x128x128xf32, #tpu.memory_space<vmem>> -> memref<1x128x128xf32, #tpu.memory_space<vmem>>
        %parallel_loop3A_1026 = tpu.memref_squeeze %parallel_loop3A_1025 : memref<1x128x128xf32, #tpu.memory_space<vmem>> -> memref<128x128xf32, #tpu.memory_space<vmem>>
        %parallel_loop3A_1027 = arith.index_cast %parallel_loop3A_799 : i32 to index
        %parallel_loop3A_1028 = arith.constant 96 : index
        %parallel_loop3A_1029 = tpu.vector_load %parallel_loop3A_1026[%parallel_loop3A_1027, %parallel_loop3A_1028] {strides = array<i32>} : memref<128x128xf32, #tpu.memory_space<vmem>>, vector<1x16xf32>,
        %parallel_loop3A_1030 = vector.shape_cast %parallel_loop3A_1029 : vector<1x16xf32> to vector<16xf32>
        %parallel_loop3A_1031 = vector.shape_cast %parallel_loop3A_1021 : vector<16xf32> to vector<1x16xf32>
        tpu.vector_store %parallel_loop3A_1026[%parallel_loop3A_1027, %parallel_loop3A_1028], %parallel_loop3A_1031 {strides = array<i32>} : memref<128x128xf32, #tpu.memory_space<vmem>>, vector<1x16xf32>,
        %parallel_loop3A_1032 = arith.subf %parallel_loop3A_871, %parallel_loop3A_954 : vector<16xf32>
        %parallel_loop3A_1033 = arith.constant 1 : i32
        %parallel_loop3A_1034 = arith.constant 0 : i32
        %parallel_loop3A_1035 = arith.constant 0 : i32
        %parallel_loop3A_1036 = tpu.memref_slice %arg7[%parallel_loop3A_1033, %parallel_loop3A_1034, %parallel_loop3A_1035] : memref<5x128x128xf32, #tpu.memory_space<vmem>> -> memref<1x128x128xf32, #tpu.memory_space<vmem>>
        %parallel_loop3A_1037 = tpu.memref_squeeze %parallel_loop3A_1036 : memref<1x128x128xf32, #tpu.memory_space<vmem>> -> memref<128x128xf32, #tpu.memory_space<vmem>>
        %parallel_loop3A_1038 = arith.index_cast %parallel_loop3A_799 : i32 to index
        %parallel_loop3A_1039 = arith.constant 112 : index
        %parallel_loop3A_1040 = tpu.vector_load %parallel_loop3A_1037[%parallel_loop3A_1038, %parallel_loop3A_1039] {strides = array<i32>} : memref<128x128xf32, #tpu.memory_space<vmem>>, vector<1x16xf32>,
        %parallel_loop3A_1041 = vector.shape_cast %parallel_loop3A_1040 : vector<1x16xf32> to vector<16xf32>
        %parallel_loop3A_1042 = vector.shape_cast %parallel_loop3A_1032 : vector<16xf32> to vector<1x16xf32>
        tpu.vector_store %parallel_loop3A_1037[%parallel_loop3A_1038, %parallel_loop3A_1039], %parallel_loop3A_1042 {strides = array<i32>} : memref<128x128xf32, #tpu.memory_space<vmem>>, vector<1x16xf32>,
      } {sc.loop_unroll_factor = 5 : i64, sc.parallel_access}
      %mul3A_624 = arith.constant 4096 : i32
      %mul3A_625 = arith.muli %add3A_606, %mul3A_624 : i32
      %add3A_626 = arith.addi %mul3A_625, %mul3A_2 : i32
      %dma_start3A_627 = arith.constant 1 : i32
      %dma_start3A_628 = arith.constant 1 : i32
      %dma_start3A_629 = arith.constant 0 : i32
      %dma_start3A_630 = arith.constant 0 : i32
      %dma_start3A_631 = tpu.memref_slice %arg7[%dma_start3A_627, %dma_start3A_629, %dma_start3A_630] : memref<5x128x128xf32, #tpu.memory_space<vmem>> -> memref<1x128x128xf32, #tpu.memory_space<vmem>>
      %dma_start3A_632 = tpu.memref_squeeze %dma_start3A_631 : memref<1x128x128xf32, #tpu.memory_space<vmem>> -> memref<128x128xf32, #tpu.memory_space<vmem>>
      %dma_start3A_633 = arith.constant 0 : i32
      %dma_start3A_634 = tpu.memref_slice %arg4[%add3A_626, %dma_start3A_633] : memref<204800x128xf32, #tpu.memory_space<hbm>> -> memref<128x128xf32, #tpu.memory_space<hbm>>
      %dma_start3A_635 = tpu.memref_slice %arg9[%dma_start3A_628] : memref<5x!tpu.dma_semaphore, #tpu.memory_space<semaphore_mem>> -> memref<1x!tpu.dma_semaphore, #tpu.memory_space<semaphore_mem>>
      %dma_start3A_636 = tpu.memref_squeeze %dma_start3A_635 : memref<1x!tpu.dma_semaphore, #tpu.memory_space<semaphore_mem>> -> memref<!tpu.dma_semaphore, #tpu.memory_space<semaphore_mem>>
      %dma_start3A_637 = arith.constant 0 : i32
      %dma_start3A_638 = tpu.memref_slice %arg4[%add3A_626, %dma_start3A_637] : memref<204800x128xf32, #tpu.memory_space<hbm>> -> memref<128x128xf32, #tpu.memory_space<hbm>>
      %dma_start3A_639 = arith.constant 0 : i32
      %dma_start3A_640 = arith.constant 0 : i32
      %dma_start3A_641 = tpu.memref_slice %arg7[%dma_start3A_627, %dma_start3A_639, %dma_start3A_640] : memref<5x128x128xf32, #tpu.memory_space<vmem>> -> memref<1x128x128xf32, #tpu.memory_space<vmem>>
      %dma_start3A_642 = tpu.memref_squeeze %dma_start3A_641 : memref<1x128x128xf32, #tpu.memory_space<vmem>> -> memref<128x128xf32, #tpu.memory_space<vmem>>
      tpu.enqueue_dma source(%dma_start3A_642 : memref<128x128xf32, #tpu.memory_space<vmem>>) target(%dma_start3A_638 : memref<128x128xf32, #tpu.memory_space<hbm>>) target_semaphore(%dma_start3A_636 : memref<!tpu.dma_semaphore, #tpu.memory_space<semaphore_mem>>)
      %add3A_643 = arith.constant 5 : i32
      %add3A_644 = arith.addi %add3A_606, %add3A_643 : i32
      %sub3A_645 = arith.constant 1 : i32
      %sub3A_646 = arith.subi %add3A_644, %sub3A_645 : i32
      %lt3A_647 = arith.constant 50 : i32
      %lt3A_648 = arith.cmpi slt, %sub3A_646, %lt3A_647 : i32
      %convert_element_type3A_649 = arith.extui %lt3A_648 : i1 to i32
      %cond3A_650 = arith.constant 0 : i32
      %cond3A_651 = arith.cmpi ne, %convert_element_type3A_649, %cond3A_650 : i32
      scf.if %cond3A_651 {
        %ge3A = arith.constant 1 : i32
        %ge3A_799 = arith.cmpi sge, %add3A_606, %ge3A : i32
        %convert_element_type3A_800 = arith.extui %ge3A_799 : i1 to i32
        %cond3A_801 = arith.constant 0 : i32
        %cond3A_802 = arith.cmpi ne, %convert_element_type3A_800, %cond3A_801 : i32
        scf.if %cond3A_802 {
          %sub3A_821 = arith.constant 1 : i32
          %sub3A_822 = arith.subi %add3A_606, %sub3A_821 : i32
          %mul3A_823 = arith.constant 4096 : i32
          %mul3A_824 = arith.muli %sub3A_822, %mul3A_823 : i32
          %add3A_825 = arith.addi %mul3A_824, %mul3A_2 : i32
          %dma_wait3A_826 = arith.constant 0 : i32
          %dma_wait3A_827 = arith.constant 0 : i32
          %dma_wait3A_828 = arith.constant 0 : i32
          %dma_wait3A_829 = arith.constant 0 : i32
          %dma_wait3A_830 = tpu.memref_slice %arg7[%dma_wait3A_826, %dma_wait3A_828, %dma_wait3A_829] : memref<5x128x128xf32, #tpu.memory_space<vmem>> -> memref<1x128x128xf32, #tpu.memory_space<vmem>>
          %dma_wait3A_831 = tpu.memref_squeeze %dma_wait3A_830 : memref<1x128x128xf32, #tpu.memory_space<vmem>> -> memref<128x128xf32, #tpu.memory_space<vmem>>
          %dma_wait3A_832 = arith.constant 0 : i32
          %dma_wait3A_833 = tpu.memref_slice %arg4[%add3A_825, %dma_wait3A_832] : memref<204800x128xf32, #tpu.memory_space<hbm>> -> memref<128x128xf32, #tpu.memory_space<hbm>>
          %dma_wait3A_834 = tpu.memref_slice %arg9[%dma_wait3A_827] : memref<5x!tpu.dma_semaphore, #tpu.memory_space<semaphore_mem>> -> memref<1x!tpu.dma_semaphore, #tpu.memory_space<semaphore_mem>>
          %dma_wait3A_835 = tpu.memref_squeeze %dma_wait3A_834 : memref<1x!tpu.dma_semaphore, #tpu.memory_space<semaphore_mem>> -> memref<!tpu.dma_semaphore, #tpu.memory_space<semaphore_mem>>
          %dma_wait3A_836 = arith.constant 0 : i32
          %dma_wait3A_837 = tpu.memref_slice %arg4[%add3A_825, %dma_wait3A_836] : memref<204800x128xf32, #tpu.memory_space<hbm>> -> memref<128x128xf32, #tpu.memory_space<hbm>>
          %dma_wait3A_838 = arith.constant 0 : i32
          %dma_wait3A_839 = arith.constant 0 : i32
          %dma_wait3A_840 = tpu.memref_slice %arg7[%dma_wait3A_826, %dma_wait3A_838, %dma_wait3A_839] : memref<5x128x128xf32, #tpu.memory_space<vmem>> -> memref<1x128x128xf32, #tpu.memory_space<vmem>>
          %dma_wait3A_841 = tpu.memref_squeeze %dma_wait3A_840 : memref<1x128x128xf32, #tpu.memory_space<vmem>> -> memref<128x128xf32, #tpu.memory_space<vmem>>
          tpu.wait_dma2 semaphore(%dma_wait3A_835 : memref<!tpu.dma_semaphore, #tpu.memory_space<semaphore_mem>>) src(%dma_wait3A_841 : memref<128x128xf32, #tpu.memory_space<vmem>>) dst(%dma_wait3A_837 : memref<128x128xf32, #tpu.memory_space<hbm>>)
        } else {
        }
        %add3A_803 = arith.constant 5 : i32
        %add3A_804 = arith.addi %add3A_606, %add3A_803 : i32
        %sub3A_805 = arith.constant 1 : i32
        %sub3A_806 = arith.subi %add3A_804, %sub3A_805 : i32
        %dma_start3A_807 = arith.constant 0 : i32
        %dma_start3A_808 = arith.constant 0 : i32
        %dma_start3A_809 = arith.constant 0 : i32
        %dma_start3A_810 = arith.constant 0 : i32
        %dma_start3A_811 = tpu.memref_slice %arg7[%dma_start3A_807, %dma_start3A_809, %dma_start3A_810] : memref<5x128x128xf32, #tpu.memory_space<vmem>> -> memref<1x128x128xf32, #tpu.memory_space<vmem>>
        %dma_start3A_812 = tpu.memref_squeeze %dma_start3A_811 : memref<1x128x128xf32, #tpu.memory_space<vmem>> -> memref<128x128xf32, #tpu.memory_space<vmem>>
        %dma_start3A_813 = arith.constant 0 : i32
        %dma_start3A_814 = tpu.memref_slice %arg6[%sub3A_806, %dma_start3A_813] : memref<50x128xi32, #tpu.memory_space<vmem>> -> memref<1x128xi32, #tpu.memory_space<vmem>>
        %dma_start3A_815 = tpu.memref_squeeze %dma_start3A_814 : memref<1x128xi32, #tpu.memory_space<vmem>> -> memref<128xi32, #tpu.memory_space<vmem>>
        %dma_start3A_816 = arith.constant 0 : i32
        %dma_start3A_817 = arith.constant 0 : i32
        %dma_start3A_818 = tpu.memref_slice %arg2[%dma_start3A_816, %dma_start3A_817] : memref<500000x128xf32, #tpu.memory_space<hbm>> -> memref<500000x128xf32, #tpu.memory_space<hbm>>
        %dma_start3A_819 = tpu.memref_slice %arg8[%dma_start3A_808] : memref<5x!tpu.dma_semaphore, #tpu.memory_space<semaphore_mem>> -> memref<1x!tpu.dma_semaphore, #tpu.memory_space<semaphore_mem>>
        %dma_start3A_820 = tpu.memref_squeeze %dma_start3A_819 : memref<1x!tpu.dma_semaphore, #tpu.memory_space<semaphore_mem>> -> memref<!tpu.dma_semaphore, #tpu.memory_space<semaphore_mem>>
        tpu.enqueue_indirect_dma source(%dma_start3A_818 : memref<500000x128xf32, #tpu.memory_space<hbm>>) target(%dma_start3A_812 : memref<128x128xf32, #tpu.memory_space<vmem>>) offsets(%dma_start3A_815 : memref<128xi32, #tpu.memory_space<vmem>>) semaphore(%dma_start3A_820 : memref<!tpu.dma_semaphore, #tpu.memory_space<semaphore_mem>>)
      } else {
      }
      %mul3A_652 = arith.constant 5 : i32
      %mul3A_653 = arith.muli %mul3A_652, %scan3A_558 : i32
      %add3A_654 = arith.constant 2 : i32
      %add3A_655 = arith.addi %mul3A_653, %add3A_654 : i32
      %dma_wait3A_656 = arith.constant 2 : i32
      %dma_wait3A_657 = arith.constant 2 : i32
      %dma_wait3A_658 = arith.constant 0 : i32
      %dma_wait3A_659 = arith.constant 0 : i32
      %dma_wait3A_660 = tpu.memref_slice %arg7[%dma_wait3A_656, %dma_wait3A_658, %dma_wait3A_659] : memref<5x128x128xf32, #tpu.memory_space<vmem>> -> memref<1x128x128xf32, #tpu.memory_space<vmem>>
      %dma_wait3A_661 = tpu.memref_squeeze %dma_wait3A_660 : memref<1x128x128xf32, #tpu.memory_space<vmem>> -> memref<128x128xf32, #tpu.memory_space<vmem>>
      %dma_wait3A_662 = arith.constant 0 : i32
      %dma_wait3A_663 = tpu.memref_slice %arg6[%add3A_655, %dma_wait3A_662] : memref<50x128xi32, #tpu.memory_space<vmem>> -> memref<1x128xi32, #tpu.memory_space<vmem>>
      %dma_wait3A_664 = tpu.memref_squeeze %dma_wait3A_663 : memref<1x128xi32, #tpu.memory_space<vmem>> -> memref<128xi32, #tpu.memory_space<vmem>>
      %dma_wait3A_665 = arith.constant 0 : i32
      %dma_wait3A_666 = arith.constant 0 : i32
      %dma_wait3A_667 = tpu.memref_slice %arg2[%dma_wait3A_665, %dma_wait3A_666] : memref<500000x128xf32, #tpu.memory_space<hbm>> -> memref<500000x128xf32, #tpu.memory_space<hbm>>
      %dma_wait3A_668 = tpu.memref_slice %arg8[%dma_wait3A_657] : memref<5x!tpu.dma_semaphore, #tpu.memory_space<semaphore_mem>> -> memref<1x!tpu.dma_semaphore, #tpu.memory_space<semaphore_mem>>
      %dma_wait3A_669 = tpu.memref_squeeze %dma_wait3A_668 : memref<1x!tpu.dma_semaphore, #tpu.memory_space<semaphore_mem>> -> memref<!tpu.dma_semaphore, #tpu.memory_space<semaphore_mem>>
      tpu.wait_indirect_dma semaphore(%dma_wait3A_669 : memref<!tpu.dma_semaphore, #tpu.memory_space<semaphore_mem>>) src(%dma_wait3A_667 : memref<500000x128xf32, #tpu.memory_space<hbm>>) dst(%dma_wait3A_661 : memref<128x128xf32, #tpu.memory_space<vmem>>)
      %parallel_loop3A_670 = arith.constant 0 : i32
      %parallel_loop3A_671 = arith.constant 128 : i32
      %parallel_loop3A_672 = arith.constant 1 : i32
      scf.for %parallel_loop3A_799 = %parallel_loop3A_670 to %parallel_loop3A_671 step %parallel_loop3A_672  : i32 {
        %parallel_loop3A_800 = arith.constant 2 : i32
        %parallel_loop3A_801 = arith.constant 0 : i32
        %parallel_loop3A_802 = arith.constant 0 : i32
        %parallel_loop3A_803 = tpu.memref_slice %arg7[%parallel_loop3A_800, %parallel_loop3A_801, %parallel_loop3A_802] : memref<5x128x128xf32, #tpu.memory_space<vmem>> -> memref<1x128x128xf32, #tpu.memory_space<vmem>>
        %parallel_loop3A_804 = tpu.memref_squeeze %parallel_loop3A_803 : memref<1x128x128xf32, #tpu.memory_space<vmem>> -> memref<128x128xf32, #tpu.memory_space<vmem>>
        %parallel_loop3A_805 = arith.index_cast %parallel_loop3A_799 : i32 to index
        %parallel_loop3A_806 = arith.constant 0 : index
        %parallel_loop3A_807 = tpu.vector_load %parallel_loop3A_804[%parallel_loop3A_805, %parallel_loop3A_806] {strides = array<i32>} : memref<128x128xf32, #tpu.memory_space<vmem>>, vector<1x16xf32>,
        %parallel_loop3A_808 = vector.shape_cast %parallel_loop3A_807 : vector<1x16xf32> to vector<16xf32>
        %parallel_loop3A_809 = arith.constant 2 : i32
        %parallel_loop3A_810 = arith.constant 0 : i32
        %parallel_loop3A_811 = arith.constant 0 : i32
        %parallel_loop3A_812 = tpu.memref_slice %arg7[%parallel_loop3A_809, %parallel_loop3A_810, %parallel_loop3A_811] : memref<5x128x128xf32, #tpu.memory_space<vmem>> -> memref<1x128x128xf32, #tpu.memory_space<vmem>>
        %parallel_loop3A_813 = tpu.memref_squeeze %parallel_loop3A_812 : memref<1x128x128xf32, #tpu.memory_space<vmem>> -> memref<128x128xf32, #tpu.memory_space<vmem>>
        %parallel_loop3A_814 = arith.index_cast %parallel_loop3A_799 : i32 to index
        %parallel_loop3A_815 = arith.constant 16 : index
        %parallel_loop3A_816 = tpu.vector_load %parallel_loop3A_813[%parallel_loop3A_814, %parallel_loop3A_815] {strides = array<i32>} : memref<128x128xf32, #tpu.memory_space<vmem>>, vector<1x16xf32>,
        %parallel_loop3A_817 = vector.shape_cast %parallel_loop3A_816 : vector<1x16xf32> to vector<16xf32>
        %parallel_loop3A_818 = arith.constant 2 : i32
        %parallel_loop3A_819 = arith.constant 0 : i32
        %parallel_loop3A_820 = arith.constant 0 : i32
        %parallel_loop3A_821 = tpu.memref_slice %arg7[%parallel_loop3A_818, %parallel_loop3A_819, %parallel_loop3A_820] : memref<5x128x128xf32, #tpu.memory_space<vmem>> -> memref<1x128x128xf32, #tpu.memory_space<vmem>>
        %parallel_loop3A_822 = tpu.memref_squeeze %parallel_loop3A_821 : memref<1x128x128xf32, #tpu.memory_space<vmem>> -> memref<128x128xf32, #tpu.memory_space<vmem>>
        %parallel_loop3A_823 = arith.index_cast %parallel_loop3A_799 : i32 to index
        %parallel_loop3A_824 = arith.constant 32 : index
        %parallel_loop3A_825 = tpu.vector_load %parallel_loop3A_822[%parallel_loop3A_823, %parallel_loop3A_824] {strides = array<i32>} : memref<128x128xf32, #tpu.memory_space<vmem>>, vector<1x16xf32>,
        %parallel_loop3A_826 = vector.shape_cast %parallel_loop3A_825 : vector<1x16xf32> to vector<16xf32>
        %parallel_loop3A_827 = arith.constant 2 : i32
        %parallel_loop3A_828 = arith.constant 0 : i32
        %parallel_loop3A_829 = arith.constant 0 : i32
        %parallel_loop3A_830 = tpu.memref_slice %arg7[%parallel_loop3A_827, %parallel_loop3A_828, %parallel_loop3A_829] : memref<5x128x128xf32, #tpu.memory_space<vmem>> -> memref<1x128x128xf32, #tpu.memory_space<vmem>>
        %parallel_loop3A_831 = tpu.memref_squeeze %parallel_loop3A_830 : memref<1x128x128xf32, #tpu.memory_space<vmem>> -> memref<128x128xf32, #tpu.memory_space<vmem>>
        %parallel_loop3A_832 = arith.index_cast %parallel_loop3A_799 : i32 to index
        %parallel_loop3A_833 = arith.constant 48 : index
        %parallel_loop3A_834 = tpu.vector_load %parallel_loop3A_831[%parallel_loop3A_832, %parallel_loop3A_833] {strides = array<i32>} : memref<128x128xf32, #tpu.memory_space<vmem>>, vector<1x16xf32>,
        %parallel_loop3A_835 = vector.shape_cast %parallel_loop3A_834 : vector<1x16xf32> to vector<16xf32>
        %parallel_loop3A_836 = arith.constant 2 : i32
        %parallel_loop3A_837 = arith.constant 0 : i32
        %parallel_loop3A_838 = arith.constant 0 : i32
        %parallel_loop3A_839 = tpu.memref_slice %arg7[%parallel_loop3A_836, %parallel_loop3A_837, %parallel_loop3A_838] : memref<5x128x128xf32, #tpu.memory_space<vmem>> -> memref<1x128x128xf32, #tpu.memory_space<vmem>>
        %parallel_loop3A_840 = tpu.memref_squeeze %parallel_loop3A_839 : memref<1x128x128xf32, #tpu.memory_space<vmem>> -> memref<128x128xf32, #tpu.memory_space<vmem>>
        %parallel_loop3A_841 = arith.index_cast %parallel_loop3A_799 : i32 to index
        %parallel_loop3A_842 = arith.constant 64 : index
        %parallel_loop3A_843 = tpu.vector_load %parallel_loop3A_840[%parallel_loop3A_841, %parallel_loop3A_842] {strides = array<i32>} : memref<128x128xf32, #tpu.memory_space<vmem>>, vector<1x16xf32>,
        %parallel_loop3A_844 = vector.shape_cast %parallel_loop3A_843 : vector<1x16xf32> to vector<16xf32>
        %parallel_loop3A_845 = arith.constant 2 : i32
        %parallel_loop3A_846 = arith.constant 0 : i32
        %parallel_loop3A_847 = arith.constant 0 : i32
        %parallel_loop3A_848 = tpu.memref_slice %arg7[%parallel_loop3A_845, %parallel_loop3A_846, %parallel_loop3A_847] : memref<5x128x128xf32, #tpu.memory_space<vmem>> -> memref<1x128x128xf32, #tpu.memory_space<vmem>>
        %parallel_loop3A_849 = tpu.memref_squeeze %parallel_loop3A_848 : memref<1x128x128xf32, #tpu.memory_space<vmem>> -> memref<128x128xf32, #tpu.memory_space<vmem>>
        %parallel_loop3A_850 = arith.index_cast %parallel_loop3A_799 : i32 to index
        %parallel_loop3A_851 = arith.constant 80 : index
        %parallel_loop3A_852 = tpu.vector_load %parallel_loop3A_849[%parallel_loop3A_850, %parallel_loop3A_851] {strides = array<i32>} : memref<128x128xf32, #tpu.memory_space<vmem>>, vector<1x16xf32>,
        %parallel_loop3A_853 = vector.shape_cast %parallel_loop3A_852 : vector<1x16xf32> to vector<16xf32>
        %parallel_loop3A_854 = arith.constant 2 : i32
        %parallel_loop3A_855 = arith.constant 0 : i32
        %parallel_loop3A_856 = arith.constant 0 : i32
        %parallel_loop3A_857 = tpu.memref_slice %arg7[%parallel_loop3A_854, %parallel_loop3A_855, %parallel_loop3A_856] : memref<5x128x128xf32, #tpu.memory_space<vmem>> -> memref<1x128x128xf32, #tpu.memory_space<vmem>>
        %parallel_loop3A_858 = tpu.memref_squeeze %parallel_loop3A_857 : memref<1x128x128xf32, #tpu.memory_space<vmem>> -> memref<128x128xf32, #tpu.memory_space<vmem>>
        %parallel_loop3A_859 = arith.index_cast %parallel_loop3A_799 : i32 to index
        %parallel_loop3A_860 = arith.constant 96 : index
        %parallel_loop3A_861 = tpu.vector_load %parallel_loop3A_858[%parallel_loop3A_859, %parallel_loop3A_860] {strides = array<i32>} : memref<128x128xf32, #tpu.memory_space<vmem>>, vector<1x16xf32>,
        %parallel_loop3A_862 = vector.shape_cast %parallel_loop3A_861 : vector<1x16xf32> to vector<16xf32>
        %parallel_loop3A_863 = arith.constant 2 : i32
        %parallel_loop3A_864 = arith.constant 0 : i32
        %parallel_loop3A_865 = arith.constant 0 : i32
        %parallel_loop3A_866 = tpu.memref_slice %arg7[%parallel_loop3A_863, %parallel_loop3A_864, %parallel_loop3A_865] : memref<5x128x128xf32, #tpu.memory_space<vmem>> -> memref<1x128x128xf32, #tpu.memory_space<vmem>>
        %parallel_loop3A_867 = tpu.memref_squeeze %parallel_loop3A_866 : memref<1x128x128xf32, #tpu.memory_space<vmem>> -> memref<128x128xf32, #tpu.memory_space<vmem>>
        %parallel_loop3A_868 = arith.index_cast %parallel_loop3A_799 : i32 to index
        %parallel_loop3A_869 = arith.constant 112 : index
        %parallel_loop3A_870 = tpu.vector_load %parallel_loop3A_867[%parallel_loop3A_868, %parallel_loop3A_869] {strides = array<i32>} : memref<128x128xf32, #tpu.memory_space<vmem>>, vector<1x16xf32>,
        %parallel_loop3A_871 = vector.shape_cast %parallel_loop3A_870 : vector<1x16xf32> to vector<16xf32>
        %parallel_loop3A_872 = math.exp %parallel_loop3A_808 : vector<16xf32>
        %parallel_loop3A_873 = math.exp %parallel_loop3A_817 : vector<16xf32>
        %parallel_loop3A_874 = math.exp %parallel_loop3A_826 : vector<16xf32>
        %parallel_loop3A_875 = math.exp %parallel_loop3A_835 : vector<16xf32>
        %parallel_loop3A_876 = math.exp %parallel_loop3A_844 : vector<16xf32>
        %parallel_loop3A_877 = math.exp %parallel_loop3A_853 : vector<16xf32>
        %parallel_loop3A_878 = math.exp %parallel_loop3A_862 : vector<16xf32>
        %parallel_loop3A_879 = math.exp %parallel_loop3A_871 : vector<16xf32>
        %parallel_loop3A_880 = arith.addf %parallel_loop3A_872, %parallel_loop3A_873 : vector<16xf32>
        %parallel_loop3A_881 = arith.addf %parallel_loop3A_874, %parallel_loop3A_875 : vector<16xf32>
        %parallel_loop3A_882 = arith.addf %parallel_loop3A_880, %parallel_loop3A_881 : vector<16xf32>
        %parallel_loop3A_883 = arith.addf %parallel_loop3A_876, %parallel_loop3A_877 : vector<16xf32>
        %parallel_loop3A_884 = arith.addf %parallel_loop3A_878, %parallel_loop3A_879 : vector<16xf32>
        %parallel_loop3A_885 = arith.addf %parallel_loop3A_883, %parallel_loop3A_884 : vector<16xf32>
        %parallel_loop3A_886 = arith.addf %parallel_loop3A_882, %parallel_loop3A_885 : vector<16xf32>
        %parallel_loop3A_887 = vector.shape_cast %xor3A_4 : vector<16xi32> to vector<16x1xi32>
        %parallel_loop3A_888 = vector.shape_cast %parallel_loop3A_887 : vector<16x1xi32> to vector<16xi32>
        %parallel_loop3A_889 = tpu.dynamic_gather %parallel_loop3A_886[%parallel_loop3A_888] in [0] : vector<16xf32>, vector<16xi32> -> vector<16xf32>
        %parallel_loop3A_890 = arith.addf %parallel_loop3A_886, %parallel_loop3A_889 : vector<16xf32>
        %parallel_loop3A_891 = vector.shape_cast %xor3A_8 : vector<16xi32> to vector<16x1xi32>
        %parallel_loop3A_892 = vector.shape_cast %parallel_loop3A_891 : vector<16x1xi32> to vector<16xi32>
        %parallel_loop3A_893 = tpu.dynamic_gather %parallel_loop3A_890[%parallel_loop3A_892] in [0] : vector<16xf32>, vector<16xi32> -> vector<16xf32>
        %parallel_loop3A_894 = arith.addf %parallel_loop3A_890, %parallel_loop3A_893 : vector<16xf32>
        %parallel_loop3A_895 = vector.shape_cast %xor3A_12 : vector<16xi32> to vector<16x1xi32>
        %parallel_loop3A_896 = vector.shape_cast %parallel_loop3A_895 : vector<16x1xi32> to vector<16xi32>
        %parallel_loop3A_897 = tpu.dynamic_gather %parallel_loop3A_894[%parallel_loop3A_896] in [0] : vector<16xf32>, vector<16xi32> -> vector<16xf32>
        %parallel_loop3A_898 = arith.addf %parallel_loop3A_894, %parallel_loop3A_897 : vector<16xf32>
        %parallel_loop3A_899 = vector.shape_cast %xor3A_16 : vector<16xi32> to vector<16x1xi32>
        %parallel_loop3A_900 = vector.shape_cast %parallel_loop3A_899 : vector<16x1xi32> to vector<16xi32>
        %parallel_loop3A_901 = tpu.dynamic_gather %parallel_loop3A_898[%parallel_loop3A_900] in [0] : vector<16xf32>, vector<16xi32> -> vector<16xf32>
        %parallel_loop3A_902 = arith.addf %parallel_loop3A_898, %parallel_loop3A_901 : vector<16xf32>
        %parallel_loop3A_903 = tpu.bitcast %parallel_loop3A_902 : vector<16xf32> -> vector<16xi32>
        %parallel_loop3A_904 = arith.constant 23 : i32
        %parallel_loop3A_905 = vector.broadcast %parallel_loop3A_904 : i32 to vector<16xi32>
        %parallel_loop3A_906 = arith.shrui %parallel_loop3A_903, %parallel_loop3A_905 : vector<16xi32>
        %parallel_loop3A_907 = arith.constant 127 : i32
        %parallel_loop3A_908 = vector.broadcast %parallel_loop3A_907 : i32 to vector<16xi32>
        %parallel_loop3A_909 = arith.subi %parallel_loop3A_906, %parallel_loop3A_908 : vector<16xi32>
        %parallel_loop3A_910 = arith.constant 8388607 : i32
        %parallel_loop3A_911 = vector.broadcast %parallel_loop3A_910 : i32 to vector<16xi32>
        %parallel_loop3A_912 = arith.andi %parallel_loop3A_903, %parallel_loop3A_911 : vector<16xi32>
        %parallel_loop3A_913 = arith.constant 1065353216 : i32
        %parallel_loop3A_914 = vector.broadcast %parallel_loop3A_913 : i32 to vector<16xi32>
        %parallel_loop3A_915 = arith.ori %parallel_loop3A_912, %parallel_loop3A_914 : vector<16xi32>
        %parallel_loop3A_916 = tpu.bitcast %parallel_loop3A_915 : vector<16xi32> -> vector<16xf32>
        %parallel_loop3A_917 = arith.constant 1.41421354 : f32
        %parallel_loop3A_918 = vector.broadcast %parallel_loop3A_917 : f32 to vector<16xf32>
        %parallel_loop3A_919 = arith.cmpf ogt, %parallel_loop3A_916, %parallel_loop3A_918 : vector<16xf32>
        %parallel_loop3A_920 = arith.constant 5.000000e-01 : f32
        %parallel_loop3A_921 = vector.broadcast %parallel_loop3A_920 : f32 to vector<16xf32>
        %parallel_loop3A_922 = arith.mulf %parallel_loop3A_916, %parallel_loop3A_921 : vector<16xf32>
        %parallel_loop3A_923 = arith.select %parallel_loop3A_919, %parallel_loop3A_922, %parallel_loop3A_916 : vector<16xi1>, vector<16xf32>
        %parallel_loop3A_924 = arith.constant 1 : i32
        %parallel_loop3A_925 = vector.broadcast %parallel_loop3A_924 : i32 to vector<16xi32>
        %parallel_loop3A_926 = arith.addi %parallel_loop3A_909, %parallel_loop3A_925 : vector<16xi32>
        %parallel_loop3A_927 = arith.select %parallel_loop3A_919, %parallel_loop3A_926, %parallel_loop3A_909 : vector<16xi1>, vector<16xi32>
        %parallel_loop3A_928 = arith.constant 1.000000e+00 : f32
        %parallel_loop3A_929 = vector.broadcast %parallel_loop3A_928 : f32 to vector<16xf32>
        %parallel_loop3A_930 = arith.subf %parallel_loop3A_923, %parallel_loop3A_929 : vector<16xf32>
        %parallel_loop3A_931 = arith.constant 1.000000e+00 : f32
        %parallel_loop3A_932 = vector.broadcast %parallel_loop3A_931 : f32 to vector<16xf32>
        %parallel_loop3A_933 = arith.addf %parallel_loop3A_923, %parallel_loop3A_932 : vector<16xf32>
        %parallel_loop3A_934 = arith.divf %parallel_loop3A_930, %parallel_loop3A_933 : vector<16xf32>
        %parallel_loop3A_935 = arith.mulf %parallel_loop3A_934, %parallel_loop3A_934 : vector<16xf32>
        %parallel_loop3A_936 = arith.constant 2.000000e-01 : f32
        %parallel_loop3A_937 = vector.broadcast %parallel_loop3A_936 : f32 to vector<16xf32>
        %parallel_loop3A_938 = arith.mulf %parallel_loop3A_935, %parallel_loop3A_937 : vector<16xf32>
        %parallel_loop3A_939 = arith.constant 0.333333343 : f32
        %parallel_loop3A_940 = vector.broadcast %parallel_loop3A_939 : f32 to vector<16xf32>
        %parallel_loop3A_941 = arith.addf %parallel_loop3A_940, %parallel_loop3A_938 : vector<16xf32>
        %parallel_loop3A_942 = arith.mulf %parallel_loop3A_935, %parallel_loop3A_941 : vector<16xf32>
        %parallel_loop3A_943 = arith.constant 1.000000e+00 : f32
        %parallel_loop3A_944 = vector.broadcast %parallel_loop3A_943 : f32 to vector<16xf32>
        %parallel_loop3A_945 = arith.addf %parallel_loop3A_944, %parallel_loop3A_942 : vector<16xf32>
        %parallel_loop3A_946 = arith.sitofp %parallel_loop3A_927 : vector<16xi32> to vector<16xf32>
        %parallel_loop3A_947 = arith.constant 0.693147182 : f32
        %parallel_loop3A_948 = vector.broadcast %parallel_loop3A_947 : f32 to vector<16xf32>
        %parallel_loop3A_949 = arith.mulf %parallel_loop3A_946, %parallel_loop3A_948 : vector<16xf32>
        %parallel_loop3A_950 = arith.constant 2.000000e+00 : f32
        %parallel_loop3A_951 = vector.broadcast %parallel_loop3A_950 : f32 to vector<16xf32>
        %parallel_loop3A_952 = arith.mulf %parallel_loop3A_951, %parallel_loop3A_934 : vector<16xf32>
        %parallel_loop3A_953 = arith.mulf %parallel_loop3A_952, %parallel_loop3A_945 : vector<16xf32>
        %parallel_loop3A_954 = arith.addf %parallel_loop3A_949, %parallel_loop3A_953 : vector<16xf32>
        %parallel_loop3A_955 = arith.subf %parallel_loop3A_808, %parallel_loop3A_954 : vector<16xf32>
        %parallel_loop3A_956 = arith.constant 2 : i32
        %parallel_loop3A_957 = arith.constant 0 : i32
        %parallel_loop3A_958 = arith.constant 0 : i32
        %parallel_loop3A_959 = tpu.memref_slice %arg7[%parallel_loop3A_956, %parallel_loop3A_957, %parallel_loop3A_958] : memref<5x128x128xf32, #tpu.memory_space<vmem>> -> memref<1x128x128xf32, #tpu.memory_space<vmem>>
        %parallel_loop3A_960 = tpu.memref_squeeze %parallel_loop3A_959 : memref<1x128x128xf32, #tpu.memory_space<vmem>> -> memref<128x128xf32, #tpu.memory_space<vmem>>
        %parallel_loop3A_961 = arith.index_cast %parallel_loop3A_799 : i32 to index
        %parallel_loop3A_962 = arith.constant 0 : index
        %parallel_loop3A_963 = tpu.vector_load %parallel_loop3A_960[%parallel_loop3A_961, %parallel_loop3A_962] {strides = array<i32>} : memref<128x128xf32, #tpu.memory_space<vmem>>, vector<1x16xf32>,
        %parallel_loop3A_964 = vector.shape_cast %parallel_loop3A_963 : vector<1x16xf32> to vector<16xf32>
        %parallel_loop3A_965 = vector.shape_cast %parallel_loop3A_955 : vector<16xf32> to vector<1x16xf32>
        tpu.vector_store %parallel_loop3A_960[%parallel_loop3A_961, %parallel_loop3A_962], %parallel_loop3A_965 {strides = array<i32>} : memref<128x128xf32, #tpu.memory_space<vmem>>, vector<1x16xf32>,
        %parallel_loop3A_966 = arith.subf %parallel_loop3A_817, %parallel_loop3A_954 : vector<16xf32>
        %parallel_loop3A_967 = arith.constant 2 : i32
        %parallel_loop3A_968 = arith.constant 0 : i32
        %parallel_loop3A_969 = arith.constant 0 : i32
        %parallel_loop3A_970 = tpu.memref_slice %arg7[%parallel_loop3A_967, %parallel_loop3A_968, %parallel_loop3A_969] : memref<5x128x128xf32, #tpu.memory_space<vmem>> -> memref<1x128x128xf32, #tpu.memory_space<vmem>>
        %parallel_loop3A_971 = tpu.memref_squeeze %parallel_loop3A_970 : memref<1x128x128xf32, #tpu.memory_space<vmem>> -> memref<128x128xf32, #tpu.memory_space<vmem>>
        %parallel_loop3A_972 = arith.index_cast %parallel_loop3A_799 : i32 to index
        %parallel_loop3A_973 = arith.constant 16 : index
        %parallel_loop3A_974 = tpu.vector_load %parallel_loop3A_971[%parallel_loop3A_972, %parallel_loop3A_973] {strides = array<i32>} : memref<128x128xf32, #tpu.memory_space<vmem>>, vector<1x16xf32>,
        %parallel_loop3A_975 = vector.shape_cast %parallel_loop3A_974 : vector<1x16xf32> to vector<16xf32>
        %parallel_loop3A_976 = vector.shape_cast %parallel_loop3A_966 : vector<16xf32> to vector<1x16xf32>
        tpu.vector_store %parallel_loop3A_971[%parallel_loop3A_972, %parallel_loop3A_973], %parallel_loop3A_976 {strides = array<i32>} : memref<128x128xf32, #tpu.memory_space<vmem>>, vector<1x16xf32>,
        %parallel_loop3A_977 = arith.subf %parallel_loop3A_826, %parallel_loop3A_954 : vector<16xf32>
        %parallel_loop3A_978 = arith.constant 2 : i32
        %parallel_loop3A_979 = arith.constant 0 : i32
        %parallel_loop3A_980 = arith.constant 0 : i32
        %parallel_loop3A_981 = tpu.memref_slice %arg7[%parallel_loop3A_978, %parallel_loop3A_979, %parallel_loop3A_980] : memref<5x128x128xf32, #tpu.memory_space<vmem>> -> memref<1x128x128xf32, #tpu.memory_space<vmem>>
        %parallel_loop3A_982 = tpu.memref_squeeze %parallel_loop3A_981 : memref<1x128x128xf32, #tpu.memory_space<vmem>> -> memref<128x128xf32, #tpu.memory_space<vmem>>
        %parallel_loop3A_983 = arith.index_cast %parallel_loop3A_799 : i32 to index
        %parallel_loop3A_984 = arith.constant 32 : index
        %parallel_loop3A_985 = tpu.vector_load %parallel_loop3A_982[%parallel_loop3A_983, %parallel_loop3A_984] {strides = array<i32>} : memref<128x128xf32, #tpu.memory_space<vmem>>, vector<1x16xf32>,
        %parallel_loop3A_986 = vector.shape_cast %parallel_loop3A_985 : vector<1x16xf32> to vector<16xf32>
        %parallel_loop3A_987 = vector.shape_cast %parallel_loop3A_977 : vector<16xf32> to vector<1x16xf32>
        tpu.vector_store %parallel_loop3A_982[%parallel_loop3A_983, %parallel_loop3A_984], %parallel_loop3A_987 {strides = array<i32>} : memref<128x128xf32, #tpu.memory_space<vmem>>, vector<1x16xf32>,
        %parallel_loop3A_988 = arith.subf %parallel_loop3A_835, %parallel_loop3A_954 : vector<16xf32>
        %parallel_loop3A_989 = arith.constant 2 : i32
        %parallel_loop3A_990 = arith.constant 0 : i32
        %parallel_loop3A_991 = arith.constant 0 : i32
        %parallel_loop3A_992 = tpu.memref_slice %arg7[%parallel_loop3A_989, %parallel_loop3A_990, %parallel_loop3A_991] : memref<5x128x128xf32, #tpu.memory_space<vmem>> -> memref<1x128x128xf32, #tpu.memory_space<vmem>>
        %parallel_loop3A_993 = tpu.memref_squeeze %parallel_loop3A_992 : memref<1x128x128xf32, #tpu.memory_space<vmem>> -> memref<128x128xf32, #tpu.memory_space<vmem>>
        %parallel_loop3A_994 = arith.index_cast %parallel_loop3A_799 : i32 to index
        %parallel_loop3A_995 = arith.constant 48 : index
        %parallel_loop3A_996 = tpu.vector_load %parallel_loop3A_993[%parallel_loop3A_994, %parallel_loop3A_995] {strides = array<i32>} : memref<128x128xf32, #tpu.memory_space<vmem>>, vector<1x16xf32>,
        %parallel_loop3A_997 = vector.shape_cast %parallel_loop3A_996 : vector<1x16xf32> to vector<16xf32>
        %parallel_loop3A_998 = vector.shape_cast %parallel_loop3A_988 : vector<16xf32> to vector<1x16xf32>
        tpu.vector_store %parallel_loop3A_993[%parallel_loop3A_994, %parallel_loop3A_995], %parallel_loop3A_998 {strides = array<i32>} : memref<128x128xf32, #tpu.memory_space<vmem>>, vector<1x16xf32>,
        %parallel_loop3A_999 = arith.subf %parallel_loop3A_844, %parallel_loop3A_954 : vector<16xf32>
        %parallel_loop3A_1000 = arith.constant 2 : i32
        %parallel_loop3A_1001 = arith.constant 0 : i32
        %parallel_loop3A_1002 = arith.constant 0 : i32
        %parallel_loop3A_1003 = tpu.memref_slice %arg7[%parallel_loop3A_1000, %parallel_loop3A_1001, %parallel_loop3A_1002] : memref<5x128x128xf32, #tpu.memory_space<vmem>> -> memref<1x128x128xf32, #tpu.memory_space<vmem>>
        %parallel_loop3A_1004 = tpu.memref_squeeze %parallel_loop3A_1003 : memref<1x128x128xf32, #tpu.memory_space<vmem>> -> memref<128x128xf32, #tpu.memory_space<vmem>>
        %parallel_loop3A_1005 = arith.index_cast %parallel_loop3A_799 : i32 to index
        %parallel_loop3A_1006 = arith.constant 64 : index
        %parallel_loop3A_1007 = tpu.vector_load %parallel_loop3A_1004[%parallel_loop3A_1005, %parallel_loop3A_1006] {strides = array<i32>} : memref<128x128xf32, #tpu.memory_space<vmem>>, vector<1x16xf32>,
        %parallel_loop3A_1008 = vector.shape_cast %parallel_loop3A_1007 : vector<1x16xf32> to vector<16xf32>
        %parallel_loop3A_1009 = vector.shape_cast %parallel_loop3A_999 : vector<16xf32> to vector<1x16xf32>
        tpu.vector_store %parallel_loop3A_1004[%parallel_loop3A_1005, %parallel_loop3A_1006], %parallel_loop3A_1009 {strides = array<i32>} : memref<128x128xf32, #tpu.memory_space<vmem>>, vector<1x16xf32>,
        %parallel_loop3A_1010 = arith.subf %parallel_loop3A_853, %parallel_loop3A_954 : vector<16xf32>
        %parallel_loop3A_1011 = arith.constant 2 : i32
        %parallel_loop3A_1012 = arith.constant 0 : i32
        %parallel_loop3A_1013 = arith.constant 0 : i32
        %parallel_loop3A_1014 = tpu.memref_slice %arg7[%parallel_loop3A_1011, %parallel_loop3A_1012, %parallel_loop3A_1013] : memref<5x128x128xf32, #tpu.memory_space<vmem>> -> memref<1x128x128xf32, #tpu.memory_space<vmem>>
        %parallel_loop3A_1015 = tpu.memref_squeeze %parallel_loop3A_1014 : memref<1x128x128xf32, #tpu.memory_space<vmem>> -> memref<128x128xf32, #tpu.memory_space<vmem>>
        %parallel_loop3A_1016 = arith.index_cast %parallel_loop3A_799 : i32 to index
        %parallel_loop3A_1017 = arith.constant 80 : index
        %parallel_loop3A_1018 = tpu.vector_load %parallel_loop3A_1015[%parallel_loop3A_1016, %parallel_loop3A_1017] {strides = array<i32>} : memref<128x128xf32, #tpu.memory_space<vmem>>, vector<1x16xf32>,
        %parallel_loop3A_1019 = vector.shape_cast %parallel_loop3A_1018 : vector<1x16xf32> to vector<16xf32>
        %parallel_loop3A_1020 = vector.shape_cast %parallel_loop3A_1010 : vector<16xf32> to vector<1x16xf32>
        tpu.vector_store %parallel_loop3A_1015[%parallel_loop3A_1016, %parallel_loop3A_1017], %parallel_loop3A_1020 {strides = array<i32>} : memref<128x128xf32, #tpu.memory_space<vmem>>, vector<1x16xf32>,
        %parallel_loop3A_1021 = arith.subf %parallel_loop3A_862, %parallel_loop3A_954 : vector<16xf32>
        %parallel_loop3A_1022 = arith.constant 2 : i32
        %parallel_loop3A_1023 = arith.constant 0 : i32
        %parallel_loop3A_1024 = arith.constant 0 : i32
        %parallel_loop3A_1025 = tpu.memref_slice %arg7[%parallel_loop3A_1022, %parallel_loop3A_1023, %parallel_loop3A_1024] : memref<5x128x128xf32, #tpu.memory_space<vmem>> -> memref<1x128x128xf32, #tpu.memory_space<vmem>>
        %parallel_loop3A_1026 = tpu.memref_squeeze %parallel_loop3A_1025 : memref<1x128x128xf32, #tpu.memory_space<vmem>> -> memref<128x128xf32, #tpu.memory_space<vmem>>
        %parallel_loop3A_1027 = arith.index_cast %parallel_loop3A_799 : i32 to index
        %parallel_loop3A_1028 = arith.constant 96 : index
        %parallel_loop3A_1029 = tpu.vector_load %parallel_loop3A_1026[%parallel_loop3A_1027, %parallel_loop3A_1028] {strides = array<i32>} : memref<128x128xf32, #tpu.memory_space<vmem>>, vector<1x16xf32>,
        %parallel_loop3A_1030 = vector.shape_cast %parallel_loop3A_1029 : vector<1x16xf32> to vector<16xf32>
        %parallel_loop3A_1031 = vector.shape_cast %parallel_loop3A_1021 : vector<16xf32> to vector<1x16xf32>
        tpu.vector_store %parallel_loop3A_1026[%parallel_loop3A_1027, %parallel_loop3A_1028], %parallel_loop3A_1031 {strides = array<i32>} : memref<128x128xf32, #tpu.memory_space<vmem>>, vector<1x16xf32>,
        %parallel_loop3A_1032 = arith.subf %parallel_loop3A_871, %parallel_loop3A_954 : vector<16xf32>
        %parallel_loop3A_1033 = arith.constant 2 : i32
        %parallel_loop3A_1034 = arith.constant 0 : i32
        %parallel_loop3A_1035 = arith.constant 0 : i32
        %parallel_loop3A_1036 = tpu.memref_slice %arg7[%parallel_loop3A_1033, %parallel_loop3A_1034, %parallel_loop3A_1035] : memref<5x128x128xf32, #tpu.memory_space<vmem>> -> memref<1x128x128xf32, #tpu.memory_space<vmem>>
        %parallel_loop3A_1037 = tpu.memref_squeeze %parallel_loop3A_1036 : memref<1x128x128xf32, #tpu.memory_space<vmem>> -> memref<128x128xf32, #tpu.memory_space<vmem>>
        %parallel_loop3A_1038 = arith.index_cast %parallel_loop3A_799 : i32 to index
        %parallel_loop3A_1039 = arith.constant 112 : index
        %parallel_loop3A_1040 = tpu.vector_load %parallel_loop3A_1037[%parallel_loop3A_1038, %parallel_loop3A_1039] {strides = array<i32>} : memref<128x128xf32, #tpu.memory_space<vmem>>, vector<1x16xf32>,
        %parallel_loop3A_1041 = vector.shape_cast %parallel_loop3A_1040 : vector<1x16xf32> to vector<16xf32>
        %parallel_loop3A_1042 = vector.shape_cast %parallel_loop3A_1032 : vector<16xf32> to vector<1x16xf32>
        tpu.vector_store %parallel_loop3A_1037[%parallel_loop3A_1038, %parallel_loop3A_1039], %parallel_loop3A_1042 {strides = array<i32>} : memref<128x128xf32, #tpu.memory_space<vmem>>, vector<1x16xf32>,
      } {sc.loop_unroll_factor = 5 : i64, sc.parallel_access}
      %mul3A_673 = arith.constant 4096 : i32
      %mul3A_674 = arith.muli %add3A_655, %mul3A_673 : i32
      %add3A_675 = arith.addi %mul3A_674, %mul3A_2 : i32
      %dma_start3A_676 = arith.constant 2 : i32
      %dma_start3A_677 = arith.constant 2 : i32
      %dma_start3A_678 = arith.constant 0 : i32
      %dma_start3A_679 = arith.constant 0 : i32
      %dma_start3A_680 = tpu.memref_slice %arg7[%dma_start3A_676, %dma_start3A_678, %dma_start3A_679] : memref<5x128x128xf32, #tpu.memory_space<vmem>> -> memref<1x128x128xf32, #tpu.memory_space<vmem>>
      %dma_start3A_681 = tpu.memref_squeeze %dma_start3A_680 : memref<1x128x128xf32, #tpu.memory_space<vmem>> -> memref<128x128xf32, #tpu.memory_space<vmem>>
      %dma_start3A_682 = arith.constant 0 : i32
      %dma_start3A_683 = tpu.memref_slice %arg4[%add3A_675, %dma_start3A_682] : memref<204800x128xf32, #tpu.memory_space<hbm>> -> memref<128x128xf32, #tpu.memory_space<hbm>>
      %dma_start3A_684 = tpu.memref_slice %arg9[%dma_start3A_677] : memref<5x!tpu.dma_semaphore, #tpu.memory_space<semaphore_mem>> -> memref<1x!tpu.dma_semaphore, #tpu.memory_space<semaphore_mem>>
      %dma_start3A_685 = tpu.memref_squeeze %dma_start3A_684 : memref<1x!tpu.dma_semaphore, #tpu.memory_space<semaphore_mem>> -> memref<!tpu.dma_semaphore, #tpu.memory_space<semaphore_mem>>
      %dma_start3A_686 = arith.constant 0 : i32
      %dma_start3A_687 = tpu.memref_slice %arg4[%add3A_675, %dma_start3A_686] : memref<204800x128xf32, #tpu.memory_space<hbm>> -> memref<128x128xf32, #tpu.memory_space<hbm>>
      %dma_start3A_688 = arith.constant 0 : i32
      %dma_start3A_689 = arith.constant 0 : i32
      %dma_start3A_690 = tpu.memref_slice %arg7[%dma_start3A_676, %dma_start3A_688, %dma_start3A_689] : memref<5x128x128xf32, #tpu.memory_space<vmem>> -> memref<1x128x128xf32, #tpu.memory_space<vmem>>
      %dma_start3A_691 = tpu.memref_squeeze %dma_start3A_690 : memref<1x128x128xf32, #tpu.memory_space<vmem>> -> memref<128x128xf32, #tpu.memory_space<vmem>>
      tpu.enqueue_dma source(%dma_start3A_691 : memref<128x128xf32, #tpu.memory_space<vmem>>) target(%dma_start3A_687 : memref<128x128xf32, #tpu.memory_space<hbm>>) target_semaphore(%dma_start3A_685 : memref<!tpu.dma_semaphore, #tpu.memory_space<semaphore_mem>>)
      %add3A_692 = arith.constant 5 : i32
      %add3A_693 = arith.addi %add3A_655, %add3A_692 : i32
      %sub3A_694 = arith.constant 1 : i32
      %sub3A_695 = arith.subi %add3A_693, %sub3A_694 : i32
      %lt3A_696 = arith.constant 50 : i32
      %lt3A_697 = arith.cmpi slt, %sub3A_695, %lt3A_696 : i32
      %convert_element_type3A_698 = arith.extui %lt3A_697 : i1 to i32
      %cond3A_699 = arith.constant 0 : i32
      %cond3A_700 = arith.cmpi ne, %convert_element_type3A_698, %cond3A_699 : i32
      scf.if %cond3A_700 {
        %ge3A = arith.constant 1 : i32
        %ge3A_799 = arith.cmpi sge, %add3A_655, %ge3A : i32
        %convert_element_type3A_800 = arith.extui %ge3A_799 : i1 to i32
        %cond3A_801 = arith.constant 0 : i32
        %cond3A_802 = arith.cmpi ne, %convert_element_type3A_800, %cond3A_801 : i32
        scf.if %cond3A_802 {
          %sub3A_821 = arith.constant 1 : i32
          %sub3A_822 = arith.subi %add3A_655, %sub3A_821 : i32
          %mul3A_823 = arith.constant 4096 : i32
          %mul3A_824 = arith.muli %sub3A_822, %mul3A_823 : i32
          %add3A_825 = arith.addi %mul3A_824, %mul3A_2 : i32
          %dma_wait3A_826 = arith.constant 1 : i32
          %dma_wait3A_827 = arith.constant 1 : i32
          %dma_wait3A_828 = arith.constant 0 : i32
          %dma_wait3A_829 = arith.constant 0 : i32
          %dma_wait3A_830 = tpu.memref_slice %arg7[%dma_wait3A_826, %dma_wait3A_828, %dma_wait3A_829] : memref<5x128x128xf32, #tpu.memory_space<vmem>> -> memref<1x128x128xf32, #tpu.memory_space<vmem>>
          %dma_wait3A_831 = tpu.memref_squeeze %dma_wait3A_830 : memref<1x128x128xf32, #tpu.memory_space<vmem>> -> memref<128x128xf32, #tpu.memory_space<vmem>>
          %dma_wait3A_832 = arith.constant 0 : i32
          %dma_wait3A_833 = tpu.memref_slice %arg4[%add3A_825, %dma_wait3A_832] : memref<204800x128xf32, #tpu.memory_space<hbm>> -> memref<128x128xf32, #tpu.memory_space<hbm>>
          %dma_wait3A_834 = tpu.memref_slice %arg9[%dma_wait3A_827] : memref<5x!tpu.dma_semaphore, #tpu.memory_space<semaphore_mem>> -> memref<1x!tpu.dma_semaphore, #tpu.memory_space<semaphore_mem>>
          %dma_wait3A_835 = tpu.memref_squeeze %dma_wait3A_834 : memref<1x!tpu.dma_semaphore, #tpu.memory_space<semaphore_mem>> -> memref<!tpu.dma_semaphore, #tpu.memory_space<semaphore_mem>>
          %dma_wait3A_836 = arith.constant 0 : i32
          %dma_wait3A_837 = tpu.memref_slice %arg4[%add3A_825, %dma_wait3A_836] : memref<204800x128xf32, #tpu.memory_space<hbm>> -> memref<128x128xf32, #tpu.memory_space<hbm>>
          %dma_wait3A_838 = arith.constant 0 : i32
          %dma_wait3A_839 = arith.constant 0 : i32
          %dma_wait3A_840 = tpu.memref_slice %arg7[%dma_wait3A_826, %dma_wait3A_838, %dma_wait3A_839] : memref<5x128x128xf32, #tpu.memory_space<vmem>> -> memref<1x128x128xf32, #tpu.memory_space<vmem>>
          %dma_wait3A_841 = tpu.memref_squeeze %dma_wait3A_840 : memref<1x128x128xf32, #tpu.memory_space<vmem>> -> memref<128x128xf32, #tpu.memory_space<vmem>>
          tpu.wait_dma2 semaphore(%dma_wait3A_835 : memref<!tpu.dma_semaphore, #tpu.memory_space<semaphore_mem>>) src(%dma_wait3A_841 : memref<128x128xf32, #tpu.memory_space<vmem>>) dst(%dma_wait3A_837 : memref<128x128xf32, #tpu.memory_space<hbm>>)
        } else {
        }
        %add3A_803 = arith.constant 5 : i32
        %add3A_804 = arith.addi %add3A_655, %add3A_803 : i32
        %sub3A_805 = arith.constant 1 : i32
        %sub3A_806 = arith.subi %add3A_804, %sub3A_805 : i32
        %dma_start3A_807 = arith.constant 1 : i32
        %dma_start3A_808 = arith.constant 1 : i32
        %dma_start3A_809 = arith.constant 0 : i32
        %dma_start3A_810 = arith.constant 0 : i32
        %dma_start3A_811 = tpu.memref_slice %arg7[%dma_start3A_807, %dma_start3A_809, %dma_start3A_810] : memref<5x128x128xf32, #tpu.memory_space<vmem>> -> memref<1x128x128xf32, #tpu.memory_space<vmem>>
        %dma_start3A_812 = tpu.memref_squeeze %dma_start3A_811 : memref<1x128x128xf32, #tpu.memory_space<vmem>> -> memref<128x128xf32, #tpu.memory_space<vmem>>
        %dma_start3A_813 = arith.constant 0 : i32
        %dma_start3A_814 = tpu.memref_slice %arg6[%sub3A_806, %dma_start3A_813] : memref<50x128xi32, #tpu.memory_space<vmem>> -> memref<1x128xi32, #tpu.memory_space<vmem>>
        %dma_start3A_815 = tpu.memref_squeeze %dma_start3A_814 : memref<1x128xi32, #tpu.memory_space<vmem>> -> memref<128xi32, #tpu.memory_space<vmem>>
        %dma_start3A_816 = arith.constant 0 : i32
        %dma_start3A_817 = arith.constant 0 : i32
        %dma_start3A_818 = tpu.memref_slice %arg2[%dma_start3A_816, %dma_start3A_817] : memref<500000x128xf32, #tpu.memory_space<hbm>> -> memref<500000x128xf32, #tpu.memory_space<hbm>>
        %dma_start3A_819 = tpu.memref_slice %arg8[%dma_start3A_808] : memref<5x!tpu.dma_semaphore, #tpu.memory_space<semaphore_mem>> -> memref<1x!tpu.dma_semaphore, #tpu.memory_space<semaphore_mem>>
        %dma_start3A_820 = tpu.memref_squeeze %dma_start3A_819 : memref<1x!tpu.dma_semaphore, #tpu.memory_space<semaphore_mem>> -> memref<!tpu.dma_semaphore, #tpu.memory_space<semaphore_mem>>
        tpu.enqueue_indirect_dma source(%dma_start3A_818 : memref<500000x128xf32, #tpu.memory_space<hbm>>) target(%dma_start3A_812 : memref<128x128xf32, #tpu.memory_space<vmem>>) offsets(%dma_start3A_815 : memref<128xi32, #tpu.memory_space<vmem>>) semaphore(%dma_start3A_820 : memref<!tpu.dma_semaphore, #tpu.memory_space<semaphore_mem>>)
      } else {
      }
      %mul3A_701 = arith.constant 5 : i32
      %mul3A_702 = arith.muli %mul3A_701, %scan3A_558 : i32
      %add3A_703 = arith.constant 3 : i32
      %add3A_704 = arith.addi %mul3A_702, %add3A_703 : i32
      %dma_wait3A_705 = arith.constant 3 : i32
      %dma_wait3A_706 = arith.constant 3 : i32
      %dma_wait3A_707 = arith.constant 0 : i32
      %dma_wait3A_708 = arith.constant 0 : i32
      %dma_wait3A_709 = tpu.memref_slice %arg7[%dma_wait3A_705, %dma_wait3A_707, %dma_wait3A_708] : memref<5x128x128xf32, #tpu.memory_space<vmem>> -> memref<1x128x128xf32, #tpu.memory_space<vmem>>
      %dma_wait3A_710 = tpu.memref_squeeze %dma_wait3A_709 : memref<1x128x128xf32, #tpu.memory_space<vmem>> -> memref<128x128xf32, #tpu.memory_space<vmem>>
      %dma_wait3A_711 = arith.constant 0 : i32
      %dma_wait3A_712 = tpu.memref_slice %arg6[%add3A_704, %dma_wait3A_711] : memref<50x128xi32, #tpu.memory_space<vmem>> -> memref<1x128xi32, #tpu.memory_space<vmem>>
      %dma_wait3A_713 = tpu.memref_squeeze %dma_wait3A_712 : memref<1x128xi32, #tpu.memory_space<vmem>> -> memref<128xi32, #tpu.memory_space<vmem>>
      %dma_wait3A_714 = arith.constant 0 : i32
      %dma_wait3A_715 = arith.constant 0 : i32
      %dma_wait3A_716 = tpu.memref_slice %arg2[%dma_wait3A_714, %dma_wait3A_715] : memref<500000x128xf32, #tpu.memory_space<hbm>> -> memref<500000x128xf32, #tpu.memory_space<hbm>>
      %dma_wait3A_717 = tpu.memref_slice %arg8[%dma_wait3A_706] : memref<5x!tpu.dma_semaphore, #tpu.memory_space<semaphore_mem>> -> memref<1x!tpu.dma_semaphore, #tpu.memory_space<semaphore_mem>>
      %dma_wait3A_718 = tpu.memref_squeeze %dma_wait3A_717 : memref<1x!tpu.dma_semaphore, #tpu.memory_space<semaphore_mem>> -> memref<!tpu.dma_semaphore, #tpu.memory_space<semaphore_mem>>
      tpu.wait_indirect_dma semaphore(%dma_wait3A_718 : memref<!tpu.dma_semaphore, #tpu.memory_space<semaphore_mem>>) src(%dma_wait3A_716 : memref<500000x128xf32, #tpu.memory_space<hbm>>) dst(%dma_wait3A_710 : memref<128x128xf32, #tpu.memory_space<vmem>>)
      %parallel_loop3A_719 = arith.constant 0 : i32
      %parallel_loop3A_720 = arith.constant 128 : i32
      %parallel_loop3A_721 = arith.constant 1 : i32
      scf.for %parallel_loop3A_799 = %parallel_loop3A_719 to %parallel_loop3A_720 step %parallel_loop3A_721  : i32 {
        %parallel_loop3A_800 = arith.constant 3 : i32
        %parallel_loop3A_801 = arith.constant 0 : i32
        %parallel_loop3A_802 = arith.constant 0 : i32
        %parallel_loop3A_803 = tpu.memref_slice %arg7[%parallel_loop3A_800, %parallel_loop3A_801, %parallel_loop3A_802] : memref<5x128x128xf32, #tpu.memory_space<vmem>> -> memref<1x128x128xf32, #tpu.memory_space<vmem>>
        %parallel_loop3A_804 = tpu.memref_squeeze %parallel_loop3A_803 : memref<1x128x128xf32, #tpu.memory_space<vmem>> -> memref<128x128xf32, #tpu.memory_space<vmem>>
        %parallel_loop3A_805 = arith.index_cast %parallel_loop3A_799 : i32 to index
        %parallel_loop3A_806 = arith.constant 0 : index
        %parallel_loop3A_807 = tpu.vector_load %parallel_loop3A_804[%parallel_loop3A_805, %parallel_loop3A_806] {strides = array<i32>} : memref<128x128xf32, #tpu.memory_space<vmem>>, vector<1x16xf32>,
        %parallel_loop3A_808 = vector.shape_cast %parallel_loop3A_807 : vector<1x16xf32> to vector<16xf32>
        %parallel_loop3A_809 = arith.constant 3 : i32
        %parallel_loop3A_810 = arith.constant 0 : i32
        %parallel_loop3A_811 = arith.constant 0 : i32
        %parallel_loop3A_812 = tpu.memref_slice %arg7[%parallel_loop3A_809, %parallel_loop3A_810, %parallel_loop3A_811] : memref<5x128x128xf32, #tpu.memory_space<vmem>> -> memref<1x128x128xf32, #tpu.memory_space<vmem>>
        %parallel_loop3A_813 = tpu.memref_squeeze %parallel_loop3A_812 : memref<1x128x128xf32, #tpu.memory_space<vmem>> -> memref<128x128xf32, #tpu.memory_space<vmem>>
        %parallel_loop3A_814 = arith.index_cast %parallel_loop3A_799 : i32 to index
        %parallel_loop3A_815 = arith.constant 16 : index
        %parallel_loop3A_816 = tpu.vector_load %parallel_loop3A_813[%parallel_loop3A_814, %parallel_loop3A_815] {strides = array<i32>} : memref<128x128xf32, #tpu.memory_space<vmem>>, vector<1x16xf32>,
        %parallel_loop3A_817 = vector.shape_cast %parallel_loop3A_816 : vector<1x16xf32> to vector<16xf32>
        %parallel_loop3A_818 = arith.constant 3 : i32
        %parallel_loop3A_819 = arith.constant 0 : i32
        %parallel_loop3A_820 = arith.constant 0 : i32
        %parallel_loop3A_821 = tpu.memref_slice %arg7[%parallel_loop3A_818, %parallel_loop3A_819, %parallel_loop3A_820] : memref<5x128x128xf32, #tpu.memory_space<vmem>> -> memref<1x128x128xf32, #tpu.memory_space<vmem>>
        %parallel_loop3A_822 = tpu.memref_squeeze %parallel_loop3A_821 : memref<1x128x128xf32, #tpu.memory_space<vmem>> -> memref<128x128xf32, #tpu.memory_space<vmem>>
        %parallel_loop3A_823 = arith.index_cast %parallel_loop3A_799 : i32 to index
        %parallel_loop3A_824 = arith.constant 32 : index
        %parallel_loop3A_825 = tpu.vector_load %parallel_loop3A_822[%parallel_loop3A_823, %parallel_loop3A_824] {strides = array<i32>} : memref<128x128xf32, #tpu.memory_space<vmem>>, vector<1x16xf32>,
        %parallel_loop3A_826 = vector.shape_cast %parallel_loop3A_825 : vector<1x16xf32> to vector<16xf32>
        %parallel_loop3A_827 = arith.constant 3 : i32
        %parallel_loop3A_828 = arith.constant 0 : i32
        %parallel_loop3A_829 = arith.constant 0 : i32
        %parallel_loop3A_830 = tpu.memref_slice %arg7[%parallel_loop3A_827, %parallel_loop3A_828, %parallel_loop3A_829] : memref<5x128x128xf32, #tpu.memory_space<vmem>> -> memref<1x128x128xf32, #tpu.memory_space<vmem>>
        %parallel_loop3A_831 = tpu.memref_squeeze %parallel_loop3A_830 : memref<1x128x128xf32, #tpu.memory_space<vmem>> -> memref<128x128xf32, #tpu.memory_space<vmem>>
        %parallel_loop3A_832 = arith.index_cast %parallel_loop3A_799 : i32 to index
        %parallel_loop3A_833 = arith.constant 48 : index
        %parallel_loop3A_834 = tpu.vector_load %parallel_loop3A_831[%parallel_loop3A_832, %parallel_loop3A_833] {strides = array<i32>} : memref<128x128xf32, #tpu.memory_space<vmem>>, vector<1x16xf32>,
        %parallel_loop3A_835 = vector.shape_cast %parallel_loop3A_834 : vector<1x16xf32> to vector<16xf32>
        %parallel_loop3A_836 = arith.constant 3 : i32
        %parallel_loop3A_837 = arith.constant 0 : i32
        %parallel_loop3A_838 = arith.constant 0 : i32
        %parallel_loop3A_839 = tpu.memref_slice %arg7[%parallel_loop3A_836, %parallel_loop3A_837, %parallel_loop3A_838] : memref<5x128x128xf32, #tpu.memory_space<vmem>> -> memref<1x128x128xf32, #tpu.memory_space<vmem>>
        %parallel_loop3A_840 = tpu.memref_squeeze %parallel_loop3A_839 : memref<1x128x128xf32, #tpu.memory_space<vmem>> -> memref<128x128xf32, #tpu.memory_space<vmem>>
        %parallel_loop3A_841 = arith.index_cast %parallel_loop3A_799 : i32 to index
        %parallel_loop3A_842 = arith.constant 64 : index
        %parallel_loop3A_843 = tpu.vector_load %parallel_loop3A_840[%parallel_loop3A_841, %parallel_loop3A_842] {strides = array<i32>} : memref<128x128xf32, #tpu.memory_space<vmem>>, vector<1x16xf32>,
        %parallel_loop3A_844 = vector.shape_cast %parallel_loop3A_843 : vector<1x16xf32> to vector<16xf32>
        %parallel_loop3A_845 = arith.constant 3 : i32
        %parallel_loop3A_846 = arith.constant 0 : i32
        %parallel_loop3A_847 = arith.constant 0 : i32
        %parallel_loop3A_848 = tpu.memref_slice %arg7[%parallel_loop3A_845, %parallel_loop3A_846, %parallel_loop3A_847] : memref<5x128x128xf32, #tpu.memory_space<vmem>> -> memref<1x128x128xf32, #tpu.memory_space<vmem>>
        %parallel_loop3A_849 = tpu.memref_squeeze %parallel_loop3A_848 : memref<1x128x128xf32, #tpu.memory_space<vmem>> -> memref<128x128xf32, #tpu.memory_space<vmem>>
        %parallel_loop3A_850 = arith.index_cast %parallel_loop3A_799 : i32 to index
        %parallel_loop3A_851 = arith.constant 80 : index
        %parallel_loop3A_852 = tpu.vector_load %parallel_loop3A_849[%parallel_loop3A_850, %parallel_loop3A_851] {strides = array<i32>} : memref<128x128xf32, #tpu.memory_space<vmem>>, vector<1x16xf32>,
        %parallel_loop3A_853 = vector.shape_cast %parallel_loop3A_852 : vector<1x16xf32> to vector<16xf32>
        %parallel_loop3A_854 = arith.constant 3 : i32
        %parallel_loop3A_855 = arith.constant 0 : i32
        %parallel_loop3A_856 = arith.constant 0 : i32
        %parallel_loop3A_857 = tpu.memref_slice %arg7[%parallel_loop3A_854, %parallel_loop3A_855, %parallel_loop3A_856] : memref<5x128x128xf32, #tpu.memory_space<vmem>> -> memref<1x128x128xf32, #tpu.memory_space<vmem>>
        %parallel_loop3A_858 = tpu.memref_squeeze %parallel_loop3A_857 : memref<1x128x128xf32, #tpu.memory_space<vmem>> -> memref<128x128xf32, #tpu.memory_space<vmem>>
        %parallel_loop3A_859 = arith.index_cast %parallel_loop3A_799 : i32 to index
        %parallel_loop3A_860 = arith.constant 96 : index
        %parallel_loop3A_861 = tpu.vector_load %parallel_loop3A_858[%parallel_loop3A_859, %parallel_loop3A_860] {strides = array<i32>} : memref<128x128xf32, #tpu.memory_space<vmem>>, vector<1x16xf32>,
        %parallel_loop3A_862 = vector.shape_cast %parallel_loop3A_861 : vector<1x16xf32> to vector<16xf32>
        %parallel_loop3A_863 = arith.constant 3 : i32
        %parallel_loop3A_864 = arith.constant 0 : i32
        %parallel_loop3A_865 = arith.constant 0 : i32
        %parallel_loop3A_866 = tpu.memref_slice %arg7[%parallel_loop3A_863, %parallel_loop3A_864, %parallel_loop3A_865] : memref<5x128x128xf32, #tpu.memory_space<vmem>> -> memref<1x128x128xf32, #tpu.memory_space<vmem>>
        %parallel_loop3A_867 = tpu.memref_squeeze %parallel_loop3A_866 : memref<1x128x128xf32, #tpu.memory_space<vmem>> -> memref<128x128xf32, #tpu.memory_space<vmem>>
        %parallel_loop3A_868 = arith.index_cast %parallel_loop3A_799 : i32 to index
        %parallel_loop3A_869 = arith.constant 112 : index
        %parallel_loop3A_870 = tpu.vector_load %parallel_loop3A_867[%parallel_loop3A_868, %parallel_loop3A_869] {strides = array<i32>} : memref<128x128xf32, #tpu.memory_space<vmem>>, vector<1x16xf32>,
        %parallel_loop3A_871 = vector.shape_cast %parallel_loop3A_870 : vector<1x16xf32> to vector<16xf32>
        %parallel_loop3A_872 = math.exp %parallel_loop3A_808 : vector<16xf32>
        %parallel_loop3A_873 = math.exp %parallel_loop3A_817 : vector<16xf32>
        %parallel_loop3A_874 = math.exp %parallel_loop3A_826 : vector<16xf32>
        %parallel_loop3A_875 = math.exp %parallel_loop3A_835 : vector<16xf32>
        %parallel_loop3A_876 = math.exp %parallel_loop3A_844 : vector<16xf32>
        %parallel_loop3A_877 = math.exp %parallel_loop3A_853 : vector<16xf32>
        %parallel_loop3A_878 = math.exp %parallel_loop3A_862 : vector<16xf32>
        %parallel_loop3A_879 = math.exp %parallel_loop3A_871 : vector<16xf32>
        %parallel_loop3A_880 = arith.addf %parallel_loop3A_872, %parallel_loop3A_873 : vector<16xf32>
        %parallel_loop3A_881 = arith.addf %parallel_loop3A_874, %parallel_loop3A_875 : vector<16xf32>
        %parallel_loop3A_882 = arith.addf %parallel_loop3A_880, %parallel_loop3A_881 : vector<16xf32>
        %parallel_loop3A_883 = arith.addf %parallel_loop3A_876, %parallel_loop3A_877 : vector<16xf32>
        %parallel_loop3A_884 = arith.addf %parallel_loop3A_878, %parallel_loop3A_879 : vector<16xf32>
        %parallel_loop3A_885 = arith.addf %parallel_loop3A_883, %parallel_loop3A_884 : vector<16xf32>
        %parallel_loop3A_886 = arith.addf %parallel_loop3A_882, %parallel_loop3A_885 : vector<16xf32>
        %parallel_loop3A_887 = vector.shape_cast %xor3A_4 : vector<16xi32> to vector<16x1xi32>
        %parallel_loop3A_888 = vector.shape_cast %parallel_loop3A_887 : vector<16x1xi32> to vector<16xi32>
        %parallel_loop3A_889 = tpu.dynamic_gather %parallel_loop3A_886[%parallel_loop3A_888] in [0] : vector<16xf32>, vector<16xi32> -> vector<16xf32>
        %parallel_loop3A_890 = arith.addf %parallel_loop3A_886, %parallel_loop3A_889 : vector<16xf32>
        %parallel_loop3A_891 = vector.shape_cast %xor3A_8 : vector<16xi32> to vector<16x1xi32>
        %parallel_loop3A_892 = vector.shape_cast %parallel_loop3A_891 : vector<16x1xi32> to vector<16xi32>
        %parallel_loop3A_893 = tpu.dynamic_gather %parallel_loop3A_890[%parallel_loop3A_892] in [0] : vector<16xf32>, vector<16xi32> -> vector<16xf32>
        %parallel_loop3A_894 = arith.addf %parallel_loop3A_890, %parallel_loop3A_893 : vector<16xf32>
        %parallel_loop3A_895 = vector.shape_cast %xor3A_12 : vector<16xi32> to vector<16x1xi32>
        %parallel_loop3A_896 = vector.shape_cast %parallel_loop3A_895 : vector<16x1xi32> to vector<16xi32>
        %parallel_loop3A_897 = tpu.dynamic_gather %parallel_loop3A_894[%parallel_loop3A_896] in [0] : vector<16xf32>, vector<16xi32> -> vector<16xf32>
        %parallel_loop3A_898 = arith.addf %parallel_loop3A_894, %parallel_loop3A_897 : vector<16xf32>
        %parallel_loop3A_899 = vector.shape_cast %xor3A_16 : vector<16xi32> to vector<16x1xi32>
        %parallel_loop3A_900 = vector.shape_cast %parallel_loop3A_899 : vector<16x1xi32> to vector<16xi32>
        %parallel_loop3A_901 = tpu.dynamic_gather %parallel_loop3A_898[%parallel_loop3A_900] in [0] : vector<16xf32>, vector<16xi32> -> vector<16xf32>
        %parallel_loop3A_902 = arith.addf %parallel_loop3A_898, %parallel_loop3A_901 : vector<16xf32>
        %parallel_loop3A_903 = tpu.bitcast %parallel_loop3A_902 : vector<16xf32> -> vector<16xi32>
        %parallel_loop3A_904 = arith.constant 23 : i32
        %parallel_loop3A_905 = vector.broadcast %parallel_loop3A_904 : i32 to vector<16xi32>
        %parallel_loop3A_906 = arith.shrui %parallel_loop3A_903, %parallel_loop3A_905 : vector<16xi32>
        %parallel_loop3A_907 = arith.constant 127 : i32
        %parallel_loop3A_908 = vector.broadcast %parallel_loop3A_907 : i32 to vector<16xi32>
        %parallel_loop3A_909 = arith.subi %parallel_loop3A_906, %parallel_loop3A_908 : vector<16xi32>
        %parallel_loop3A_910 = arith.constant 8388607 : i32
        %parallel_loop3A_911 = vector.broadcast %parallel_loop3A_910 : i32 to vector<16xi32>
        %parallel_loop3A_912 = arith.andi %parallel_loop3A_903, %parallel_loop3A_911 : vector<16xi32>
        %parallel_loop3A_913 = arith.constant 1065353216 : i32
        %parallel_loop3A_914 = vector.broadcast %parallel_loop3A_913 : i32 to vector<16xi32>
        %parallel_loop3A_915 = arith.ori %parallel_loop3A_912, %parallel_loop3A_914 : vector<16xi32>
        %parallel_loop3A_916 = tpu.bitcast %parallel_loop3A_915 : vector<16xi32> -> vector<16xf32>
        %parallel_loop3A_917 = arith.constant 1.41421354 : f32
        %parallel_loop3A_918 = vector.broadcast %parallel_loop3A_917 : f32 to vector<16xf32>
        %parallel_loop3A_919 = arith.cmpf ogt, %parallel_loop3A_916, %parallel_loop3A_918 : vector<16xf32>
        %parallel_loop3A_920 = arith.constant 5.000000e-01 : f32
        %parallel_loop3A_921 = vector.broadcast %parallel_loop3A_920 : f32 to vector<16xf32>
        %parallel_loop3A_922 = arith.mulf %parallel_loop3A_916, %parallel_loop3A_921 : vector<16xf32>
        %parallel_loop3A_923 = arith.select %parallel_loop3A_919, %parallel_loop3A_922, %parallel_loop3A_916 : vector<16xi1>, vector<16xf32>
        %parallel_loop3A_924 = arith.constant 1 : i32
        %parallel_loop3A_925 = vector.broadcast %parallel_loop3A_924 : i32 to vector<16xi32>
        %parallel_loop3A_926 = arith.addi %parallel_loop3A_909, %parallel_loop3A_925 : vector<16xi32>
        %parallel_loop3A_927 = arith.select %parallel_loop3A_919, %parallel_loop3A_926, %parallel_loop3A_909 : vector<16xi1>, vector<16xi32>
        %parallel_loop3A_928 = arith.constant 1.000000e+00 : f32
        %parallel_loop3A_929 = vector.broadcast %parallel_loop3A_928 : f32 to vector<16xf32>
        %parallel_loop3A_930 = arith.subf %parallel_loop3A_923, %parallel_loop3A_929 : vector<16xf32>
        %parallel_loop3A_931 = arith.constant 1.000000e+00 : f32
        %parallel_loop3A_932 = vector.broadcast %parallel_loop3A_931 : f32 to vector<16xf32>
        %parallel_loop3A_933 = arith.addf %parallel_loop3A_923, %parallel_loop3A_932 : vector<16xf32>
        %parallel_loop3A_934 = arith.divf %parallel_loop3A_930, %parallel_loop3A_933 : vector<16xf32>
        %parallel_loop3A_935 = arith.mulf %parallel_loop3A_934, %parallel_loop3A_934 : vector<16xf32>
        %parallel_loop3A_936 = arith.constant 2.000000e-01 : f32
        %parallel_loop3A_937 = vector.broadcast %parallel_loop3A_936 : f32 to vector<16xf32>
        %parallel_loop3A_938 = arith.mulf %parallel_loop3A_935, %parallel_loop3A_937 : vector<16xf32>
        %parallel_loop3A_939 = arith.constant 0.333333343 : f32
        %parallel_loop3A_940 = vector.broadcast %parallel_loop3A_939 : f32 to vector<16xf32>
        %parallel_loop3A_941 = arith.addf %parallel_loop3A_940, %parallel_loop3A_938 : vector<16xf32>
        %parallel_loop3A_942 = arith.mulf %parallel_loop3A_935, %parallel_loop3A_941 : vector<16xf32>
        %parallel_loop3A_943 = arith.constant 1.000000e+00 : f32
        %parallel_loop3A_944 = vector.broadcast %parallel_loop3A_943 : f32 to vector<16xf32>
        %parallel_loop3A_945 = arith.addf %parallel_loop3A_944, %parallel_loop3A_942 : vector<16xf32>
        %parallel_loop3A_946 = arith.sitofp %parallel_loop3A_927 : vector<16xi32> to vector<16xf32>
        %parallel_loop3A_947 = arith.constant 0.693147182 : f32
        %parallel_loop3A_948 = vector.broadcast %parallel_loop3A_947 : f32 to vector<16xf32>
        %parallel_loop3A_949 = arith.mulf %parallel_loop3A_946, %parallel_loop3A_948 : vector<16xf32>
        %parallel_loop3A_950 = arith.constant 2.000000e+00 : f32
        %parallel_loop3A_951 = vector.broadcast %parallel_loop3A_950 : f32 to vector<16xf32>
        %parallel_loop3A_952 = arith.mulf %parallel_loop3A_951, %parallel_loop3A_934 : vector<16xf32>
        %parallel_loop3A_953 = arith.mulf %parallel_loop3A_952, %parallel_loop3A_945 : vector<16xf32>
        %parallel_loop3A_954 = arith.addf %parallel_loop3A_949, %parallel_loop3A_953 : vector<16xf32>
        %parallel_loop3A_955 = arith.subf %parallel_loop3A_808, %parallel_loop3A_954 : vector<16xf32>
        %parallel_loop3A_956 = arith.constant 3 : i32
        %parallel_loop3A_957 = arith.constant 0 : i32
        %parallel_loop3A_958 = arith.constant 0 : i32
        %parallel_loop3A_959 = tpu.memref_slice %arg7[%parallel_loop3A_956, %parallel_loop3A_957, %parallel_loop3A_958] : memref<5x128x128xf32, #tpu.memory_space<vmem>> -> memref<1x128x128xf32, #tpu.memory_space<vmem>>
        %parallel_loop3A_960 = tpu.memref_squeeze %parallel_loop3A_959 : memref<1x128x128xf32, #tpu.memory_space<vmem>> -> memref<128x128xf32, #tpu.memory_space<vmem>>
        %parallel_loop3A_961 = arith.index_cast %parallel_loop3A_799 : i32 to index
        %parallel_loop3A_962 = arith.constant 0 : index
        %parallel_loop3A_963 = tpu.vector_load %parallel_loop3A_960[%parallel_loop3A_961, %parallel_loop3A_962] {strides = array<i32>} : memref<128x128xf32, #tpu.memory_space<vmem>>, vector<1x16xf32>,
        %parallel_loop3A_964 = vector.shape_cast %parallel_loop3A_963 : vector<1x16xf32> to vector<16xf32>
        %parallel_loop3A_965 = vector.shape_cast %parallel_loop3A_955 : vector<16xf32> to vector<1x16xf32>
        tpu.vector_store %parallel_loop3A_960[%parallel_loop3A_961, %parallel_loop3A_962], %parallel_loop3A_965 {strides = array<i32>} : memref<128x128xf32, #tpu.memory_space<vmem>>, vector<1x16xf32>,
        %parallel_loop3A_966 = arith.subf %parallel_loop3A_817, %parallel_loop3A_954 : vector<16xf32>
        %parallel_loop3A_967 = arith.constant 3 : i32
        %parallel_loop3A_968 = arith.constant 0 : i32
        %parallel_loop3A_969 = arith.constant 0 : i32
        %parallel_loop3A_970 = tpu.memref_slice %arg7[%parallel_loop3A_967, %parallel_loop3A_968, %parallel_loop3A_969] : memref<5x128x128xf32, #tpu.memory_space<vmem>> -> memref<1x128x128xf32, #tpu.memory_space<vmem>>
        %parallel_loop3A_971 = tpu.memref_squeeze %parallel_loop3A_970 : memref<1x128x128xf32, #tpu.memory_space<vmem>> -> memref<128x128xf32, #tpu.memory_space<vmem>>
        %parallel_loop3A_972 = arith.index_cast %parallel_loop3A_799 : i32 to index
        %parallel_loop3A_973 = arith.constant 16 : index
        %parallel_loop3A_974 = tpu.vector_load %parallel_loop3A_971[%parallel_loop3A_972, %parallel_loop3A_973] {strides = array<i32>} : memref<128x128xf32, #tpu.memory_space<vmem>>, vector<1x16xf32>,
        %parallel_loop3A_975 = vector.shape_cast %parallel_loop3A_974 : vector<1x16xf32> to vector<16xf32>
        %parallel_loop3A_976 = vector.shape_cast %parallel_loop3A_966 : vector<16xf32> to vector<1x16xf32>
        tpu.vector_store %parallel_loop3A_971[%parallel_loop3A_972, %parallel_loop3A_973], %parallel_loop3A_976 {strides = array<i32>} : memref<128x128xf32, #tpu.memory_space<vmem>>, vector<1x16xf32>,
        %parallel_loop3A_977 = arith.subf %parallel_loop3A_826, %parallel_loop3A_954 : vector<16xf32>
        %parallel_loop3A_978 = arith.constant 3 : i32
        %parallel_loop3A_979 = arith.constant 0 : i32
        %parallel_loop3A_980 = arith.constant 0 : i32
        %parallel_loop3A_981 = tpu.memref_slice %arg7[%parallel_loop3A_978, %parallel_loop3A_979, %parallel_loop3A_980] : memref<5x128x128xf32, #tpu.memory_space<vmem>> -> memref<1x128x128xf32, #tpu.memory_space<vmem>>
        %parallel_loop3A_982 = tpu.memref_squeeze %parallel_loop3A_981 : memref<1x128x128xf32, #tpu.memory_space<vmem>> -> memref<128x128xf32, #tpu.memory_space<vmem>>
        %parallel_loop3A_983 = arith.index_cast %parallel_loop3A_799 : i32 to index
        %parallel_loop3A_984 = arith.constant 32 : index
        %parallel_loop3A_985 = tpu.vector_load %parallel_loop3A_982[%parallel_loop3A_983, %parallel_loop3A_984] {strides = array<i32>} : memref<128x128xf32, #tpu.memory_space<vmem>>, vector<1x16xf32>,
        %parallel_loop3A_986 = vector.shape_cast %parallel_loop3A_985 : vector<1x16xf32> to vector<16xf32>
        %parallel_loop3A_987 = vector.shape_cast %parallel_loop3A_977 : vector<16xf32> to vector<1x16xf32>
        tpu.vector_store %parallel_loop3A_982[%parallel_loop3A_983, %parallel_loop3A_984], %parallel_loop3A_987 {strides = array<i32>} : memref<128x128xf32, #tpu.memory_space<vmem>>, vector<1x16xf32>,
        %parallel_loop3A_988 = arith.subf %parallel_loop3A_835, %parallel_loop3A_954 : vector<16xf32>
        %parallel_loop3A_989 = arith.constant 3 : i32
        %parallel_loop3A_990 = arith.constant 0 : i32
        %parallel_loop3A_991 = arith.constant 0 : i32
        %parallel_loop3A_992 = tpu.memref_slice %arg7[%parallel_loop3A_989, %parallel_loop3A_990, %parallel_loop3A_991] : memref<5x128x128xf32, #tpu.memory_space<vmem>> -> memref<1x128x128xf32, #tpu.memory_space<vmem>>
        %parallel_loop3A_993 = tpu.memref_squeeze %parallel_loop3A_992 : memref<1x128x128xf32, #tpu.memory_space<vmem>> -> memref<128x128xf32, #tpu.memory_space<vmem>>
        %parallel_loop3A_994 = arith.index_cast %parallel_loop3A_799 : i32 to index
        %parallel_loop3A_995 = arith.constant 48 : index
        %parallel_loop3A_996 = tpu.vector_load %parallel_loop3A_993[%parallel_loop3A_994, %parallel_loop3A_995] {strides = array<i32>} : memref<128x128xf32, #tpu.memory_space<vmem>>, vector<1x16xf32>,
        %parallel_loop3A_997 = vector.shape_cast %parallel_loop3A_996 : vector<1x16xf32> to vector<16xf32>
        %parallel_loop3A_998 = vector.shape_cast %parallel_loop3A_988 : vector<16xf32> to vector<1x16xf32>
        tpu.vector_store %parallel_loop3A_993[%parallel_loop3A_994, %parallel_loop3A_995], %parallel_loop3A_998 {strides = array<i32>} : memref<128x128xf32, #tpu.memory_space<vmem>>, vector<1x16xf32>,
        %parallel_loop3A_999 = arith.subf %parallel_loop3A_844, %parallel_loop3A_954 : vector<16xf32>
        %parallel_loop3A_1000 = arith.constant 3 : i32
        %parallel_loop3A_1001 = arith.constant 0 : i32
        %parallel_loop3A_1002 = arith.constant 0 : i32
        %parallel_loop3A_1003 = tpu.memref_slice %arg7[%parallel_loop3A_1000, %parallel_loop3A_1001, %parallel_loop3A_1002] : memref<5x128x128xf32, #tpu.memory_space<vmem>> -> memref<1x128x128xf32, #tpu.memory_space<vmem>>
        %parallel_loop3A_1004 = tpu.memref_squeeze %parallel_loop3A_1003 : memref<1x128x128xf32, #tpu.memory_space<vmem>> -> memref<128x128xf32, #tpu.memory_space<vmem>>
        %parallel_loop3A_1005 = arith.index_cast %parallel_loop3A_799 : i32 to index
        %parallel_loop3A_1006 = arith.constant 64 : index
        %parallel_loop3A_1007 = tpu.vector_load %parallel_loop3A_1004[%parallel_loop3A_1005, %parallel_loop3A_1006] {strides = array<i32>} : memref<128x128xf32, #tpu.memory_space<vmem>>, vector<1x16xf32>,
        %parallel_loop3A_1008 = vector.shape_cast %parallel_loop3A_1007 : vector<1x16xf32> to vector<16xf32>
        %parallel_loop3A_1009 = vector.shape_cast %parallel_loop3A_999 : vector<16xf32> to vector<1x16xf32>
        tpu.vector_store %parallel_loop3A_1004[%parallel_loop3A_1005, %parallel_loop3A_1006], %parallel_loop3A_1009 {strides = array<i32>} : memref<128x128xf32, #tpu.memory_space<vmem>>, vector<1x16xf32>,
        %parallel_loop3A_1010 = arith.subf %parallel_loop3A_853, %parallel_loop3A_954 : vector<16xf32>
        %parallel_loop3A_1011 = arith.constant 3 : i32
        %parallel_loop3A_1012 = arith.constant 0 : i32
        %parallel_loop3A_1013 = arith.constant 0 : i32
        %parallel_loop3A_1014 = tpu.memref_slice %arg7[%parallel_loop3A_1011, %parallel_loop3A_1012, %parallel_loop3A_1013] : memref<5x128x128xf32, #tpu.memory_space<vmem>> -> memref<1x128x128xf32, #tpu.memory_space<vmem>>
        %parallel_loop3A_1015 = tpu.memref_squeeze %parallel_loop3A_1014 : memref<1x128x128xf32, #tpu.memory_space<vmem>> -> memref<128x128xf32, #tpu.memory_space<vmem>>
        %parallel_loop3A_1016 = arith.index_cast %parallel_loop3A_799 : i32 to index
        %parallel_loop3A_1017 = arith.constant 80 : index
        %parallel_loop3A_1018 = tpu.vector_load %parallel_loop3A_1015[%parallel_loop3A_1016, %parallel_loop3A_1017] {strides = array<i32>} : memref<128x128xf32, #tpu.memory_space<vmem>>, vector<1x16xf32>,
        %parallel_loop3A_1019 = vector.shape_cast %parallel_loop3A_1018 : vector<1x16xf32> to vector<16xf32>
        %parallel_loop3A_1020 = vector.shape_cast %parallel_loop3A_1010 : vector<16xf32> to vector<1x16xf32>
        tpu.vector_store %parallel_loop3A_1015[%parallel_loop3A_1016, %parallel_loop3A_1017], %parallel_loop3A_1020 {strides = array<i32>} : memref<128x128xf32, #tpu.memory_space<vmem>>, vector<1x16xf32>,
        %parallel_loop3A_1021 = arith.subf %parallel_loop3A_862, %parallel_loop3A_954 : vector<16xf32>
        %parallel_loop3A_1022 = arith.constant 3 : i32
        %parallel_loop3A_1023 = arith.constant 0 : i32
        %parallel_loop3A_1024 = arith.constant 0 : i32
        %parallel_loop3A_1025 = tpu.memref_slice %arg7[%parallel_loop3A_1022, %parallel_loop3A_1023, %parallel_loop3A_1024] : memref<5x128x128xf32, #tpu.memory_space<vmem>> -> memref<1x128x128xf32, #tpu.memory_space<vmem>>
        %parallel_loop3A_1026 = tpu.memref_squeeze %parallel_loop3A_1025 : memref<1x128x128xf32, #tpu.memory_space<vmem>> -> memref<128x128xf32, #tpu.memory_space<vmem>>
        %parallel_loop3A_1027 = arith.index_cast %parallel_loop3A_799 : i32 to index
        %parallel_loop3A_1028 = arith.constant 96 : index
        %parallel_loop3A_1029 = tpu.vector_load %parallel_loop3A_1026[%parallel_loop3A_1027, %parallel_loop3A_1028] {strides = array<i32>} : memref<128x128xf32, #tpu.memory_space<vmem>>, vector<1x16xf32>,
        %parallel_loop3A_1030 = vector.shape_cast %parallel_loop3A_1029 : vector<1x16xf32> to vector<16xf32>
        %parallel_loop3A_1031 = vector.shape_cast %parallel_loop3A_1021 : vector<16xf32> to vector<1x16xf32>
        tpu.vector_store %parallel_loop3A_1026[%parallel_loop3A_1027, %parallel_loop3A_1028], %parallel_loop3A_1031 {strides = array<i32>} : memref<128x128xf32, #tpu.memory_space<vmem>>, vector<1x16xf32>,
        %parallel_loop3A_1032 = arith.subf %parallel_loop3A_871, %parallel_loop3A_954 : vector<16xf32>
        %parallel_loop3A_1033 = arith.constant 3 : i32
        %parallel_loop3A_1034 = arith.constant 0 : i32
        %parallel_loop3A_1035 = arith.constant 0 : i32
        %parallel_loop3A_1036 = tpu.memref_slice %arg7[%parallel_loop3A_1033, %parallel_loop3A_1034, %parallel_loop3A_1035] : memref<5x128x128xf32, #tpu.memory_space<vmem>> -> memref<1x128x128xf32, #tpu.memory_space<vmem>>
        %parallel_loop3A_1037 = tpu.memref_squeeze %parallel_loop3A_1036 : memref<1x128x128xf32, #tpu.memory_space<vmem>> -> memref<128x128xf32, #tpu.memory_space<vmem>>
        %parallel_loop3A_1038 = arith.index_cast %parallel_loop3A_799 : i32 to index
        %parallel_loop3A_1039 = arith.constant 112 : index
        %parallel_loop3A_1040 = tpu.vector_load %parallel_loop3A_1037[%parallel_loop3A_1038, %parallel_loop3A_1039] {strides = array<i32>} : memref<128x128xf32, #tpu.memory_space<vmem>>, vector<1x16xf32>,
        %parallel_loop3A_1041 = vector.shape_cast %parallel_loop3A_1040 : vector<1x16xf32> to vector<16xf32>
        %parallel_loop3A_1042 = vector.shape_cast %parallel_loop3A_1032 : vector<16xf32> to vector<1x16xf32>
        tpu.vector_store %parallel_loop3A_1037[%parallel_loop3A_1038, %parallel_loop3A_1039], %parallel_loop3A_1042 {strides = array<i32>} : memref<128x128xf32, #tpu.memory_space<vmem>>, vector<1x16xf32>,
      } {sc.loop_unroll_factor = 5 : i64, sc.parallel_access}
      %mul3A_722 = arith.constant 4096 : i32
      %mul3A_723 = arith.muli %add3A_704, %mul3A_722 : i32
      %add3A_724 = arith.addi %mul3A_723, %mul3A_2 : i32
      %dma_start3A_725 = arith.constant 3 : i32
      %dma_start3A_726 = arith.constant 3 : i32
      %dma_start3A_727 = arith.constant 0 : i32
      %dma_start3A_728 = arith.constant 0 : i32
      %dma_start3A_729 = tpu.memref_slice %arg7[%dma_start3A_725, %dma_start3A_727, %dma_start3A_728] : memref<5x128x128xf32, #tpu.memory_space<vmem>> -> memref<1x128x128xf32, #tpu.memory_space<vmem>>
      %dma_start3A_730 = tpu.memref_squeeze %dma_start3A_729 : memref<1x128x128xf32, #tpu.memory_space<vmem>> -> memref<128x128xf32, #tpu.memory_space<vmem>>
      %dma_start3A_731 = arith.constant 0 : i32
      %dma_start3A_732 = tpu.memref_slice %arg4[%add3A_724, %dma_start3A_731] : memref<204800x128xf32, #tpu.memory_space<hbm>> -> memref<128x128xf32, #tpu.memory_space<hbm>>
      %dma_start3A_733 = tpu.memref_slice %arg9[%dma_start3A_726] : memref<5x!tpu.dma_semaphore, #tpu.memory_space<semaphore_mem>> -> memref<1x!tpu.dma_semaphore, #tpu.memory_space<semaphore_mem>>
      %dma_start3A_734 = tpu.memref_squeeze %dma_start3A_733 : memref<1x!tpu.dma_semaphore, #tpu.memory_space<semaphore_mem>> -> memref<!tpu.dma_semaphore, #tpu.memory_space<semaphore_mem>>
      %dma_start3A_735 = arith.constant 0 : i32
      %dma_start3A_736 = tpu.memref_slice %arg4[%add3A_724, %dma_start3A_735] : memref<204800x128xf32, #tpu.memory_space<hbm>> -> memref<128x128xf32, #tpu.memory_space<hbm>>
      %dma_start3A_737 = arith.constant 0 : i32
      %dma_start3A_738 = arith.constant 0 : i32
      %dma_start3A_739 = tpu.memref_slice %arg7[%dma_start3A_725, %dma_start3A_737, %dma_start3A_738] : memref<5x128x128xf32, #tpu.memory_space<vmem>> -> memref<1x128x128xf32, #tpu.memory_space<vmem>>
      %dma_start3A_740 = tpu.memref_squeeze %dma_start3A_739 : memref<1x128x128xf32, #tpu.memory_space<vmem>> -> memref<128x128xf32, #tpu.memory_space<vmem>>
      tpu.enqueue_dma source(%dma_start3A_740 : memref<128x128xf32, #tpu.memory_space<vmem>>) target(%dma_start3A_736 : memref<128x128xf32, #tpu.memory_space<hbm>>) target_semaphore(%dma_start3A_734 : memref<!tpu.dma_semaphore, #tpu.memory_space<semaphore_mem>>)
      %add3A_741 = arith.constant 5 : i32
      %add3A_742 = arith.addi %add3A_704, %add3A_741 : i32
      %sub3A_743 = arith.constant 1 : i32
      %sub3A_744 = arith.subi %add3A_742, %sub3A_743 : i32
      %lt3A_745 = arith.constant 50 : i32
      %lt3A_746 = arith.cmpi slt, %sub3A_744, %lt3A_745 : i32
      %convert_element_type3A_747 = arith.extui %lt3A_746 : i1 to i32
      %cond3A_748 = arith.constant 0 : i32
      %cond3A_749 = arith.cmpi ne, %convert_element_type3A_747, %cond3A_748 : i32
      scf.if %cond3A_749 {
        %ge3A = arith.constant 1 : i32
        %ge3A_799 = arith.cmpi sge, %add3A_704, %ge3A : i32
        %convert_element_type3A_800 = arith.extui %ge3A_799 : i1 to i32
        %cond3A_801 = arith.constant 0 : i32
        %cond3A_802 = arith.cmpi ne, %convert_element_type3A_800, %cond3A_801 : i32
        scf.if %cond3A_802 {
          %sub3A_821 = arith.constant 1 : i32
          %sub3A_822 = arith.subi %add3A_704, %sub3A_821 : i32
          %mul3A_823 = arith.constant 4096 : i32
          %mul3A_824 = arith.muli %sub3A_822, %mul3A_823 : i32
          %add3A_825 = arith.addi %mul3A_824, %mul3A_2 : i32
          %dma_wait3A_826 = arith.constant 2 : i32
          %dma_wait3A_827 = arith.constant 2 : i32
          %dma_wait3A_828 = arith.constant 0 : i32
          %dma_wait3A_829 = arith.constant 0 : i32
          %dma_wait3A_830 = tpu.memref_slice %arg7[%dma_wait3A_826, %dma_wait3A_828, %dma_wait3A_829] : memref<5x128x128xf32, #tpu.memory_space<vmem>> -> memref<1x128x128xf32, #tpu.memory_space<vmem>>
          %dma_wait3A_831 = tpu.memref_squeeze %dma_wait3A_830 : memref<1x128x128xf32, #tpu.memory_space<vmem>> -> memref<128x128xf32, #tpu.memory_space<vmem>>
          %dma_wait3A_832 = arith.constant 0 : i32
          %dma_wait3A_833 = tpu.memref_slice %arg4[%add3A_825, %dma_wait3A_832] : memref<204800x128xf32, #tpu.memory_space<hbm>> -> memref<128x128xf32, #tpu.memory_space<hbm>>
          %dma_wait3A_834 = tpu.memref_slice %arg9[%dma_wait3A_827] : memref<5x!tpu.dma_semaphore, #tpu.memory_space<semaphore_mem>> -> memref<1x!tpu.dma_semaphore, #tpu.memory_space<semaphore_mem>>
          %dma_wait3A_835 = tpu.memref_squeeze %dma_wait3A_834 : memref<1x!tpu.dma_semaphore, #tpu.memory_space<semaphore_mem>> -> memref<!tpu.dma_semaphore, #tpu.memory_space<semaphore_mem>>
          %dma_wait3A_836 = arith.constant 0 : i32
          %dma_wait3A_837 = tpu.memref_slice %arg4[%add3A_825, %dma_wait3A_836] : memref<204800x128xf32, #tpu.memory_space<hbm>> -> memref<128x128xf32, #tpu.memory_space<hbm>>
          %dma_wait3A_838 = arith.constant 0 : i32
          %dma_wait3A_839 = arith.constant 0 : i32
          %dma_wait3A_840 = tpu.memref_slice %arg7[%dma_wait3A_826, %dma_wait3A_838, %dma_wait3A_839] : memref<5x128x128xf32, #tpu.memory_space<vmem>> -> memref<1x128x128xf32, #tpu.memory_space<vmem>>
          %dma_wait3A_841 = tpu.memref_squeeze %dma_wait3A_840 : memref<1x128x128xf32, #tpu.memory_space<vmem>> -> memref<128x128xf32, #tpu.memory_space<vmem>>
          tpu.wait_dma2 semaphore(%dma_wait3A_835 : memref<!tpu.dma_semaphore, #tpu.memory_space<semaphore_mem>>) src(%dma_wait3A_841 : memref<128x128xf32, #tpu.memory_space<vmem>>) dst(%dma_wait3A_837 : memref<128x128xf32, #tpu.memory_space<hbm>>)
        } else {
        }
        %add3A_803 = arith.constant 5 : i32
        %add3A_804 = arith.addi %add3A_704, %add3A_803 : i32
        %sub3A_805 = arith.constant 1 : i32
        %sub3A_806 = arith.subi %add3A_804, %sub3A_805 : i32
        %dma_start3A_807 = arith.constant 2 : i32
        %dma_start3A_808 = arith.constant 2 : i32
        %dma_start3A_809 = arith.constant 0 : i32
        %dma_start3A_810 = arith.constant 0 : i32
        %dma_start3A_811 = tpu.memref_slice %arg7[%dma_start3A_807, %dma_start3A_809, %dma_start3A_810] : memref<5x128x128xf32, #tpu.memory_space<vmem>> -> memref<1x128x128xf32, #tpu.memory_space<vmem>>
        %dma_start3A_812 = tpu.memref_squeeze %dma_start3A_811 : memref<1x128x128xf32, #tpu.memory_space<vmem>> -> memref<128x128xf32, #tpu.memory_space<vmem>>
        %dma_start3A_813 = arith.constant 0 : i32
        %dma_start3A_814 = tpu.memref_slice %arg6[%sub3A_806, %dma_start3A_813] : memref<50x128xi32, #tpu.memory_space<vmem>> -> memref<1x128xi32, #tpu.memory_space<vmem>>
        %dma_start3A_815 = tpu.memref_squeeze %dma_start3A_814 : memref<1x128xi32, #tpu.memory_space<vmem>> -> memref<128xi32, #tpu.memory_space<vmem>>
        %dma_start3A_816 = arith.constant 0 : i32
        %dma_start3A_817 = arith.constant 0 : i32
        %dma_start3A_818 = tpu.memref_slice %arg2[%dma_start3A_816, %dma_start3A_817] : memref<500000x128xf32, #tpu.memory_space<hbm>> -> memref<500000x128xf32, #tpu.memory_space<hbm>>
        %dma_start3A_819 = tpu.memref_slice %arg8[%dma_start3A_808] : memref<5x!tpu.dma_semaphore, #tpu.memory_space<semaphore_mem>> -> memref<1x!tpu.dma_semaphore, #tpu.memory_space<semaphore_mem>>
        %dma_start3A_820 = tpu.memref_squeeze %dma_start3A_819 : memref<1x!tpu.dma_semaphore, #tpu.memory_space<semaphore_mem>> -> memref<!tpu.dma_semaphore, #tpu.memory_space<semaphore_mem>>
        tpu.enqueue_indirect_dma source(%dma_start3A_818 : memref<500000x128xf32, #tpu.memory_space<hbm>>) target(%dma_start3A_812 : memref<128x128xf32, #tpu.memory_space<vmem>>) offsets(%dma_start3A_815 : memref<128xi32, #tpu.memory_space<vmem>>) semaphore(%dma_start3A_820 : memref<!tpu.dma_semaphore, #tpu.memory_space<semaphore_mem>>)
      } else {
      }
      %mul3A_750 = arith.constant 5 : i32
      %mul3A_751 = arith.muli %mul3A_750, %scan3A_558 : i32
      %add3A_752 = arith.constant 4 : i32
      %add3A_753 = arith.addi %mul3A_751, %add3A_752 : i32
      %dma_wait3A_754 = arith.constant 4 : i32
      %dma_wait3A_755 = arith.constant 4 : i32
      %dma_wait3A_756 = arith.constant 0 : i32
      %dma_wait3A_757 = arith.constant 0 : i32
      %dma_wait3A_758 = tpu.memref_slice %arg7[%dma_wait3A_754, %dma_wait3A_756, %dma_wait3A_757] : memref<5x128x128xf32, #tpu.memory_space<vmem>> -> memref<1x128x128xf32, #tpu.memory_space<vmem>>
      %dma_wait3A_759 = tpu.memref_squeeze %dma_wait3A_758 : memref<1x128x128xf32, #tpu.memory_space<vmem>> -> memref<128x128xf32, #tpu.memory_space<vmem>>
      %dma_wait3A_760 = arith.constant 0 : i32
      %dma_wait3A_761 = tpu.memref_slice %arg6[%add3A_753, %dma_wait3A_760] : memref<50x128xi32, #tpu.memory_space<vmem>> -> memref<1x128xi32, #tpu.memory_space<vmem>>
      %dma_wait3A_762 = tpu.memref_squeeze %dma_wait3A_761 : memref<1x128xi32, #tpu.memory_space<vmem>> -> memref<128xi32, #tpu.memory_space<vmem>>
      %dma_wait3A_763 = arith.constant 0 : i32
      %dma_wait3A_764 = arith.constant 0 : i32
      %dma_wait3A_765 = tpu.memref_slice %arg2[%dma_wait3A_763, %dma_wait3A_764] : memref<500000x128xf32, #tpu.memory_space<hbm>> -> memref<500000x128xf32, #tpu.memory_space<hbm>>
      %dma_wait3A_766 = tpu.memref_slice %arg8[%dma_wait3A_755] : memref<5x!tpu.dma_semaphore, #tpu.memory_space<semaphore_mem>> -> memref<1x!tpu.dma_semaphore, #tpu.memory_space<semaphore_mem>>
      %dma_wait3A_767 = tpu.memref_squeeze %dma_wait3A_766 : memref<1x!tpu.dma_semaphore, #tpu.memory_space<semaphore_mem>> -> memref<!tpu.dma_semaphore, #tpu.memory_space<semaphore_mem>>
      tpu.wait_indirect_dma semaphore(%dma_wait3A_767 : memref<!tpu.dma_semaphore, #tpu.memory_space<semaphore_mem>>) src(%dma_wait3A_765 : memref<500000x128xf32, #tpu.memory_space<hbm>>) dst(%dma_wait3A_759 : memref<128x128xf32, #tpu.memory_space<vmem>>)
      %parallel_loop3A_768 = arith.constant 0 : i32
      %parallel_loop3A_769 = arith.constant 128 : i32
      %parallel_loop3A_770 = arith.constant 1 : i32
      scf.for %parallel_loop3A_799 = %parallel_loop3A_768 to %parallel_loop3A_769 step %parallel_loop3A_770  : i32 {
        %parallel_loop3A_800 = arith.constant 4 : i32
        %parallel_loop3A_801 = arith.constant 0 : i32
        %parallel_loop3A_802 = arith.constant 0 : i32
        %parallel_loop3A_803 = tpu.memref_slice %arg7[%parallel_loop3A_800, %parallel_loop3A_801, %parallel_loop3A_802] : memref<5x128x128xf32, #tpu.memory_space<vmem>> -> memref<1x128x128xf32, #tpu.memory_space<vmem>>
        %parallel_loop3A_804 = tpu.memref_squeeze %parallel_loop3A_803 : memref<1x128x128xf32, #tpu.memory_space<vmem>> -> memref<128x128xf32, #tpu.memory_space<vmem>>
        %parallel_loop3A_805 = arith.index_cast %parallel_loop3A_799 : i32 to index
        %parallel_loop3A_806 = arith.constant 0 : index
        %parallel_loop3A_807 = tpu.vector_load %parallel_loop3A_804[%parallel_loop3A_805, %parallel_loop3A_806] {strides = array<i32>} : memref<128x128xf32, #tpu.memory_space<vmem>>, vector<1x16xf32>,
        %parallel_loop3A_808 = vector.shape_cast %parallel_loop3A_807 : vector<1x16xf32> to vector<16xf32>
        %parallel_loop3A_809 = arith.constant 4 : i32
        %parallel_loop3A_810 = arith.constant 0 : i32
        %parallel_loop3A_811 = arith.constant 0 : i32
        %parallel_loop3A_812 = tpu.memref_slice %arg7[%parallel_loop3A_809, %parallel_loop3A_810, %parallel_loop3A_811] : memref<5x128x128xf32, #tpu.memory_space<vmem>> -> memref<1x128x128xf32, #tpu.memory_space<vmem>>
        %parallel_loop3A_813 = tpu.memref_squeeze %parallel_loop3A_812 : memref<1x128x128xf32, #tpu.memory_space<vmem>> -> memref<128x128xf32, #tpu.memory_space<vmem>>
        %parallel_loop3A_814 = arith.index_cast %parallel_loop3A_799 : i32 to index
        %parallel_loop3A_815 = arith.constant 16 : index
        %parallel_loop3A_816 = tpu.vector_load %parallel_loop3A_813[%parallel_loop3A_814, %parallel_loop3A_815] {strides = array<i32>} : memref<128x128xf32, #tpu.memory_space<vmem>>, vector<1x16xf32>,
        %parallel_loop3A_817 = vector.shape_cast %parallel_loop3A_816 : vector<1x16xf32> to vector<16xf32>
        %parallel_loop3A_818 = arith.constant 4 : i32
        %parallel_loop3A_819 = arith.constant 0 : i32
        %parallel_loop3A_820 = arith.constant 0 : i32
        %parallel_loop3A_821 = tpu.memref_slice %arg7[%parallel_loop3A_818, %parallel_loop3A_819, %parallel_loop3A_820] : memref<5x128x128xf32, #tpu.memory_space<vmem>> -> memref<1x128x128xf32, #tpu.memory_space<vmem>>
        %parallel_loop3A_822 = tpu.memref_squeeze %parallel_loop3A_821 : memref<1x128x128xf32, #tpu.memory_space<vmem>> -> memref<128x128xf32, #tpu.memory_space<vmem>>
        %parallel_loop3A_823 = arith.index_cast %parallel_loop3A_799 : i32 to index
        %parallel_loop3A_824 = arith.constant 32 : index
        %parallel_loop3A_825 = tpu.vector_load %parallel_loop3A_822[%parallel_loop3A_823, %parallel_loop3A_824] {strides = array<i32>} : memref<128x128xf32, #tpu.memory_space<vmem>>, vector<1x16xf32>,
        %parallel_loop3A_826 = vector.shape_cast %parallel_loop3A_825 : vector<1x16xf32> to vector<16xf32>
        %parallel_loop3A_827 = arith.constant 4 : i32
        %parallel_loop3A_828 = arith.constant 0 : i32
        %parallel_loop3A_829 = arith.constant 0 : i32
        %parallel_loop3A_830 = tpu.memref_slice %arg7[%parallel_loop3A_827, %parallel_loop3A_828, %parallel_loop3A_829] : memref<5x128x128xf32, #tpu.memory_space<vmem>> -> memref<1x128x128xf32, #tpu.memory_space<vmem>>
        %parallel_loop3A_831 = tpu.memref_squeeze %parallel_loop3A_830 : memref<1x128x128xf32, #tpu.memory_space<vmem>> -> memref<128x128xf32, #tpu.memory_space<vmem>>
        %parallel_loop3A_832 = arith.index_cast %parallel_loop3A_799 : i32 to index
        %parallel_loop3A_833 = arith.constant 48 : index
        %parallel_loop3A_834 = tpu.vector_load %parallel_loop3A_831[%parallel_loop3A_832, %parallel_loop3A_833] {strides = array<i32>} : memref<128x128xf32, #tpu.memory_space<vmem>>, vector<1x16xf32>,
        %parallel_loop3A_835 = vector.shape_cast %parallel_loop3A_834 : vector<1x16xf32> to vector<16xf32>
        %parallel_loop3A_836 = arith.constant 4 : i32
        %parallel_loop3A_837 = arith.constant 0 : i32
        %parallel_loop3A_838 = arith.constant 0 : i32
        %parallel_loop3A_839 = tpu.memref_slice %arg7[%parallel_loop3A_836, %parallel_loop3A_837, %parallel_loop3A_838] : memref<5x128x128xf32, #tpu.memory_space<vmem>> -> memref<1x128x128xf32, #tpu.memory_space<vmem>>
        %parallel_loop3A_840 = tpu.memref_squeeze %parallel_loop3A_839 : memref<1x128x128xf32, #tpu.memory_space<vmem>> -> memref<128x128xf32, #tpu.memory_space<vmem>>
        %parallel_loop3A_841 = arith.index_cast %parallel_loop3A_799 : i32 to index
        %parallel_loop3A_842 = arith.constant 64 : index
        %parallel_loop3A_843 = tpu.vector_load %parallel_loop3A_840[%parallel_loop3A_841, %parallel_loop3A_842] {strides = array<i32>} : memref<128x128xf32, #tpu.memory_space<vmem>>, vector<1x16xf32>,
        %parallel_loop3A_844 = vector.shape_cast %parallel_loop3A_843 : vector<1x16xf32> to vector<16xf32>
        %parallel_loop3A_845 = arith.constant 4 : i32
        %parallel_loop3A_846 = arith.constant 0 : i32
        %parallel_loop3A_847 = arith.constant 0 : i32
        %parallel_loop3A_848 = tpu.memref_slice %arg7[%parallel_loop3A_845, %parallel_loop3A_846, %parallel_loop3A_847] : memref<5x128x128xf32, #tpu.memory_space<vmem>> -> memref<1x128x128xf32, #tpu.memory_space<vmem>>
        %parallel_loop3A_849 = tpu.memref_squeeze %parallel_loop3A_848 : memref<1x128x128xf32, #tpu.memory_space<vmem>> -> memref<128x128xf32, #tpu.memory_space<vmem>>
        %parallel_loop3A_850 = arith.index_cast %parallel_loop3A_799 : i32 to index
        %parallel_loop3A_851 = arith.constant 80 : index
        %parallel_loop3A_852 = tpu.vector_load %parallel_loop3A_849[%parallel_loop3A_850, %parallel_loop3A_851] {strides = array<i32>} : memref<128x128xf32, #tpu.memory_space<vmem>>, vector<1x16xf32>,
        %parallel_loop3A_853 = vector.shape_cast %parallel_loop3A_852 : vector<1x16xf32> to vector<16xf32>
        %parallel_loop3A_854 = arith.constant 4 : i32
        %parallel_loop3A_855 = arith.constant 0 : i32
        %parallel_loop3A_856 = arith.constant 0 : i32
        %parallel_loop3A_857 = tpu.memref_slice %arg7[%parallel_loop3A_854, %parallel_loop3A_855, %parallel_loop3A_856] : memref<5x128x128xf32, #tpu.memory_space<vmem>> -> memref<1x128x128xf32, #tpu.memory_space<vmem>>
        %parallel_loop3A_858 = tpu.memref_squeeze %parallel_loop3A_857 : memref<1x128x128xf32, #tpu.memory_space<vmem>> -> memref<128x128xf32, #tpu.memory_space<vmem>>
        %parallel_loop3A_859 = arith.index_cast %parallel_loop3A_799 : i32 to index
        %parallel_loop3A_860 = arith.constant 96 : index
        %parallel_loop3A_861 = tpu.vector_load %parallel_loop3A_858[%parallel_loop3A_859, %parallel_loop3A_860] {strides = array<i32>} : memref<128x128xf32, #tpu.memory_space<vmem>>, vector<1x16xf32>,
        %parallel_loop3A_862 = vector.shape_cast %parallel_loop3A_861 : vector<1x16xf32> to vector<16xf32>
        %parallel_loop3A_863 = arith.constant 4 : i32
        %parallel_loop3A_864 = arith.constant 0 : i32
        %parallel_loop3A_865 = arith.constant 0 : i32
        %parallel_loop3A_866 = tpu.memref_slice %arg7[%parallel_loop3A_863, %parallel_loop3A_864, %parallel_loop3A_865] : memref<5x128x128xf32, #tpu.memory_space<vmem>> -> memref<1x128x128xf32, #tpu.memory_space<vmem>>
        %parallel_loop3A_867 = tpu.memref_squeeze %parallel_loop3A_866 : memref<1x128x128xf32, #tpu.memory_space<vmem>> -> memref<128x128xf32, #tpu.memory_space<vmem>>
        %parallel_loop3A_868 = arith.index_cast %parallel_loop3A_799 : i32 to index
        %parallel_loop3A_869 = arith.constant 112 : index
        %parallel_loop3A_870 = tpu.vector_load %parallel_loop3A_867[%parallel_loop3A_868, %parallel_loop3A_869] {strides = array<i32>} : memref<128x128xf32, #tpu.memory_space<vmem>>, vector<1x16xf32>,
        %parallel_loop3A_871 = vector.shape_cast %parallel_loop3A_870 : vector<1x16xf32> to vector<16xf32>
        %parallel_loop3A_872 = math.exp %parallel_loop3A_808 : vector<16xf32>
        %parallel_loop3A_873 = math.exp %parallel_loop3A_817 : vector<16xf32>
        %parallel_loop3A_874 = math.exp %parallel_loop3A_826 : vector<16xf32>
        %parallel_loop3A_875 = math.exp %parallel_loop3A_835 : vector<16xf32>
        %parallel_loop3A_876 = math.exp %parallel_loop3A_844 : vector<16xf32>
        %parallel_loop3A_877 = math.exp %parallel_loop3A_853 : vector<16xf32>
        %parallel_loop3A_878 = math.exp %parallel_loop3A_862 : vector<16xf32>
        %parallel_loop3A_879 = math.exp %parallel_loop3A_871 : vector<16xf32>
        %parallel_loop3A_880 = arith.addf %parallel_loop3A_872, %parallel_loop3A_873 : vector<16xf32>
        %parallel_loop3A_881 = arith.addf %parallel_loop3A_874, %parallel_loop3A_875 : vector<16xf32>
        %parallel_loop3A_882 = arith.addf %parallel_loop3A_880, %parallel_loop3A_881 : vector<16xf32>
        %parallel_loop3A_883 = arith.addf %parallel_loop3A_876, %parallel_loop3A_877 : vector<16xf32>
        %parallel_loop3A_884 = arith.addf %parallel_loop3A_878, %parallel_loop3A_879 : vector<16xf32>
        %parallel_loop3A_885 = arith.addf %parallel_loop3A_883, %parallel_loop3A_884 : vector<16xf32>
        %parallel_loop3A_886 = arith.addf %parallel_loop3A_882, %parallel_loop3A_885 : vector<16xf32>
        %parallel_loop3A_887 = vector.shape_cast %xor3A_4 : vector<16xi32> to vector<16x1xi32>
        %parallel_loop3A_888 = vector.shape_cast %parallel_loop3A_887 : vector<16x1xi32> to vector<16xi32>
        %parallel_loop3A_889 = tpu.dynamic_gather %parallel_loop3A_886[%parallel_loop3A_888] in [0] : vector<16xf32>, vector<16xi32> -> vector<16xf32>
        %parallel_loop3A_890 = arith.addf %parallel_loop3A_886, %parallel_loop3A_889 : vector<16xf32>
        %parallel_loop3A_891 = vector.shape_cast %xor3A_8 : vector<16xi32> to vector<16x1xi32>
        %parallel_loop3A_892 = vector.shape_cast %parallel_loop3A_891 : vector<16x1xi32> to vector<16xi32>
        %parallel_loop3A_893 = tpu.dynamic_gather %parallel_loop3A_890[%parallel_loop3A_892] in [0] : vector<16xf32>, vector<16xi32> -> vector<16xf32>
        %parallel_loop3A_894 = arith.addf %parallel_loop3A_890, %parallel_loop3A_893 : vector<16xf32>
        %parallel_loop3A_895 = vector.shape_cast %xor3A_12 : vector<16xi32> to vector<16x1xi32>
        %parallel_loop3A_896 = vector.shape_cast %parallel_loop3A_895 : vector<16x1xi32> to vector<16xi32>
        %parallel_loop3A_897 = tpu.dynamic_gather %parallel_loop3A_894[%parallel_loop3A_896] in [0] : vector<16xf32>, vector<16xi32> -> vector<16xf32>
        %parallel_loop3A_898 = arith.addf %parallel_loop3A_894, %parallel_loop3A_897 : vector<16xf32>
        %parallel_loop3A_899 = vector.shape_cast %xor3A_16 : vector<16xi32> to vector<16x1xi32>
        %parallel_loop3A_900 = vector.shape_cast %parallel_loop3A_899 : vector<16x1xi32> to vector<16xi32>
        %parallel_loop3A_901 = tpu.dynamic_gather %parallel_loop3A_898[%parallel_loop3A_900] in [0] : vector<16xf32>, vector<16xi32> -> vector<16xf32>
        %parallel_loop3A_902 = arith.addf %parallel_loop3A_898, %parallel_loop3A_901 : vector<16xf32>
        %parallel_loop3A_903 = tpu.bitcast %parallel_loop3A_902 : vector<16xf32> -> vector<16xi32>
        %parallel_loop3A_904 = arith.constant 23 : i32
        %parallel_loop3A_905 = vector.broadcast %parallel_loop3A_904 : i32 to vector<16xi32>
        %parallel_loop3A_906 = arith.shrui %parallel_loop3A_903, %parallel_loop3A_905 : vector<16xi32>
        %parallel_loop3A_907 = arith.constant 127 : i32
        %parallel_loop3A_908 = vector.broadcast %parallel_loop3A_907 : i32 to vector<16xi32>
        %parallel_loop3A_909 = arith.subi %parallel_loop3A_906, %parallel_loop3A_908 : vector<16xi32>
        %parallel_loop3A_910 = arith.constant 8388607 : i32
        %parallel_loop3A_911 = vector.broadcast %parallel_loop3A_910 : i32 to vector<16xi32>
        %parallel_loop3A_912 = arith.andi %parallel_loop3A_903, %parallel_loop3A_911 : vector<16xi32>
        %parallel_loop3A_913 = arith.constant 1065353216 : i32
        %parallel_loop3A_914 = vector.broadcast %parallel_loop3A_913 : i32 to vector<16xi32>
        %parallel_loop3A_915 = arith.ori %parallel_loop3A_912, %parallel_loop3A_914 : vector<16xi32>
        %parallel_loop3A_916 = tpu.bitcast %parallel_loop3A_915 : vector<16xi32> -> vector<16xf32>
        %parallel_loop3A_917 = arith.constant 1.41421354 : f32
        %parallel_loop3A_918 = vector.broadcast %parallel_loop3A_917 : f32 to vector<16xf32>
        %parallel_loop3A_919 = arith.cmpf ogt, %parallel_loop3A_916, %parallel_loop3A_918 : vector<16xf32>
        %parallel_loop3A_920 = arith.constant 5.000000e-01 : f32
        %parallel_loop3A_921 = vector.broadcast %parallel_loop3A_920 : f32 to vector<16xf32>
        %parallel_loop3A_922 = arith.mulf %parallel_loop3A_916, %parallel_loop3A_921 : vector<16xf32>
        %parallel_loop3A_923 = arith.select %parallel_loop3A_919, %parallel_loop3A_922, %parallel_loop3A_916 : vector<16xi1>, vector<16xf32>
        %parallel_loop3A_924 = arith.constant 1 : i32
        %parallel_loop3A_925 = vector.broadcast %parallel_loop3A_924 : i32 to vector<16xi32>
        %parallel_loop3A_926 = arith.addi %parallel_loop3A_909, %parallel_loop3A_925 : vector<16xi32>
        %parallel_loop3A_927 = arith.select %parallel_loop3A_919, %parallel_loop3A_926, %parallel_loop3A_909 : vector<16xi1>, vector<16xi32>
        %parallel_loop3A_928 = arith.constant 1.000000e+00 : f32
        %parallel_loop3A_929 = vector.broadcast %parallel_loop3A_928 : f32 to vector<16xf32>
        %parallel_loop3A_930 = arith.subf %parallel_loop3A_923, %parallel_loop3A_929 : vector<16xf32>
        %parallel_loop3A_931 = arith.constant 1.000000e+00 : f32
        %parallel_loop3A_932 = vector.broadcast %parallel_loop3A_931 : f32 to vector<16xf32>
        %parallel_loop3A_933 = arith.addf %parallel_loop3A_923, %parallel_loop3A_932 : vector<16xf32>
        %parallel_loop3A_934 = arith.divf %parallel_loop3A_930, %parallel_loop3A_933 : vector<16xf32>
        %parallel_loop3A_935 = arith.mulf %parallel_loop3A_934, %parallel_loop3A_934 : vector<16xf32>
        %parallel_loop3A_936 = arith.constant 2.000000e-01 : f32
        %parallel_loop3A_937 = vector.broadcast %parallel_loop3A_936 : f32 to vector<16xf32>
        %parallel_loop3A_938 = arith.mulf %parallel_loop3A_935, %parallel_loop3A_937 : vector<16xf32>
        %parallel_loop3A_939 = arith.constant 0.333333343 : f32
        %parallel_loop3A_940 = vector.broadcast %parallel_loop3A_939 : f32 to vector<16xf32>
        %parallel_loop3A_941 = arith.addf %parallel_loop3A_940, %parallel_loop3A_938 : vector<16xf32>
        %parallel_loop3A_942 = arith.mulf %parallel_loop3A_935, %parallel_loop3A_941 : vector<16xf32>
        %parallel_loop3A_943 = arith.constant 1.000000e+00 : f32
        %parallel_loop3A_944 = vector.broadcast %parallel_loop3A_943 : f32 to vector<16xf32>
        %parallel_loop3A_945 = arith.addf %parallel_loop3A_944, %parallel_loop3A_942 : vector<16xf32>
        %parallel_loop3A_946 = arith.sitofp %parallel_loop3A_927 : vector<16xi32> to vector<16xf32>
        %parallel_loop3A_947 = arith.constant 0.693147182 : f32
        %parallel_loop3A_948 = vector.broadcast %parallel_loop3A_947 : f32 to vector<16xf32>
        %parallel_loop3A_949 = arith.mulf %parallel_loop3A_946, %parallel_loop3A_948 : vector<16xf32>
        %parallel_loop3A_950 = arith.constant 2.000000e+00 : f32
        %parallel_loop3A_951 = vector.broadcast %parallel_loop3A_950 : f32 to vector<16xf32>
        %parallel_loop3A_952 = arith.mulf %parallel_loop3A_951, %parallel_loop3A_934 : vector<16xf32>
        %parallel_loop3A_953 = arith.mulf %parallel_loop3A_952, %parallel_loop3A_945 : vector<16xf32>
        %parallel_loop3A_954 = arith.addf %parallel_loop3A_949, %parallel_loop3A_953 : vector<16xf32>
        %parallel_loop3A_955 = arith.subf %parallel_loop3A_808, %parallel_loop3A_954 : vector<16xf32>
        %parallel_loop3A_956 = arith.constant 4 : i32
        %parallel_loop3A_957 = arith.constant 0 : i32
        %parallel_loop3A_958 = arith.constant 0 : i32
        %parallel_loop3A_959 = tpu.memref_slice %arg7[%parallel_loop3A_956, %parallel_loop3A_957, %parallel_loop3A_958] : memref<5x128x128xf32, #tpu.memory_space<vmem>> -> memref<1x128x128xf32, #tpu.memory_space<vmem>>
        %parallel_loop3A_960 = tpu.memref_squeeze %parallel_loop3A_959 : memref<1x128x128xf32, #tpu.memory_space<vmem>> -> memref<128x128xf32, #tpu.memory_space<vmem>>
        %parallel_loop3A_961 = arith.index_cast %parallel_loop3A_799 : i32 to index
        %parallel_loop3A_962 = arith.constant 0 : index
        %parallel_loop3A_963 = tpu.vector_load %parallel_loop3A_960[%parallel_loop3A_961, %parallel_loop3A_962] {strides = array<i32>} : memref<128x128xf32, #tpu.memory_space<vmem>>, vector<1x16xf32>,
        %parallel_loop3A_964 = vector.shape_cast %parallel_loop3A_963 : vector<1x16xf32> to vector<16xf32>
        %parallel_loop3A_965 = vector.shape_cast %parallel_loop3A_955 : vector<16xf32> to vector<1x16xf32>
        tpu.vector_store %parallel_loop3A_960[%parallel_loop3A_961, %parallel_loop3A_962], %parallel_loop3A_965 {strides = array<i32>} : memref<128x128xf32, #tpu.memory_space<vmem>>, vector<1x16xf32>,
        %parallel_loop3A_966 = arith.subf %parallel_loop3A_817, %parallel_loop3A_954 : vector<16xf32>
        %parallel_loop3A_967 = arith.constant 4 : i32
        %parallel_loop3A_968 = arith.constant 0 : i32
        %parallel_loop3A_969 = arith.constant 0 : i32
        %parallel_loop3A_970 = tpu.memref_slice %arg7[%parallel_loop3A_967, %parallel_loop3A_968, %parallel_loop3A_969] : memref<5x128x128xf32, #tpu.memory_space<vmem>> -> memref<1x128x128xf32, #tpu.memory_space<vmem>>
        %parallel_loop3A_971 = tpu.memref_squeeze %parallel_loop3A_970 : memref<1x128x128xf32, #tpu.memory_space<vmem>> -> memref<128x128xf32, #tpu.memory_space<vmem>>
        %parallel_loop3A_972 = arith.index_cast %parallel_loop3A_799 : i32 to index
        %parallel_loop3A_973 = arith.constant 16 : index
        %parallel_loop3A_974 = tpu.vector_load %parallel_loop3A_971[%parallel_loop3A_972, %parallel_loop3A_973] {strides = array<i32>} : memref<128x128xf32, #tpu.memory_space<vmem>>, vector<1x16xf32>,
        %parallel_loop3A_975 = vector.shape_cast %parallel_loop3A_974 : vector<1x16xf32> to vector<16xf32>
        %parallel_loop3A_976 = vector.shape_cast %parallel_loop3A_966 : vector<16xf32> to vector<1x16xf32>
        tpu.vector_store %parallel_loop3A_971[%parallel_loop3A_972, %parallel_loop3A_973], %parallel_loop3A_976 {strides = array<i32>} : memref<128x128xf32, #tpu.memory_space<vmem>>, vector<1x16xf32>,
        %parallel_loop3A_977 = arith.subf %parallel_loop3A_826, %parallel_loop3A_954 : vector<16xf32>
        %parallel_loop3A_978 = arith.constant 4 : i32
        %parallel_loop3A_979 = arith.constant 0 : i32
        %parallel_loop3A_980 = arith.constant 0 : i32
        %parallel_loop3A_981 = tpu.memref_slice %arg7[%parallel_loop3A_978, %parallel_loop3A_979, %parallel_loop3A_980] : memref<5x128x128xf32, #tpu.memory_space<vmem>> -> memref<1x128x128xf32, #tpu.memory_space<vmem>>
        %parallel_loop3A_982 = tpu.memref_squeeze %parallel_loop3A_981 : memref<1x128x128xf32, #tpu.memory_space<vmem>> -> memref<128x128xf32, #tpu.memory_space<vmem>>
        %parallel_loop3A_983 = arith.index_cast %parallel_loop3A_799 : i32 to index
        %parallel_loop3A_984 = arith.constant 32 : index
        %parallel_loop3A_985 = tpu.vector_load %parallel_loop3A_982[%parallel_loop3A_983, %parallel_loop3A_984] {strides = array<i32>} : memref<128x128xf32, #tpu.memory_space<vmem>>, vector<1x16xf32>,
        %parallel_loop3A_986 = vector.shape_cast %parallel_loop3A_985 : vector<1x16xf32> to vector<16xf32>
        %parallel_loop3A_987 = vector.shape_cast %parallel_loop3A_977 : vector<16xf32> to vector<1x16xf32>
        tpu.vector_store %parallel_loop3A_982[%parallel_loop3A_983, %parallel_loop3A_984], %parallel_loop3A_987 {strides = array<i32>} : memref<128x128xf32, #tpu.memory_space<vmem>>, vector<1x16xf32>,
        %parallel_loop3A_988 = arith.subf %parallel_loop3A_835, %parallel_loop3A_954 : vector<16xf32>
        %parallel_loop3A_989 = arith.constant 4 : i32
        %parallel_loop3A_990 = arith.constant 0 : i32
        %parallel_loop3A_991 = arith.constant 0 : i32
        %parallel_loop3A_992 = tpu.memref_slice %arg7[%parallel_loop3A_989, %parallel_loop3A_990, %parallel_loop3A_991] : memref<5x128x128xf32, #tpu.memory_space<vmem>> -> memref<1x128x128xf32, #tpu.memory_space<vmem>>
        %parallel_loop3A_993 = tpu.memref_squeeze %parallel_loop3A_992 : memref<1x128x128xf32, #tpu.memory_space<vmem>> -> memref<128x128xf32, #tpu.memory_space<vmem>>
        %parallel_loop3A_994 = arith.index_cast %parallel_loop3A_799 : i32 to index
        %parallel_loop3A_995 = arith.constant 48 : index
        %parallel_loop3A_996 = tpu.vector_load %parallel_loop3A_993[%parallel_loop3A_994, %parallel_loop3A_995] {strides = array<i32>} : memref<128x128xf32, #tpu.memory_space<vmem>>, vector<1x16xf32>,
        %parallel_loop3A_997 = vector.shape_cast %parallel_loop3A_996 : vector<1x16xf32> to vector<16xf32>
        %parallel_loop3A_998 = vector.shape_cast %parallel_loop3A_988 : vector<16xf32> to vector<1x16xf32>
        tpu.vector_store %parallel_loop3A_993[%parallel_loop3A_994, %parallel_loop3A_995], %parallel_loop3A_998 {strides = array<i32>} : memref<128x128xf32, #tpu.memory_space<vmem>>, vector<1x16xf32>,
        %parallel_loop3A_999 = arith.subf %parallel_loop3A_844, %parallel_loop3A_954 : vector<16xf32>
        %parallel_loop3A_1000 = arith.constant 4 : i32
        %parallel_loop3A_1001 = arith.constant 0 : i32
        %parallel_loop3A_1002 = arith.constant 0 : i32
        %parallel_loop3A_1003 = tpu.memref_slice %arg7[%parallel_loop3A_1000, %parallel_loop3A_1001, %parallel_loop3A_1002] : memref<5x128x128xf32, #tpu.memory_space<vmem>> -> memref<1x128x128xf32, #tpu.memory_space<vmem>>
        %parallel_loop3A_1004 = tpu.memref_squeeze %parallel_loop3A_1003 : memref<1x128x128xf32, #tpu.memory_space<vmem>> -> memref<128x128xf32, #tpu.memory_space<vmem>>
        %parallel_loop3A_1005 = arith.index_cast %parallel_loop3A_799 : i32 to index
        %parallel_loop3A_1006 = arith.constant 64 : index
        %parallel_loop3A_1007 = tpu.vector_load %parallel_loop3A_1004[%parallel_loop3A_1005, %parallel_loop3A_1006] {strides = array<i32>} : memref<128x128xf32, #tpu.memory_space<vmem>>, vector<1x16xf32>,
        %parallel_loop3A_1008 = vector.shape_cast %parallel_loop3A_1007 : vector<1x16xf32> to vector<16xf32>
        %parallel_loop3A_1009 = vector.shape_cast %parallel_loop3A_999 : vector<16xf32> to vector<1x16xf32>
        tpu.vector_store %parallel_loop3A_1004[%parallel_loop3A_1005, %parallel_loop3A_1006], %parallel_loop3A_1009 {strides = array<i32>} : memref<128x128xf32, #tpu.memory_space<vmem>>, vector<1x16xf32>,
        %parallel_loop3A_1010 = arith.subf %parallel_loop3A_853, %parallel_loop3A_954 : vector<16xf32>
        %parallel_loop3A_1011 = arith.constant 4 : i32
        %parallel_loop3A_1012 = arith.constant 0 : i32
        %parallel_loop3A_1013 = arith.constant 0 : i32
        %parallel_loop3A_1014 = tpu.memref_slice %arg7[%parallel_loop3A_1011, %parallel_loop3A_1012, %parallel_loop3A_1013] : memref<5x128x128xf32, #tpu.memory_space<vmem>> -> memref<1x128x128xf32, #tpu.memory_space<vmem>>
        %parallel_loop3A_1015 = tpu.memref_squeeze %parallel_loop3A_1014 : memref<1x128x128xf32, #tpu.memory_space<vmem>> -> memref<128x128xf32, #tpu.memory_space<vmem>>
        %parallel_loop3A_1016 = arith.index_cast %parallel_loop3A_799 : i32 to index
        %parallel_loop3A_1017 = arith.constant 80 : index
        %parallel_loop3A_1018 = tpu.vector_load %parallel_loop3A_1015[%parallel_loop3A_1016, %parallel_loop3A_1017] {strides = array<i32>} : memref<128x128xf32, #tpu.memory_space<vmem>>, vector<1x16xf32>,
        %parallel_loop3A_1019 = vector.shape_cast %parallel_loop3A_1018 : vector<1x16xf32> to vector<16xf32>
        %parallel_loop3A_1020 = vector.shape_cast %parallel_loop3A_1010 : vector<16xf32> to vector<1x16xf32>
        tpu.vector_store %parallel_loop3A_1015[%parallel_loop3A_1016, %parallel_loop3A_1017], %parallel_loop3A_1020 {strides = array<i32>} : memref<128x128xf32, #tpu.memory_space<vmem>>, vector<1x16xf32>,
        %parallel_loop3A_1021 = arith.subf %parallel_loop3A_862, %parallel_loop3A_954 : vector<16xf32>
        %parallel_loop3A_1022 = arith.constant 4 : i32
        %parallel_loop3A_1023 = arith.constant 0 : i32
        %parallel_loop3A_1024 = arith.constant 0 : i32
        %parallel_loop3A_1025 = tpu.memref_slice %arg7[%parallel_loop3A_1022, %parallel_loop3A_1023, %parallel_loop3A_1024] : memref<5x128x128xf32, #tpu.memory_space<vmem>> -> memref<1x128x128xf32, #tpu.memory_space<vmem>>
        %parallel_loop3A_1026 = tpu.memref_squeeze %parallel_loop3A_1025 : memref<1x128x128xf32, #tpu.memory_space<vmem>> -> memref<128x128xf32, #tpu.memory_space<vmem>>
        %parallel_loop3A_1027 = arith.index_cast %parallel_loop3A_799 : i32 to index
        %parallel_loop3A_1028 = arith.constant 96 : index
        %parallel_loop3A_1029 = tpu.vector_load %parallel_loop3A_1026[%parallel_loop3A_1027, %parallel_loop3A_1028] {strides = array<i32>} : memref<128x128xf32, #tpu.memory_space<vmem>>, vector<1x16xf32>,
        %parallel_loop3A_1030 = vector.shape_cast %parallel_loop3A_1029 : vector<1x16xf32> to vector<16xf32>
        %parallel_loop3A_1031 = vector.shape_cast %parallel_loop3A_1021 : vector<16xf32> to vector<1x16xf32>
        tpu.vector_store %parallel_loop3A_1026[%parallel_loop3A_1027, %parallel_loop3A_1028], %parallel_loop3A_1031 {strides = array<i32>} : memref<128x128xf32, #tpu.memory_space<vmem>>, vector<1x16xf32>,
        %parallel_loop3A_1032 = arith.subf %parallel_loop3A_871, %parallel_loop3A_954 : vector<16xf32>
        %parallel_loop3A_1033 = arith.constant 4 : i32
        %parallel_loop3A_1034 = arith.constant 0 : i32
        %parallel_loop3A_1035 = arith.constant 0 : i32
        %parallel_loop3A_1036 = tpu.memref_slice %arg7[%parallel_loop3A_1033, %parallel_loop3A_1034, %parallel_loop3A_1035] : memref<5x128x128xf32, #tpu.memory_space<vmem>> -> memref<1x128x128xf32, #tpu.memory_space<vmem>>
        %parallel_loop3A_1037 = tpu.memref_squeeze %parallel_loop3A_1036 : memref<1x128x128xf32, #tpu.memory_space<vmem>> -> memref<128x128xf32, #tpu.memory_space<vmem>>
        %parallel_loop3A_1038 = arith.index_cast %parallel_loop3A_799 : i32 to index
        %parallel_loop3A_1039 = arith.constant 112 : index
        %parallel_loop3A_1040 = tpu.vector_load %parallel_loop3A_1037[%parallel_loop3A_1038, %parallel_loop3A_1039] {strides = array<i32>} : memref<128x128xf32, #tpu.memory_space<vmem>>, vector<1x16xf32>,
        %parallel_loop3A_1041 = vector.shape_cast %parallel_loop3A_1040 : vector<1x16xf32> to vector<16xf32>
        %parallel_loop3A_1042 = vector.shape_cast %parallel_loop3A_1032 : vector<16xf32> to vector<1x16xf32>
        tpu.vector_store %parallel_loop3A_1037[%parallel_loop3A_1038, %parallel_loop3A_1039], %parallel_loop3A_1042 {strides = array<i32>} : memref<128x128xf32, #tpu.memory_space<vmem>>, vector<1x16xf32>,
      } {sc.loop_unroll_factor = 5 : i64, sc.parallel_access}
      %mul3A_771 = arith.constant 4096 : i32
      %mul3A_772 = arith.muli %add3A_753, %mul3A_771 : i32
      %add3A_773 = arith.addi %mul3A_772, %mul3A_2 : i32
      %dma_start3A_774 = arith.constant 4 : i32
      %dma_start3A_775 = arith.constant 4 : i32
      %dma_start3A_776 = arith.constant 0 : i32
      %dma_start3A_777 = arith.constant 0 : i32
      %dma_start3A_778 = tpu.memref_slice %arg7[%dma_start3A_774, %dma_start3A_776, %dma_start3A_777] : memref<5x128x128xf32, #tpu.memory_space<vmem>> -> memref<1x128x128xf32, #tpu.memory_space<vmem>>
      %dma_start3A_779 = tpu.memref_squeeze %dma_start3A_778 : memref<1x128x128xf32, #tpu.memory_space<vmem>> -> memref<128x128xf32, #tpu.memory_space<vmem>>
      %dma_start3A_780 = arith.constant 0 : i32
      %dma_start3A_781 = tpu.memref_slice %arg4[%add3A_773, %dma_start3A_780] : memref<204800x128xf32, #tpu.memory_space<hbm>> -> memref<128x128xf32, #tpu.memory_space<hbm>>
      %dma_start3A_782 = tpu.memref_slice %arg9[%dma_start3A_775] : memref<5x!tpu.dma_semaphore, #tpu.memory_space<semaphore_mem>> -> memref<1x!tpu.dma_semaphore, #tpu.memory_space<semaphore_mem>>
      %dma_start3A_783 = tpu.memref_squeeze %dma_start3A_782 : memref<1x!tpu.dma_semaphore, #tpu.memory_space<semaphore_mem>> -> memref<!tpu.dma_semaphore, #tpu.memory_space<semaphore_mem>>
      %dma_start3A_784 = arith.constant 0 : i32
      %dma_start3A_785 = tpu.memref_slice %arg4[%add3A_773, %dma_start3A_784] : memref<204800x128xf32, #tpu.memory_space<hbm>> -> memref<128x128xf32, #tpu.memory_space<hbm>>
      %dma_start3A_786 = arith.constant 0 : i32
      %dma_start3A_787 = arith.constant 0 : i32
      %dma_start3A_788 = tpu.memref_slice %arg7[%dma_start3A_774, %dma_start3A_786, %dma_start3A_787] : memref<5x128x128xf32, #tpu.memory_space<vmem>> -> memref<1x128x128xf32, #tpu.memory_space<vmem>>
      %dma_start3A_789 = tpu.memref_squeeze %dma_start3A_788 : memref<1x128x128xf32, #tpu.memory_space<vmem>> -> memref<128x128xf32, #tpu.memory_space<vmem>>
      tpu.enqueue_dma source(%dma_start3A_789 : memref<128x128xf32, #tpu.memory_space<vmem>>) target(%dma_start3A_785 : memref<128x128xf32, #tpu.memory_space<hbm>>) target_semaphore(%dma_start3A_783 : memref<!tpu.dma_semaphore, #tpu.memory_space<semaphore_mem>>)
      %add3A_790 = arith.constant 5 : i32
      %add3A_791 = arith.addi %add3A_753, %add3A_790 : i32
      %sub3A_792 = arith.constant 1 : i32
      %sub3A_793 = arith.subi %add3A_791, %sub3A_792 : i32
      %lt3A_794 = arith.constant 50 : i32
      %lt3A_795 = arith.cmpi slt, %sub3A_793, %lt3A_794 : i32
      %convert_element_type3A_796 = arith.extui %lt3A_795 : i1 to i32
      %cond3A_797 = arith.constant 0 : i32
      %cond3A_798 = arith.cmpi ne, %convert_element_type3A_796, %cond3A_797 : i32
      scf.if %cond3A_798 {
        %ge3A = arith.constant 1 : i32
        %ge3A_799 = arith.cmpi sge, %add3A_753, %ge3A : i32
        %convert_element_type3A_800 = arith.extui %ge3A_799 : i1 to i32
        %cond3A_801 = arith.constant 0 : i32
        %cond3A_802 = arith.cmpi ne, %convert_element_type3A_800, %cond3A_801 : i32
        scf.if %cond3A_802 {
          %sub3A_821 = arith.constant 1 : i32
          %sub3A_822 = arith.subi %add3A_753, %sub3A_821 : i32
          %mul3A_823 = arith.constant 4096 : i32
          %mul3A_824 = arith.muli %sub3A_822, %mul3A_823 : i32
          %add3A_825 = arith.addi %mul3A_824, %mul3A_2 : i32
          %dma_wait3A_826 = arith.constant 3 : i32
          %dma_wait3A_827 = arith.constant 3 : i32
          %dma_wait3A_828 = arith.constant 0 : i32
          %dma_wait3A_829 = arith.constant 0 : i32
          %dma_wait3A_830 = tpu.memref_slice %arg7[%dma_wait3A_826, %dma_wait3A_828, %dma_wait3A_829] : memref<5x128x128xf32, #tpu.memory_space<vmem>> -> memref<1x128x128xf32, #tpu.memory_space<vmem>>
          %dma_wait3A_831 = tpu.memref_squeeze %dma_wait3A_830 : memref<1x128x128xf32, #tpu.memory_space<vmem>> -> memref<128x128xf32, #tpu.memory_space<vmem>>
          %dma_wait3A_832 = arith.constant 0 : i32
          %dma_wait3A_833 = tpu.memref_slice %arg4[%add3A_825, %dma_wait3A_832] : memref<204800x128xf32, #tpu.memory_space<hbm>> -> memref<128x128xf32, #tpu.memory_space<hbm>>
          %dma_wait3A_834 = tpu.memref_slice %arg9[%dma_wait3A_827] : memref<5x!tpu.dma_semaphore, #tpu.memory_space<semaphore_mem>> -> memref<1x!tpu.dma_semaphore, #tpu.memory_space<semaphore_mem>>
          %dma_wait3A_835 = tpu.memref_squeeze %dma_wait3A_834 : memref<1x!tpu.dma_semaphore, #tpu.memory_space<semaphore_mem>> -> memref<!tpu.dma_semaphore, #tpu.memory_space<semaphore_mem>>
          %dma_wait3A_836 = arith.constant 0 : i32
          %dma_wait3A_837 = tpu.memref_slice %arg4[%add3A_825, %dma_wait3A_836] : memref<204800x128xf32, #tpu.memory_space<hbm>> -> memref<128x128xf32, #tpu.memory_space<hbm>>
          %dma_wait3A_838 = arith.constant 0 : i32
          %dma_wait3A_839 = arith.constant 0 : i32
          %dma_wait3A_840 = tpu.memref_slice %arg7[%dma_wait3A_826, %dma_wait3A_838, %dma_wait3A_839] : memref<5x128x128xf32, #tpu.memory_space<vmem>> -> memref<1x128x128xf32, #tpu.memory_space<vmem>>
          %dma_wait3A_841 = tpu.memref_squeeze %dma_wait3A_840 : memref<1x128x128xf32, #tpu.memory_space<vmem>> -> memref<128x128xf32, #tpu.memory_space<vmem>>
          tpu.wait_dma2 semaphore(%dma_wait3A_835 : memref<!tpu.dma_semaphore, #tpu.memory_space<semaphore_mem>>) src(%dma_wait3A_841 : memref<128x128xf32, #tpu.memory_space<vmem>>) dst(%dma_wait3A_837 : memref<128x128xf32, #tpu.memory_space<hbm>>)
        } else {
        }
        %add3A_803 = arith.constant 5 : i32
        %add3A_804 = arith.addi %add3A_753, %add3A_803 : i32
        %sub3A_805 = arith.constant 1 : i32
        %sub3A_806 = arith.subi %add3A_804, %sub3A_805 : i32
        %dma_start3A_807 = arith.constant 3 : i32
        %dma_start3A_808 = arith.constant 3 : i32
        %dma_start3A_809 = arith.constant 0 : i32
        %dma_start3A_810 = arith.constant 0 : i32
        %dma_start3A_811 = tpu.memref_slice %arg7[%dma_start3A_807, %dma_start3A_809, %dma_start3A_810] : memref<5x128x128xf32, #tpu.memory_space<vmem>> -> memref<1x128x128xf32, #tpu.memory_space<vmem>>
        %dma_start3A_812 = tpu.memref_squeeze %dma_start3A_811 : memref<1x128x128xf32, #tpu.memory_space<vmem>> -> memref<128x128xf32, #tpu.memory_space<vmem>>
        %dma_start3A_813 = arith.constant 0 : i32
        %dma_start3A_814 = tpu.memref_slice %arg6[%sub3A_806, %dma_start3A_813] : memref<50x128xi32, #tpu.memory_space<vmem>> -> memref<1x128xi32, #tpu.memory_space<vmem>>
        %dma_start3A_815 = tpu.memref_squeeze %dma_start3A_814 : memref<1x128xi32, #tpu.memory_space<vmem>> -> memref<128xi32, #tpu.memory_space<vmem>>
        %dma_start3A_816 = arith.constant 0 : i32
        %dma_start3A_817 = arith.constant 0 : i32
        %dma_start3A_818 = tpu.memref_slice %arg2[%dma_start3A_816, %dma_start3A_817] : memref<500000x128xf32, #tpu.memory_space<hbm>> -> memref<500000x128xf32, #tpu.memory_space<hbm>>
        %dma_start3A_819 = tpu.memref_slice %arg8[%dma_start3A_808] : memref<5x!tpu.dma_semaphore, #tpu.memory_space<semaphore_mem>> -> memref<1x!tpu.dma_semaphore, #tpu.memory_space<semaphore_mem>>
        %dma_start3A_820 = tpu.memref_squeeze %dma_start3A_819 : memref<1x!tpu.dma_semaphore, #tpu.memory_space<semaphore_mem>> -> memref<!tpu.dma_semaphore, #tpu.memory_space<semaphore_mem>>
        tpu.enqueue_indirect_dma source(%dma_start3A_818 : memref<500000x128xf32, #tpu.memory_space<hbm>>) target(%dma_start3A_812 : memref<128x128xf32, #tpu.memory_space<vmem>>) offsets(%dma_start3A_815 : memref<128xi32, #tpu.memory_space<vmem>>) semaphore(%dma_start3A_820 : memref<!tpu.dma_semaphore, #tpu.memory_space<semaphore_mem>>)
      } else {
      }
    }
    %scan3A_468 = arith.constant 10 : i32
    %add3A_469 = arith.constant 184320 : i32
    %add3A_470 = arith.addi %add3A_469, %mul3A_2 : i32
    %dma_wait3A = arith.constant 0 : i32
    %dma_wait3A_471 = arith.constant 0 : i32
    %dma_wait3A_472 = arith.constant 0 : i32
    %dma_wait3A_473 = arith.constant 0 : i32
    %dma_wait3A_474 = tpu.memref_slice %arg7[%dma_wait3A, %dma_wait3A_472, %dma_wait3A_473] : memref<5x128x128xf32, #tpu.memory_space<vmem>> -> memref<1x128x128xf32, #tpu.memory_space<vmem>>
    %dma_wait3A_475 = tpu.memref_squeeze %dma_wait3A_474 : memref<1x128x128xf32, #tpu.memory_space<vmem>> -> memref<128x128xf32, #tpu.memory_space<vmem>>
    %dma_wait3A_476 = arith.constant 0 : i32
    %dma_wait3A_477 = tpu.memref_slice %arg4[%add3A_470, %dma_wait3A_476] : memref<204800x128xf32, #tpu.memory_space<hbm>> -> memref<128x128xf32, #tpu.memory_space<hbm>>
    %dma_wait3A_478 = tpu.memref_slice %arg9[%dma_wait3A_471] : memref<5x!tpu.dma_semaphore, #tpu.memory_space<semaphore_mem>> -> memref<1x!tpu.dma_semaphore, #tpu.memory_space<semaphore_mem>>
    %dma_wait3A_479 = tpu.memref_squeeze %dma_wait3A_478 : memref<1x!tpu.dma_semaphore, #tpu.memory_space<semaphore_mem>> -> memref<!tpu.dma_semaphore, #tpu.memory_space<semaphore_mem>>
    %dma_wait3A_480 = arith.constant 0 : i32
    %dma_wait3A_481 = tpu.memref_slice %arg4[%add3A_470, %dma_wait3A_480] : memref<204800x128xf32, #tpu.memory_space<hbm>> -> memref<128x128xf32, #tpu.memory_space<hbm>>
    %dma_wait3A_482 = arith.constant 0 : i32
    %dma_wait3A_483 = arith.constant 0 : i32
    %dma_wait3A_484 = tpu.memref_slice %arg7[%dma_wait3A, %dma_wait3A_482, %dma_wait3A_483] : memref<5x128x128xf32, #tpu.memory_space<vmem>> -> memref<1x128x128xf32, #tpu.memory_space<vmem>>
    %dma_wait3A_485 = tpu.memref_squeeze %dma_wait3A_484 : memref<1x128x128xf32, #tpu.memory_space<vmem>> -> memref<128x128xf32, #tpu.memory_space<vmem>>
    tpu.wait_dma2 semaphore(%dma_wait3A_479 : memref<!tpu.dma_semaphore, #tpu.memory_space<semaphore_mem>>) src(%dma_wait3A_485 : memref<128x128xf32, #tpu.memory_space<vmem>>) dst(%dma_wait3A_481 : memref<128x128xf32, #tpu.memory_space<hbm>>)
    %add3A_486 = arith.constant 188416 : i32
    %add3A_487 = arith.addi %add3A_486, %mul3A_2 : i32
    %dma_wait3A_488 = arith.constant 1 : i32
    %dma_wait3A_489 = arith.constant 1 : i32
    %dma_wait3A_490 = arith.constant 0 : i32
    %dma_wait3A_491 = arith.constant 0 : i32
    %dma_wait3A_492 = tpu.memref_slice %arg7[%dma_wait3A_488, %dma_wait3A_490, %dma_wait3A_491] : memref<5x128x128xf32, #tpu.memory_space<vmem>> -> memref<1x128x128xf32, #tpu.memory_space<vmem>>
    %dma_wait3A_493 = tpu.memref_squeeze %dma_wait3A_492 : memref<1x128x128xf32, #tpu.memory_space<vmem>> -> memref<128x128xf32, #tpu.memory_space<vmem>>
    %dma_wait3A_494 = arith.constant 0 : i32
    %dma_wait3A_495 = tpu.memref_slice %arg4[%add3A_487, %dma_wait3A_494] : memref<204800x128xf32, #tpu.memory_space<hbm>> -> memref<128x128xf32, #tpu.memory_space<hbm>>
    %dma_wait3A_496 = tpu.memref_slice %arg9[%dma_wait3A_489] : memref<5x!tpu.dma_semaphore, #tpu.memory_space<semaphore_mem>> -> memref<1x!tpu.dma_semaphore, #tpu.memory_space<semaphore_mem>>
    %dma_wait3A_497 = tpu.memref_squeeze %dma_wait3A_496 : memref<1x!tpu.dma_semaphore, #tpu.memory_space<semaphore_mem>> -> memref<!tpu.dma_semaphore, #tpu.memory_space<semaphore_mem>>
    %dma_wait3A_498 = arith.constant 0 : i32
    %dma_wait3A_499 = tpu.memref_slice %arg4[%add3A_487, %dma_wait3A_498] : memref<204800x128xf32, #tpu.memory_space<hbm>> -> memref<128x128xf32, #tpu.memory_space<hbm>>
    %dma_wait3A_500 = arith.constant 0 : i32
    %dma_wait3A_501 = arith.constant 0 : i32
    %dma_wait3A_502 = tpu.memref_slice %arg7[%dma_wait3A_488, %dma_wait3A_500, %dma_wait3A_501] : memref<5x128x128xf32, #tpu.memory_space<vmem>> -> memref<1x128x128xf32, #tpu.memory_space<vmem>>
    %dma_wait3A_503 = tpu.memref_squeeze %dma_wait3A_502 : memref<1x128x128xf32, #tpu.memory_space<vmem>> -> memref<128x128xf32, #tpu.memory_space<vmem>>
    tpu.wait_dma2 semaphore(%dma_wait3A_497 : memref<!tpu.dma_semaphore, #tpu.memory_space<semaphore_mem>>) src(%dma_wait3A_503 : memref<128x128xf32, #tpu.memory_space<vmem>>) dst(%dma_wait3A_499 : memref<128x128xf32, #tpu.memory_space<hbm>>)
    %add3A_504 = arith.constant 192512 : i32
    %add3A_505 = arith.addi %add3A_504, %mul3A_2 : i32
    %dma_wait3A_506 = arith.constant 2 : i32
    %dma_wait3A_507 = arith.constant 2 : i32
    %dma_wait3A_508 = arith.constant 0 : i32
    %dma_wait3A_509 = arith.constant 0 : i32
    %dma_wait3A_510 = tpu.memref_slice %arg7[%dma_wait3A_506, %dma_wait3A_508, %dma_wait3A_509] : memref<5x128x128xf32, #tpu.memory_space<vmem>> -> memref<1x128x128xf32, #tpu.memory_space<vmem>>
    %dma_wait3A_511 = tpu.memref_squeeze %dma_wait3A_510 : memref<1x128x128xf32, #tpu.memory_space<vmem>> -> memref<128x128xf32, #tpu.memory_space<vmem>>
    %dma_wait3A_512 = arith.constant 0 : i32
    %dma_wait3A_513 = tpu.memref_slice %arg4[%add3A_505, %dma_wait3A_512] : memref<204800x128xf32, #tpu.memory_space<hbm>> -> memref<128x128xf32, #tpu.memory_space<hbm>>
    %dma_wait3A_514 = tpu.memref_slice %arg9[%dma_wait3A_507] : memref<5x!tpu.dma_semaphore, #tpu.memory_space<semaphore_mem>> -> memref<1x!tpu.dma_semaphore, #tpu.memory_space<semaphore_mem>>
    %dma_wait3A_515 = tpu.memref_squeeze %dma_wait3A_514 : memref<1x!tpu.dma_semaphore, #tpu.memory_space<semaphore_mem>> -> memref<!tpu.dma_semaphore, #tpu.memory_space<semaphore_mem>>
    %dma_wait3A_516 = arith.constant 0 : i32
    %dma_wait3A_517 = tpu.memref_slice %arg4[%add3A_505, %dma_wait3A_516] : memref<204800x128xf32, #tpu.memory_space<hbm>> -> memref<128x128xf32, #tpu.memory_space<hbm>>
    %dma_wait3A_518 = arith.constant 0 : i32
    %dma_wait3A_519 = arith.constant 0 : i32
    %dma_wait3A_520 = tpu.memref_slice %arg7[%dma_wait3A_506, %dma_wait3A_518, %dma_wait3A_519] : memref<5x128x128xf32, #tpu.memory_space<vmem>> -> memref<1x128x128xf32, #tpu.memory_space<vmem>>
    %dma_wait3A_521 = tpu.memref_squeeze %dma_wait3A_520 : memref<1x128x128xf32, #tpu.memory_space<vmem>> -> memref<128x128xf32, #tpu.memory_space<vmem>>
    tpu.wait_dma2 semaphore(%dma_wait3A_515 : memref<!tpu.dma_semaphore, #tpu.memory_space<semaphore_mem>>) src(%dma_wait3A_521 : memref<128x128xf32, #tpu.memory_space<vmem>>) dst(%dma_wait3A_517 : memref<128x128xf32, #tpu.memory_space<hbm>>)
    %add3A_522 = arith.constant 196608 : i32
    %add3A_523 = arith.addi %add3A_522, %mul3A_2 : i32
    %dma_wait3A_524 = arith.constant 3 : i32
    %dma_wait3A_525 = arith.constant 3 : i32
    %dma_wait3A_526 = arith.constant 0 : i32
    %dma_wait3A_527 = arith.constant 0 : i32
    %dma_wait3A_528 = tpu.memref_slice %arg7[%dma_wait3A_524, %dma_wait3A_526, %dma_wait3A_527] : memref<5x128x128xf32, #tpu.memory_space<vmem>> -> memref<1x128x128xf32, #tpu.memory_space<vmem>>
    %dma_wait3A_529 = tpu.memref_squeeze %dma_wait3A_528 : memref<1x128x128xf32, #tpu.memory_space<vmem>> -> memref<128x128xf32, #tpu.memory_space<vmem>>
    %dma_wait3A_530 = arith.constant 0 : i32
    %dma_wait3A_531 = tpu.memref_slice %arg4[%add3A_523, %dma_wait3A_530] : memref<204800x128xf32, #tpu.memory_space<hbm>> -> memref<128x128xf32, #tpu.memory_space<hbm>>
    %dma_wait3A_532 = tpu.memref_slice %arg9[%dma_wait3A_525] : memref<5x!tpu.dma_semaphore, #tpu.memory_space<semaphore_mem>> -> memref<1x!tpu.dma_semaphore, #tpu.memory_space<semaphore_mem>>
    %dma_wait3A_533 = tpu.memref_squeeze %dma_wait3A_532 : memref<1x!tpu.dma_semaphore, #tpu.memory_space<semaphore_mem>> -> memref<!tpu.dma_semaphore, #tpu.memory_space<semaphore_mem>>
    %dma_wait3A_534 = arith.constant 0 : i32
    %dma_wait3A_535 = tpu.memref_slice %arg4[%add3A_523, %dma_wait3A_534] : memref<204800x128xf32, #tpu.memory_space<hbm>> -> memref<128x128xf32, #tpu.memory_space<hbm>>
    %dma_wait3A_536 = arith.constant 0 : i32
    %dma_wait3A_537 = arith.constant 0 : i32
    %dma_wait3A_538 = tpu.memref_slice %arg7[%dma_wait3A_524, %dma_wait3A_536, %dma_wait3A_537] : memref<5x128x128xf32, #tpu.memory_space<vmem>> -> memref<1x128x128xf32, #tpu.memory_space<vmem>>
    %dma_wait3A_539 = tpu.memref_squeeze %dma_wait3A_538 : memref<1x128x128xf32, #tpu.memory_space<vmem>> -> memref<128x128xf32, #tpu.memory_space<vmem>>
    tpu.wait_dma2 semaphore(%dma_wait3A_533 : memref<!tpu.dma_semaphore, #tpu.memory_space<semaphore_mem>>) src(%dma_wait3A_539 : memref<128x128xf32, #tpu.memory_space<vmem>>) dst(%dma_wait3A_535 : memref<128x128xf32, #tpu.memory_space<hbm>>)
    %add3A_540 = arith.constant 200704 : i32
    %add3A_541 = arith.addi %add3A_540, %mul3A_2 : i32
    %dma_wait3A_542 = arith.constant 4 : i32
    %dma_wait3A_543 = arith.constant 4 : i32
    %dma_wait3A_544 = arith.constant 0 : i32
    %dma_wait3A_545 = arith.constant 0 : i32
    %dma_wait3A_546 = tpu.memref_slice %arg7[%dma_wait3A_542, %dma_wait3A_544, %dma_wait3A_545] : memref<5x128x128xf32, #tpu.memory_space<vmem>> -> memref<1x128x128xf32, #tpu.memory_space<vmem>>
    %dma_wait3A_547 = tpu.memref_squeeze %dma_wait3A_546 : memref<1x128x128xf32, #tpu.memory_space<vmem>> -> memref<128x128xf32, #tpu.memory_space<vmem>>
    %dma_wait3A_548 = arith.constant 0 : i32
    %dma_wait3A_549 = tpu.memref_slice %arg4[%add3A_541, %dma_wait3A_548] : memref<204800x128xf32, #tpu.memory_space<hbm>> -> memref<128x128xf32, #tpu.memory_space<hbm>>
    %dma_wait3A_550 = tpu.memref_slice %arg9[%dma_wait3A_543] : memref<5x!tpu.dma_semaphore, #tpu.memory_space<semaphore_mem>> -> memref<1x!tpu.dma_semaphore, #tpu.memory_space<semaphore_mem>>
    %dma_wait3A_551 = tpu.memref_squeeze %dma_wait3A_550 : memref<1x!tpu.dma_semaphore, #tpu.memory_space<semaphore_mem>> -> memref<!tpu.dma_semaphore, #tpu.memory_space<semaphore_mem>>
    %dma_wait3A_552 = arith.constant 0 : i32
    %dma_wait3A_553 = tpu.memref_slice %arg4[%add3A_541, %dma_wait3A_552] : memref<204800x128xf32, #tpu.memory_space<hbm>> -> memref<128x128xf32, #tpu.memory_space<hbm>>
    %dma_wait3A_554 = arith.constant 0 : i32
    %dma_wait3A_555 = arith.constant 0 : i32
    %dma_wait3A_556 = tpu.memref_slice %arg7[%dma_wait3A_542, %dma_wait3A_554, %dma_wait3A_555] : memref<5x128x128xf32, #tpu.memory_space<vmem>> -> memref<1x128x128xf32, #tpu.memory_space<vmem>>
    %dma_wait3A_557 = tpu.memref_squeeze %dma_wait3A_556 : memref<1x128x128xf32, #tpu.memory_space<vmem>> -> memref<128x128xf32, #tpu.memory_space<vmem>>
    tpu.wait_dma2 semaphore(%dma_wait3A_551 : memref<!tpu.dma_semaphore, #tpu.memory_space<semaphore_mem>>) src(%dma_wait3A_557 : memref<128x128xf32, #tpu.memory_space<vmem>>) dst(%dma_wait3A_553 : memref<128x128xf32, #tpu.memory_space<hbm>>)
    return
  }
}

</mosaic_0001>

<sc_bundles>
// kernel: kernel.3.cloned.1.call-start
scs
__scs_entry_jumppad:
0x0: {  	(pc) =	sbr.rel $0x88, $3  }
0x1: {  	(tag) =	ssettag $0x0;
	lr =	simm.s32 $0x1  }
0x2: {  	[smem:$0x3F9F] =	sst lr;
	_ =	strace $0xD0000000  }
0x3: {  	_ = 	snop  }
0x4: {  	_ = 	snop  }
0x5: {  	_ = 	snop  }
0x6: {  	_ = 	snop  }
0x7: {  	_ = 	snop  }
__scs_overlays_trampoline_lowered:
0x8: {  	[smem:$0x3FAE] =	sst s0  }
0x9: {  	[smem:$0x3FAF] =	sst s1  }
0xa: {  	[smem:$0x3FB0] =	sst s2  }
0xb: {  	[smem:$0x3FB1] =	sst s3  }
0xc: {  	[smem:$0x3FB2] =	sst s4  }
0xd: {  	[smem:$0x3FB3] =	sst s5  }
0xe: {  	[smem:$0x3FB4] =	sst s6  }
0xf: {  	[smem:$0x3FB5] =	sst s7  }
0x10: {  	[smem:$0x3FB6] =	sst s8  }
0x11: {  	[smem:$0x3FB7] =	sst s9;
	s0 =	simm.s32 @!p0 $0x0  }
0x12: {  	s1 =	sld [smem:$0x3F9D];
	s0 =	simm.s32 @p0 $0x1  }
0x13: {  	[smem:$0x3FB8] =	sst s0;
	s0 =	simm.s32 @!p1 $0x0  }
0x14: {  	s2 =	sld [smem:$0x3F9C];
	s0 =	simm.s32 @p1 $0x1  }
0x15: {  	[smem:$0x3FB9] =	sst s0;
	s0 =	simm.s32 @!p2 $0x0  }
0x16: {  	s3 =	sld [smem:$0x3FDB];
	s0 =	simm.s32 @p2 $0x1  }
0x17: {  	s4 =	simm.s32 $0x1BF5;
	[smem:$0x3FBB] =	sst s0  }
0x18: {  	s0 =	sld [smem:$0x3F9E];
	_ =	swait.ge [sflag:s4], $0x0  }
0x19: {  	s7 =	sld [smem:$0x3F9F]  }
0x1a: {  	s8 =	sadd.s32 $0xFFFFE003, lr  }
0x1b: {  	s9 =	sadd.s32 $0xFFFFFEF7, lr;
	s5 =	simm.s32 $0xFFFFFFFF;
	p2 =	slt.u32 s8, $0xFFFFF086  }
0x1c: {  	p1 =	slt.u32 s9, $0xF7A;
	s5 =	simm.s32 @!p2 $0x0  }
0x1d: {  	s5 =	simm.s32 @p1 $0x1;
	p0 =	seq.s32 s7, s2  }
0x1e: {  	s7 =	smul.u32 @!p0 $0xF7A, s2;
	p2 =	seq.s32 @!p0 s5, $0x0  }
0x1f: {  	s9 =	smul.u32 $0xF7A, s1;
	s8 =	simm.s32 @!p0 $0x1BF5;
	p2 =	por !p2, p0  }
0x20: {  	[sflag:s8] =	ssyncset.s32 @!p0 $0xFFFFF086;
	s6 =	sadd.s32 @!p0 s3, s7;
	s7 =	simm.s32 @!p0 $0x108  }
0x21: {  	s3 =	sadd.s32 s3, s9;
	s6 =	sadd.s32 @!p0 $0x88, s6;
	s7 =	simm.s32 @p2 $0x1082  }
0x22: {  	[simem:s7], [sflag:s8] =	dma.local @!p0 [hbm:s6], $0xF7A  }
0x23: {  	s9 =	sor.u32 $0xD0000000, s2;
	s6 =	simm.s32 $0x108;
	_ =	swait.ge @!p0 [sflag:s8], $0x0  }
0x24: {  	s3 =	sadd.s32 $0x88, s3;
	s6 =	simm.s32 @!p1 $0x1082;
	[sflag:s4] =	ssyncset.s32 $0xFFFFF086  }
0x25: {  	[simem:s6], [sflag:s4] =	dma.local [hbm:s3], $0xF7A  }
0x26: {  	[smem:$0x3F9F] =	sst s1;
	(tag) =	ssettag s2;
	_ =	strace s9  }
0x27: {  	s1 =	sld [smem:$0x3FAF]  }
0x28: {  	s2 =	sld [smem:$0x3FB0]  }
0x29: {  	s4 =	sld [smem:$0x3FB2]  }
0x2a: {  	p0 =	seq.s32 s5, $0x0;
	s5 =	sld [smem:$0x3FB3]  }
0x2b: {  	s6 =	sld [smem:$0x3FB4]  }
0x2c: {  	s7 =	sld [smem:$0x3FB5]  }
0x2d: {  	s3 =	simm.s32 $0x108;
	s8 =	sld [smem:$0x3FB6]  }
0x2e: {  	s3 =	simm.s32 @!p0 $0x1082;
	s9 =	sld [smem:$0x3FB7]  }
0x2f: {  	lr =	sadd.s32 s0, s3;
	s0 =	sld [smem:$0x3FAE]  }
0x30: {  	s3 =	sld [smem:$0x3FB1]  }
0x31: {  	[smem:$0x3FBA] =	sst s10  }
0x32: {  	s10 =	sld [smem:$0x3FB8];
	_ =	sdelay $0x3  }
0x33: {  	p0 =	seq.s32 s10, $0x1;
	s10 =	sld [smem:$0x3FBA];
	_ =	sdelay $0x3  }
0x34: {  	[smem:$0x3FBA] =	sst s10  }
0x35: {  	s10 =	sld [smem:$0x3FB9];
	_ =	sdelay $0x3  }
0x36: {  	p1 =	seq.s32 s10, $0x1;
	s10 =	sld [smem:$0x3FBA];
	_ =	sdelay $0x3  }
0x37: {  	[smem:$0x3FBA] =	sst s10  }
0x38: {  	s10 =	sld [smem:$0x3FBB]  }
0x39: {  	_ = 	snop;
	(pc) =	sbr.ind lr, $3  }
0x3a: {  	_ = 	snop  }
0x3b: {  	_ = 	snop  }
0x3c: {  	p2 =	seq.s32 s10, $0x1;
	s10 =	sld [smem:$0x3FBA]  }
0x3d: {  	_ =	shalt  }
0x3e: {  	_ =	shalt  }
0x3f: {  	_ =	shalt  }
0x40: {  	_ =	shalt  }
0x41: {  	_ =	shalt  }
0x42: {  	_ =	shalt  }
0x43: {  	_ =	shalt  }
0x44: {  	_ =	shalt  }
0x45: {  	_ =	shalt  }
0x46: {  	_ =	shalt  }
0x47: {  	_ =	shalt  }
0x48: {  	_ =	shalt  }
0x49: {  	_ =	shalt  }
0x4a: {  	_ =	shalt  }
0x4b: {  	_ =	shalt  }
0x4c: {  	_ =	shalt  }
0x4d: {  	_ =	shalt  }
0x4e: {  	_ =	shalt  }
0x4f: {  	_ =	shalt  }
0x50: {  	_ =	shalt  }
0x51: {  	_ =	shalt  }
0x52: {  	_ =	shalt  }
0x53: {  	_ =	shalt  }
0x54: {  	_ =	shalt  }
0x55: {  	_ =	shalt  }
0x56: {  	_ =	shalt  }
0x57: {  	_ =	shalt  }
0x58: {  	_ =	shalt  }
0x59: {  	_ =	shalt  }
0x5a: {  	_ =	shalt  }
0x5b: {  	_ =	shalt  }
0x5c: {  	_ =	shalt  }
0x5d: {  	_ =	shalt  }
0x5e: {  	_ =	shalt  }
0x5f: {  	_ =	shalt  }
0x60: {  	_ =	shalt  }
0x61: {  	_ =	shalt  }
0x62: {  	_ =	shalt  }
0x63: {  	_ =	shalt  }
0x64: {  	_ =	shalt  }
0x65: {  	_ =	shalt  }
0x66: {  	_ =	shalt  }
0x67: {  	_ =	shalt  }
0x68: {  	_ =	shalt  }
0x69: {  	_ =	shalt  }
0x6a: {  	_ =	shalt  }
0x6b: {  	_ =	shalt  }
0x6c: {  	_ =	shalt  }
0x6d: {  	_ =	shalt  }
0x6e: {  	_ =	shalt  }
0x6f: {  	_ =	shalt  }
0x70: {  	_ =	shalt  }
0x71: {  	_ =	shalt  }
0x72: {  	_ =	shalt  }
0x73: {  	_ =	shalt  }
0x74: {  	_ =	shalt  }
0x75: {  	_ =	shalt  }
0x76: {  	_ =	shalt  }
0x77: {  	_ =	shalt  }
0x78: {  	_ =	shalt  }
0x79: {  	_ =	shalt  }
0x7a: {  	_ =	shalt  }
0x7b: {  	_ =	shalt  }
0x7c: {  	_ =	shalt  }
0x7d: {  	_ =	shalt  }
0x7e: {  	_ =	shalt  }
0x7f: {  	_ =	shalt  }
0x80: {  	_ =	shalt  }
0x81: {  	_ =	shalt  }
0x82: {  	_ =	shalt  }
0x83: {  	_ =	shalt  }
0x84: {  	_ =	shalt  }
0x85: {  	_ =	shalt  }
0x86: {  	_ =	shalt  }
0x87: {  	_ =	shalt  }
.Lfunc_end0:
.L_simem_size_0:
called_computation_lowered:
.L_overlay_start_0:
0x88: {  	s2 =	sld [smem:$0x3FD9]  }
0x89: {  	s3 =	sld [smem:$0x3FFE];
	_ =	sdelay $0x1  }
0x8a: {  	s1 =	srdreg.scid  }
0x8b: {  	s0 =	sand.u32 $0x1, s1  }
0x8c: {  	s18 =	sshll.u32 s0, $0xA;
	s2 =	sadd.s32 s3, s2  }
0x8d: {  	s2 =	sadd.s32 s2, s18  }
0x8e: {  	[smem:$0x3FC6] =	sst s2  }
0x8f: {  	_ = 	snop  }
0x90: {  	s2 =	sld [smem:$0x3FC9]  }
0x91: {  	s19 =	sld [smem:$0x3FC8]  }
0x92: {  	s4 =	sld [smem:$0x3FD0];
	(tm) =	ssettm $0x1  }
0x93: {  	s5 =	sld [smem:$0x3FFB];
	_ =	sdelay $0x3  }
0x94: {  	_ =	strace s5  }
0x95: {  	s5 =	sld [smem:$0x3FFC];
	_ =	sdelay $0x3  }
0x96: {  	_ =	strace s5  }
0x97: {  	s5 =	sld [smem:$0x3FFD];
	_ =	sdelay $0x3  }
0x98: {  	_ =	strace s5  }
0x99: {  	_ =	strace $0x8FFFFFFF  }
0x9a: {  	s20 =	sld [smem:$0x3FDB];
	_ =	sdelay $0x1  }
0x9b: {  	s6 =	simm.s32 $_scs_section_size  }
0x9c: {  	s7 =	simm.s32 $_size__tile_overlayer_lowered;
	s8 =	simm.s32 $_tile_overlayer_lowered  }
0x9d: {  	s23 =	simm.s32 $0x1BFF;
	s22 =	sshll.u32 s8, $0x1;
	s5 =	sadd.s32 s6, s20  }
0x9e: {  	s9 =	simm.s32 $0x0;
	s21 =	sshll.u32 s7, $0x1;
	s7 =	sadd.s32 s22, s5  }
0x9f: {  	[timem:s9], [sflag:s23] =	dma.local [hbm:s7], s21  }
0xa0: {  	_ =	swait.ge [sflag:s23], s21  }
0xa1: {  	s6 =	ssub.s32 $0x0, s21;
	[sflag:s23] =	ssyncset.done $0x0  }
0xa2: {  	[sflag:s23] =	ssyncadd.s32 s6;
	_ =	sdelay $0x1  }
0xa3: {  	s24 =	simm.s32 $0x1B8B  }
0xa4: {  	_ =	swait.ge [sflag:s24], $0x1  }
0xa5: {  	[sflag:s24] =	ssyncset.done $0x0  }
0xa6: {  	s25 =	simm.s32 $0x1B8E;
	[sflag:s24] =	ssyncadd.s32 $0xFFFFFFFF  }
0xa7: {  	s26 =	simm.s32 $execute0_lowered;
	[smem:$0x3FD2] =	sst s25  }
0xa8: {  	s6 =	sshll.u32 s26, $0x1;
	_ =	strace $0x80000046;
	[dreg:$0x1] =	wrdreg $0xFFFFFFFF  }
0xa9: {  	s28 =	simm.s32 $_size_execute0_lowered;
	s5 =	sadd.s32 s5, s6;
	[dreg:$0x0] =	wrdreg $0x0  }
0xaa: {  	s6 =	sshll.u32 s28, $0x1;
	[dreg:$0x2] =	wrdreg s5  }
0xab: {  	[dreg:$0x3] =	wrdreg s6  }
0xac: {  	[dreg:$0x4] =	wrdreg $0xC0  }
0xad: {  	_ =	task [dreg:s9], $0x5FFFF  }
0xae: {  	[dreg:$0x1] =	wrdreg $0xFFFFFFFF  }
0xaf: {  	[dreg:$0x0] =	wrdreg $0x60  }
0xb0: {  	[dreg:$0x2] =	wrdreg s19  }
0xb1: {  	[dreg:$0x3] =	wrdreg s2  }
0xb2: {  	[dreg:$0x4] =	wrdreg s4  }
0xb3: {  	[dreg:$0x5] =	wrdreg $0x9  }
0xb4: {  	_ =	task.clear_ibuf [dreg:s9], $0x6FFFF;
	_ =	strace $0x90000046  }
0xb5: {  	s29 =	simm.s32 $0x9;
	_ =	strace $0x80000048  }
0xb6: {  	_ =	swait.ge [sflag:s29], $0x1  }
0xb7: {  	[sflag:s29] =	ssyncadd.s32 $0xFFFFFFFF  }
0xb8: {  	_ =	strace $0x90000048  }
0xb9: {  	_ =	sfence  }
0xba: {  	s30 =	sld [smem:$0x0];
	_ =	sdelay $0x2  }
0xbb: {  	s31 =	sshll.u32 s1, $0xD;
	s1 =	sshrl.u32 s1, $0x2  }
0xbc: {  	s3 =	sand.u32 $0x4000, s31;
	s1 =	sadd.s32 s1, s30  }
0xbd: {  	s0 =	sor.u32 s3, s0;
	s1 =	sshll.u32 s1, $0x11  }
0xbe: {  	s0 =	sor.u32 s1, s0  }
0xbf: {  	s0 =	sadd.s32 $0x8F2B, s0  }
0xc0: {  	[sflag:s0] =	ssyncadd.remote.s32 $0x1  }
0xc1: {  	_ =	sfence.sel $0xFFFF  }
0xc2: {  	[dreg:$0x0] =	wrdreg $0xFFFFFFFF;
	(pc) =	sbr.abs _section_cstart, $3  }
0xc3: {  	[dreg:$0x1] =	wrdreg $0xFFFFFFFF  }
0xc4: {  	_ =	task.clear_ibuf [dreg:s9], $0x2FFFF;
	_ =	strace $0x9FFFFFFF  }
0xc5: {  	(tm) =	ssettm $0x7FFFFFFF  }
tec
execute0_lowered:
.L_overlay_start_1:
0x0: {  	(tag) =	ssettag $0x1  }
0x1: {  	s1 =	rddreg [dreg:$0x0]  }
0x2: {  	s0 =	rddreg [dreg:$0x1];
	v0 =	vimm.s32 $0xEFCDAB89;
	v1 =	vimm.s32 $0x67452301  }
0x3: {  	s2 =	rddreg [dreg:$0x2];
	v2 =	vimm.s32 $0xDCFE98BA;
	v3 =	vimm.s32 $0x54761032;
	v4 =	vimm.s32 $0xBA98FEDC  }
0x4: {  	s3 =	srdreg.scid;
	s4 =	simm.s32 $0x0;
	s7 =	stileid.u32;
	v5 =	vimm.s32 $0x32107654;
	v0 =	vunpack.c.l.s4.s8 v0;
	v1 =	vunpack.c.l.s4.s8 v1  }
0x5: {  	s13 =	simm.s32 $0x80;
	s14 =	simm.s32 $0x1C80;
	s16 =	simm.s32 $0x5C80;
	v2 =	vunpack.c.l.s4.s8 v2;
	v3 =	vunpack.c.l.s4.s8 v3;
	v4 =	vunpack.c.l.s4.s8 v4  }
0x6: {  	s18 =	simm.s32 $0x9C80;
	s20 =	simm.s32 $0xDC80;
	s21 =	simm.s32 $0x1;
	v5 =	vunpack.c.l.s4.s8 v5;
	v0 =	vunpack.c.0.s8.s32 v0;
	v1 =	vunpack.c.0.s8.s32 v1  }
0x7: {  	v6 =	vimm.s32 $0xFEDCBA98;
	s22 =	simm.s32 $0x11C80;
	s23 =	simm.s32 $0x2;
	s24 =	simm.s32 $0x3;
	v2 =	vunpack.c.0.s8.s32 v2;
	v3 =	vunpack.c.0.s8.s32 v3  }
0x8: {  	s25 =	simm.s32 $0x4;
	s26 =	simm.s32 $0x5;
	s3 =	sand.u32 $0x1, s3;
	v4 =	vunpack.c.0.s8.s32 v4;
	v5 =	vunpack.c.0.s8.s32 v5;
	v16 =	vcombine.low v1, v0  }
0x9: {  	v7 =	vimm.s32 $0x76543210;
	[smem:$0x7FF] =	sst s4;
	s7 =	sshll.u32 s7, $0x8;
	v6 =	vunpack.c.l.s4.s8 v6;
	s5 =	ssub.s32 $0x2, s3;
	v17 =	vcombine.low v3, v2  }
0xa: {  	v7 =	vunpack.c.l.s4.s8 v7;
	s3 =	sshll.u32 s3, $0x7;
	_ =	strace $0x80000047;
	s6 =	sshrl.u32 s5, $0x1;
	v18 =	vcombine.low v5, v4;
	[tilespmem:$0x1FF90] =	vst v16  }
0xb: {  	s30 =	simm.s32 $0x8;
	v62 =	vunpack.c.0.s8.s32 v6;
	s6 =	ssub.s32 s5, s6;
	s5 =	sor.u32 s3, s7;
	[tilespmem:$0x1FFA0] =	vst v17  }
.Ltmp0:
0xc: {  	s31 =	simm.s32 $0x9;
	v63 =	vunpack.c.0.s8.s32 v7;
	s3 =	sshrl.u32 s5, $0x3;
	v30 =	vand.u32 $0xF, v16;
	[tilespmem:$0x1FFB0] =	vst v18;
	(pc) =	sbr.rel .LBB2_1-.Ltmp0, $4  }
0xd: {  	s7 =	sshll.u32 s5, $0x7;
	s8 =	sshll.u32 s5, $0x4;
	s29 =	smax.u32 s6, $0x1;
	v0 =	vand.u32 $0xF, v62;
	v27 =	vand.u32 $0xF, v17;
	[tilespmem:$0x1FFC0] =	vst v30  }
0xe: {  	s0 =	sadd.s32 s0, s3;
	s7 =	sor.u32 $0x80000, s7;
	[dreg:$0x5] =	wrdreg s29;
	v32 =	vcombine.low v0, v63;
	v29 =	vand.u32 $0xF, v18;
	[tilespmem:$0x1FFD0] =	vst v27  }
0xf: {  	s8 =	sadd.s32 s2, s8;
	s3 =	simm.s32 $0x0;
	[dreg:$0x4] =	wrdreg s0;
	[tilespmem:$0x1FFE0] =	vst v29  }
0x10: {  	v31 =	vimm.s32 $0xFFFFFF81;
	s9 =	sadd.s32 $0x20000, s8;
	s10 =	sadd.s32 $0x30000, s8;
	s0 =	simm.s32 $0xA;
	[tilespmem:$0x1FFF0] =	vst v32  }
.LBB2_26:
0x11: {  	s6 =	simm.s32 $0x6  }
0x12: {  	_ =	swait.ge [sflag:s6], $0x4000  }
0x13: {  	[sflag:s6] =	ssyncset.done $0x0  }
0x14: {  	s28 =	simm.s32 $0x7;
	[sflag:s6] =	ssyncadd.s32 $0xFFFFC000  }
0x15: {  	_ =	swait.ge [sflag:s28], $0x4000  }
0x16: {  	[sflag:s28] =	ssyncset.done $0x0  }
0x17: {  	[sflag:s28] =	ssyncadd.s32 $0xFFFFC000  }
0x18: {  	_ =	swait.ge [sflag:s30], $0x4000  }
0x19: {  	[sflag:s30] =	ssyncset.done $0x0  }
0x1a: {  	[sflag:s30] =	ssyncadd.s32 $0xFFFFC000  }
0x1b: {  	_ =	swait.ge [sflag:s31], $0x4000  }
0x1c: {  	[sflag:s31] =	ssyncset.done $0x0  }
0x1d: {  	[sflag:s31] =	ssyncadd.s32 $0xFFFFC000  }
0x1e: {  	_ =	swait.ge [sflag:s0], $0x4000  }
0x1f: {  	s3 =	sadd.s32 $0x1, s3;
	s29 =	rddreg [dreg:$0x5]  }
0x20: {  	p0 =	sne.s32 s3, s29  }
.Ltmp1:
0x21: {  	_ = 	snop;
	(pc) =	sbr.rel @!p0 .LBB2_27-.Ltmp1, $3  }
0x22: {  	_ =	sdelay $0x1  }
0x23: {  	[sflag:s0] =	ssyncset.done $0x0  }
0x24: {  	[sflag:s0] =	ssyncadd.s32 $0xFFFFC000  }
.LBB2_1:
0x25: {  	s6 =	rddreg [dreg:$0x4];
	s17 =	simm.s32 $0xB  }
0x26: {  	[tilespmem:s4], [sflag:$0xB] =	stream.linear.gather [hbm4b:s6+s4], $0x80, $0x38;
	[tilespmem:$0x15C80] =	vst v63  }
0x27: {  	_ =	swait.ge [sflag:s17], $0x80  }
0x28: {  	[sflag:s17] =	ssyncset.done $0x0  }
0x29: {  	[sflag:s17] =	ssyncadd.s32 $0xFFFFFF80  }
0x2a: {  	v0 =	vld [tilespmem:$0x0]  }
0x2b: {  	v1 =	vld [tilespmem:$0x10]  }
0x2c: {  	v2 =	vld [tilespmem:$0x20]  }
0x2d: {  	v7 =	vld [tilespmem:$0x30]  }
0x2e: {  	v8 =	vld [tilespmem:$0x40]  }
0x2f: {  	[tilespmem:$0x80] =	vst v0;
	v0 =	vld [tilespmem:$0x50]  }
0x30: {  	[tilespmem:$0x90] =	vst v1;
	v1 =	vld [tilespmem:$0x60]  }
0x31: {  	[tilespmem:$0xA0] =	vst v2;
	v2 =	vld [tilespmem:$0x70]  }
0x32: {  	[tilespmem:$0xB0] =	vst v7  }
0x33: {  	[tilespmem:$0xC0] =	vst v8  }
0x34: {  	[tilespmem:$0xD0] =	vst v0  }
0x35: {  	[tilespmem:$0xE0] =	vst v1  }
0x36: {  	[tilespmem:$0xF0] =	vst v2  }
0x37: {  	[tilespmem:s14], [sflag:$0x1] =	stream.indirect.gather [hbm4b:s1+s13], $0x80, s13, s13, $0xb8;
	[tilespmem:$0x15C80] =	vst v63  }
0x38: {  	v0 =	vld [tilespmem:$0x0]  }
0x39: {  	v1 =	vld [tilespmem:$0x10]  }
0x3a: {  	v2 =	vld [tilespmem:$0x20]  }
0x3b: {  	v56 =	vld [tilespmem:$0x30]  }
0x3c: {  	v57 =	vld [tilespmem:$0x40]  }
0x3d: {  	v9 =	vld [tilespmem:$0x50];
	v0 =	vadd.s32 $0x2710, v0  }
0x3e: {  	[tilespmem:$0x100] =	vst v0;
	v0 =	vadd.s32 $0x2710, v1;
	v1 =	vld [tilespmem:$0x60]  }
0x3f: {  	[tilespmem:$0x110] =	vst v0;
	v0 =	vadd.s32 $0x2710, v2;
	v2 =	vld [tilespmem:$0x70]  }
0x40: {  	[tilespmem:$0x120] =	vst v0;
	v0 =	vadd.s32 $0x2710, v56  }
0x41: {  	[tilespmem:$0x130] =	vst v0;
	v0 =	vadd.s32 $0x2710, v57  }
0x42: {  	[tilespmem:$0x140] =	vst v0;
	v0 =	vadd.s32 $0x2710, v9  }
0x43: {  	[tilespmem:$0x150] =	vst v0;
	v0 =	vadd.s32 $0x2710, v1  }
0x44: {  	[tilespmem:$0x160] =	vst v0;
	v0 =	vadd.s32 $0x2710, v2  }
0x45: {  	s19 =	simm.s32 $0x100;
	[tilespmem:$0x170] =	vst v0  }
0x46: {  	[tilespmem:s16], [sflag:$0x2] =	stream.indirect.gather [hbm4b:s1+s13], $0x80, s19, s13, $0xb8;
	[tilespmem:$0x15C80] =	vst v63  }
0x47: {  	v0 =	vld [tilespmem:$0x0]  }
0x48: {  	v1 =	vld [tilespmem:$0x10]  }
0x49: {  	v2 =	vld [tilespmem:$0x20]  }
0x4a: {  	v58 =	vld [tilespmem:$0x30]  }
0x4b: {  	v59 =	vld [tilespmem:$0x40]  }
0x4c: {  	v60 =	vld [tilespmem:$0x50];
	v0 =	vadd.s32 $0x4E20, v0  }
0x4d: {  	[tilespmem:$0x180] =	vst v0;
	v0 =	vadd.s32 $0x4E20, v1;
	v1 =	vld [tilespmem:$0x60]  }
0x4e: {  	[tilespmem:$0x190] =	vst v0;
	v0 =	vadd.s32 $0x4E20, v2;
	v2 =	vld [tilespmem:$0x70]  }
0x4f: {  	[tilespmem:$0x1A0] =	vst v0;
	v0 =	vadd.s32 $0x4E20, v58  }
0x50: {  	[tilespmem:$0x1B0] =	vst v0;
	v0 =	vadd.s32 $0x4E20, v59  }
0x51: {  	[tilespmem:$0x1C0] =	vst v0;
	v0 =	vadd.s32 $0x4E20, v60  }
0x52: {  	[tilespmem:$0x1D0] =	vst v0;
	v0 =	vadd.s32 $0x4E20, v1  }
0x53: {  	[tilespmem:$0x1E0] =	vst v0;
	v0 =	vadd.s32 $0x4E20, v2  }
0x54: {  	s28 =	simm.s32 $0x180;
	[tilespmem:$0x1F0] =	vst v0  }
0x55: {  	[tilespmem:s18], [sflag:$0x3] =	stream.indirect.gather [hbm4b:s1+s13], $0x80, s28, s13, $0xb8;
	[tilespmem:$0x15C80] =	vst v63  }
0x56: {  	v0 =	vld [tilespmem:$0x0]  }
0x57: {  	v1 =	vld [tilespmem:$0x10]  }
0x58: {  	v2 =	vld [tilespmem:$0x20]  }
0x59: {  	v61 =	vld [tilespmem:$0x30]  }
0x5a: {  	v62 =	vld [tilespmem:$0x40]  }
0x5b: {  	v63 =	vld [tilespmem:$0x50];
	v0 =	vadd.s32 $0x7530, v0  }
0x5c: {  	[tilespmem:$0x200] =	vst v0;
	v0 =	vadd.s32 $0x7530, v1;
	v1 =	vld [tilespmem:$0x60]  }
0x5d: {  	[tilespmem:$0x210] =	vst v0;
	v0 =	vadd.s32 $0x7530, v2;
	v2 =	vld [tilespmem:$0x70]  }
0x5e: {  	[tilespmem:$0x220] =	vst v0;
	v0 =	vadd.s32 $0x7530, v61  }
0x5f: {  	[tilespmem:$0x230] =	vst v0;
	v0 =	vadd.s32 $0x7530, v62  }
0x60: {  	[tilespmem:$0x240] =	vst v0;
	v0 =	vadd.s32 $0x7530, v63  }
0x61: {  	[tilespmem:$0x250] =	vst v0;
	v0 =	vadd.s32 $0x7530, v1  }
0x62: {  	[tilespmem:$0x260] =	vst v0;
	v0 =	vadd.s32 $0x7530, v2  }
0x63: {  	s29 =	simm.s32 $0x200;
	[tilespmem:$0x270] =	vst v0  }
0x64: {  	[tilespmem:s20], [sflag:$0x4] =	stream.indirect.gather [hbm4b:s1+s13], $0x80, s29, s13, $0xb8;
	[tilespmem:$0x15C80] =	vst v63  }
0x65: {  	v0 =	vld [tilespmem:$0x0];
	_ =	sdelay $0x3  }
0x66: {  	s11 =	simm.s32 $0x9C40  }
0x67: {  	s6 =	simm.s32 $0x2F0;
	v0 =	vadd.s32 s11, v0  }
0x68: {  	[tilespmem:s6+$0xFFFFFF90] =	vst v0  }
0x69: {  	v0 =	vld [tilespmem:$0x10];
	_ =	sdelay $0x4  }
0x6a: {  	v0 =	vadd.s32 s11, v0  }
0x6b: {  	[tilespmem:s6+$0xFFFFFFA0] =	vst v0  }
0x6c: {  	v0 =	vld [tilespmem:$0x20];
	_ =	sdelay $0x4  }
0x6d: {  	v0 =	vadd.s32 s11, v0  }
0x6e: {  	[tilespmem:s6+$0xFFFFFFB0] =	vst v0  }
0x6f: {  	v0 =	vld [tilespmem:$0x30];
	_ =	sdelay $0x4  }
0x70: {  	v0 =	vadd.s32 s11, v0  }
0x71: {  	[tilespmem:s6+$0xFFFFFFC0] =	vst v0  }
0x72: {  	v0 =	vld [tilespmem:$0x40];
	_ =	sdelay $0x4  }
0x73: {  	v0 =	vadd.s32 s11, v0  }
0x74: {  	[tilespmem:s6+$0xFFFFFFD0] =	vst v0  }
0x75: {  	v0 =	vld [tilespmem:$0x50];
	_ =	sdelay $0x4  }
0x76: {  	v0 =	vadd.s32 s11, v0  }
0x77: {  	[tilespmem:s6+$0xFFFFFFE0] =	vst v0  }
0x78: {  	v0 =	vld [tilespmem:$0x60];
	_ =	sdelay $0x4  }
0x79: {  	v0 =	vadd.s32 s11, v0  }
0x7a: {  	[tilespmem:s6+$0xFFFFFFF0] =	vst v0  }
0x7b: {  	v0 =	vld [tilespmem:$0x70];
	_ =	sdelay $0x4  }
0x7c: {  	v0 =	vadd.s32 s11, v0  }
0x7d: {  	[tilespmem:s6+$0x0] =	vst v0  }
0x7e: {  	s12 =	simm.s32 $0xEA60;
	s11 =	simm.s32 $0xC350;
	v0 =	vld [tilespmem:$0x0]  }
.LBB2_2:
0x7f: {  	p0 =	sne.s32 s12, $0x77A10;
	_ =	sdelay $0x3  }
0x80: {  	s6 =	sadd.s32 $0x80, s6;
	v0 =	vadd.s32 s11, v0  }
0x81: {  	[tilespmem:s6+$0xFFFFFF90] =	vst v0  }
0x82: {  	v0 =	vld [tilespmem:$0x10];
	_ =	sdelay $0x4  }
0x83: {  	v0 =	vadd.s32 s11, v0  }
0x84: {  	[tilespmem:s6+$0xFFFFFFA0] =	vst v0  }
0x85: {  	v0 =	vld [tilespmem:$0x20];
	_ =	sdelay $0x4  }
0x86: {  	v0 =	vadd.s32 s11, v0  }
0x87: {  	[tilespmem:s6+$0xFFFFFFB0] =	vst v0  }
0x88: {  	v0 =	vld [tilespmem:$0x30];
	_ =	sdelay $0x4  }
0x89: {  	v0 =	vadd.s32 s11, v0  }
0x8a: {  	[tilespmem:s6+$0xFFFFFFC0] =	vst v0  }
0x8b: {  	v0 =	vld [tilespmem:$0x40];
	_ =	sdelay $0x4  }
0x8c: {  	v0 =	vadd.s32 s11, v0  }
0x8d: {  	[tilespmem:s6+$0xFFFFFFD0] =	vst v0  }
0x8e: {  	v0 =	vld [tilespmem:$0x50];
	_ =	sdelay $0x4  }
0x8f: {  	v0 =	vadd.s32 s11, v0  }
0x90: {  	[tilespmem:s6+$0xFFFFFFE0] =	vst v0  }
0x91: {  	v0 =	vld [tilespmem:$0x60];
	_ =	sdelay $0x4  }
0x92: {  	v0 =	vadd.s32 s11, v0  }
0x93: {  	[tilespmem:s6+$0xFFFFFFF0] =	vst v0  }
0x94: {  	v0 =	vld [tilespmem:$0x70];
	_ =	sdelay $0x2  }
.Ltmp2:
0x95: {  	(pc) =	sbr.rel @p0 .LBB2_2-.Ltmp2, $4  }
0x96: {  	_ = 	snop  }
0x97: {  	v0 =	vadd.s32 s11, v0;
	s11 =	smov.u32 s12  }
0x98: {  	[tilespmem:s6+$0x0] =	vst v0  }
0x99: {  	s12 =	sadd.s32 $0x2710, s12;
	v0 =	vld [tilespmem:$0x0]  }
0x9a: {  	_ =	sdelay $0x3  }
0x9b: {  	s6 =	sadd.s32 $0x80, s6;
	v0 =	vadd.s32 s11, v0  }
0x9c: {  	[tilespmem:s6+$0xFFFFFF90] =	vst v0  }
0x9d: {  	v0 =	vld [tilespmem:$0x10];
	_ =	sdelay $0x4  }
0x9e: {  	v0 =	vadd.s32 s11, v0  }
0x9f: {  	[tilespmem:s6+$0xFFFFFFA0] =	vst v0  }
0xa0: {  	v0 =	vld [tilespmem:$0x20];
	_ =	sdelay $0x4  }
0xa1: {  	v0 =	vadd.s32 s11, v0  }
0xa2: {  	[tilespmem:s6+$0xFFFFFFB0] =	vst v0  }
0xa3: {  	v0 =	vld [tilespmem:$0x30];
	_ =	sdelay $0x4  }
0xa4: {  	v0 =	vadd.s32 s11, v0  }
0xa5: {  	[tilespmem:s6+$0xFFFFFFC0] =	vst v0  }
0xa6: {  	v0 =	vld [tilespmem:$0x40];
	_ =	sdelay $0x4  }
0xa7: {  	v0 =	vadd.s32 s11, v0  }
0xa8: {  	[tilespmem:s6+$0xFFFFFFD0] =	vst v0  }
0xa9: {  	v0 =	vld [tilespmem:$0x50];
	_ =	sdelay $0x4  }
0xaa: {  	v0 =	vadd.s32 s11, v0  }
0xab: {  	[tilespmem:s6+$0xFFFFFFE0] =	vst v0  }
0xac: {  	v0 =	vld [tilespmem:$0x60];
	_ =	sdelay $0x4  }
0xad: {  	v0 =	vadd.s32 s11, v0  }
0xae: {  	[tilespmem:s6+$0xFFFFFFF0] =	vst v0  }
0xaf: {  	v0 =	vld [tilespmem:$0x70];
	_ =	sdelay $0x4  }
0xb0: {  	v0 =	vadd.s32 s11, v0  }
0xb1: {  	s15 =	simm.s32 $0x0;
	[tilespmem:s6+$0x0] =	vst v0  }
.LBB2_4:
0xb2: {  	_ =	swait.ge [sflag:s21], $0x4000  }
0xb3: {  	[sflag:s21] =	ssyncset.done $0x0  }
0xb4: {  	s6 =	simm.s32 $0x1DC0;
	[sflag:s21] =	ssyncadd.s32 $0xFFFFC000  }
0xb5: {  	v46 =	vld [tilespmem:s6+$0xC0]  }
0xb6: {  	v45 =	vld [tilespmem:s6+$0xD0]  }
0xb7: {  	v5 =	vld [tilespmem:s6+$0xE0]  }
0xb8: {  	v17 =	vld [tilespmem:s6+$0xF0]  }
0xb9: {  	v18 =	vld [tilespmem:s6+$0x100]  }
0xba: {  	v14 =	vld [tilespmem:s6+$0x110];
	v0 =	vmul.f32 $1.442695020e+00, v46  }
0xbb: {  	v10 =	vld [tilespmem:s6+$0x120];
	v1 =	vmul.f32 $1.442695020e+00, v45  }
0xbc: {  	v47 =	vld [tilespmem:s6+$0x130];
	v2 =	vmul.f32 $1.442695020e+00, v5;
	(erf) = vpow2.f32 v0  }
0xbd: {  	v20 =	vld [tilespmem:s6+$0xFFFFFED0];
	v0 =	vmul.f32 $1.442695020e+00, v17;
	(erf) = vpow2.f32 v1  }
0xbe: {  	v21 =	vld [tilespmem:s6+$0xFFFFFEE0];
	v1 =	vmul.f32 $1.442695020e+00, v18;
	(erf) = vpow2.f32 v2  }
0xbf: {  	v62 =	vld [tilespmem:s6+$0xFFFFFEF0];
	v2 =	vmul.f32 $1.442695020e+00, v14;
	(erf) = vpow2.f32 v0  }
0xc0: {  	v0 =	vmul.f32 $1.442695020e+00, v10;
	(erf) = vpow2.f32 v1  }
0xc1: {  	v42 =	vld [tilespmem:s6+$0xFFFFFF00];
	v1 =	vmul.f32 $1.442695020e+00, v47;
	(erf) = vpow2.f32 v2  }
0xc2: {  	v4 =	vld [tilespmem:s6+$0xFFFFFF20];
	(erf) = vpow2.f32 v0;
	v0 =	vmul.f32 $1.442695020e+00, v20  }
0xc3: {  	v6 =	vld [tilespmem:s6+$0xFFFFFF30];
	(erf) = vpow2.f32 v1;
	v1 =	vmul.f32 $1.442695020e+00, v21  }
0xc4: {  	v41 =	vld [tilespmem:s6+$0xFFFFFF10];
	v7 =	vmul.f32 $1.442695020e+00, v62  }
0xc5: {  	v37 =	vld [tilespmem:s6+$0xFFFFFF40];
	v2 =	vpop (erf)  }
0xc6: {  	v63 =	vld [tilespmem:s6+$0xFFFFFF50];
	(erf) = vpow2.f32 v0;
	v0 =	vpop (erf)  }
0xc7: {  	v3 =	vld [tilespmem:s6+$0xFFFFFF60];
	v12 =	vmul.f32 $1.442695020e+00, v42;
	(erf) = vpow2.f32 v1;
	v1 =	vpop (erf)  }
0xc8: {  	v39 =	vmov v4;
	v15 =	vmul.f32 $1.442695020e+00, v4;
	v4 =	vld [tilespmem:s6+$0xFFFFFF70];
	[tilespmem:$0x1FF10] =	vst v6;
	(erf) = vpow2.f32 v7;
	v7 =	vpop (erf)  }
0xc9: {  	v13 =	vmul.f32 $1.442695020e+00, v41;
	v16 =	vmul.f32 $1.442695020e+00, v6;
	v6 =	vld [tilespmem:s6+$0xFFFFFF80];
	v22 =	vpop (erf)  }
0xca: {  	v9 =	vld [tilespmem:s6+$0xFFFFFFA0];
	(erf) = vpow2.f32 v12;
	v23 =	vpop (erf)  }
0xcb: {  	v8 =	vld [tilespmem:s6+$0xFFFFFFC0];
	(erf) = vpow2.f32 v13;
	v25 =	vpop (erf)  }
0xcc: {  	v0 =	vadd.f32 v0, v2;
	v13 =	vld [tilespmem:s6+$0xFFFFFF90];
	v1 =	vadd.f32 v7, v1;
	(erf) = vpow2.f32 v15;
	v2 =	vpop (erf)  }
0xcd: {  	(erf) = vpow2.f32 v16;
	v16 =	vld [tilespmem:s6+$0xFFFFFFB0];
	v7 =	vadd.f32 v23, v22;
	[tilespmem:$0x1FF20] =	vst v4;
	v2 =	vadd.f32 v2, v25  }
0xce: {  	v24 =	vmul.f32 $1.442695020e+00, v37;
	v33 =	vld [tilespmem:s6+$0xFFFFFFD0];
	[tilespmem:$0x1FF30] =	vst v6  }
0xcf: {  	v0 =	vadd.f32 v1, v0;
	v1 =	vadd.f32 v2, v7;
	v2 =	vmul.f32 $1.442695020e+00, v6;
	v6 =	vld [tilespmem:s6+$0xFFFFFFE0];
	[tilespmem:$0x1FF40] =	vst v9  }
0xd0: {  	v26 =	vmul.f32 $1.442695020e+00, v63;
	v23 =	vmov v3;
	v22 =	vmul.f32 $1.442695020e+00, v3;
	v3 =	vld [tilespmem:s6+$0xFFFFFFF0]  }
0xd1: {  	(erf) = vpow2.f32 v24;
	v25 =	vmul.f32 $1.442695020e+00, v4;
	v4 =	vld [tilespmem:s6+$0x0]  }
0xd2: {  	(erf) = vpow2.f32 v26;
	v26 =	vld [tilespmem:s6+$0x10];
	[tilespmem:$0x1FF50] =	vst v8  }
0xd3: {  	(erf) = vpow2.f32 v22;
	v24 =	vld [tilespmem:s6+$0x20]  }
0xd4: {  	v48 =	vpop (erf);
	(erf) = vpow2.f32 v25;
	v0 =	vadd.f32 v1, v0;
	v25 =	vld [tilespmem:s6+$0x30]  }
0xd5: {  	v27 =	vmul.f32 $1.442695020e+00, v9;
	[tilespmem:$0x1FF70] =	vst v3;
	v49 =	vmul.f32 $1.442695020e+00, v3;
	v3 =	vld [tilespmem:$0x1FFD0]  }
0xd6: {  	v7 =	vmul.f32 $1.442695020e+00, v13;
	v29 =	vperm.xlane v0, v30;
	_ =	sdelay $0x1  }
0xd7: {  	v28 =	vmul.f32 $1.442695020e+00, v8;
	v35 =	vpop (erf);
	(erf) = vpow2.f32 v2;
	v0 =	vadd.f32 v0, v29  }
0xd8: {  	v36 =	vpop (erf);
	v1 =	vmul.f32 $1.442695020e+00, v16;
	(erf) = vpow2.f32 v7  }
0xd9: {  	v7 =	vpop (erf);
	(erf) = vpow2.f32 v27;
	v29 =	vperm.xlane v0, v3;
	v27 =	vmov v3;
	v3 =	vld [tilespmem:$0x1FFE0]  }
0xda: {  	v34 =	vmul.f32 $1.442695020e+00, v33;
	[tilespmem:$0x1FF60] =	vst v6;
	v2 =	vmul.f32 $1.442695020e+00, v6;
	v51 =	vpop (erf)  }
0xdb: {  	(erf) = vpow2.f32 v1;
	v50 =	vmul.f32 $1.442695020e+00, v4;
	v53 =	vpop (erf);
	v38 =	vld [tilespmem:s6+$0x40];
	[tilespmem:$0x1FF80] =	vst v4  }
0xdc: {  	v52 =	vmul.f32 $1.442695020e+00, v26;
	(erf) = vpow2.f32 v28;
	v54 =	vpop (erf);
	v4 =	vld [tilespmem:s6+$0x50];
	v0 =	vadd.f32 v0, v29  }
0xdd: {  	v1 =	vmul.f32 $1.442695020e+00, v24;
	(erf) = vpow2.f32 v34;
	v40 =	vld [tilespmem:s6+$0x60];
	v56 =	vpop (erf)  }
0xde: {  	v44 =	vld [tilespmem:s6+$0x70];
	(erf) = vpow2.f32 v2;
	v57 =	vpop (erf);
	v61 =	vperm.xlane v0, v3  }
0xdf: {  	v55 =	vmul.f32 $1.442695020e+00, v25;
	v43 =	vld [tilespmem:s6+$0xFFFFFEC0];
	(erf) = vpow2.f32 v49;
	v49 =	vadd.f32 v36, v35;
	v2 =	vpop (erf)  }
0xe0: {  	v35 =	vpop (erf);
	(erf) = vpow2.f32 v50;
	v58 =	vmul.f32 $1.442695020e+00, v38;
	v0 =	vadd.f32 v0, v61  }
0xe1: {  	v7 =	vadd.f32 v51, v7;
	v9 =	vld [tilespmem:s6+$0x80];
	v36 =	vpop (erf);
	(erf) = vpow2.f32 v52;
	v59 =	vmul.f32 $1.442695020e+00, v4  }
0xe2: {  	v11 =	vld [tilespmem:s6+$0x90];
	v50 =	vadd.f32 v57, v56;
	v60 =	vmul.f32 $1.442695020e+00, v40;
	v34 =	vpop (erf);
	v52 =	vperm.xlane v0, v32  }
0xe3: {  	v2 =	vadd.f32 v35, v2;
	v56 =	vmul.f32 $1.442695020e+00, v44;
	(erf) = vpow2.f32 v1;
	v1 =	vpop (erf)  }
0xe4: {  	(erf) = vpow2.f32 v55;
	v35 =	vpop (erf);
	v61 =	vmul.f32 $1.442695020e+00, v43;
	v0 =	vadd.f32 v0, v52  }
0xe5: {  	v12 =	vld [tilespmem:s6+$0xA0];
	v55 =	vadd.f32 v34, v36;
	(erf) = vpow2.f32 v58;
	v1 =	vadd.f32 v35, v1  }
0xe6: {  	v57 =	vpop (erf);
	(erf) = vpow2.f32 v61;
	v52 =	vmul.f32 $1.442695020e+00, v9;
	v36 =	vand.u32 $0x7FFFFF, v0  }
0xe7: {  	v22 =	vld [tilespmem:s6+$0xB0];
	v34 =	vpop (erf);
	v61 =	vmul.f32 $1.442695020e+00, v11;
	(erf) = vpow2.f32 v59;
	v58 =	vor.u32 $0x3F800000, v36  }
0xe8: {  	v2 =	vadd.f32 v2, v50;
	v50 =	vpop (erf);
	(erf) = vpow2.f32 v60;
	v35 =	vmul.f32 $5.000000000e-01, v58  }
0xe9: {  	v1 =	vadd.f32 v1, v55;
	v55 =	vpop (erf);
	(erf) = vpow2.f32 v56;
	vm0 =	vgt.f32 v58, $1.414213540e+00  }
0xea: {  	(erf) = vpow2.f32 v52;
	v36 =	vmul.f32 $1.442695020e+00, v12;
	v52 =	vpop (erf);
	v56 =	vsel vm0, v35, v58  }
0xeb: {  	v1 =	vadd.f32 v1, v2;
	(erf) = vpow2.f32 v61;
	v51 =	vpop (erf);
	v60 =	vadd.f32 $1.000000000e+00, v56  }
0xec: {  	v2 =	vmul.f32 $1.442695020e+00, v22;
	(erf) = vpow2.f32 v36;
	v61 =	vpop (erf)  }
0xed: {  	v34 =	vadd.f32 v34, v57;
	v36 =	vperm.xlane v1, v30;
	v35 =	vpop (erf);
	(erf) = vrcp.f32 v60  }
0xee: {  	v53 =	vadd.f32 v54, v53;
	v59 =	vpop (erf);
	(erf) = vpow2.f32 v2  }
0xef: {  	v50 =	vadd.f32 v55, v50;
	v1 =	vadd.f32 v1, v36;
	v60 =	vpop (erf)  }
0xf0: {  	v58 =	vadd.f32 v35, v61;
	v2 =	vadd.f32 v51, v52;
	v61 =	vpop (erf)  }
0xf1: {  	v50 =	vadd.f32 v50, v34;
	v36 =	vperm.xlane v1, v27;
	v48 =	vadd.f32 v48, v60;
	v34 =	vpop (erf)  }
0xf2: {  	v7 =	vadd.f32 v53, v7;
	v2 =	vadd.f32 v58, v2;
	v35 =	vpop (erf)  }
0xf3: {  	v1 =	vadd.f32 v1, v36;
	v48 =	vadd.f32 v49, v48;
	v57 =	vpop (erf)  }
0xf4: {  	v2 =	vadd.f32 v2, v50;
	v58 =	vpop (erf)  }
0xf5: {  	v52 =	vadd.f32 v61, v59;
	v36 =	vperm.xlane v1, v3;
	v7 =	vadd.f32 v7, v48;
	v54 =	vpop (erf)  }
0xf6: {  	v49 =	vadd.f32 v35, v34;
	v34 =	vadd.f32 $-1.000000000e+00, v56;
	v59 =	vperm.xlane v2, v30;
	v61 =	vpop (erf)  }
0xf7: {  	v1 =	vadd.f32 v1, v36;
	v48 =	vadd.f32 v58, v57;
	v60 =	vperm.xlane v7, v30;
	v35 =	vpop (erf)  }
0xf8: {  	v2 =	vadd.f32 v2, v59;
	v59 =	vadd.f32 v35, v54  }
0xf9: {  	v49 =	vadd.f32 v49, v52;
	v7 =	vadd.f32 v7, v60  }
0xfa: {  	v51 =	vmul.f32 v61, v34;
	v60 =	vperm.xlane v2, v27;
	v48 =	vadd.f32 v59, v48  }
0xfb: {  	v35 =	vperm.xlane v1, v32;
	v61 =	vperm.xlane v7, v27  }
0xfc: {  	v34 =	vmul.f32 v51, v51;
	v51 =	vadd.f32 v51, v51;
	v48 =	vadd.f32 v48, v49  }
0xfd: {  	v0 =	vshrl.u32 v0, $0x17;
	v2 =	vadd.f32 v2, v60;
	v7 =	vadd.f32 v7, v61  }
0xfe: {  	v1 =	vadd.f32 v1, v35;
	v36 =	vmul.f32 $2.000000030e-01, v34;
	v59 =	vperm.xlane v48, v30  }
0xff: {  	v57 =	vperm.xlane v2, v3;
	v61 =	vsel vm0, $0xFFFFFF82, v31;
	v58 =	vperm.xlane v7, v3  }
0x100: {  	v49 =	vadd.f32 $3.333333430e-01, v36;
	v0 =	vadd.s32 v0, v61;
	v48 =	vadd.f32 v48, v59  }
0x101: {  	v2 =	vadd.f32 v2, v57;
	v0 =	vcvt.s32.f32 v0;
	v7 =	vadd.f32 v7, v58  }
0x102: {  	v60 =	vand.u32 $0x7FFFFF, v1;
	v49 =	vmul.f32 v49, v34;
	v35 =	vperm.xlane v48, v27  }
0x103: {  	v53 =	vor.u32 $0x3F800000, v60;
	v36 =	vperm.xlane v2, v32;
	v34 =	vperm.xlane v7, v32  }
0x104: {  	v57 =	vmul.f32 $5.000000000e-01, v53;
	v49 =	vadd.f32 $1.000000000e+00, v49;
	v48 =	vadd.f32 v48, v35  }
0x105: {  	vm14 =	vgt.f32 v53, $1.414213540e+00;
	v2 =	vadd.f32 v2, v36;
	v7 =	vadd.f32 v7, v34  }
0x106: {  	v52 =	vsel vm14, v57, v53;
	v49 =	vmul.f32 v49, v51;
	v59 =	vperm.xlane v48, v3  }
0x107: {  	v60 =	vand.u32 $0x7FFFFF, v2;
	v34 =	vadd.f32 $1.000000000e+00, v52;
	v58 =	vand.u32 $0x7FFFFF, v7  }
0x108: {  	v53 =	vor.u32 $0x3F800000, v60;
	v51 =	vor.u32 $0x3F800000, v58;
	v48 =	vadd.f32 v48, v59  }
0x109: {  	v35 =	vmul.f32 $5.000000000e-01, v53;
	v61 =	vmul.f32 $5.000000000e-01, v51  }
0x10a: {  	(erf) = vrcp.f32 v34;
	vm1 =	vgt.f32 v51, $1.414213540e+00;
	v36 =	vperm.xlane v48, v32  }
0x10b: {  	v0 =	vmul.f32 $6.931471820e-01, v0;
	vm2 =	vgt.f32 v53, $1.414213540e+00;
	v51 =	vsel vm1, v61, v51  }
0x10c: {  	v53 =	vsel vm2, v35, v53;
	v59 =	vadd.f32 $1.000000000e+00, v51;
	v48 =	vadd.f32 v48, v36  }
0x10d: {  	v1 =	vshrl.u32 v1, $0x17;
	v50 =	vadd.f32 v49, v0;
	v0 =	vadd.f32 $1.000000000e+00, v53  }
0x10e: {  	v2 =	vshrl.u32 v2, $0x17;
	(erf) = vrcp.f32 v59;
	v61 =	vand.u32 $0x7FFFFF, v48  }
0x10f: {  	v60 =	vsel vm14, $0xFFFFFF82, v31;
	(erf) = vrcp.f32 v0;
	v49 =	vor.u32 $0x3F800000, v61  }
0x110: {  	v7 =	vshrl.u32 v7, $0x17;
	v1 =	vadd.s32 v1, v60;
	v35 =	vmul.f32 $5.000000000e-01, v49  }
0x111: {  	v47 =	vsub.f32 v47, v50;
	v60 =	vcvt.s32.f32 v1;
	vm15 =	vgt.f32 v49, $1.414213540e+00  }
0x112: {  	v34 =	vsel vm1, $0xFFFFFF82, v31;
	v0 =	vadd.f32 $-1.000000000e+00, v52;
	v49 =	vsel vm15, v35, v49  }
0x113: {  	v53 =	vadd.f32 $-1.000000000e+00, v53;
	v7 =	vadd.s32 v7, v34;
	v59 =	vpop (erf);
	v57 =	vadd.f32 $1.000000000e+00, v49  }
0x114: {  	v7 =	vcvt.s32.f32 v7;
	v36 =	vsel vm2, $0xFFFFFF82, v31;
	v0 =	vmul.f32 v59, v0  }
0x115: {  	v48 =	vshrl.u32 v48, $0x17;
	v58 =	vsel vm15, $0xFFFFFF82, v31;
	(erf) = vrcp.f32 v57  }
0x116: {  	v2 =	vadd.s32 v2, v36;
	v1 =	vadd.s32 v48, v58;
	v55 =	vmul.f32 v0, v0  }
0x117: {  	v51 =	vadd.f32 $-1.000000000e+00, v51;
	v2 =	vcvt.s32.f32 v2;
	v54 =	vcvt.s32.f32 v1;
	v61 =	vpop (erf)  }
0x118: {  	v46 =	vsub.f32 v46, v50;
	v1 =	vmul.f32 $6.931471820e-01, v7;
	v35 =	vmul.f32 $2.000000030e-01, v55;
	v7 =	vpop (erf)  }
0x119: {  	v48 =	vadd.f32 v0, v0;
	v34 =	vmul.f32 v61, v51;
	v53 =	vmul.f32 v7, v53  }
0x11a: {  	v0 =	vmul.f32 $6.931471820e-01, v2;
	v56 =	vadd.f32 $-1.000000000e+00, v49;
	v57 =	vadd.f32 $3.333333430e-01, v35  }
0x11b: {  	v61 =	vsub.f32 v45, v50;
	v52 =	vmul.f32 v34, v34;
	v49 =	vmul.f32 v53, v53  }
0x11c: {  	v45 =	vsub.f32 v5, v50;
	v7 =	vmul.f32 $6.931471820e-01, v60;
	v57 =	vmul.f32 v57, v55  }
0x11d: {  	[tilespmem:s6+$0x130] =	vst v47;
	v51 =	vadd.f32 v34, v34;
	v36 =	vmul.f32 $2.000000030e-01, v52;
	v60 =	vmul.f32 $2.000000030e-01, v49  }
0x11e: {  	[tilespmem:s6+$0xC0] =	vst v46;
	v47 =	vmul.f32 $6.931471820e-01, v54;
	v2 =	vadd.f32 v53, v53;
	v54 =	vadd.f32 $1.000000000e+00, v57;
	v3 =	vpop (erf)  }
0x11f: {  	s11 =	simm.s32 $0x0;
	s12 =	simm.s32 $0x2040;
	v28 =	vmovc v4;
	[tilespmem:s6+$0xD0] =	vst v61;
	v55 =	vadd.f32 $3.333333430e-01, v36;
	v53 =	vadd.f32 $3.333333430e-01, v60;
	v46 =	vmul.f32 v3, v56  }
.LBB2_5:
0x120: {  	v3 =	vld [tilespmem:s12+$0xC0]  }
0x121: {  	v59 =	vld [tilespmem:s12+$0xFFFFFEE0]  }
0x122: {  	v17 =	vsub.f32 v17, v50;
	v61 =	vld [tilespmem:s12+$0xFFFFFEF0];
	v52 =	vmul.f32 v55, v52;
	[tilespmem:s6+$0xE0] =	vst v45  }
0x123: {  	[tilespmem:$0x1FEC0] =	vst v11;
	v18 =	vsub.f32 v18, v50;
	v14 =	vsub.f32 v14, v50;
	v53 =	vmul.f32 v53, v49;
	v45 =	vld [tilespmem:s12+$0xD0]  }
0x124: {  	v55 =	vmul.f32 v46, v46;
	v49 =	vadd.f32 v46, v46;
	v46 =	vld [tilespmem:s12+$0xE0];
	[tilespmem:s6+$0xF0] =	vst v17;
	v52 =	vadd.f32 $1.000000000e+00, v52  }
0x125: {  	v11 =	vsub.f32 v10, v50;
	v48 =	vmul.f32 v54, v48;
	v17 =	vld [tilespmem:s12+$0xF0];
	v53 =	vadd.f32 $1.000000000e+00, v53;
	[tilespmem:s6+$0x100] =	vst v18  }
0x126: {  	v35 =	vmul.f32 $2.000000030e-01, v55;
	v18 =	vld [tilespmem:s12+$0x100];
	[tilespmem:s6+$0x110] =	vst v14;
	v36 =	vmul.f32 v52, v51  }
0x127: {  	v52 =	vadd.f32 v48, v7;
	v15 =	vld [tilespmem:s12+$0x110];
	v7 =	vmul.f32 $1.442695020e+00, v3;
	v2 =	vmul.f32 v53, v2;
	[tilespmem:s6+$0x120] =	vst v11  }
0x128: {  	[tilespmem:$0x1FED0] =	vst v12;
	v56 =	vadd.f32 $3.333333430e-01, v35;
	v5 =	vmul.f32 $1.442695020e+00, v61;
	v12 =	vld [tilespmem:s12+$0x120];
	v57 =	vmul.f32 $1.442695020e+00, v45  }
0x129: {  	v48 =	vld [tilespmem:s12+$0x130];
	v1 =	vadd.f32 v36, v1;
	v58 =	vmul.f32 $1.442695020e+00, v46;
	(erf) = vpow2.f32 v7  }
0x12a: {  	v50 =	vadd.f32 v2, v0;
	v0 =	vld [tilespmem:s12+$0xFFFFFED0];
	v2 =	vmul.f32 $1.442695020e+00, v17;
	(erf) = vpow2.f32 v57  }
0x12b: {  	[tilespmem:$0x1FEE0] =	vst v3;
	v3 =	vmovc v59;
	v37 =	vsub.f32 v37, v52;
	v60 =	vmul.f32 $1.442695020e+00, v18;
	(erf) = vpow2.f32 v58  }
0x12c: {  	[tilespmem:$0x1FEF0] =	vst v3;
	v3 =	vld [tilespmem:$0x1FF10];
	v7 =	vsub.f32 v43, v1;
	v34 =	vmul.f32 $1.442695020e+00, v15;
	(erf) = vpow2.f32 v2  }
0x12d: {  	v19 =	vsub.f32 v20, v1;
	v2 =	vld [tilespmem:s12+$0xFFFFFF00];
	v20 =	vmul.f32 $1.442695020e+00, v12;
	(erf) = vpow2.f32 v60  }
0x12e: {  	[tilespmem:s6+$0xFFFFFEC0] =	vst v7;
	v7 =	vsub.f32 v21, v1;
	v21 =	vmul.f32 $1.442695020e+00, v48;
	(erf) = vpow2.f32 v34  }
0x12f: {  	v42 =	vsub.f32 v42, v1;
	v35 =	vmul.f32 $1.442695020e+00, v0;
	v4 =	vmovc v0;
	(erf) = vpow2.f32 v20  }
0x130: {  	v41 =	vsub.f32 v41, v1;
	[tilespmem:$0x1FF00] =	vst v4;
	v4 =	vmul.f32 $1.442695020e+00, v59;
	(erf) = vpow2.f32 v21  }
0x131: {  	v51 =	vld [tilespmem:s12+$0xFFFFFF20];
	v57 =	vsub.f32 v39, v1;
	[tilespmem:s6+$0xFFFFFED0] =	vst v19;
	v19 =	vsub.f32 v62, v1;
	(erf) = vpow2.f32 v35  }
0x132: {  	[tilespmem:s6+$0xFFFFFF40] =	vst v37;
	v43 =	vld [tilespmem:s12+$0xFFFFFF10];
	v1 =	vsub.f32 v3, v1;
	v3 =	vmul.f32 $1.442695020e+00, v2;
	(erf) = vpow2.f32 v4  }
0x133: {  	[tilespmem:s6+$0xFFFFFEE0] =	vst v7;
	v7 =	vld [tilespmem:s12+$0xFFFFFF30];
	v0 =	vpop (erf);
	(erf) = vpow2.f32 v5  }
0x134: {  	[tilespmem:s6+$0xFFFFFF00] =	vst v42;
	v42 =	vpop (erf);
	(erf) = vpow2.f32 v3;
	v3 =	vld [tilespmem:$0x1FF20]  }
0x135: {  	v37 =	vld [tilespmem:s12+$0xFFFFFF40];
	v58 =	vsub.f32 v63, v52  }
0x136: {  	[tilespmem:$0x1FEB0] =	vst v9;
	v9 =	vld [tilespmem:s12+$0xFFFFFF50]  }
0x137: {  	v10 =	vld [tilespmem:s12+$0xFFFFFF60];
	[tilespmem:s6+$0xFFFFFF50] =	vst v58  }
0x138: {  	[tilespmem:s6+$0xFFFFFF30] =	vst v1;
	v1 =	vsub.f32 v23, v52  }
0x139: {  	v59 =	vsub.f32 v3, v52;
	v3 =	vld [tilespmem:s12+$0xFFFFFF70]  }
0x13a: {  	[tilespmem:s6+$0xFFFFFF60] =	vst v1;
	v1 =	vld [tilespmem:$0x1FF30];
	_ =	sdelay $0x2  }
0x13b: {  	v4 =	vmul.f32 $1.442695020e+00, v43;
	_ =	sdelay $0x1  }
0x13c: {  	v39 =	vpop (erf);
	(erf) = vpow2.f32 v4;
	v4 =	vld [tilespmem:s12+$0xFFFFFF80];
	[tilespmem:s6+$0xFFFFFF70] =	vst v59;
	v1 =	vsub.f32 v1, v52  }
0x13d: {  	v62 =	vsub.f32 v13, v52;
	v13 =	vld [tilespmem:s12+$0xFFFFFF90]  }
0x13e: {  	[tilespmem:s6+$0xFFFFFF80] =	vst v1;
	v1 =	vld [tilespmem:$0x1FF40];
	_ =	sdelay $0x1  }
0x13f: {  	v5 =	vmul.f32 $1.442695020e+00, v51;
	v60 =	vpop (erf)  }
0x140: {  	v34 =	vmov v61;
	v6 =	vmul.f32 $1.442695020e+00, v7;
	v61 =	vpop (erf)  }
0x141: {  	[tilespmem:s6+$0xFFFFFEF0] =	vst v19;
	v11 =	vmul.f32 $1.442695020e+00, v37;
	(erf) = vpow2.f32 v5;
	v63 =	vpop (erf);
	v14 =	vld [tilespmem:s12+$0xFFFFFFA0]  }
0x142: {  	[tilespmem:s6+$0xFFFFFF20] =	vst v57;
	v35 =	vsub.f32 v16, v52;
	(erf) = vpow2.f32 v6;
	v57 =	vpop (erf);
	v1 =	vsub.f32 v1, v52  }
0x143: {  	v19 =	vadd.f32 v42, v0;
	v39 =	vadd.f32 v60, v39;
	v5 =	vld [tilespmem:s12+$0xFFFFFFE0];
	(erf) = vpow2.f32 v11;
	v36 =	vpop (erf);
	[tilespmem:s6+$0xFFFFFF90] =	vst v62  }
0x144: {  	v58 =	vmul.f32 $1.442695020e+00, v9;
	v20 =	vadd.f32 v36, v57;
	v16 =	vld [tilespmem:s12+$0xFFFFFFB0];
	[tilespmem:s6+$0xFFFFFFA0] =	vst v1;
	v1 =	vadd.f32 v63, v61;
	v61 =	vpop (erf)  }
0x145: {  	v39 =	vadd.f32 v39, v19;
	v59 =	vmul.f32 $1.442695020e+00, v10;
	[tilespmem:$0x1FF20] =	vst v3;
	v52 =	vmul.f32 $1.442695020e+00, v3;
	v57 =	vpop (erf)  }
0x146: {  	v3 =	vld [tilespmem:s12+$0xFFFFFFC0];
	[tilespmem:$0x1FF40] =	vst v14;
	v54 =	vmul.f32 $1.442695020e+00, v14;
	(erf) = vpow2.f32 v58;
	v14 =	vadd.f32 v20, v1;
	v0 =	vpop (erf)  }
0x147: {  	v8 =	vmov v40;
	v42 =	vmul.f32 $1.442695020e+00, v4;
	[tilespmem:s6+$0xFFFFFFB0] =	vst v35;
	v35 =	vpop (erf);
	(erf) = vpow2.f32 v59  }
0x148: {  	[tilespmem:$0x1FF30] =	vst v4;
	v4 =	vld [tilespmem:s12+$0xFFFFFFD0];
	v40 =	vmul.f32 $1.442695020e+00, v13;
	v39 =	vadd.f32 v14, v39;
	v1 =	vpop (erf);
	(erf) = vpow2.f32 v52  }
0x149: {  	v31 =	vsub.f32 v33, v50;
	v6 =	vld [tilespmem:$0x1FF50];
	v21 =	vmul.f32 $1.442695020e+00, v5  }
0x14a: {  	v11 =	vmov v38;
	v53 =	vmul.f32 $1.442695020e+00, v16;
	v36 =	vpop (erf);
	v29 =	vperm.xlane v39, v30  }
0x14b: {  	v38 =	vmul.f32 $1.442695020e+00, v3;
	v52 =	vadd.f32 v1, v35;
	(erf) = vpow2.f32 v42;
	v35 =	vpop (erf)  }
0x14c: {  	v60 =	vld [tilespmem:s12+$0x40];
	v23 =	vpop (erf);
	(erf) = vpow2.f32 v40;
	v40 =	vmov v25;
	v25 =	vadd.f32 v39, v29  }
0x14d: {  	v19 =	vld [tilespmem:s12+$0x0];
	v20 =	vmul.f32 $1.442695020e+00, v4;
	(erf) = vpow2.f32 v54  }
0x14e: {  	v58 =	vsub.f32 v6, v50;
	v6 =	vld [tilespmem:s12+$0xFFFFFFF0];
	(erf) = vpow2.f32 v53;
	v33 =	vperm.xlane v25, v27  }
0x14f: {  	[tilespmem:s6+$0xFFFFFFD0] =	vst v31;
	v62 =	vadd.f32 v0, v57;
	v0 =	vld [tilespmem:s12+$0x10];
	v36 =	vadd.f32 v35, v36;
	v31 =	vpop (erf);
	(erf) = vpow2.f32 v38  }
0x150: {  	v27 =	vld [tilespmem:$0x1FF60];
	v38 =	vmov v4;
	v4 =	vadd.f32 v25, v33;
	v25 =	vpop (erf);
	(erf) = vpow2.f32 v20  }
0x151: {  	v42 =	vmov v2;
	v2 =	vadd.f32 v36, v52;
	v52 =	vpop (erf);
	(erf) = vpow2.f32 v21;
	v21 =	vld [tilespmem:$0x1FF70]  }
0x152: {  	v57 =	vld [tilespmem:s12+$0x50]  }
0x153: {  	v1 =	vld [tilespmem:s12+$0x20]  }
0x154: {  	[tilespmem:s6+$0xFFFFFF10] =	vst v41;
	v59 =	vld [tilespmem:s12+$0x70];
	v29 =	vmov v3  }
0x155: {  	v30 =	vmov v7;
	[tilespmem:$0x1FF50] =	vst v29;
	v29 =	vld [tilespmem:$0x1FFE0]  }
0x156: {  	[tilespmem:$0x1FF10] =	vst v30;
	v30 =	vsub.f32 v27, v50;
	v21 =	vsub.f32 v21, v50  }
0x157: {  	[tilespmem:s6+$0xFFFFFFC0] =	vst v58;
	v58 =	vld [tilespmem:s12+$0x60];
	v14 =	vmovc v22;
	v22 =	vmul.f32 $1.442695020e+00, v6;
	v35 =	vmov v24;
	v24 =	vmul.f32 $1.442695020e+00, v19  }
0x158: {  	v41 =	vmov v43;
	v7 =	vmul.f32 $1.442695020e+00, v1;
	v3 =	vmul.f32 $1.442695020e+00, v60;
	[tilespmem:s6+$0xFFFFFFF0] =	vst v21;
	v21 =	vld [tilespmem:$0x1FF80]  }
0x159: {  	v63 =	vld [tilespmem:s12+$0x30];
	v39 =	vmovc v51;
	v36 =	vmovc v26;
	v26 =	vmul.f32 $1.442695020e+00, v0;
	v23 =	vadd.f32 v31, v23;
	v31 =	vmul.f32 $1.442695020e+00, v59  }
0x15a: {  	v53 =	vld [tilespmem:s12+$0x80];
	v20 =	vmul.f32 $1.442695020e+00, v57;
	v25 =	vadd.f32 v52, v25;
	v29 =	vperm.xlane v4, v29;
	[tilespmem:s6+$0xFFFFFFE0] =	vst v30;
	v30 =	vpop (erf)  }
0x15b: {  	v43 =	vld [tilespmem:s12+$0xFFFFFEC0];
	(erf) = vpow2.f32 v22;
	v22 =	vmov v5;
	v5 =	vmov v6;
	v6 =	vpop (erf)  }
0x15c: {  	v54 =	vld [tilespmem:s12+$0x90];
	v33 =	vmov v28;
	v28 =	vmul.f32 $1.442695020e+00, v58;
	(erf) = vpow2.f32 v24;
	v24 =	vpop (erf)  }
0x15d: {  	v51 =	vld [tilespmem:s12+$0xA0];
	v4 =	vadd.f32 v4, v29;
	(erf) = vpow2.f32 v26;
	v26 =	vpop (erf);
	v21 =	vsub.f32 v21, v50  }
0x15e: {  	v27 =	vmul.f32 $1.442695020e+00, v63;
	[tilespmem:$0x1FF70] =	vst v5;
	v6 =	vadd.f32 v6, v30;
	v24 =	vadd.f32 v26, v24  }
0x15f: {  	v5 =	vmul.f32 $1.442695020e+00, v53;
	[tilespmem:s6+$0x0] =	vst v21;
	v21 =	vadd.f32 v25, v23;
	v25 =	vperm.xlane v4, v32  }
0x160: {  	[tilespmem:$0x1FF60] =	vst v22;
	(erf) = vpow2.f32 v7;
	v7 =	vmovc v19;
	v19 =	vmul.f32 $1.442695020e+00, v43;
	v6 =	vadd.f32 v24, v6  }
0x161: {  	v22 =	vmul.f32 $1.442695020e+00, v54;
	[tilespmem:$0x1FF80] =	vst v7;
	v7 =	vadd.f32 v4, v25;
	v4 =	vpop (erf);
	(erf) = vpow2.f32 v27  }
0x162: {  	v30 =	vld [tilespmem:$0x1FFC0];
	v23 =	vmul.f32 $1.442695020e+00, v51;
	v6 =	vadd.f32 v6, v21;
	v24 =	vpop (erf);
	(erf) = vpow2.f32 v3  }
0x163: {  	v3 =	vmul.f32 v56, v55;
	v25 =	vand.u32 $0x7FFFFF, v7;
	(erf) = vpow2.f32 v19  }
0x164: {  	v52 =	vld [tilespmem:s12+$0xB0];
	v4 =	vadd.f32 v24, v4;
	v19 =	vpop (erf);
	v21 =	vor.u32 $0x3F800000, v25;
	(erf) = vpow2.f32 v20  }
0x165: {  	v24 =	vpop (erf);
	v3 =	vadd.f32 $1.000000000e+00, v3;
	v20 =	vmul.f32 $5.000000000e-01, v21;
	(erf) = vpow2.f32 v28  }
0x166: {  	v28 =	vadd.f32 v24, v19;
	vm0 =	vgt.f32 v21, $1.414213540e+00;
	v24 =	vpop (erf);
	(erf) = vpow2.f32 v31  }
0x167: {  	v27 =	vld [tilespmem:$0x1FFD0];
	v25 =	vperm.xlane v6, v30;
	v20 =	vsel vm0, v20, v21;
	v21 =	vpop (erf);
	(erf) = vpow2.f32 v5  }
0x168: {  	v5 =	vadd.f32 v21, v24;
	v21 =	vadd.f32 $1.000000000e+00, v20;
	(erf) = vpow2.f32 v22  }
0x169: {  	v26 =	vmul.f32 $1.442695020e+00, v52;
	v19 =	vpop (erf);
	(erf) = vpow2.f32 v23  }
0x16a: {  	v6 =	vadd.f32 v6, v25;
	v3 =	vmul.f32 v3, v49;
	v22 =	vpop (erf);
	(erf) = vrcp.f32 v21  }
0x16b: {  	v4 =	vadd.f32 v28, v4;
	v19 =	vadd.f32 v22, v19;
	v22 =	vpop (erf);
	(erf) = vpow2.f32 v26  }
0x16c: {  	v47 =	vadd.f32 v3, v47;
	v23 =	vperm.xlane v6, v27;
	v21 =	vsub.f32 v36, v50;
	v24 =	vpop (erf)  }
0x16d: {  	v29 =	vld [tilespmem:$0x1FFE0];
	v26 =	vmov v0;
	v0 =	vadd.f32 v61, v24;
	v3 =	vadd.f32 v19, v5;
	v5 =	vpop (erf)  }
0x16e: {  	[tilespmem:s6+$0x10] =	vst v21;
	v21 =	vsub.f32 v35, v50;
	v24 =	vmov v1;
	v1 =	vadd.f32 v6, v23;
	v6 =	vpop (erf)  }
0x16f: {  	v0 =	vadd.f32 v62, v0;
	v3 =	vadd.f32 v3, v4;
	v4 =	vpop (erf)  }
0x170: {  	v5 =	vadd.f32 v5, v22;
	v28 =	vadd.f32 v4, v6;
	v6 =	vpop (erf)  }
0x171: {  	v20 =	vadd.f32 $-1.000000000e+00, v20;
	v0 =	vadd.f32 v2, v0;
	v2 =	vperm.xlane v3, v30;
	v22 =	vpop (erf)  }
0x172: {  	[tilespmem:s6+$0x20] =	vst v21;
	v21 =	vsub.f32 v40, v50;
	v19 =	vperm.xlane v1, v29;
	v6 =	vadd.f32 v22, v6;
	v22 =	vpop (erf)  }
0x173: {  	v23 =	vsub.f32 v11, v47;
	v2 =	vadd.f32 v3, v2;
	v4 =	vpop (erf)  }
0x174: {  	[tilespmem:s6+$0x30] =	vst v21;
	v1 =	vadd.f32 v1, v19;
	v21 =	vperm.xlane v0, v30;
	v3 =	vadd.f32 v28, v5;
	v5 =	vpop (erf)  }
0x175: {  	v4 =	vmul.f32 v4, v20;
	v20 =	vperm.xlane v2, v27;
	v5 =	vadd.f32 v5, v22  }
0x176: {  	v19 =	vsub.f32 v33, v47;
	v0 =	vadd.f32 v0, v21  }
0x177: {  	[tilespmem:s6+$0x40] =	vst v23;
	v22 =	vmul.f32 v4, v4;
	v2 =	vadd.f32 v2, v20;
	v5 =	vadd.f32 v5, v6  }
0x178: {  	v7 =	vshrl.u32 v7, $0x17;
	[tilespmem:s6+$0x50] =	vst v19;
	v19 =	vsub.f32 v8, v47;
	v23 =	vperm.xlane v0, v27  }
0x179: {  	v6 =	vmul.f32 $2.000000030e-01, v22;
	v20 =	vperm.xlane v2, v29;
	v3 =	vadd.f32 v5, v3  }
0x17a: {  	v21 =	vperm.xlane v1, v32;
	[tilespmem:s6+$0x60] =	vst v19;
	v19 =	vsub.f32 v44, v47;
	v0 =	vadd.f32 v0, v23  }
0x17b: {  	v6 =	vadd.f32 $3.333333430e-01, v6;
	v2 =	vadd.f32 v2, v20;
	v20 =	vperm.xlane v3, v30  }
0x17c: {  	v31 =	vimm.s32 $0xFFFFFF81;
	v1 =	vadd.f32 v1, v21;
	[tilespmem:s6+$0x70] =	vst v19;
	v19 =	vperm.xlane v0, v29  }
0x17d: {  	v4 =	vadd.f32 v4, v4;
	v6 =	vmul.f32 v6, v22;
	v3 =	vadd.f32 v3, v20  }
0x17e: {  	v21 =	vsel vm0, $0xFFFFFF82, v31;
	v5 =	vshrl.u32 v1, $0x17;
	v0 =	vadd.f32 v0, v19  }
0x17f: {  	v1 =	vand.u32 $0x7FFFFF, v1;
	v6 =	vadd.f32 $1.000000000e+00, v6;
	v20 =	vperm.xlane v3, v27  }
0x180: {  	v7 =	vadd.s32 v7, v21;
	v1 =	vor.u32 $0x3F800000, v1;
	v19 =	vperm.xlane v0, v32  }
0x181: {  	v4 =	vmul.f32 v6, v4;
	v6 =	vperm.xlane v2, v32;
	v3 =	vadd.f32 v3, v20  }
0x182: {  	v7 =	vcvt.s32.f32 v7;
	v0 =	vadd.f32 v0, v19;
	v19 =	vmul.f32 $5.000000000e-01, v1  }
0x183: {  	vm13 =	vgt.f32 v1, $1.414213540e+00;
	v2 =	vadd.f32 v2, v6;
	v6 =	vperm.xlane v3, v29  }
0x184: {  	v1 =	vsel vm13, v19, v1  }
0x185: {  	v7 =	vmul.f32 $6.931471820e-01, v7;
	v3 =	vadd.f32 v3, v6;
	v6 =	vadd.f32 $1.000000000e+00, v1;
	_ =	sdelay $0x1  }
0x186: {  	v50 =	vadd.f32 v4, v7;
	(erf) = vrcp.f32 v6  }
0x187: {  	v4 =	vand.u32 $0x7FFFFF, v0  }
0x188: {  	v4 =	vor.u32 $0x3F800000, v4;
	v7 =	vsub.f32 v48, v50;
	v21 =	vand.u32 $0x7FFFFF, v2  }
0x189: {  	v19 =	vmul.f32 $5.000000000e-01, v4;
	v21 =	vor.u32 $0x3F800000, v21  }
0x18a: {  	vm14 =	vgt.f32 v4, $1.414213540e+00;
	[tilespmem:s12+$0x130] =	vst v7;
	v7 =	vmul.f32 $5.000000000e-01, v21;
	v22 =	vperm.xlane v3, v32  }
0x18b: {  	vm1 =	vgt.f32 v21, $1.414213540e+00;
	v4 =	vsel vm14, v19, v4;
	v19 =	vsel vm14, $0xFFFFFF82, v31  }
0x18c: {  	v6 =	vadd.f32 $1.000000000e+00, v4;
	v7 =	vsel vm1, v7, v21;
	v3 =	vadd.f32 v3, v22  }
0x18d: {  	v0 =	vshrl.u32 v0, $0x17;
	v1 =	vadd.f32 $-1.000000000e+00, v1;
	v21 =	vadd.f32 $1.000000000e+00, v7  }
0x18e: {  	v22 =	vadd.f32 $-1.000000000e+00, v7;
	(erf) = vrcp.f32 v6;
	v7 =	vand.u32 $0x7FFFFF, v3  }
0x18f: {  	v0 =	vadd.s32 v0, v19;
	(erf) = vrcp.f32 v21;
	v7 =	vor.u32 $0x3F800000, v7;
	v19 =	vpop (erf)  }
0x190: {  	v21 =	vmul.f32 $5.000000000e-01, v7;
	v19 =	vmul.f32 v19, v1;
	v1 =	vld [tilespmem:$0x1FEB0]  }
0x191: {  	v20 =	vsel vm13, $0xFFFFFF82, v31;
	vm15 =	vgt.f32 v7, $1.414213540e+00  }
0x192: {  	v2 =	vshrl.u32 v2, $0x17;
	v6 =	vsel vm1, $0xFFFFFF82, v31;
	v7 =	vsel vm15, v21, v7  }
0x193: {  	v2 =	vadd.s32 v2, v6;
	v6 =	vadd.f32 $-1.000000000e+00, v7;
	v7 =	vadd.f32 $1.000000000e+00, v7  }
0x194: {  	v5 =	vadd.s32 v5, v20  }
0x195: {  	v5 =	vcvt.s32.f32 v5;
	(erf) = vrcp.f32 v7;
	v7 =	vsub.f32 v1, v47;
	v1 =	vld [tilespmem:$0x1FEC0];
	_ =	sdelay $0x1  }
0x196: {  	[tilespmem:s6+$0x80] =	vst v7;
	v7 =	vmul.f32 $6.931471820e-01, v5;
	v5 =	vld [tilespmem:$0x1FED0]  }
0x197: {  	v3 =	vshrl.u32 v3, $0x17;
	v23 =	vsel vm15, $0xFFFFFF82, v31  }
0x198: {  	v4 =	vadd.f32 $-1.000000000e+00, v4;
	v3 =	vadd.s32 v3, v23  }
0x199: {  	v3 =	vcvt.s32.f32 v3;
	v20 =	vsub.f32 v1, v47  }
0x19a: {  	v25 =	vmovc v63;
	v63 =	vmovc v9;
	v9 =	vmov v53;
	v8 =	vcvt.s32.f32 v0;
	v21 =	vmul.f32 v19, v19  }
0x19b: {  	v0 =	vpop (erf);
	[tilespmem:s6+$0x90] =	vst v20;
	v5 =	vsub.f32 v5, v47;
	v20 =	vsub.f32 v14, v47;
	v47 =	vmul.f32 $6.931471820e-01, v3;
	v3 =	vld [tilespmem:$0x1FEE0]  }
0x19c: {  	v11 =	vmov v54;
	v2 =	vcvt.s32.f32 v2;
	v0 =	vmul.f32 v0, v4;
	v4 =	vpop (erf)  }
0x19d: {  	s11 =	sadd.s32 $0x5, s11;
	v23 =	vmovc v10;
	v10 =	vmovc v12;
	v48 =	vadd.f32 v19, v19;
	v19 =	vmul.f32 $2.000000030e-01, v21;
	v4 =	vmul.f32 v4, v22  }
0x19e: {  	p0 =	slt.u32 s11, $0x78;
	v12 =	vmovc v51;
	v22 =	vmovc v52;
	v52 =	vmul.f32 v0, v0;
	v51 =	vadd.f32 v0, v0;
	v0 =	vmul.f32 $6.931471820e-01, v2  }
.Ltmp3:
0x19f: {  	v40 =	vmovc v58;
	v49 =	vmul.f32 v4, v4;
	v2 =	vadd.f32 v4, v4;
	[tilespmem:s6+$0xA0] =	vst v5;
	v5 =	vadd.f32 $3.333333430e-01, v19;
	(pc) =	sbr.rel @p0 .LBB2_5-.Ltmp3, $4  }
0x1a0: {  	v62 =	vmovc v34;
	v33 =	vmovc v38;
	v4 =	vmul.f32 $2.000000030e-01, v52;
	v1 =	vmul.f32 $6.931471820e-01, v8;
	v8 =	vsub.f32 v3, v50  }
0x1a1: {  	v38 =	vmovc v60;
	[tilespmem:s6+$0xB0] =	vst v20;
	v19 =	vmul.f32 $2.000000030e-01, v49;
	v20 =	vsub.f32 v45, v50;
	v5 =	vmul.f32 v5, v21  }
0x1a2: {  	v28 =	vmov v57;
	v55 =	vadd.f32 $3.333333430e-01, v4;
	s6 =	smov.u32 s12;
	v45 =	vsub.f32 v46, v50;
	v21 =	vld [tilespmem:$0x1FEF0];
	v3 =	vpop (erf);
	[tilespmem:s12+$0xC0] =	vst v8  }
0x1a3: {  	s17 =	simm.s32 $0x0;
	v44 =	vmovc v59;
	v14 =	vmovc v15;
	v53 =	vadd.f32 $3.333333430e-01, v19;
	v54 =	vadd.f32 $1.000000000e+00, v5;
	v46 =	vmul.f32 v3, v6;
	s12 =	sadd.s32 $0x280, s12;
	[tilespmem:s6+$0xD0] =	vst v20;
	v20 =	vld [tilespmem:$0x1FF00]  }
0x1a4: {  	v3 =	vmul.f32 v55, v52;
	_ =	sdelay $0x1  }
0x1a5: {  	v3 =	vadd.f32 $1.000000000e+00, v3  }
0x1a6: {  	v4 =	vsub.f32 v17, v50;
	v5 =	vmul.f32 v54, v48  }
0x1a7: {  	[tilespmem:s6+$0xE0] =	vst v45;
	v6 =	vsub.f32 v18, v50;
	v3 =	vmul.f32 v3, v51  }
0x1a8: {  	v60 =	vsub.f32 v14, v50;
	[tilespmem:s6+$0xF0] =	vst v4;
	v5 =	vadd.f32 v5, v7  }
0x1a9: {  	v61 =	vsub.f32 v10, v50;
	[tilespmem:s6+$0x100] =	vst v6;
	v1 =	vadd.f32 v3, v1  }
0x1aa: {  	[tilespmem:s6+$0x110] =	vst v60;
	v8 =	vsub.f32 v37, v5  }
0x1ab: {  	[tilespmem:s6+$0x120] =	vst v61;
	v10 =	vsub.f32 v43, v1  }
0x1ac: {  	[tilespmem:s6+$0xFFFFFF40] =	vst v8;
	v14 =	vsub.f32 v20, v1  }
0x1ad: {  	v34 =	vsub.f32 v21, v1;
	[tilespmem:s6+$0xFFFFFEC0] =	vst v10  }
0x1ae: {  	v35 =	vsub.f32 v62, v1;
	[tilespmem:s6+$0xFFFFFED0] =	vst v14  }
0x1af: {  	v36 =	vsub.f32 v42, v1;
	[tilespmem:s6+$0xFFFFFEE0] =	vst v34  }
0x1b0: {  	v37 =	vsub.f32 v41, v1;
	[tilespmem:s6+$0xFFFFFEF0] =	vst v35  }
0x1b1: {  	[tilespmem:s6+$0xFFFFFF00] =	vst v36  }
0x1b2: {  	[tilespmem:s6+$0xFFFFFF10] =	vst v37  }
0x1b3: {  	v3 =	vld [tilespmem:$0x1FF10];
	_ =	sdelay $0x2  }
0x1b4: {  	v39 =	vsub.f32 v39, v1  }
0x1b5: {  	v43 =	vsub.f32 v63, v5  }
0x1b6: {  	[tilespmem:s6+$0xFFFFFF20] =	vst v39;
	v1 =	vsub.f32 v3, v1  }
0x1b7: {  	v45 =	vsub.f32 v23, v5;
	[tilespmem:s6+$0xFFFFFF50] =	vst v43  }
0x1b8: {  	[tilespmem:s6+$0xFFFFFF30] =	vst v1  }
0x1b9: {  	v4 =	vld [tilespmem:$0x1FF20];
	[tilespmem:s6+$0xFFFFFF60] =	vst v45  }
0x1ba: {  	v1 =	vld [tilespmem:$0x1FF30];
	_ =	sdelay $0x3  }
0x1bb: {  	v4 =	vsub.f32 v4, v5  }
0x1bc: {  	v1 =	vsub.f32 v1, v5  }
0x1bd: {  	[tilespmem:s6+$0xFFFFFF70] =	vst v4  }
0x1be: {  	[tilespmem:s6+$0xFFFFFF80] =	vst v1  }
0x1bf: {  	v1 =	vld [tilespmem:$0x1FF40];
	_ =	sdelay $0x3  }
0x1c0: {  	v50 =	vsub.f32 v13, v5  }
0x1c1: {  	v41 =	vmul.f32 v53, v49;
	v1 =	vsub.f32 v1, v5  }
0x1c2: {  	[tilespmem:s6+$0xFFFFFF90] =	vst v50  }
0x1c3: {  	v6 =	vadd.f32 $1.000000000e+00, v41;
	[tilespmem:s6+$0xFFFFFFA0] =	vst v1  }
0x1c4: {  	v1 =	vld [tilespmem:$0x1FF50]  }
0x1c5: {  	v2 =	vmul.f32 v6, v2;
	_ =	sdelay $0x1  }
0x1c6: {  	v42 =	vmul.f32 v46, v46;
	v0 =	vadd.f32 v2, v0  }
0x1c7: {  	v51 =	vsub.f32 v16, v5  }
0x1c8: {  	v48 =	vmul.f32 $2.000000030e-01, v42;
	v1 =	vsub.f32 v1, v0  }
0x1c9: {  	v53 =	vsub.f32 v33, v0;
	[tilespmem:s6+$0xFFFFFFB0] =	vst v51  }
0x1ca: {  	v49 =	vadd.f32 $3.333333430e-01, v48;
	[tilespmem:s6+$0xFFFFFFC0] =	vst v1  }
0x1cb: {  	v1 =	vld [tilespmem:$0x1FF60];
	[tilespmem:s6+$0xFFFFFFD0] =	vst v53  }
0x1cc: {  	v3 =	vmul.f32 v49, v42;
	v2 =	vld [tilespmem:$0x1FF70];
	_ =	sdelay $0x1  }
0x1cd: {  	v52 =	vadd.f32 v46, v46;
	v3 =	vadd.f32 $1.000000000e+00, v3;
	_ =	sdelay $0x1  }
0x1ce: {  	v3 =	vmul.f32 v3, v52;
	v1 =	vsub.f32 v1, v0  }
0x1cf: {  	v2 =	vsub.f32 v2, v0  }
0x1d0: {  	v54 =	vsub.f32 v26, v0;
	v3 =	vadd.f32 v3, v47;
	[tilespmem:s6+$0xFFFFFFE0] =	vst v1  }
0x1d1: {  	v55 =	vsub.f32 v24, v0;
	v1 =	vld [tilespmem:$0x1FF80];
	[tilespmem:s6+$0xFFFFFFF0] =	vst v2  }
0x1d2: {  	v56 =	vsub.f32 v38, v3;
	[tilespmem:s6+$0x10] =	vst v54  }
0x1d3: {  	v57 =	vsub.f32 v28, v3;
	[tilespmem:s6+$0x20] =	vst v55  }
0x1d4: {  	v58 =	vsub.f32 v40, v3;
	[tilespmem:s6+$0x40] =	vst v56  }
0x1d5: {  	v59 =	vsub.f32 v44, v3;
	[tilespmem:s6+$0x50] =	vst v57  }
0x1d6: {  	v60 =	vsub.f32 v9, v3;
	[tilespmem:s6+$0x60] =	vst v58  }
0x1d7: {  	v61 =	vsub.f32 v11, v3;
	[tilespmem:s6+$0x70] =	vst v59  }
0x1d8: {  	v62 =	vsub.f32 v12, v3;
	[tilespmem:s6+$0x80] =	vst v60  }
0x1d9: {  	v63 =	vsub.f32 v22, v3;
	[tilespmem:s6+$0x90] =	vst v61  }
0x1da: {  	[tilespmem:s6+$0xA0] =	vst v62;
	v1 =	vsub.f32 v1, v0  }
0x1db: {  	[tilespmem:s6+$0xB0] =	vst v63;
	v0 =	vsub.f32 v25, v0  }
0x1dc: {  	[tilespmem:s6+$0x0] =	vst v1  }
0x1dd: {  	[tilespmem:s6+$0x30] =	vst v0  }
0x1de: {  	v16 =	vld [tilespmem:$0x1FF90]  }
0x1df: {  	v17 =	vld [tilespmem:$0x1FFA0]  }
0x1e0: {  	v18 =	vld [tilespmem:$0x1FFB0]  }
.LBB2_7:
0x1e1: {  	s6 =	sshra.s32 s17, $0x2  }
0x1e2: {  	v0 =	vld [tilespmem:s6+$0x5B00]  }
0x1e3: {  	v1 =	vld [tilespmem:s6+$0x5B10]  }
0x1e4: {  	v2 =	vld [tilespmem:s6+$0x5B20]  }
0x1e5: {  	v3 =	vld [tilespmem:s6+$0x5B30]  }
0x1e6: {  	v4 =	vld [tilespmem:s6+$0x5B40]  }
0x1e7: {  	v5 =	vld [tilespmem:s6+$0x5B50];
	v6 =	vmul.f32 $1.442695020e+00, v0  }
0x1e8: {  	v7 =	vld [tilespmem:s6+$0x5B60];
	v8 =	vmul.f32 $1.442695020e+00, v1  }
0x1e9: {  	v9 =	vld [tilespmem:s6+$0x5B70];
	v43 =	vmul.f32 $1.442695020e+00, v2;
	(erf) = vpow2.f32 v6  }
0x1ea: {  	v44 =	vmul.f32 $1.442695020e+00, v3;
	(erf) = vpow2.f32 v8  }
0x1eb: {  	v45 =	vmul.f32 $1.442695020e+00, v4;
	(erf) = vpow2.f32 v43  }
0x1ec: {  	v46 =	vmul.f32 $1.442695020e+00, v5;
	(erf) = vpow2.f32 v44  }
0x1ed: {  	v47 =	vmul.f32 $1.442695020e+00, v7;
	(erf) = vpow2.f32 v45  }
0x1ee: {  	v48 =	vmul.f32 $1.442695020e+00, v9;
	(erf) = vpow2.f32 v46  }
0x1ef: {  	(erf) = vpow2.f32 v47  }
0x1f0: {  	(erf) = vpow2.f32 v48;
	_ =	sdelay $0x1  }
0x1f1: {  	v49 =	vpop (erf)  }
0x1f2: {  	v50 =	vpop (erf)  }
0x1f3: {  	v10 =	vpop (erf)  }
0x1f4: {  	v11 =	vpop (erf)  }
0x1f5: {  	v12 =	vpop (erf)  }
0x1f6: {  	v13 =	vpop (erf)  }
0x1f7: {  	v14 =	vpop (erf)  }
0x1f8: {  	v6 =	vadd.f32 v50, v49;
	v51 =	vadd.f32 v11, v10;
	v15 =	vpop (erf)  }
0x1f9: {  	v52 =	vadd.f32 v13, v12;
	v53 =	vadd.f32 v15, v14;
	_ =	sdelay $0x1  }
0x1fa: {  	v6 =	vadd.f32 v51, v6;
	v54 =	vadd.f32 v53, v52;
	_ =	sdelay $0x1  }
0x1fb: {  	v6 =	vadd.f32 v54, v6;
	_ =	sdelay $0x1  }
0x1fc: {  	v8 =	vperm.xlane v6, v16;
	_ =	sdelay $0x1  }
0x1fd: {  	v6 =	vadd.f32 v6, v8;
	_ =	sdelay $0x1  }
0x1fe: {  	v8 =	vperm.xlane v6, v17;
	_ =	sdelay $0x1  }
0x1ff: {  	v6 =	vadd.f32 v6, v8;
	_ =	sdelay $0x1  }
0x200: {  	v8 =	vperm.xlane v6, v18;
	_ =	sdelay $0x1  }
0x201: {  	v6 =	vadd.f32 v6, v8;
	_ =	sdelay $0x1  }
0x202: {  	v8 =	vperm.xlane v6, v32;
	_ =	sdelay $0x1  }
0x203: {  	v6 =	vadd.f32 v6, v8;
	_ =	sdelay $0x1  }
0x204: {  	v8 =	vand.u32 $0x7FFFFF, v6  }
0x205: {  	v8 =	vor.u32 $0x3F800000, v8  }
0x206: {  	v55 =	vmul.f32 $5.000000000e-01, v8  }
0x207: {  	vm0 =	vgt.f32 v8, $1.414213540e+00  }
0x208: {  	v8 =	vsel vm0, v55, v8  }
0x209: {  	v10 =	vadd.f32 $1.000000000e+00, v8;
	_ =	sdelay $0x1  }
0x20a: {  	(erf) = vrcp.f32 v10;
	_ =	sdelay $0x7  }
0x20b: {  	v8 =	vadd.f32 $-1.000000000e+00, v8  }
0x20c: {  	v10 =	vpop (erf)  }
0x20d: {  	v8 =	vmul.f32 v10, v8;
	_ =	sdelay $0x1  }
0x20e: {  	v10 =	vmul.f32 v8, v8;
	_ =	sdelay $0x1  }
0x20f: {  	v56 =	vmul.f32 $2.000000030e-01, v10;
	_ =	sdelay $0x1  }
0x210: {  	v11 =	vadd.f32 $3.333333430e-01, v56;
	_ =	sdelay $0x1  }
0x211: {  	v6 =	vshrl.u32 v6, $0x17;
	v57 =	vsel vm0, $0xFFFFFF82, v31;
	v10 =	vmul.f32 v11, v10  }
0x212: {  	v6 =	vadd.s32 v6, v57  }
0x213: {  	v6 =	vcvt.s32.f32 v6;
	v8 =	vadd.f32 v8, v8;
	v10 =	vadd.f32 $1.000000000e+00, v10;
	_ =	sdelay $0x1  }
0x214: {  	v6 =	vmul.f32 $6.931471820e-01, v6;
	v8 =	vmul.f32 v10, v8;
	_ =	sdelay $0x1  }
0x215: {  	v6 =	vadd.f32 v8, v6;
	_ =	sdelay $0x1  }
0x216: {  	v0 =	vsub.f32 v0, v6  }
0x217: {  	v1 =	vsub.f32 v1, v6  }
0x218: {  	v58 =	vsub.f32 v2, v6;
	[tilespmem:s6+$0x5B00] =	vst v0  }
0x219: {  	v59 =	vsub.f32 v3, v6;
	[tilespmem:s6+$0x5B10] =	vst v1  }
0x21a: {  	p0 =	sne.s32 s17, $0x400;
	v60 =	vsub.f32 v4, v6;
	[tilespmem:s6+$0x5B20] =	vst v58  }
.Ltmp4:
0x21b: {  	v61 =	vsub.f32 v5, v6;
	[tilespmem:s6+$0x5B30] =	vst v59;
	(pc) =	sbr.rel @p0 .LBB2_7-.Ltmp4, $4  }
0x21c: {  	v62 =	vsub.f32 v7, v6;
	[tilespmem:s6+$0x5B40] =	vst v60  }
0x21d: {  	v63 =	vsub.f32 v9, v6;
	[tilespmem:s6+$0x5B50] =	vst v61  }
0x21e: {  	[tilespmem:s6+$0x5B60] =	vst v62  }
0x21f: {  	s17 =	sadd.s32 $0x200, s17;
	[tilespmem:s6+$0x5B70] =	vst v63  }
0x220: {  	s6 =	smul.u32 $0x5000, s15;
	_ =	sdelay $0x1  }
0x221: {  	s6 =	sor.u32 s5, s6  }
0x222: {  	s6 =	sshll.u32 s6, $0x4  }
0x223: {  	s11 =	smul.u32 $0x5, s15;
	p0 =	seq.s32 s15, $0x0;
	s6 =	sadd.s32 s2, s6  }
0x224: {  	[hbm4b:s6+s4] =	stream.linear.scatter [tilespmem:s14], [sflag:$0x6], $0x4000, $0x38;
	[tilespmem:$0x15C80] =	vst v63  }
0x225: {  	s17 =	sadd.s32 $0x4, s11;
	s6 =	simm.s32 @!p0 $0xA  }
0x226: {  	s11 =	sshll.u32 s17, $0x7;
	_ =	swait.ge @!p0 [sflag:s6], $0x4000  }
0x227: {  	s11 =	sand.u32 $0x3FFFFF80, s11;
	[sflag:s6] =	ssyncset.done @!p0 $0x0  }
0x228: {  	s29 =	sadd.s32 $0x80, s11;
	[sflag:s6] =	ssyncadd.s32 @!p0 $0xFFFFC000  }
0x229: {  	[tilespmem:s22], [sflag:$0x5] =	stream.indirect.gather [hbm4b:s1+s13], $0x80, s29, s13, $0xb8;
	[tilespmem:$0x15C80] =	vst v63  }
0x22a: {  	_ =	swait.ge [sflag:s23], $0x4000  }
0x22b: {  	[sflag:s23] =	ssyncset.done $0x0  }
0x22c: {  	s6 =	simm.s32 $0x5C80;
	[sflag:s23] =	ssyncadd.s32 $0xFFFFC000  }
0x22d: {  	v46 =	vld [tilespmem:s6+$0x200]  }
0x22e: {  	v45 =	vld [tilespmem:s6+$0x210]  }
0x22f: {  	v8 =	vld [tilespmem:s6+$0x220]  }
0x230: {  	v13 =	vld [tilespmem:s6+$0x230]  }
0x231: {  	v37 =	vld [tilespmem:s6+$0x240]  }
0x232: {  	v12 =	vld [tilespmem:s6+$0x250]  }
0x233: {  	v9 =	vld [tilespmem:s6+$0x260];
	v0 =	vmul.f32 $1.442695020e+00, v46  }
0x234: {  	v47 =	vld [tilespmem:s6+$0x270];
	v1 =	vmul.f32 $1.442695020e+00, v45  }
0x235: {  	v19 =	vld [tilespmem:s6+$0x10];
	v2 =	vmul.f32 $1.442695020e+00, v8;
	(erf) = vpow2.f32 v0  }
0x236: {  	v20 =	vld [tilespmem:s6+$0x20];
	v0 =	vmul.f32 $1.442695020e+00, v13;
	(erf) = vpow2.f32 v1  }
0x237: {  	v21 =	vld [tilespmem:s6+$0x30];
	v1 =	vmul.f32 $1.442695020e+00, v37;
	(erf) = vpow2.f32 v2  }
0x238: {  	v42 =	vld [tilespmem:s6+$0x40];
	v2 =	vmul.f32 $1.442695020e+00, v12;
	(erf) = vpow2.f32 v0  }
0x239: {  	v40 =	vld [tilespmem:s6+$0x50];
	v0 =	vmul.f32 $1.442695020e+00, v9;
	(erf) = vpow2.f32 v1  }
0x23a: {  	v39 =	vld [tilespmem:s6+$0x60];
	v1 =	vmul.f32 $1.442695020e+00, v47;
	(erf) = vpow2.f32 v2  }
0x23b: {  	v63 =	vld [tilespmem:s6+$0x70];
	(erf) = vpow2.f32 v0;
	v0 =	vmul.f32 $1.442695020e+00, v19  }
0x23c: {  	v62 =	vld [tilespmem:s6+$0x80];
	(erf) = vpow2.f32 v1;
	v1 =	vmul.f32 $1.442695020e+00, v20  }
0x23d: {  	v33 =	vld [tilespmem:s6+$0x90];
	v3 =	vmul.f32 $1.442695020e+00, v21  }
0x23e: {  	v44 =	vld [tilespmem:s6+$0xA0];
	v4 =	vmul.f32 $1.442695020e+00, v42;
	v2 =	vpop (erf)  }
0x23f: {  	v10 =	vld [tilespmem:s6+$0xB0];
	v5 =	vmul.f32 $1.442695020e+00, v40;
	(erf) = vpow2.f32 v0;
	v0 =	vpop (erf)  }
0x240: {  	v11 =	vld [tilespmem:s6+$0xC0];
	v6 =	vmul.f32 $1.442695020e+00, v39;
	(erf) = vpow2.f32 v1;
	v1 =	vpop (erf)  }
0x241: {  	v58 =	vld [tilespmem:s6+$0xD0];
	(erf) = vpow2.f32 v3;
	v3 =	vpop (erf)  }
0x242: {  	v59 =	vld [tilespmem:s6+$0xE0];
	(erf) = vpow2.f32 v4;
	v4 =	vpop (erf)  }
0x243: {  	v61 =	vld [tilespmem:s6+$0xF0];
	(erf) = vpow2.f32 v5;
	v5 =	vpop (erf)  }
0x244: {  	v38 =	vld [tilespmem:s6+$0x100];
	v7 =	vmul.f32 $1.442695020e+00, v63;
	(erf) = vpow2.f32 v6;
	v6 =	vpop (erf)  }
0x245: {  	v15 =	vld [tilespmem:s6+$0x110];
	v22 =	vmul.f32 $1.442695020e+00, v62;
	v0 =	vadd.f32 v0, v2;
	v1 =	vadd.f32 v3, v1;
	v2 =	vpop (erf)  }
0x246: {  	v16 =	vld [tilespmem:s6+$0x120];
	(erf) = vpow2.f32 v7;
	v3 =	vadd.f32 v5, v4;
	v2 =	vadd.f32 v2, v6  }
0x247: {  	v23 =	vmul.f32 $1.442695020e+00, v33;
	(erf) = vpow2.f32 v22;
	v22 =	vld [tilespmem:s6+$0x130]  }
0x248: {  	v25 =	vld [tilespmem:s6+$0x150];
	v4 =	vmul.f32 $1.442695020e+00, v44;
	v0 =	vadd.f32 v1, v0;
	v1 =	vadd.f32 v2, v3  }
0x249: {  	v5 =	vmul.f32 $1.442695020e+00, v10;
	(erf) = vpow2.f32 v23;
	v23 =	vld [tilespmem:s6+$0x140]  }
0x24a: {  	v24 =	vld [tilespmem:s6+$0x160];
	v6 =	vmul.f32 $1.442695020e+00, v59;
	[tilespmem:$0x1FE70] =	vst v15;
	(erf) = vpow2.f32 v4;
	v0 =	vadd.f32 v1, v0  }
0x24b: {  	v4 =	vmul.f32 $1.442695020e+00, v38;
	v26 =	vld [tilespmem:s6+$0x170];
	[tilespmem:$0x1FE80] =	vst v16;
	v2 =	vmul.f32 $1.442695020e+00, v11  }
0x24c: {  	v3 =	vmul.f32 $1.442695020e+00, v58;
	[tilespmem:$0x1FE90] =	vst v22;
	v7 =	vperm.xlane v0, v30  }
0x24d: {  	v48 =	vpop (erf);
	(erf) = vpow2.f32 v5;
	v5 =	vmul.f32 $1.442695020e+00, v15;
	v17 =	vld [tilespmem:s6+$0x180]  }
0x24e: {  	v34 =	vpop (erf);
	v1 =	vmul.f32 $1.442695020e+00, v61;
	(erf) = vpow2.f32 v2;
	[tilespmem:$0x1FEA0] =	vst v23  }
0x24f: {  	v2 =	vmul.f32 $1.442695020e+00, v16;
	v35 =	vmul.f32 $1.442695020e+00, v22;
	v41 =	vld [tilespmem:s6+$0x190];
	v0 =	vadd.f32 v0, v7  }
0x250: {  	v36 =	vmul.f32 $1.442695020e+00, v23;
	v52 =	vmul.f32 $1.442695020e+00, v26;
	v7 =	vpop (erf)  }
0x251: {  	v60 =	vld [tilespmem:s6+$0x1A0];
	(erf) = vpow2.f32 v3;
	v28 =	vperm.xlane v0, v27;
	v3 =	vpop (erf)  }
0x252: {  	v54 =	vmul.f32 $1.442695020e+00, v17;
	(erf) = vpow2.f32 v6;
	v49 =	vpop (erf)  }
0x253: {  	v43 =	vld [tilespmem:s6+$0x0];
	v6 =	vmul.f32 $1.442695020e+00, v25;
	(erf) = vpow2.f32 v1;
	v0 =	vadd.f32 v0, v28;
	v50 =	vpop (erf)  }
0x254: {  	v55 =	vmul.f32 $1.442695020e+00, v41;
	(erf) = vpow2.f32 v4;
	v51 =	vpop (erf)  }
0x255: {  	(erf) = vpow2.f32 v5;
	v5 =	vperm.xlane v0, v29;
	v4 =	vpop (erf)  }
0x256: {  	v56 =	vmul.f32 $1.442695020e+00, v60;
	v28 =	vld [tilespmem:s6+$0x1B0];
	(erf) = vpow2.f32 v2;
	v53 =	vpop (erf)  }
0x257: {  	v23 =	vld [tilespmem:s6+$0x1C0];
	v1 =	vmul.f32 $1.442695020e+00, v24;
	(erf) = vpow2.f32 v35;
	v0 =	vadd.f32 v0, v5;
	v2 =	vpop (erf)  }
0x258: {  	v15 =	vld [tilespmem:s6+$0x1D0];
	v57 =	vmul.f32 $1.442695020e+00, v43;
	v5 =	vadd.f32 v7, v34;
	v7 =	vpop (erf);
	(erf) = vpow2.f32 v36  }
0x259: {  	v35 =	vpop (erf);
	(erf) = vpow2.f32 v6;
	v6 =	vperm.xlane v0, v32  }
0x25a: {  	v4 =	vadd.f32 v53, v4;
	v2 =	vadd.f32 v7, v2;
	v34 =	vpop (erf);
	(erf) = vpow2.f32 v1  }
0x25b: {  	v7 =	vmul.f32 $1.442695020e+00, v28;
	v1 =	vpop (erf);
	v0 =	vadd.f32 v0, v6;
	(erf) = vpow2.f32 v52  }
0x25c: {  	v6 =	vmul.f32 $1.442695020e+00, v23;
	v52 =	vadd.f32 v34, v35;
	v35 =	vpop (erf);
	(erf) = vpow2.f32 v54  }
0x25d: {  	v16 =	vld [tilespmem:s6+$0x1E0];
	v34 =	vmul.f32 $1.442695020e+00, v15;
	v53 =	vpop (erf);
	(erf) = vpow2.f32 v57  }
0x25e: {  	v1 =	vadd.f32 v35, v1;
	v36 =	vand.u32 $0x7FFFFF, v0;
	(erf) = vpow2.f32 v55;
	v55 =	vpop (erf)  }
0x25f: {  	v18 =	vld [tilespmem:s6+$0x1F0];
	v2 =	vadd.f32 v2, v4;
	v54 =	vor.u32 $0x3F800000, v36;
	v4 =	vpop (erf);
	(erf) = vpow2.f32 v56  }
0x260: {  	v35 =	vmul.f32 $5.000000000e-01, v54;
	v1 =	vadd.f32 v1, v52;
	v52 =	vpop (erf);
	(erf) = vpow2.f32 v7  }
0x261: {  	vm0 =	vgt.f32 v54, $1.414213540e+00;
	(erf) = vpow2.f32 v6;
	v6 =	vpop (erf)  }
0x262: {  	v3 =	vadd.f32 v49, v3;
	v36 =	vmul.f32 $1.442695020e+00, v16;
	v7 =	vsel vm0, v35, v54;
	v49 =	vpop (erf)  }
0x263: {  	v50 =	vadd.f32 v51, v50;
	(erf) = vpow2.f32 v34;
	v56 =	vadd.f32 $1.000000000e+00, v7;
	v34 =	vpop (erf)  }
0x264: {  	v1 =	vadd.f32 v1, v2;
	v2 =	vmul.f32 $1.442695020e+00, v18;
	(erf) = vpow2.f32 v36;
	v35 =	vpop (erf)  }
0x265: {  	v51 =	vadd.f32 v55, v53;
	v4 =	vadd.f32 v52, v4;
	(erf) = vrcp.f32 v56;
	v57 =	vpop (erf)  }
0x266: {  	(erf) = vpow2.f32 v2;
	v2 =	vadd.f32 v49, v6;
	v6 =	vadd.f32 v35, v34;
	v34 =	vpop (erf)  }
0x267: {  	v36 =	vperm.xlane v1, v30;
	v48 =	vadd.f32 v48, v34  }
0x268: {  	v4 =	vadd.f32 v4, v51  }
0x269: {  	v35 =	vpop (erf);
	v5 =	vadd.f32 v5, v48  }
0x26a: {  	v2 =	vadd.f32 v6, v2;
	v6 =	vpop (erf)  }
0x26b: {  	v3 =	vadd.f32 v50, v3;
	v1 =	vadd.f32 v1, v36;
	v36 =	vpop (erf)  }
0x26c: {  	v2 =	vadd.f32 v2, v4;
	v4 =	vpop (erf)  }
0x26d: {  	v3 =	vadd.f32 v3, v5;
	v5 =	vpop (erf)  }
0x26e: {  	v54 =	vperm.xlane v1, v27;
	v49 =	vadd.f32 v35, v57;
	v57 =	vpop (erf)  }
0x26f: {  	v7 =	vadd.f32 $-1.000000000e+00, v7;
	v4 =	vadd.f32 v5, v4;
	v5 =	vperm.xlane v3, v30;
	v34 =	vpop (erf)  }
0x270: {  	v1 =	vadd.f32 v1, v54;
	v56 =	vperm.xlane v2, v30;
	v6 =	vadd.f32 v36, v6;
	v35 =	vpop (erf)  }
0x271: {  	v3 =	vadd.f32 v3, v5;
	v5 =	vadd.f32 v35, v57  }
0x272: {  	v36 =	vperm.xlane v1, v29;
	v2 =	vadd.f32 v2, v56;
	v7 =	vmul.f32 v34, v7  }
0x273: {  	v6 =	vadd.f32 v6, v49;
	v55 =	vperm.xlane v3, v27;
	v4 =	vadd.f32 v5, v4  }
0x274: {  	v1 =	vadd.f32 v1, v36;
	v5 =	vmul.f32 v7, v7  }
0x275: {  	v54 =	vperm.xlane v2, v27;
	v3 =	vadd.f32 v3, v55;
	v4 =	vadd.f32 v4, v6  }
0x276: {  	v0 =	vshrl.u32 v0, $0x17;
	v56 =	vperm.xlane v1, v32;
	v6 =	vmul.f32 $2.000000030e-01, v5  }
0x277: {  	v2 =	vadd.f32 v2, v54;
	v34 =	vperm.xlane v3, v29;
	v35 =	vperm.xlane v4, v30  }
0x278: {  	v52 =	vsel vm0, $0xFFFFFF82, v31;
	v1 =	vadd.f32 v1, v56;
	v6 =	vadd.f32 $3.333333430e-01, v6  }
0x279: {  	v57 =	vperm.xlane v2, v29;
	v3 =	vadd.f32 v3, v34;
	v4 =	vadd.f32 v4, v35  }
0x27a: {  	v0 =	vadd.s32 v0, v52;
	v36 =	vand.u32 $0x7FFFFF, v1;
	v5 =	vmul.f32 v6, v5  }
0x27b: {  	v2 =	vadd.f32 v2, v57;
	v6 =	vperm.xlane v3, v32;
	v53 =	vperm.xlane v4, v27  }
0x27c: {  	v0 =	vcvt.s32.f32 v0;
	v7 =	vadd.f32 v7, v7;
	v49 =	vor.u32 $0x3F800000, v36  }
0x27d: {  	v3 =	vadd.f32 v3, v6;
	v6 =	vperm.xlane v2, v32;
	v4 =	vadd.f32 v4, v53  }
0x27e: {  	vm14 =	vgt.f32 v49, $1.414213540e+00;
	v54 =	vmul.f32 $5.000000000e-01, v49;
	v5 =	vadd.f32 $1.000000000e+00, v5  }
0x27f: {  	v55 =	vand.u32 $0x7FFFFF, v3;
	v2 =	vadd.f32 v2, v6;
	v6 =	vperm.xlane v4, v29  }
0x280: {  	v48 =	vsel vm14, v54, v49;
	v5 =	vmul.f32 v5, v7;
	v7 =	vor.u32 $0x3F800000, v55  }
0x281: {  	v56 =	vand.u32 $0x7FFFFF, v2;
	v4 =	vadd.f32 v4, v6;
	v6 =	vmul.f32 $5.000000000e-01, v7  }
0x282: {  	v57 =	vadd.f32 $1.000000000e+00, v48;
	vm1 =	vgt.f32 v7, $1.414213540e+00;
	v49 =	vor.u32 $0x3F800000, v56  }
0x283: {  	v34 =	vmul.f32 $5.000000000e-01, v49;
	v35 =	vperm.xlane v4, v32;
	v6 =	vsel vm1, v6, v7  }
0x284: {  	v0 =	vmul.f32 $6.931471820e-01, v0;
	vm2 =	vgt.f32 v49, $1.414213540e+00;
	v7 =	vadd.f32 $1.000000000e+00, v6  }
0x285: {  	(erf) = vrcp.f32 v57;
	v49 =	vsel vm2, v34, v49;
	v4 =	vadd.f32 v4, v35  }
0x286: {  	v50 =	vadd.f32 v5, v0;
	v0 =	vadd.f32 $1.000000000e+00, v49;
	(erf) = vrcp.f32 v7  }
0x287: {  	v1 =	vshrl.u32 v1, $0x17;
	v5 =	vand.u32 $0x7FFFFF, v4  }
0x288: {  	v36 =	vsel vm14, $0xFFFFFF82, v31;
	(erf) = vrcp.f32 v0;
	v5 =	vor.u32 $0x3F800000, v5  }
0x289: {  	v1 =	vadd.s32 v1, v36;
	v3 =	vshrl.u32 v3, $0x17;
	v56 =	vmul.f32 $5.000000000e-01, v5  }
0x28a: {  	v2 =	vshrl.u32 v2, $0x17;
	v57 =	vsel vm2, $0xFFFFFF82, v31;
	vm15 =	vgt.f32 v5, $1.414213540e+00  }
0x28b: {  	v6 =	vadd.f32 $-1.000000000e+00, v6;
	v7 =	vsel vm1, $0xFFFFFF82, v31;
	v5 =	vsel vm15, v56, v5  }
0x28c: {  	v0 =	vadd.f32 $-1.000000000e+00, v48;
	v3 =	vadd.s32 v3, v7;
	v7 =	vadd.f32 $1.000000000e+00, v5  }
0x28d: {  	v4 =	vshrl.u32 v4, $0x17;
	v3 =	vcvt.s32.f32 v3;
	v34 =	vsel vm15, $0xFFFFFF82, v31  }
0x28e: {  	v35 =	vpop (erf);
	(erf) = vrcp.f32 v7;
	v7 =	vcvt.s32.f32 v1;
	v1 =	vadd.s32 v4, v34  }
0x28f: {  	v2 =	vadd.s32 v2, v57;
	v0 =	vmul.f32 v35, v0;
	v53 =	vcvt.s32.f32 v1;
	v57 =	vpop (erf)  }
0x290: {  	v4 =	vadd.f32 $-1.000000000e+00, v49;
	v1 =	vmul.f32 $6.931471820e-01, v3;
	v3 =	vmul.f32 v57, v6  }
0x291: {  	v2 =	vcvt.s32.f32 v2;
	v36 =	vmul.f32 v0, v0;
	v6 =	vpop (erf)  }
0x292: {  	v47 =	vsub.f32 v47, v50;
	v4 =	vmul.f32 v6, v4;
	v52 =	vmul.f32 v3, v3  }
0x293: {  	v48 =	vadd.f32 v0, v0;
	v0 =	vmul.f32 $6.931471820e-01, v2;
	v34 =	vmul.f32 $2.000000030e-01, v36  }
0x294: {  	v49 =	vmul.f32 v4, v4;
	v2 =	vadd.f32 v4, v4;
	v4 =	vmul.f32 $2.000000030e-01, v52  }
0x295: {  	v51 =	vadd.f32 v3, v3;
	v3 =	vadd.f32 $3.333333430e-01, v34  }
0x296: {  	v5 =	vadd.f32 $-1.000000000e+00, v5;
	v7 =	vmul.f32 $6.931471820e-01, v7;
	v6 =	vsub.f32 v46, v50  }
0x297: {  	[tilespmem:s6+$0x270] =	vst v47;
	v3 =	vmul.f32 v3, v36;
	v36 =	vsub.f32 v45, v50;
	v35 =	vmul.f32 $2.000000030e-01, v49  }
0x298: {  	v47 =	vmul.f32 $6.931471820e-01, v53;
	[tilespmem:s6+$0x200] =	vst v6;
	v45 =	vsub.f32 v8, v50;
	v55 =	vadd.f32 $3.333333430e-01, v4;
	v4 =	vpop (erf)  }
0x299: {  	s12 =	simm.s32 $0x5F00;
	s11 =	simm.s32 $0x0;
	v56 =	vmovc v32;
	v54 =	vadd.f32 $1.000000000e+00, v3;
	[tilespmem:s6+$0x210] =	vst v36;
	v53 =	vadd.f32 $3.333333430e-01, v35;
	v46 =	vmul.f32 v4, v5  }
.LBB2_9:
0x29a: {  	[tilespmem:$0x1FDF0] =	vst v16  }
0x29b: {  	v8 =	vld [tilespmem:s12+$0x200];
	[tilespmem:s6+$0x220] =	vst v45;
	v4 =	vsub.f32 v13, v50  }
0x29c: {  	[tilespmem:$0x1FDE0] =	vst v15;
	v3 =	vmul.f32 v55, v52;
	v14 =	vld [tilespmem:s12+$0x210];
	v13 =	vadd.f32 v46, v46  }
0x29d: {  	v5 =	vsub.f32 v37, v50;
	v6 =	vmul.f32 v53, v49;
	v22 =	vld [tilespmem:s12+$0x220];
	[tilespmem:s6+$0x230] =	vst v4  }
0x29e: {  	[tilespmem:$0x1FDD0] =	vst v13;
	v3 =	vadd.f32 $1.000000000e+00, v3  }
0x29f: {  	v48 =	vmul.f32 v54, v48;
	v4 =	vsub.f32 v12, v50;
	v13 =	vld [tilespmem:s12+$0x230];
	v6 =	vadd.f32 $1.000000000e+00, v6;
	[tilespmem:s6+$0x240] =	vst v5  }
0x2a0: {  	[tilespmem:$0x1FE00] =	vst v18;
	v5 =	vsub.f32 v9, v50;
	v37 =	vld [tilespmem:s12+$0x240];
	v3 =	vmul.f32 v3, v51  }
0x2a1: {  	v34 =	vld [tilespmem:s12+$0x30];
	v32 =	vadd.f32 v48, v7;
	[tilespmem:s6+$0x250] =	vst v4;
	v4 =	vmul.f32 $1.442695020e+00, v8;
	v2 =	vmul.f32 v6, v2  }
0x2a2: {  	v18 =	vld [tilespmem:s12+$0x250];
	[tilespmem:s6+$0x260] =	vst v5;
	v5 =	vmul.f32 $1.442695020e+00, v14;
	v6 =	vmul.f32 $1.442695020e+00, v22;
	v1 =	vadd.f32 v3, v1  }
0x2a3: {  	[tilespmem:$0x1FE10] =	vst v8;
	v15 =	vld [tilespmem:s12+$0x260];
	v3 =	vsub.f32 v62, v32;
	(erf) = vpow2.f32 v4;
	v50 =	vadd.f32 v2, v0  }
0x2a4: {  	[tilespmem:$0x1FE30] =	vst v14;
	v0 =	vld [tilespmem:s12+$0x10];
	v2 =	vmul.f32 $1.442695020e+00, v13;
	(erf) = vpow2.f32 v5;
	v4 =	vsub.f32 v43, v1  }
0x2a5: {  	v48 =	vld [tilespmem:s12+$0x270];
	[tilespmem:s6+$0x80] =	vst v3;
	v5 =	vmul.f32 $1.442695020e+00, v37;
	(erf) = vpow2.f32 v6;
	v6 =	vsub.f32 v19, v1  }
0x2a6: {  	v3 =	vld [tilespmem:s12+$0x20];
	(erf) = vpow2.f32 v2;
	[tilespmem:s6+$0x0] =	vst v4;
	v4 =	vsub.f32 v20, v1  }
0x2a7: {  	v8 =	vmul.f32 $1.442695020e+00, v18;
	v2 =	vld [tilespmem:s12+$0x40];
	(erf) = vpow2.f32 v5;
	[tilespmem:s6+$0x10] =	vst v6;
	v5 =	vsub.f32 v21, v1  }
0x2a8: {  	v43 =	vld [tilespmem:s12+$0x50];
	[tilespmem:s6+$0x20] =	vst v4  }
0x2a9: {  	v51 =	vld [tilespmem:s12+$0x60];
	v19 =	vmul.f32 $1.442695020e+00, v15;
	(erf) = vpow2.f32 v8;
	v8 =	vsub.f32 v40, v1;
	v7 =	vmovc v0;
	[tilespmem:s6+$0x30] =	vst v5  }
0x2aa: {  	v9 =	vmul.f32 $1.442695020e+00, v48;
	v4 =	vsub.f32 v42, v1;
	[tilespmem:$0x1FE50] =	vst v7  }
0x2ab: {  	v55 =	vmul.f32 v46, v46;
	(erf) = vpow2.f32 v19;
	v7 =	vld [tilespmem:s12+$0x70];
	[tilespmem:s6+$0x50] =	vst v8  }
0x2ac: {  	v21 =	vmul.f32 $1.442695020e+00, v0;
	(erf) = vpow2.f32 v9;
	v6 =	vmov v3;
	[tilespmem:s6+$0x40] =	vst v4  }
0x2ad: {  	v57 =	vmul.f32 $2.000000030e-01, v55;
	v12 =	vmul.f32 $1.442695020e+00, v3;
	v4 =	vsub.f32 v39, v1;
	[tilespmem:$0x1FE60] =	vst v6;
	v5 =	vmovc v34  }
0x2ae: {  	v9 =	vmul.f32 $1.442695020e+00, v34;
	(erf) = vpow2.f32 v21;
	v1 =	vsub.f32 v63, v1;
	[tilespmem:$0x1FE20] =	vst v5;
	v0 =	vpop (erf)  }
0x2af: {  	v62 =	vld [tilespmem:s12+$0x80];
	v8 =	vmul.f32 $1.442695020e+00, v2;
	(erf) = vpow2.f32 v12;
	[tilespmem:s6+$0x60] =	vst v4;
	v4 =	vsub.f32 v33, v32;
	v3 =	vpop (erf)  }
0x2b0: {  	v14 =	vmul.f32 $1.442695020e+00, v43;
	v12 =	vld [tilespmem:s12+$0x90];
	(erf) = vpow2.f32 v9;
	[tilespmem:s6+$0x70] =	vst v1;
	v1 =	vsub.f32 v44, v32;
	v5 =	vpop (erf)  }
0x2b1: {  	v44 =	vld [tilespmem:s12+$0xA0];
	v9 =	vmul.f32 $1.442695020e+00, v51;
	(erf) = vpow2.f32 v8;
	[tilespmem:s6+$0x90] =	vst v4;
	v4 =	vsub.f32 v10, v32;
	v6 =	vpop (erf)  }
0x2b2: {  	v8 =	vmul.f32 $1.442695020e+00, v7;
	(erf) = vpow2.f32 v14;
	v10 =	vld [tilespmem:s12+$0xB0];
	[tilespmem:s6+$0xA0] =	vst v1;
	v1 =	vsub.f32 v11, v32;
	v35 =	vpop (erf)  }
0x2b3: {  	v46 =	vadd.f32 $3.333333430e-01, v57;
	(erf) = vpow2.f32 v9;
	v11 =	vld [tilespmem:s12+$0xC0];
	[tilespmem:s6+$0xB0] =	vst v4;
	v4 =	vsub.f32 v58, v32;
	v57 =	vpop (erf)  }
0x2b4: {  	(erf) = vpow2.f32 v8;
	v8 =	vadd.f32 v3, v0;
	v14 =	vld [tilespmem:s12+$0xD0];
	[tilespmem:s6+$0xC0] =	vst v1;
	v1 =	vsub.f32 v59, v32;
	v59 =	vpop (erf)  }
0x2b5: {  	v19 =	vmul.f32 $1.442695020e+00, v62;
	v3 =	vadd.f32 v6, v5;
	v16 =	vld [tilespmem:s12+$0xE0];
	[tilespmem:s6+$0xD0] =	vst v4;
	v4 =	vsub.f32 v61, v32;
	v5 =	vpop (erf)  }
0x2b6: {  	v61 =	vld [tilespmem:s12+$0xF0];
	[tilespmem:s6+$0xE0] =	vst v1;
	v1 =	vadd.f32 v57, v35;
	v5 =	vadd.f32 v5, v59  }
0x2b7: {  	v54 =	vld [tilespmem:s12+$0x100];
	v49 =	vmul.f32 $1.442695020e+00, v12;
	(erf) = vpow2.f32 v19  }
0x2b8: {  	v32 =	vmov v17;
	v3 =	vadd.f32 v3, v8;
	v17 =	vpop (erf);
	v8 =	vadd.f32 v5, v1  }
0x2b9: {  	v38 =	vsub.f32 v38, v50;
	v20 =	vld [tilespmem:s12+$0x120];
	v58 =	vmul.f32 $1.442695020e+00, v44;
	v33 =	vpop (erf)  }
0x2ba: {  	v63 =	vmul.f32 $1.442695020e+00, v10;
	(erf) = vpow2.f32 v49;
	v0 =	vpop (erf);
	v3 =	vadd.f32 v8, v3;
	v8 =	vld [tilespmem:$0x1FE70]  }
0x2bb: {  	v21 =	vld [tilespmem:s12+$0x130];
	v34 =	vpop (erf);
	(erf) = vpow2.f32 v58  }
0x2bc: {  	v19 =	vld [tilespmem:s12+$0x110];
	[tilespmem:s6+$0x100] =	vst v38;
	v38 =	vmul.f32 $1.442695020e+00, v54;
	v1 =	vpop (erf);
	(erf) = vpow2.f32 v63  }
0x2bd: {  	[tilespmem:s6+$0xF0] =	vst v4;
	v6 =	vmul.f32 $1.442695020e+00, v11;
	v4 =	vmul.f32 $1.442695020e+00, v14  }
0x2be: {  	v9 =	vadd.f32 v0, v33;
	v40 =	vmul.f32 $1.442695020e+00, v16;
	v5 =	vmul.f32 $1.442695020e+00, v61;
	v35 =	vpop (erf)  }
0x2bf: {  	v39 =	vadd.f32 v1, v34;
	(erf) = vpow2.f32 v6;
	v49 =	vpop (erf);
	v31 =	vsub.f32 v8, v50  }
0x2c0: {  	v34 =	vmov v24;
	v36 =	vperm.xlane v3, v30;
	v24 =	vpop (erf);
	(erf) = vpow2.f32 v4  }
0x2c1: {  	v52 =	vmul.f32 $1.442695020e+00, v19;
	v53 =	vadd.f32 v49, v35;
	(erf) = vpow2.f32 v40  }
0x2c2: {  	[tilespmem:$0x1FE40] =	vst v22;
	v22 =	vld [tilespmem:s12+$0x140];
	v6 =	vmul.f32 $1.442695020e+00, v20;
	v3 =	vadd.f32 v3, v36;
	(erf) = vpow2.f32 v5  }
0x2c3: {  	v0 =	vld [tilespmem:s12+$0x150];
	v8 =	vmov v2;
	v2 =	vadd.f32 v53, v39;
	[tilespmem:s6+$0x110] =	vst v31;
	v31 =	vpop (erf);
	(erf) = vpow2.f32 v38  }
0x2c4: {  	v39 =	vmov v7;
	v29 =	vperm.xlane v3, v27;
	v27 =	vld [tilespmem:$0x1FE80];
	v7 =	vpop (erf);
	(erf) = vpow2.f32 v52  }
0x2c5: {  	v52 =	vpop (erf);
	(erf) = vpow2.f32 v6;
	v6 =	vld [tilespmem:$0x1FE90]  }
0x2c6: {  	v58 =	vld [tilespmem:s12+$0x1A0]  }
0x2c7: {  	v63 =	vld [tilespmem:s12+$0x170]  }
0x2c8: {  	v1 =	vld [tilespmem:s12+$0x160]  }
0x2c9: {  	v49 =	vmovc v23;
	v23 =	vmul.f32 $1.442695020e+00, v21;
	v3 =	vadd.f32 v3, v29;
	v29 =	vld [tilespmem:$0x1FFE0];
	v30 =	vsub.f32 v27, v50  }
0x2ca: {  	v6 =	vsub.f32 v6, v50  }
0x2cb: {  	v45 =	vmov v41;
	v41 =	vmov v60;
	v60 =	vld [tilespmem:s12+$0x180];
	v4 =	vmul.f32 $1.442695020e+00, v22  }
0x2cc: {  	v33 =	vmovc v28;
	v35 =	vmov v25;
	v25 =	vmul.f32 $1.442695020e+00, v0;
	v28 =	vmul.f32 $1.442695020e+00, v58;
	[tilespmem:s6+$0x130] =	vst v6;
	v6 =	vld [tilespmem:$0x1FEA0]  }
0x2cd: {  	v59 =	vld [tilespmem:s12+$0x1B0];
	v5 =	vmul.f32 $1.442695020e+00, v1;
	[tilespmem:s6+$0x120] =	vst v30;
	v30 =	vpop (erf);
	(erf) = vpow2.f32 v23;
	v23 =	vmov v20  }
0x2ce: {  	v42 =	vmovc v43;
	v43 =	vld [tilespmem:s12+$0x0];
	v36 =	vmovc v26;
	v26 =	vmul.f32 $1.442695020e+00, v63;
	v38 =	vmov v54;
	v29 =	vperm.xlane v3, v29  }
0x2cf: {  	v57 =	vld [tilespmem:s12+$0x190];
	v24 =	vadd.f32 v31, v24;
	v20 =	vmov v21;
	v21 =	vpop (erf);
	(erf) = vpow2.f32 v4  }
0x2d0: {  	v53 =	vld [tilespmem:s12+$0x1C0];
	v7 =	vadd.f32 v52, v7;
	v3 =	vadd.f32 v3, v29;
	[tilespmem:$0x1FE80] =	vst v23;
	v23 =	vpop (erf);
	(erf) = vpow2.f32 v25  }
0x2d1: {  	v54 =	vld [tilespmem:s12+$0x1D0];
	v25 =	vpop (erf);
	(erf) = vpow2.f32 v5;
	v5 =	vmov v22;
	v6 =	vsub.f32 v6, v50  }
0x2d2: {  	v31 =	vmul.f32 $1.442695020e+00, v59;
	v4 =	vadd.f32 v21, v30;
	v23 =	vadd.f32 v25, v23;
	[tilespmem:$0x1FEA0] =	vst v5  }
0x2d3: {  	v27 =	vmovc v19;
	v5 =	vmul.f32 $1.442695020e+00, v43;
	[tilespmem:s6+$0x140] =	vst v6;
	v6 =	vadd.f32 v7, v24;
	v7 =	vperm.xlane v3, v56  }
0x2d4: {  	v40 =	vmovc v51;
	v19 =	vmul.f32 $1.442695020e+00, v60;
	[tilespmem:$0x1FE70] =	vst v27;
	v27 =	vmul.f32 $1.442695020e+00, v57;
	v4 =	vadd.f32 v23, v4  }
0x2d5: {  	v51 =	vld [tilespmem:s12+$0x1E0];
	[tilespmem:$0x1FE90] =	vst v20;
	v20 =	vmul.f32 $1.442695020e+00, v53;
	v7 =	vadd.f32 v3, v7;
	v3 =	vpop (erf);
	(erf) = vpow2.f32 v26  }
0x2d6: {  	v21 =	vmul.f32 $1.442695020e+00, v54;
	v4 =	vadd.f32 v4, v6;
	v22 =	vpop (erf);
	(erf) = vpow2.f32 v19  }
0x2d7: {  	v30 =	vld [tilespmem:$0x1FFC0];
	v3 =	vadd.f32 v22, v3;
	v22 =	vand.u32 $0x7FFFFF, v7;
	(erf) = vpow2.f32 v5;
	v5 =	vpop (erf)  }
0x2d8: {  	v52 =	vld [tilespmem:s12+$0x1F0];
	v19 =	vmul.f32 v46, v55;
	v6 =	vor.u32 $0x3F800000, v22;
	(erf) = vpow2.f32 v27;
	v23 =	vpop (erf)  }
0x2d9: {  	v55 =	vmul.f32 $5.000000000e-01, v6;
	(erf) = vpow2.f32 v28;
	v28 =	vadd.f32 v23, v5;
	v23 =	vpop (erf)  }
0x2da: {  	v24 =	vmul.f32 $1.442695020e+00, v51;
	v27 =	vld [tilespmem:$0x1FFD0];
	vm0 =	vgt.f32 v6, $1.414213540e+00;
	(erf) = vpow2.f32 v31;
	v22 =	vpop (erf)  }
0x2db: {  	v6 =	vsel vm0, v55, v6;
	(erf) = vpow2.f32 v20;
	v20 =	vadd.f32 v22, v23;
	v23 =	vld [tilespmem:$0x1FDD0]  }
0x2dc: {  	v26 =	vperm.xlane v4, v30;
	v22 =	vadd.f32 $1.000000000e+00, v6;
	(erf) = vpow2.f32 v21  }
0x2dd: {  	v25 =	vmul.f32 $1.442695020e+00, v52;
	v19 =	vadd.f32 $1.000000000e+00, v19;
	v5 =	vpop (erf);
	(erf) = vpow2.f32 v24  }
0x2de: {  	v4 =	vadd.f32 v4, v26;
	v21 =	vpop (erf);
	(erf) = vrcp.f32 v22;
	v22 =	vsub.f32 v35, v50  }
0x2df: {  	v3 =	vadd.f32 v28, v3;
	v5 =	vadd.f32 v21, v5;
	v21 =	vpop (erf);
	(erf) = vpow2.f32 v25  }
0x2e0: {  	v26 =	vmul.f32 v19, v23;
	v23 =	vperm.xlane v4, v27;
	v24 =	vpop (erf);
	[tilespmem:s6+$0x150] =	vst v22;
	v22 =	vsub.f32 v34, v50  }
0x2e1: {  	v29 =	vld [tilespmem:$0x1FFE0];
	v25 =	vmov v0;
	v0 =	vadd.f32 v17, v24;
	v17 =	vadd.f32 v5, v20;
	v19 =	vpop (erf)  }
0x2e2: {  	v24 =	vmov v1;
	v1 =	vadd.f32 v4, v23;
	v4 =	vadd.f32 v19, v21;
	v19 =	vpop (erf)  }
0x2e3: {  	v0 =	vadd.f32 v9, v0;
	v3 =	vadd.f32 v17, v3;
	v5 =	vpop (erf)  }
0x2e4: {  	v6 =	vadd.f32 $-1.000000000e+00, v6;
	v5 =	vadd.f32 v5, v19;
	v19 =	vpop (erf)  }
0x2e5: {  	v47 =	vadd.f32 v26, v47;
	[tilespmem:s6+$0x160] =	vst v22;
	v0 =	vadd.f32 v2, v0;
	v2 =	vperm.xlane v3, v30;
	v22 =	vpop (erf)  }
0x2e6: {  	v21 =	vsub.f32 v36, v50;
	v20 =	vperm.xlane v1, v29;
	v19 =	vadd.f32 v22, v19;
	v22 =	vpop (erf)  }
0x2e7: {  	v7 =	vshrl.u32 v7, $0x17;
	v2 =	vadd.f32 v3, v2;
	v3 =	vadd.f32 v5, v4;
	v4 =	vpop (erf)  }
0x2e8: {  	v23 =	vsub.f32 v32, v47;
	[tilespmem:s6+$0x170] =	vst v21;
	v1 =	vadd.f32 v1, v20;
	v21 =	vperm.xlane v0, v30;
	v5 =	vpop (erf)  }
0x2e9: {  	v4 =	vmul.f32 v4, v6;
	v20 =	vperm.xlane v2, v27;
	v5 =	vadd.f32 v5, v22  }
0x2ea: {  	v6 =	vsub.f32 v45, v47;
	v0 =	vadd.f32 v0, v21;
	v21 =	vperm.xlane v1, v56  }
0x2eb: {  	[tilespmem:s6+$0x180] =	vst v23;
	v22 =	vmul.f32 v4, v4;
	v2 =	vadd.f32 v2, v20;
	v5 =	vadd.f32 v5, v19  }
0x2ec: {  	[tilespmem:s6+$0x190] =	vst v6;
	v6 =	vsub.f32 v41, v47;
	v23 =	vperm.xlane v0, v27;
	v1 =	vadd.f32 v1, v21  }
0x2ed: {  	v19 =	vmul.f32 $2.000000030e-01, v22;
	v20 =	vperm.xlane v2, v29;
	v3 =	vadd.f32 v5, v3  }
0x2ee: {  	v31 =	vimm.s32 $0xFFFFFF81;
	[tilespmem:s6+$0x1A0] =	vst v6;
	v6 =	vsub.f32 v33, v47;
	v0 =	vadd.f32 v0, v23  }
0x2ef: {  	v19 =	vadd.f32 $3.333333430e-01, v19;
	v2 =	vadd.f32 v2, v20;
	v20 =	vperm.xlane v3, v30  }
0x2f0: {  	v4 =	vadd.f32 v4, v4;
	v21 =	vsel vm0, $0xFFFFFF82, v31;
	[tilespmem:s6+$0x1B0] =	vst v6;
	v6 =	vperm.xlane v0, v29  }
0x2f1: {  	v5 =	vshrl.u32 v1, $0x17;
	v19 =	vmul.f32 v19, v22;
	v3 =	vadd.f32 v3, v20  }
0x2f2: {  	v1 =	vand.u32 $0x7FFFFF, v1;
	v0 =	vadd.f32 v0, v6;
	v6 =	vadd.s32 v7, v21  }
0x2f3: {  	v7 =	vadd.f32 $1.000000000e+00, v19;
	v6 =	vcvt.s32.f32 v6;
	v20 =	vperm.xlane v3, v27  }
0x2f4: {  	v1 =	vor.u32 $0x3F800000, v1;
	v19 =	vperm.xlane v0, v56  }
0x2f5: {  	v6 =	vmul.f32 $6.931471820e-01, v6;
	v4 =	vmul.f32 v7, v4;
	v3 =	vadd.f32 v3, v20  }
0x2f6: {  	v7 =	vperm.xlane v2, v56;
	v0 =	vadd.f32 v0, v19;
	v19 =	vmul.f32 $5.000000000e-01, v1  }
0x2f7: {  	vm13 =	vgt.f32 v1, $1.414213540e+00;
	v50 =	vadd.f32 v4, v6;
	v6 =	vperm.xlane v3, v29  }
0x2f8: {  	v2 =	vadd.f32 v2, v7;
	v1 =	vsel vm13, v19, v1  }
0x2f9: {  	v4 =	vand.u32 $0x7FFFFF, v0;
	v3 =	vadd.f32 v3, v6;
	v6 =	vadd.f32 $1.000000000e+00, v1  }
0x2fa: {  	v4 =	vor.u32 $0x3F800000, v4  }
0x2fb: {  	v7 =	vsub.f32 v48, v50;
	v21 =	vand.u32 $0x7FFFFF, v2;
	(erf) = vrcp.f32 v6  }
0x2fc: {  	v19 =	vmul.f32 $5.000000000e-01, v4;
	v21 =	vor.u32 $0x3F800000, v21;
	v22 =	vperm.xlane v3, v56  }
0x2fd: {  	v20 =	vsel vm13, $0xFFFFFF82, v31;
	vm14 =	vgt.f32 v4, $1.414213540e+00;
	[tilespmem:s12+$0x270] =	vst v7;
	v7 =	vmul.f32 $5.000000000e-01, v21  }
0x2fe: {  	vm1 =	vgt.f32 v21, $1.414213540e+00;
	v4 =	vsel vm14, v19, v4;
	v3 =	vadd.f32 v3, v22  }
0x2ff: {  	v0 =	vshrl.u32 v0, $0x17;
	v6 =	vadd.f32 $1.000000000e+00, v4;
	v7 =	vsel vm1, v7, v21  }
0x300: {  	v21 =	vadd.f32 $1.000000000e+00, v7;
	v22 =	vadd.f32 $-1.000000000e+00, v7;
	v7 =	vand.u32 $0x7FFFFF, v3  }
0x301: {  	v19 =	vsel vm14, $0xFFFFFF82, v31;
	(erf) = vrcp.f32 v6;
	v7 =	vor.u32 $0x3F800000, v7  }
0x302: {  	v2 =	vshrl.u32 v2, $0x17;
	(erf) = vrcp.f32 v21;
	v21 =	vmul.f32 $5.000000000e-01, v7  }
0x303: {  	v1 =	vadd.f32 $-1.000000000e+00, v1;
	v6 =	vsel vm1, $0xFFFFFF82, v31;
	vm15 =	vgt.f32 v7, $1.414213540e+00  }
0x304: {  	v0 =	vadd.s32 v0, v19;
	v2 =	vadd.s32 v2, v6;
	v7 =	vsel vm15, v21, v7;
	v19 =	vpop (erf)  }
0x305: {  	v6 =	vadd.f32 $-1.000000000e+00, v7;
	v7 =	vadd.f32 $1.000000000e+00, v7;
	v19 =	vmul.f32 v19, v1;
	v1 =	vld [tilespmem:$0x1FDE0]  }
0x306: {  	v5 =	vadd.s32 v5, v20  }
0x307: {  	v26 =	vmovc v63;
	v5 =	vcvt.s32.f32 v5;
	(erf) = vrcp.f32 v7;
	v7 =	vsub.f32 v49, v47  }
0x308: {  	v63 =	vmovc v39;
	v39 =	vmovc v40;
	v40 =	vmov v42;
	v42 =	vmov v8;
	v8 =	vcvt.s32.f32 v0  }
0x309: {  	[tilespmem:s6+$0x1C0] =	vst v7;
	v7 =	vmul.f32 $6.931471820e-01, v5;
	v5 =	vld [tilespmem:$0x1FDF0]  }
0x30a: {  	v20 =	vsub.f32 v1, v47;
	v1 =	vmul.f32 $6.931471820e-01, v8;
	v8 =	vld [tilespmem:$0x1FE00]  }
0x30b: {  	v3 =	vshrl.u32 v3, $0x17;
	v23 =	vsel vm15, $0xFFFFFF82, v31  }
0x30c: {  	v3 =	vadd.s32 v3, v23  }
0x30d: {  	v3 =	vcvt.s32.f32 v3;
	_ =	sdelay $0x1  }
0x30e: {  	[tilespmem:s6+$0x1D0] =	vst v20;
	v5 =	vsub.f32 v5, v47;
	v20 =	vsub.f32 v8, v47;
	v47 =	vmul.f32 $6.931471820e-01, v3;
	v3 =	vld [tilespmem:$0x1FE10]  }
0x30f: {  	v4 =	vadd.f32 $-1.000000000e+00, v4;
	_ =	sdelay $0x2  }
0x310: {  	v0 =	vpop (erf)  }
0x311: {  	v21 =	vmul.f32 v19, v19;
	v0 =	vmul.f32 v0, v4;
	v4 =	vpop (erf);
	v3 =	vsub.f32 v3, v50  }
0x312: {  	v4 =	vmul.f32 v4, v22;
	v8 =	vld [tilespmem:$0x1FE30]  }
0x313: {  	s11 =	sadd.s32 $0x5, s11;
	v28 =	vmovc v59;
	v59 =	vmovc v16;
	v16 =	vmov v51;
	v48 =	vadd.f32 v19, v19;
	v19 =	vmul.f32 $2.000000030e-01, v21;
	[tilespmem:s12+$0x200] =	vst v3;
	v3 =	vld [tilespmem:$0x1FE40]  }
0x314: {  	p0 =	slt.u32 s11, $0x78;
	v9 =	vmovc v15;
	v33 =	vmovc v12;
	v12 =	vmov v18;
	v2 =	vcvt.s32.f32 v2;
	v49 =	vmul.f32 v4, v4  }
.Ltmp5:
0x315: {  	v18 =	vmovc v52;
	v52 =	vmul.f32 v0, v0;
	v51 =	vadd.f32 v0, v0;
	[tilespmem:s6+$0x1E0] =	vst v5;
	v5 =	vadd.f32 $3.333333430e-01, v19;
	(pc) =	sbr.rel @p0 .LBB2_9-.Ltmp5, $4  }
0x316: {  	v15 =	vmovc v54;
	v17 =	vmovc v60;
	v0 =	vmul.f32 $6.931471820e-01, v2;
	v2 =	vadd.f32 v4, v4;
	v19 =	vmul.f32 $2.000000030e-01, v49  }
0x317: {  	v60 =	vmovc v58;
	v4 =	vmul.f32 $2.000000030e-01, v52;
	[tilespmem:s6+$0x1F0] =	vst v20;
	v5 =	vmul.f32 v5, v21;
	v21 =	vld [tilespmem:$0x1FE20];
	v20 =	vsub.f32 v8, v50  }
0x318: {  	v23 =	vmov v53;
	s6 =	smov.u32 s12;
	v53 =	vadd.f32 $3.333333430e-01, v19;
	v19 =	vld [tilespmem:$0x1FE50];
	v45 =	vsub.f32 v3, v50;
	v3 =	vpop (erf)  }
0x319: {  	s19 =	simm.s32 $0x0;
	v58 =	vmovc v14;
	v41 =	vmovc v57;
	v55 =	vadd.f32 $3.333333430e-01, v4;
	v54 =	vadd.f32 $1.000000000e+00, v5;
	s12 =	sadd.s32 $0x280, s12;
	[tilespmem:s6+$0x210] =	vst v20;
	v20 =	vld [tilespmem:$0x1FE60];
	v46 =	vmul.f32 v3, v6  }
0x31a: {  	_ = 	snop  }
0x31b: {  	v4 =	vsub.f32 v13, v50;
	v3 =	vmul.f32 v55, v52;
	v5 =	vmul.f32 v54, v48  }
0x31c: {  	[tilespmem:s6+$0x220] =	vst v45;
	v6 =	vsub.f32 v37, v50;
	v57 =	vsub.f32 v9, v50  }
0x31d: {  	[tilespmem:s6+$0x230] =	vst v4;
	v3 =	vadd.f32 $1.000000000e+00, v3;
	v5 =	vadd.f32 v5, v7  }
0x31e: {  	v55 =	vsub.f32 v12, v50;
	[tilespmem:s6+$0x240] =	vst v6  }
0x31f: {  	[tilespmem:s6+$0x260] =	vst v57;
	v3 =	vmul.f32 v3, v51;
	v9 =	vsub.f32 v62, v5  }
0x320: {  	[tilespmem:s6+$0x250] =	vst v55;
	v48 =	vsub.f32 v58, v5  }
0x321: {  	v36 =	vmul.f32 v53, v49;
	v49 =	vsub.f32 v59, v5;
	v1 =	vadd.f32 v3, v1;
	[tilespmem:s6+$0x80] =	vst v9  }
0x322: {  	v50 =	vsub.f32 v61, v5;
	[tilespmem:s6+$0xD0] =	vst v48  }
0x323: {  	[tilespmem:s6+$0xE0] =	vst v49;
	v12 =	vsub.f32 v43, v1  }
0x324: {  	[tilespmem:s6+$0xF0] =	vst v50;
	v13 =	vsub.f32 v19, v1  }
0x325: {  	v14 =	vsub.f32 v20, v1;
	[tilespmem:s6+$0x0] =	vst v12  }
0x326: {  	v22 =	vsub.f32 v21, v1;
	[tilespmem:s6+$0x10] =	vst v13  }
0x327: {  	v32 =	vsub.f32 v42, v1;
	[tilespmem:s6+$0x20] =	vst v14  }
0x328: {  	v34 =	vsub.f32 v40, v1;
	[tilespmem:s6+$0x30] =	vst v22  }
0x329: {  	v6 =	vadd.f32 $1.000000000e+00, v36;
	v35 =	vsub.f32 v39, v1;
	[tilespmem:s6+$0x40] =	vst v32  }
0x32a: {  	v1 =	vsub.f32 v63, v1;
	[tilespmem:s6+$0x50] =	vst v34  }
0x32b: {  	v2 =	vmul.f32 v6, v2;
	v39 =	vsub.f32 v33, v5;
	[tilespmem:s6+$0x60] =	vst v35  }
0x32c: {  	v37 =	vmul.f32 v46, v46;
	v40 =	vsub.f32 v44, v5;
	[tilespmem:s6+$0x70] =	vst v1  }
0x32d: {  	v0 =	vadd.f32 v2, v0;
	v43 =	vsub.f32 v10, v5;
	[tilespmem:s6+$0x90] =	vst v39  }
0x32e: {  	v42 =	vmul.f32 $2.000000030e-01, v37;
	v44 =	vsub.f32 v11, v5;
	[tilespmem:s6+$0xA0] =	vst v40  }
0x32f: {  	v51 =	vsub.f32 v38, v0;
	[tilespmem:s6+$0xB0] =	vst v43  }
0x330: {  	v45 =	vadd.f32 $3.333333430e-01, v42;
	[tilespmem:s6+$0xC0] =	vst v44  }
0x331: {  	v2 =	vld [tilespmem:$0x1FE70];
	[tilespmem:s6+$0x100] =	vst v51  }
0x332: {  	v3 =	vmul.f32 v45, v37;
	v1 =	vld [tilespmem:$0x1FE80];
	_ =	sdelay $0x1  }
0x333: {  	v52 =	vadd.f32 v46, v46;
	v3 =	vadd.f32 $1.000000000e+00, v3;
	_ =	sdelay $0x1  }
0x334: {  	v2 =	vsub.f32 v2, v0;
	v3 =	vmul.f32 v3, v52  }
0x335: {  	v1 =	vsub.f32 v1, v0  }
0x336: {  	v53 =	vsub.f32 v25, v0;
	[tilespmem:s6+$0x110] =	vst v2;
	v3 =	vadd.f32 v3, v47  }
0x337: {  	v54 =	vsub.f32 v24, v0;
	v2 =	vld [tilespmem:$0x1FE90];
	[tilespmem:s6+$0x120] =	vst v1  }
0x338: {  	v1 =	vld [tilespmem:$0x1FEA0];
	[tilespmem:s6+$0x150] =	vst v53;
	v55 =	vsub.f32 v17, v3  }
0x339: {  	[tilespmem:s6+$0x160] =	vst v54;
	v57 =	vsub.f32 v41, v3  }
0x33a: {  	v58 =	vsub.f32 v60, v3;
	[tilespmem:s6+$0x180] =	vst v55  }
0x33b: {  	v59 =	vsub.f32 v28, v3;
	[tilespmem:s6+$0x190] =	vst v57  }
0x33c: {  	v60 =	vsub.f32 v23, v3;
	[tilespmem:s6+$0x1A0] =	vst v58  }
0x33d: {  	v61 =	vsub.f32 v15, v3;
	[tilespmem:s6+$0x1B0] =	vst v59  }
0x33e: {  	v62 =	vsub.f32 v16, v3;
	[tilespmem:s6+$0x1C0] =	vst v60  }
0x33f: {  	v63 =	vsub.f32 v18, v3;
	[tilespmem:s6+$0x1D0] =	vst v61  }
0x340: {  	[tilespmem:s6+$0x1E0] =	vst v62;
	v2 =	vsub.f32 v2, v0  }
0x341: {  	[tilespmem:s6+$0x1F0] =	vst v63;
	v1 =	vsub.f32 v1, v0  }
0x342: {  	v0 =	vsub.f32 v26, v0;
	[tilespmem:s6+$0x130] =	vst v2  }
0x343: {  	[tilespmem:s6+$0x140] =	vst v1  }
0x344: {  	[tilespmem:s6+$0x170] =	vst v0  }
0x345: {  	v16 =	vld [tilespmem:$0x1FF90]  }
0x346: {  	v17 =	vld [tilespmem:$0x1FFA0]  }
0x347: {  	v32 =	vmov v56;
	v18 =	vld [tilespmem:$0x1FFB0]  }
.LBB2_11:
0x348: {  	s6 =	sshra.s32 s19, $0x2  }
0x349: {  	v0 =	vld [tilespmem:s6+$0x9B00]  }
0x34a: {  	v1 =	vld [tilespmem:s6+$0x9B10]  }
0x34b: {  	v2 =	vld [tilespmem:s6+$0x9B20]  }
0x34c: {  	v3 =	vld [tilespmem:s6+$0x9B30]  }
0x34d: {  	v4 =	vld [tilespmem:s6+$0x9B40]  }
0x34e: {  	v5 =	vld [tilespmem:s6+$0x9B50];
	v6 =	vmul.f32 $1.442695020e+00, v0  }
0x34f: {  	v7 =	vld [tilespmem:s6+$0x9B60];
	v8 =	vmul.f32 $1.442695020e+00, v1  }
0x350: {  	v9 =	vld [tilespmem:s6+$0x9B70];
	v43 =	vmul.f32 $1.442695020e+00, v2;
	(erf) = vpow2.f32 v6  }
0x351: {  	v44 =	vmul.f32 $1.442695020e+00, v3;
	(erf) = vpow2.f32 v8  }
0x352: {  	v45 =	vmul.f32 $1.442695020e+00, v4;
	(erf) = vpow2.f32 v43  }
0x353: {  	v46 =	vmul.f32 $1.442695020e+00, v5;
	(erf) = vpow2.f32 v44  }
0x354: {  	v47 =	vmul.f32 $1.442695020e+00, v7;
	(erf) = vpow2.f32 v45  }
0x355: {  	v48 =	vmul.f32 $1.442695020e+00, v9;
	(erf) = vpow2.f32 v46  }
0x356: {  	(erf) = vpow2.f32 v47  }
0x357: {  	(erf) = vpow2.f32 v48;
	_ =	sdelay $0x1  }
0x358: {  	v49 =	vpop (erf)  }
0x359: {  	v50 =	vpop (erf)  }
0x35a: {  	v10 =	vpop (erf)  }
0x35b: {  	v11 =	vpop (erf)  }
0x35c: {  	v12 =	vpop (erf)  }
0x35d: {  	v13 =	vpop (erf)  }
0x35e: {  	v14 =	vpop (erf)  }
0x35f: {  	v6 =	vadd.f32 v50, v49;
	v51 =	vadd.f32 v11, v10;
	v15 =	vpop (erf)  }
0x360: {  	v52 =	vadd.f32 v13, v12;
	v53 =	vadd.f32 v15, v14;
	_ =	sdelay $0x1  }
0x361: {  	v6 =	vadd.f32 v51, v6;
	v54 =	vadd.f32 v53, v52;
	_ =	sdelay $0x1  }
0x362: {  	v6 =	vadd.f32 v54, v6;
	_ =	sdelay $0x1  }
0x363: {  	v8 =	vperm.xlane v6, v16;
	_ =	sdelay $0x1  }
0x364: {  	v6 =	vadd.f32 v6, v8;
	_ =	sdelay $0x1  }
0x365: {  	v8 =	vperm.xlane v6, v17;
	_ =	sdelay $0x1  }
0x366: {  	v6 =	vadd.f32 v6, v8;
	_ =	sdelay $0x1  }
0x367: {  	v8 =	vperm.xlane v6, v18;
	_ =	sdelay $0x1  }
0x368: {  	v6 =	vadd.f32 v6, v8;
	_ =	sdelay $0x1  }
0x369: {  	v8 =	vperm.xlane v6, v32;
	_ =	sdelay $0x1  }
0x36a: {  	v6 =	vadd.f32 v6, v8;
	_ =	sdelay $0x1  }
0x36b: {  	v8 =	vand.u32 $0x7FFFFF, v6  }
0x36c: {  	v8 =	vor.u32 $0x3F800000, v8  }
0x36d: {  	v55 =	vmul.f32 $5.000000000e-01, v8  }
0x36e: {  	vm0 =	vgt.f32 v8, $1.414213540e+00  }
0x36f: {  	v8 =	vsel vm0, v55, v8  }
0x370: {  	v10 =	vadd.f32 $1.000000000e+00, v8;
	_ =	sdelay $0x1  }
0x371: {  	(erf) = vrcp.f32 v10;
	_ =	sdelay $0x7  }
0x372: {  	v8 =	vadd.f32 $-1.000000000e+00, v8  }
0x373: {  	v10 =	vpop (erf)  }
0x374: {  	v8 =	vmul.f32 v10, v8;
	_ =	sdelay $0x1  }
0x375: {  	v10 =	vmul.f32 v8, v8;
	_ =	sdelay $0x1  }
0x376: {  	v56 =	vmul.f32 $2.000000030e-01, v10;
	_ =	sdelay $0x1  }
0x377: {  	v11 =	vadd.f32 $3.333333430e-01, v56;
	_ =	sdelay $0x1  }
0x378: {  	v6 =	vshrl.u32 v6, $0x17;
	v57 =	vsel vm0, $0xFFFFFF82, v31;
	v10 =	vmul.f32 v11, v10  }
0x379: {  	v6 =	vadd.s32 v6, v57  }
0x37a: {  	v6 =	vcvt.s32.f32 v6;
	v8 =	vadd.f32 v8, v8;
	v10 =	vadd.f32 $1.000000000e+00, v10;
	_ =	sdelay $0x1  }
0x37b: {  	v6 =	vmul.f32 $6.931471820e-01, v6;
	v8 =	vmul.f32 v10, v8;
	_ =	sdelay $0x1  }
0x37c: {  	v6 =	vadd.f32 v8, v6;
	_ =	sdelay $0x1  }
0x37d: {  	v0 =	vsub.f32 v0, v6  }
0x37e: {  	v1 =	vsub.f32 v1, v6  }
0x37f: {  	v58 =	vsub.f32 v2, v6;
	[tilespmem:s6+$0x9B00] =	vst v0  }
0x380: {  	v59 =	vsub.f32 v3, v6;
	[tilespmem:s6+$0x9B10] =	vst v1  }
0x381: {  	p0 =	sne.s32 s19, $0x400;
	v60 =	vsub.f32 v4, v6;
	[tilespmem:s6+$0x9B20] =	vst v58  }
.Ltmp6:
0x382: {  	v61 =	vsub.f32 v5, v6;
	[tilespmem:s6+$0x9B30] =	vst v59;
	(pc) =	sbr.rel @p0 .LBB2_11-.Ltmp6, $4  }
0x383: {  	v62 =	vsub.f32 v7, v6;
	[tilespmem:s6+$0x9B40] =	vst v60  }
0x384: {  	v63 =	vsub.f32 v9, v6;
	[tilespmem:s6+$0x9B50] =	vst v61  }
0x385: {  	[tilespmem:s6+$0x9B60] =	vst v62  }
0x386: {  	s19 =	sadd.s32 $0x200, s19;
	[tilespmem:s6+$0x9B70] =	vst v63  }
0x387: {  	s6 =	smul.u32 $0x280000, s15;
	_ =	sdelay $0x1  }
0x388: {  	s6 =	sadd.s32 s7, s6  }
0x389: {  	s6 =	sshrl.u32 s6, $0x3  }
0x38a: {  	p0 =	seq.s32 s15, $0x9;
	s6 =	sadd.s32 s2, s6  }
0x38b: {  	[hbm4b:s6+s4] =	stream.linear.scatter [tilespmem:s16], [sflag:$0x7], $0x4000, $0x38;
	[tilespmem:$0x15C80] =	vst v63  }
0x38c: {  	s11 =	smul.u32 @!p0 $0xA00, s15;
	s6 =	simm.s32 @!p0 $0x6  }
0x38d: {  	_ =	swait.ge @!p0 [sflag:s6], $0x4000  }
0x38e: {  	s12 =	simm.s32 @!p0 $0x1C80;
	s19 =	sshra.s32 @!p0 s11, $0x2;
	[sflag:s6] =	ssyncset.done @!p0 $0x0  }
0x38f: {  	s11 =	simm.s32 @!p0 $0x80;
	[sflag:s6] =	ssyncadd.s32 @!p0 $0xFFFFC000;
	s6 =	sadd.s32 @!p0 $0x300, s19  }
0x390: {  	[tilespmem:s12], [sflag:$0x1] =	stream.indirect.gather @!p0 [hbm4b:s1+s11], $0x80, s6, s11, $0xb8;
	[tilespmem:$0x15C80] =	vst v63  }
0x391: {  	_ =	swait.ge [sflag:s24], $0x4000  }
0x392: {  	[sflag:s24] =	ssyncset.done $0x0  }
0x393: {  	s6 =	simm.s32 $0x9C80;
	[sflag:s24] =	ssyncadd.s32 $0xFFFFC000  }
0x394: {  	v46 =	vld [tilespmem:s6+$0x200]  }
0x395: {  	v45 =	vld [tilespmem:s6+$0x210]  }
0x396: {  	v8 =	vld [tilespmem:s6+$0x220]  }
0x397: {  	v13 =	vld [tilespmem:s6+$0x230]  }
0x398: {  	v37 =	vld [tilespmem:s6+$0x240]  }
0x399: {  	v12 =	vld [tilespmem:s6+$0x250]  }
0x39a: {  	v9 =	vld [tilespmem:s6+$0x260];
	v0 =	vmul.f32 $1.442695020e+00, v46  }
0x39b: {  	v47 =	vld [tilespmem:s6+$0x270];
	v1 =	vmul.f32 $1.442695020e+00, v45  }
0x39c: {  	v19 =	vld [tilespmem:s6+$0x10];
	v2 =	vmul.f32 $1.442695020e+00, v8;
	(erf) = vpow2.f32 v0  }
0x39d: {  	v20 =	vld [tilespmem:s6+$0x20];
	v0 =	vmul.f32 $1.442695020e+00, v13;
	(erf) = vpow2.f32 v1  }
0x39e: {  	v21 =	vld [tilespmem:s6+$0x30];
	v1 =	vmul.f32 $1.442695020e+00, v37;
	(erf) = vpow2.f32 v2  }
0x39f: {  	v42 =	vld [tilespmem:s6+$0x40];
	v2 =	vmul.f32 $1.442695020e+00, v12;
	(erf) = vpow2.f32 v0  }
0x3a0: {  	v40 =	vld [tilespmem:s6+$0x50];
	v0 =	vmul.f32 $1.442695020e+00, v9;
	(erf) = vpow2.f32 v1  }
0x3a1: {  	v39 =	vld [tilespmem:s6+$0x60];
	v1 =	vmul.f32 $1.442695020e+00, v47;
	(erf) = vpow2.f32 v2  }
0x3a2: {  	v63 =	vld [tilespmem:s6+$0x70];
	(erf) = vpow2.f32 v0;
	v0 =	vmul.f32 $1.442695020e+00, v19  }
0x3a3: {  	v62 =	vld [tilespmem:s6+$0x80];
	(erf) = vpow2.f32 v1;
	v1 =	vmul.f32 $1.442695020e+00, v20  }
0x3a4: {  	v33 =	vld [tilespmem:s6+$0x90];
	v3 =	vmul.f32 $1.442695020e+00, v21  }
0x3a5: {  	v44 =	vld [tilespmem:s6+$0xA0];
	v4 =	vmul.f32 $1.442695020e+00, v42;
	v2 =	vpop (erf)  }
0x3a6: {  	v10 =	vld [tilespmem:s6+$0xB0];
	v5 =	vmul.f32 $1.442695020e+00, v40;
	(erf) = vpow2.f32 v0;
	v0 =	vpop (erf)  }
0x3a7: {  	v11 =	vld [tilespmem:s6+$0xC0];
	v6 =	vmul.f32 $1.442695020e+00, v39;
	(erf) = vpow2.f32 v1;
	v1 =	vpop (erf)  }
0x3a8: {  	v58 =	vld [tilespmem:s6+$0xD0];
	(erf) = vpow2.f32 v3;
	v3 =	vpop (erf)  }
0x3a9: {  	v59 =	vld [tilespmem:s6+$0xE0];
	(erf) = vpow2.f32 v4;
	v4 =	vpop (erf)  }
0x3aa: {  	v61 =	vld [tilespmem:s6+$0xF0];
	(erf) = vpow2.f32 v5;
	v5 =	vpop (erf)  }
0x3ab: {  	v38 =	vld [tilespmem:s6+$0x100];
	v7 =	vmul.f32 $1.442695020e+00, v63;
	(erf) = vpow2.f32 v6;
	v6 =	vpop (erf)  }
0x3ac: {  	v15 =	vld [tilespmem:s6+$0x110];
	v22 =	vmul.f32 $1.442695020e+00, v62;
	v0 =	vadd.f32 v0, v2;
	v1 =	vadd.f32 v3, v1;
	v2 =	vpop (erf)  }
0x3ad: {  	v16 =	vld [tilespmem:s6+$0x120];
	(erf) = vpow2.f32 v7;
	v3 =	vadd.f32 v5, v4;
	v2 =	vadd.f32 v2, v6  }
0x3ae: {  	v23 =	vmul.f32 $1.442695020e+00, v33;
	(erf) = vpow2.f32 v22;
	v22 =	vld [tilespmem:s6+$0x130]  }
0x3af: {  	v25 =	vld [tilespmem:s6+$0x150];
	v4 =	vmul.f32 $1.442695020e+00, v44;
	v0 =	vadd.f32 v1, v0;
	v1 =	vadd.f32 v2, v3  }
0x3b0: {  	v5 =	vmul.f32 $1.442695020e+00, v10;
	(erf) = vpow2.f32 v23;
	v23 =	vld [tilespmem:s6+$0x140]  }
0x3b1: {  	v24 =	vld [tilespmem:s6+$0x160];
	v6 =	vmul.f32 $1.442695020e+00, v59;
	[tilespmem:$0x1FD90] =	vst v15;
	(erf) = vpow2.f32 v4;
	v0 =	vadd.f32 v1, v0  }
0x3b2: {  	v4 =	vmul.f32 $1.442695020e+00, v38;
	v26 =	vld [tilespmem:s6+$0x170];
	[tilespmem:$0x1FDA0] =	vst v16;
	v2 =	vmul.f32 $1.442695020e+00, v11  }
0x3b3: {  	v3 =	vmul.f32 $1.442695020e+00, v58;
	[tilespmem:$0x1FDB0] =	vst v22;
	v7 =	vperm.xlane v0, v30  }
0x3b4: {  	v48 =	vpop (erf);
	(erf) = vpow2.f32 v5;
	v5 =	vmul.f32 $1.442695020e+00, v15;
	v17 =	vld [tilespmem:s6+$0x180]  }
0x3b5: {  	v34 =	vpop (erf);
	v1 =	vmul.f32 $1.442695020e+00, v61;
	(erf) = vpow2.f32 v2;
	[tilespmem:$0x1FDC0] =	vst v23  }
0x3b6: {  	v2 =	vmul.f32 $1.442695020e+00, v16;
	v35 =	vmul.f32 $1.442695020e+00, v22;
	v41 =	vld [tilespmem:s6+$0x190];
	v0 =	vadd.f32 v0, v7  }
0x3b7: {  	v36 =	vmul.f32 $1.442695020e+00, v23;
	v52 =	vmul.f32 $1.442695020e+00, v26;
	v7 =	vpop (erf)  }
0x3b8: {  	v60 =	vld [tilespmem:s6+$0x1A0];
	(erf) = vpow2.f32 v3;
	v28 =	vperm.xlane v0, v27;
	v3 =	vpop (erf)  }
0x3b9: {  	v54 =	vmul.f32 $1.442695020e+00, v17;
	(erf) = vpow2.f32 v6;
	v49 =	vpop (erf)  }
0x3ba: {  	v43 =	vld [tilespmem:s6+$0x0];
	v6 =	vmul.f32 $1.442695020e+00, v25;
	(erf) = vpow2.f32 v1;
	v0 =	vadd.f32 v0, v28;
	v50 =	vpop (erf)  }
0x3bb: {  	v55 =	vmul.f32 $1.442695020e+00, v41;
	(erf) = vpow2.f32 v4;
	v51 =	vpop (erf)  }
0x3bc: {  	(erf) = vpow2.f32 v5;
	v5 =	vperm.xlane v0, v29;
	v4 =	vpop (erf)  }
0x3bd: {  	v56 =	vmul.f32 $1.442695020e+00, v60;
	v28 =	vld [tilespmem:s6+$0x1B0];
	(erf) = vpow2.f32 v2;
	v53 =	vpop (erf)  }
0x3be: {  	v23 =	vld [tilespmem:s6+$0x1C0];
	v1 =	vmul.f32 $1.442695020e+00, v24;
	(erf) = vpow2.f32 v35;
	v0 =	vadd.f32 v0, v5;
	v2 =	vpop (erf)  }
0x3bf: {  	v15 =	vld [tilespmem:s6+$0x1D0];
	v57 =	vmul.f32 $1.442695020e+00, v43;
	v5 =	vadd.f32 v7, v34;
	v7 =	vpop (erf);
	(erf) = vpow2.f32 v36  }
0x3c0: {  	v35 =	vpop (erf);
	(erf) = vpow2.f32 v6;
	v6 =	vperm.xlane v0, v32  }
0x3c1: {  	v4 =	vadd.f32 v53, v4;
	v2 =	vadd.f32 v7, v2;
	v34 =	vpop (erf);
	(erf) = vpow2.f32 v1  }
0x3c2: {  	v7 =	vmul.f32 $1.442695020e+00, v28;
	v1 =	vpop (erf);
	v0 =	vadd.f32 v0, v6;
	(erf) = vpow2.f32 v52  }
0x3c3: {  	v6 =	vmul.f32 $1.442695020e+00, v23;
	v52 =	vadd.f32 v34, v35;
	v35 =	vpop (erf);
	(erf) = vpow2.f32 v54  }
0x3c4: {  	v16 =	vld [tilespmem:s6+$0x1E0];
	v34 =	vmul.f32 $1.442695020e+00, v15;
	v53 =	vpop (erf);
	(erf) = vpow2.f32 v57  }
0x3c5: {  	v1 =	vadd.f32 v35, v1;
	v36 =	vand.u32 $0x7FFFFF, v0;
	(erf) = vpow2.f32 v55;
	v55 =	vpop (erf)  }
0x3c6: {  	v18 =	vld [tilespmem:s6+$0x1F0];
	v2 =	vadd.f32 v2, v4;
	v54 =	vor.u32 $0x3F800000, v36;
	v4 =	vpop (erf);
	(erf) = vpow2.f32 v56  }
0x3c7: {  	v35 =	vmul.f32 $5.000000000e-01, v54;
	v1 =	vadd.f32 v1, v52;
	v52 =	vpop (erf);
	(erf) = vpow2.f32 v7  }
0x3c8: {  	vm0 =	vgt.f32 v54, $1.414213540e+00;
	(erf) = vpow2.f32 v6;
	v6 =	vpop (erf)  }
0x3c9: {  	v3 =	vadd.f32 v49, v3;
	v36 =	vmul.f32 $1.442695020e+00, v16;
	v7 =	vsel vm0, v35, v54;
	v49 =	vpop (erf)  }
0x3ca: {  	v50 =	vadd.f32 v51, v50;
	(erf) = vpow2.f32 v34;
	v56 =	vadd.f32 $1.000000000e+00, v7;
	v34 =	vpop (erf)  }
0x3cb: {  	v1 =	vadd.f32 v1, v2;
	v2 =	vmul.f32 $1.442695020e+00, v18;
	(erf) = vpow2.f32 v36;
	v35 =	vpop (erf)  }
0x3cc: {  	v51 =	vadd.f32 v55, v53;
	v4 =	vadd.f32 v52, v4;
	(erf) = vrcp.f32 v56;
	v57 =	vpop (erf)  }
0x3cd: {  	(erf) = vpow2.f32 v2;
	v2 =	vadd.f32 v49, v6;
	v6 =	vadd.f32 v35, v34;
	v34 =	vpop (erf)  }
0x3ce: {  	v36 =	vperm.xlane v1, v30;
	v48 =	vadd.f32 v48, v34  }
0x3cf: {  	v4 =	vadd.f32 v4, v51  }
0x3d0: {  	v35 =	vpop (erf);
	v5 =	vadd.f32 v5, v48  }
0x3d1: {  	v2 =	vadd.f32 v6, v2;
	v6 =	vpop (erf)  }
0x3d2: {  	v3 =	vadd.f32 v50, v3;
	v1 =	vadd.f32 v1, v36;
	v36 =	vpop (erf)  }
0x3d3: {  	v2 =	vadd.f32 v2, v4;
	v4 =	vpop (erf)  }
0x3d4: {  	v3 =	vadd.f32 v3, v5;
	v5 =	vpop (erf)  }
0x3d5: {  	v54 =	vperm.xlane v1, v27;
	v49 =	vadd.f32 v35, v57;
	v57 =	vpop (erf)  }
0x3d6: {  	v7 =	vadd.f32 $-1.000000000e+00, v7;
	v4 =	vadd.f32 v5, v4;
	v5 =	vperm.xlane v3, v30;
	v34 =	vpop (erf)  }
0x3d7: {  	v1 =	vadd.f32 v1, v54;
	v56 =	vperm.xlane v2, v30;
	v6 =	vadd.f32 v36, v6;
	v35 =	vpop (erf)  }
0x3d8: {  	v3 =	vadd.f32 v3, v5;
	v5 =	vadd.f32 v35, v57  }
0x3d9: {  	v36 =	vperm.xlane v1, v29;
	v2 =	vadd.f32 v2, v56;
	v7 =	vmul.f32 v34, v7  }
0x3da: {  	v6 =	vadd.f32 v6, v49;
	v55 =	vperm.xlane v3, v27;
	v4 =	vadd.f32 v5, v4  }
0x3db: {  	v1 =	vadd.f32 v1, v36;
	v5 =	vmul.f32 v7, v7  }
0x3dc: {  	v54 =	vperm.xlane v2, v27;
	v3 =	vadd.f32 v3, v55;
	v4 =	vadd.f32 v4, v6  }
0x3dd: {  	v0 =	vshrl.u32 v0, $0x17;
	v56 =	vperm.xlane v1, v32;
	v6 =	vmul.f32 $2.000000030e-01, v5  }
0x3de: {  	v2 =	vadd.f32 v2, v54;
	v34 =	vperm.xlane v3, v29;
	v35 =	vperm.xlane v4, v30  }
0x3df: {  	v52 =	vsel vm0, $0xFFFFFF82, v31;
	v1 =	vadd.f32 v1, v56;
	v6 =	vadd.f32 $3.333333430e-01, v6  }
0x3e0: {  	v57 =	vperm.xlane v2, v29;
	v3 =	vadd.f32 v3, v34;
	v4 =	vadd.f32 v4, v35  }
0x3e1: {  	v0 =	vadd.s32 v0, v52;
	v36 =	vand.u32 $0x7FFFFF, v1;
	v5 =	vmul.f32 v6, v5  }
0x3e2: {  	v2 =	vadd.f32 v2, v57;
	v6 =	vperm.xlane v3, v32;
	v53 =	vperm.xlane v4, v27  }
0x3e3: {  	v0 =	vcvt.s32.f32 v0;
	v7 =	vadd.f32 v7, v7;
	v49 =	vor.u32 $0x3F800000, v36  }
0x3e4: {  	v3 =	vadd.f32 v3, v6;
	v6 =	vperm.xlane v2, v32;
	v4 =	vadd.f32 v4, v53  }
0x3e5: {  	vm14 =	vgt.f32 v49, $1.414213540e+00;
	v54 =	vmul.f32 $5.000000000e-01, v49;
	v5 =	vadd.f32 $1.000000000e+00, v5  }
0x3e6: {  	v55 =	vand.u32 $0x7FFFFF, v3;
	v2 =	vadd.f32 v2, v6;
	v6 =	vperm.xlane v4, v29  }
0x3e7: {  	v48 =	vsel vm14, v54, v49;
	v5 =	vmul.f32 v5, v7;
	v7 =	vor.u32 $0x3F800000, v55  }
0x3e8: {  	v56 =	vand.u32 $0x7FFFFF, v2;
	v4 =	vadd.f32 v4, v6;
	v6 =	vmul.f32 $5.000000000e-01, v7  }
0x3e9: {  	v57 =	vadd.f32 $1.000000000e+00, v48;
	vm1 =	vgt.f32 v7, $1.414213540e+00;
	v49 =	vor.u32 $0x3F800000, v56  }
0x3ea: {  	v34 =	vmul.f32 $5.000000000e-01, v49;
	v35 =	vperm.xlane v4, v32;
	v6 =	vsel vm1, v6, v7  }
0x3eb: {  	v0 =	vmul.f32 $6.931471820e-01, v0;
	vm2 =	vgt.f32 v49, $1.414213540e+00;
	v7 =	vadd.f32 $1.000000000e+00, v6  }
0x3ec: {  	(erf) = vrcp.f32 v57;
	v49 =	vsel vm2, v34, v49;
	v4 =	vadd.f32 v4, v35  }
0x3ed: {  	v50 =	vadd.f32 v5, v0;
	v0 =	vadd.f32 $1.000000000e+00, v49;
	(erf) = vrcp.f32 v7  }
0x3ee: {  	v1 =	vshrl.u32 v1, $0x17;
	v5 =	vand.u32 $0x7FFFFF, v4  }
0x3ef: {  	v36 =	vsel vm14, $0xFFFFFF82, v31;
	(erf) = vrcp.f32 v0;
	v5 =	vor.u32 $0x3F800000, v5  }
0x3f0: {  	v1 =	vadd.s32 v1, v36;
	v3 =	vshrl.u32 v3, $0x17;
	v56 =	vmul.f32 $5.000000000e-01, v5  }
0x3f1: {  	v2 =	vshrl.u32 v2, $0x17;
	v57 =	vsel vm2, $0xFFFFFF82, v31;
	vm15 =	vgt.f32 v5, $1.414213540e+00  }
0x3f2: {  	v6 =	vadd.f32 $-1.000000000e+00, v6;
	v7 =	vsel vm1, $0xFFFFFF82, v31;
	v5 =	vsel vm15, v56, v5  }
0x3f3: {  	v0 =	vadd.f32 $-1.000000000e+00, v48;
	v3 =	vadd.s32 v3, v7;
	v7 =	vadd.f32 $1.000000000e+00, v5  }
0x3f4: {  	v4 =	vshrl.u32 v4, $0x17;
	v3 =	vcvt.s32.f32 v3;
	v34 =	vsel vm15, $0xFFFFFF82, v31  }
0x3f5: {  	v35 =	vpop (erf);
	(erf) = vrcp.f32 v7;
	v7 =	vcvt.s32.f32 v1;
	v1 =	vadd.s32 v4, v34  }
0x3f6: {  	v2 =	vadd.s32 v2, v57;
	v0 =	vmul.f32 v35, v0;
	v53 =	vcvt.s32.f32 v1;
	v57 =	vpop (erf)  }
0x3f7: {  	v4 =	vadd.f32 $-1.000000000e+00, v49;
	v1 =	vmul.f32 $6.931471820e-01, v3;
	v3 =	vmul.f32 v57, v6  }
0x3f8: {  	v2 =	vcvt.s32.f32 v2;
	v36 =	vmul.f32 v0, v0;
	v6 =	vpop (erf)  }
0x3f9: {  	v47 =	vsub.f32 v47, v50;
	v4 =	vmul.f32 v6, v4;
	v52 =	vmul.f32 v3, v3  }
0x3fa: {  	v48 =	vadd.f32 v0, v0;
	v0 =	vmul.f32 $6.931471820e-01, v2;
	v34 =	vmul.f32 $2.000000030e-01, v36  }
0x3fb: {  	v49 =	vmul.f32 v4, v4;
	v2 =	vadd.f32 v4, v4;
	v4 =	vmul.f32 $2.000000030e-01, v52  }
0x3fc: {  	v51 =	vadd.f32 v3, v3;
	v3 =	vadd.f32 $3.333333430e-01, v34  }
0x3fd: {  	v5 =	vadd.f32 $-1.000000000e+00, v5;
	v7 =	vmul.f32 $6.931471820e-01, v7;
	v6 =	vsub.f32 v46, v50  }
0x3fe: {  	[tilespmem:s6+$0x270] =	vst v47;
	v3 =	vmul.f32 v3, v36;
	v36 =	vsub.f32 v45, v50;
	v35 =	vmul.f32 $2.000000030e-01, v49  }
0x3ff: {  	v47 =	vmul.f32 $6.931471820e-01, v53;
	[tilespmem:s6+$0x200] =	vst v6;
	v45 =	vsub.f32 v8, v50;
	v55 =	vadd.f32 $3.333333430e-01, v4;
	v4 =	vpop (erf)  }
0x400: {  	s11 =	simm.s32 $0x0;
	s12 =	simm.s32 $0x9F00;
	v56 =	vmovc v32;
	v54 =	vadd.f32 $1.000000000e+00, v3;
	[tilespmem:s6+$0x210] =	vst v36;
	v53 =	vadd.f32 $3.333333430e-01, v35;
	v46 =	vmul.f32 v4, v5  }
.LBB2_13:
0x401: {  	[tilespmem:$0x1FD10] =	vst v16  }
0x402: {  	v8 =	vld [tilespmem:s12+$0x200];
	[tilespmem:s6+$0x220] =	vst v45;
	v4 =	vsub.f32 v13, v50  }
0x403: {  	[tilespmem:$0x1FD00] =	vst v15;
	v3 =	vmul.f32 v55, v52;
	v14 =	vld [tilespmem:s12+$0x210];
	v13 =	vadd.f32 v46, v46  }
0x404: {  	v5 =	vsub.f32 v37, v50;
	v6 =	vmul.f32 v53, v49;
	v22 =	vld [tilespmem:s12+$0x220];
	[tilespmem:s6+$0x230] =	vst v4  }
0x405: {  	[tilespmem:$0x1FCF0] =	vst v13;
	v3 =	vadd.f32 $1.000000000e+00, v3  }
0x406: {  	v48 =	vmul.f32 v54, v48;
	v4 =	vsub.f32 v12, v50;
	v13 =	vld [tilespmem:s12+$0x230];
	v6 =	vadd.f32 $1.000000000e+00, v6;
	[tilespmem:s6+$0x240] =	vst v5  }
0x407: {  	[tilespmem:$0x1FD20] =	vst v18;
	v5 =	vsub.f32 v9, v50;
	v37 =	vld [tilespmem:s12+$0x240];
	v3 =	vmul.f32 v3, v51  }
0x408: {  	v34 =	vld [tilespmem:s12+$0x30];
	v32 =	vadd.f32 v48, v7;
	[tilespmem:s6+$0x250] =	vst v4;
	v4 =	vmul.f32 $1.442695020e+00, v8;
	v2 =	vmul.f32 v6, v2  }
0x409: {  	v18 =	vld [tilespmem:s12+$0x250];
	[tilespmem:s6+$0x260] =	vst v5;
	v5 =	vmul.f32 $1.442695020e+00, v14;
	v6 =	vmul.f32 $1.442695020e+00, v22;
	v1 =	vadd.f32 v3, v1  }
0x40a: {  	[tilespmem:$0x1FD30] =	vst v8;
	v15 =	vld [tilespmem:s12+$0x260];
	v3 =	vsub.f32 v62, v32;
	(erf) = vpow2.f32 v4;
	v50 =	vadd.f32 v2, v0  }
0x40b: {  	[tilespmem:$0x1FD50] =	vst v14;
	v0 =	vld [tilespmem:s12+$0x10];
	v2 =	vmul.f32 $1.442695020e+00, v13;
	(erf) = vpow2.f32 v5;
	v4 =	vsub.f32 v43, v1  }
0x40c: {  	v48 =	vld [tilespmem:s12+$0x270];
	[tilespmem:s6+$0x80] =	vst v3;
	v5 =	vmul.f32 $1.442695020e+00, v37;
	(erf) = vpow2.f32 v6;
	v6 =	vsub.f32 v19, v1  }
0x40d: {  	v3 =	vld [tilespmem:s12+$0x20];
	(erf) = vpow2.f32 v2;
	[tilespmem:s6+$0x0] =	vst v4;
	v4 =	vsub.f32 v20, v1  }
0x40e: {  	v8 =	vmul.f32 $1.442695020e+00, v18;
	v2 =	vld [tilespmem:s12+$0x40];
	(erf) = vpow2.f32 v5;
	[tilespmem:s6+$0x10] =	vst v6;
	v5 =	vsub.f32 v21, v1  }
0x40f: {  	v43 =	vld [tilespmem:s12+$0x50];
	[tilespmem:s6+$0x20] =	vst v4  }
0x410: {  	v51 =	vld [tilespmem:s12+$0x60];
	v19 =	vmul.f32 $1.442695020e+00, v15;
	(erf) = vpow2.f32 v8;
	v8 =	vsub.f32 v40, v1;
	v7 =	vmovc v0;
	[tilespmem:s6+$0x30] =	vst v5  }
0x411: {  	v9 =	vmul.f32 $1.442695020e+00, v48;
	v4 =	vsub.f32 v42, v1;
	[tilespmem:$0x1FD70] =	vst v7  }
0x412: {  	v55 =	vmul.f32 v46, v46;
	(erf) = vpow2.f32 v19;
	v7 =	vld [tilespmem:s12+$0x70];
	[tilespmem:s6+$0x50] =	vst v8  }
0x413: {  	v21 =	vmul.f32 $1.442695020e+00, v0;
	(erf) = vpow2.f32 v9;
	v6 =	vmov v3;
	[tilespmem:s6+$0x40] =	vst v4  }
0x414: {  	v57 =	vmul.f32 $2.000000030e-01, v55;
	v12 =	vmul.f32 $1.442695020e+00, v3;
	v4 =	vsub.f32 v39, v1;
	[tilespmem:$0x1FD80] =	vst v6;
	v5 =	vmovc v34  }
0x415: {  	v9 =	vmul.f32 $1.442695020e+00, v34;
	(erf) = vpow2.f32 v21;
	v1 =	vsub.f32 v63, v1;
	[tilespmem:$0x1FD40] =	vst v5;
	v0 =	vpop (erf)  }
0x416: {  	v62 =	vld [tilespmem:s12+$0x80];
	v8 =	vmul.f32 $1.442695020e+00, v2;
	(erf) = vpow2.f32 v12;
	[tilespmem:s6+$0x60] =	vst v4;
	v4 =	vsub.f32 v33, v32;
	v3 =	vpop (erf)  }
0x417: {  	v14 =	vmul.f32 $1.442695020e+00, v43;
	v12 =	vld [tilespmem:s12+$0x90];
	(erf) = vpow2.f32 v9;
	[tilespmem:s6+$0x70] =	vst v1;
	v1 =	vsub.f32 v44, v32;
	v5 =	vpop (erf)  }
0x418: {  	v44 =	vld [tilespmem:s12+$0xA0];
	v9 =	vmul.f32 $1.442695020e+00, v51;
	(erf) = vpow2.f32 v8;
	[tilespmem:s6+$0x90] =	vst v4;
	v4 =	vsub.f32 v10, v32;
	v6 =	vpop (erf)  }
0x419: {  	v8 =	vmul.f32 $1.442695020e+00, v7;
	(erf) = vpow2.f32 v14;
	v10 =	vld [tilespmem:s12+$0xB0];
	[tilespmem:s6+$0xA0] =	vst v1;
	v1 =	vsub.f32 v11, v32;
	v35 =	vpop (erf)  }
0x41a: {  	v46 =	vadd.f32 $3.333333430e-01, v57;
	(erf) = vpow2.f32 v9;
	v11 =	vld [tilespmem:s12+$0xC0];
	[tilespmem:s6+$0xB0] =	vst v4;
	v4 =	vsub.f32 v58, v32;
	v57 =	vpop (erf)  }
0x41b: {  	(erf) = vpow2.f32 v8;
	v8 =	vadd.f32 v3, v0;
	v14 =	vld [tilespmem:s12+$0xD0];
	[tilespmem:s6+$0xC0] =	vst v1;
	v1 =	vsub.f32 v59, v32;
	v59 =	vpop (erf)  }
0x41c: {  	v19 =	vmul.f32 $1.442695020e+00, v62;
	v3 =	vadd.f32 v6, v5;
	v16 =	vld [tilespmem:s12+$0xE0];
	[tilespmem:s6+$0xD0] =	vst v4;
	v4 =	vsub.f32 v61, v32;
	v5 =	vpop (erf)  }
0x41d: {  	v61 =	vld [tilespmem:s12+$0xF0];
	[tilespmem:s6+$0xE0] =	vst v1;
	v1 =	vadd.f32 v57, v35;
	v5 =	vadd.f32 v5, v59  }
0x41e: {  	v54 =	vld [tilespmem:s12+$0x100];
	v49 =	vmul.f32 $1.442695020e+00, v12;
	(erf) = vpow2.f32 v19  }
0x41f: {  	v32 =	vmov v17;
	v3 =	vadd.f32 v3, v8;
	v17 =	vpop (erf);
	v8 =	vadd.f32 v5, v1  }
0x420: {  	v38 =	vsub.f32 v38, v50;
	v20 =	vld [tilespmem:s12+$0x120];
	v58 =	vmul.f32 $1.442695020e+00, v44;
	v33 =	vpop (erf)  }
0x421: {  	v63 =	vmul.f32 $1.442695020e+00, v10;
	(erf) = vpow2.f32 v49;
	v0 =	vpop (erf);
	v3 =	vadd.f32 v8, v3;
	v8 =	vld [tilespmem:$0x1FD90]  }
0x422: {  	v21 =	vld [tilespmem:s12+$0x130];
	v34 =	vpop (erf);
	(erf) = vpow2.f32 v58  }
0x423: {  	v19 =	vld [tilespmem:s12+$0x110];
	[tilespmem:s6+$0x100] =	vst v38;
	v38 =	vmul.f32 $1.442695020e+00, v54;
	v1 =	vpop (erf);
	(erf) = vpow2.f32 v63  }
0x424: {  	[tilespmem:s6+$0xF0] =	vst v4;
	v6 =	vmul.f32 $1.442695020e+00, v11;
	v4 =	vmul.f32 $1.442695020e+00, v14  }
0x425: {  	v9 =	vadd.f32 v0, v33;
	v40 =	vmul.f32 $1.442695020e+00, v16;
	v5 =	vmul.f32 $1.442695020e+00, v61;
	v35 =	vpop (erf)  }
0x426: {  	v39 =	vadd.f32 v1, v34;
	(erf) = vpow2.f32 v6;
	v49 =	vpop (erf);
	v31 =	vsub.f32 v8, v50  }
0x427: {  	v34 =	vmov v24;
	v36 =	vperm.xlane v3, v30;
	v24 =	vpop (erf);
	(erf) = vpow2.f32 v4  }
0x428: {  	v52 =	vmul.f32 $1.442695020e+00, v19;
	v53 =	vadd.f32 v49, v35;
	(erf) = vpow2.f32 v40  }
0x429: {  	[tilespmem:$0x1FD60] =	vst v22;
	v22 =	vld [tilespmem:s12+$0x140];
	v6 =	vmul.f32 $1.442695020e+00, v20;
	v3 =	vadd.f32 v3, v36;
	(erf) = vpow2.f32 v5  }
0x42a: {  	v0 =	vld [tilespmem:s12+$0x150];
	v8 =	vmov v2;
	v2 =	vadd.f32 v53, v39;
	[tilespmem:s6+$0x110] =	vst v31;
	v31 =	vpop (erf);
	(erf) = vpow2.f32 v38  }
0x42b: {  	v39 =	vmov v7;
	v29 =	vperm.xlane v3, v27;
	v27 =	vld [tilespmem:$0x1FDA0];
	v7 =	vpop (erf);
	(erf) = vpow2.f32 v52  }
0x42c: {  	v52 =	vpop (erf);
	(erf) = vpow2.f32 v6;
	v6 =	vld [tilespmem:$0x1FDB0]  }
0x42d: {  	v58 =	vld [tilespmem:s12+$0x1A0]  }
0x42e: {  	v63 =	vld [tilespmem:s12+$0x170]  }
0x42f: {  	v1 =	vld [tilespmem:s12+$0x160]  }
0x430: {  	v49 =	vmovc v23;
	v23 =	vmul.f32 $1.442695020e+00, v21;
	v3 =	vadd.f32 v3, v29;
	v29 =	vld [tilespmem:$0x1FFE0];
	v30 =	vsub.f32 v27, v50  }
0x431: {  	v6 =	vsub.f32 v6, v50  }
0x432: {  	v45 =	vmov v41;
	v41 =	vmov v60;
	v60 =	vld [tilespmem:s12+$0x180];
	v4 =	vmul.f32 $1.442695020e+00, v22  }
0x433: {  	v33 =	vmovc v28;
	v35 =	vmov v25;
	v25 =	vmul.f32 $1.442695020e+00, v0;
	v28 =	vmul.f32 $1.442695020e+00, v58;
	[tilespmem:s6+$0x130] =	vst v6;
	v6 =	vld [tilespmem:$0x1FDC0]  }
0x434: {  	v59 =	vld [tilespmem:s12+$0x1B0];
	v5 =	vmul.f32 $1.442695020e+00, v1;
	[tilespmem:s6+$0x120] =	vst v30;
	v30 =	vpop (erf);
	(erf) = vpow2.f32 v23;
	v23 =	vmov v20  }
0x435: {  	v42 =	vmovc v43;
	v43 =	vld [tilespmem:s12+$0x0];
	v36 =	vmovc v26;
	v26 =	vmul.f32 $1.442695020e+00, v63;
	v38 =	vmov v54;
	v29 =	vperm.xlane v3, v29  }
0x436: {  	v57 =	vld [tilespmem:s12+$0x190];
	v24 =	vadd.f32 v31, v24;
	v20 =	vmov v21;
	v21 =	vpop (erf);
	(erf) = vpow2.f32 v4  }
0x437: {  	v53 =	vld [tilespmem:s12+$0x1C0];
	v7 =	vadd.f32 v52, v7;
	v3 =	vadd.f32 v3, v29;
	[tilespmem:$0x1FDA0] =	vst v23;
	v23 =	vpop (erf);
	(erf) = vpow2.f32 v25  }
0x438: {  	v54 =	vld [tilespmem:s12+$0x1D0];
	v25 =	vpop (erf);
	(erf) = vpow2.f32 v5;
	v5 =	vmov v22;
	v6 =	vsub.f32 v6, v50  }
0x439: {  	v31 =	vmul.f32 $1.442695020e+00, v59;
	v4 =	vadd.f32 v21, v30;
	v23 =	vadd.f32 v25, v23;
	[tilespmem:$0x1FDC0] =	vst v5  }
0x43a: {  	v27 =	vmovc v19;
	v5 =	vmul.f32 $1.442695020e+00, v43;
	[tilespmem:s6+$0x140] =	vst v6;
	v6 =	vadd.f32 v7, v24;
	v7 =	vperm.xlane v3, v56  }
0x43b: {  	v40 =	vmovc v51;
	v19 =	vmul.f32 $1.442695020e+00, v60;
	[tilespmem:$0x1FD90] =	vst v27;
	v27 =	vmul.f32 $1.442695020e+00, v57;
	v4 =	vadd.f32 v23, v4  }
0x43c: {  	v51 =	vld [tilespmem:s12+$0x1E0];
	[tilespmem:$0x1FDB0] =	vst v20;
	v20 =	vmul.f32 $1.442695020e+00, v53;
	v7 =	vadd.f32 v3, v7;
	v3 =	vpop (erf);
	(erf) = vpow2.f32 v26  }
0x43d: {  	v21 =	vmul.f32 $1.442695020e+00, v54;
	v4 =	vadd.f32 v4, v6;
	v22 =	vpop (erf);
	(erf) = vpow2.f32 v19  }
0x43e: {  	v30 =	vld [tilespmem:$0x1FFC0];
	v3 =	vadd.f32 v22, v3;
	v22 =	vand.u32 $0x7FFFFF, v7;
	(erf) = vpow2.f32 v5;
	v5 =	vpop (erf)  }
0x43f: {  	v52 =	vld [tilespmem:s12+$0x1F0];
	v19 =	vmul.f32 v46, v55;
	v6 =	vor.u32 $0x3F800000, v22;
	(erf) = vpow2.f32 v27;
	v23 =	vpop (erf)  }
0x440: {  	v55 =	vmul.f32 $5.000000000e-01, v6;
	(erf) = vpow2.f32 v28;
	v28 =	vadd.f32 v23, v5;
	v23 =	vpop (erf)  }
0x441: {  	v24 =	vmul.f32 $1.442695020e+00, v51;
	v27 =	vld [tilespmem:$0x1FFD0];
	vm0 =	vgt.f32 v6, $1.414213540e+00;
	(erf) = vpow2.f32 v31;
	v22 =	vpop (erf)  }
0x442: {  	v6 =	vsel vm0, v55, v6;
	(erf) = vpow2.f32 v20;
	v20 =	vadd.f32 v22, v23;
	v23 =	vld [tilespmem:$0x1FCF0]  }
0x443: {  	v26 =	vperm.xlane v4, v30;
	v22 =	vadd.f32 $1.000000000e+00, v6;
	(erf) = vpow2.f32 v21  }
0x444: {  	v25 =	vmul.f32 $1.442695020e+00, v52;
	v19 =	vadd.f32 $1.000000000e+00, v19;
	v5 =	vpop (erf);
	(erf) = vpow2.f32 v24  }
0x445: {  	v4 =	vadd.f32 v4, v26;
	v21 =	vpop (erf);
	(erf) = vrcp.f32 v22;
	v22 =	vsub.f32 v35, v50  }
0x446: {  	v3 =	vadd.f32 v28, v3;
	v5 =	vadd.f32 v21, v5;
	v21 =	vpop (erf);
	(erf) = vpow2.f32 v25  }
0x447: {  	v26 =	vmul.f32 v19, v23;
	v23 =	vperm.xlane v4, v27;
	v24 =	vpop (erf);
	[tilespmem:s6+$0x150] =	vst v22;
	v22 =	vsub.f32 v34, v50  }
0x448: {  	v29 =	vld [tilespmem:$0x1FFE0];
	v25 =	vmov v0;
	v0 =	vadd.f32 v17, v24;
	v17 =	vadd.f32 v5, v20;
	v19 =	vpop (erf)  }
0x449: {  	v24 =	vmov v1;
	v1 =	vadd.f32 v4, v23;
	v4 =	vadd.f32 v19, v21;
	v19 =	vpop (erf)  }
0x44a: {  	v0 =	vadd.f32 v9, v0;
	v3 =	vadd.f32 v17, v3;
	v5 =	vpop (erf)  }
0x44b: {  	v6 =	vadd.f32 $-1.000000000e+00, v6;
	v5 =	vadd.f32 v5, v19;
	v19 =	vpop (erf)  }
0x44c: {  	v47 =	vadd.f32 v26, v47;
	[tilespmem:s6+$0x160] =	vst v22;
	v0 =	vadd.f32 v2, v0;
	v2 =	vperm.xlane v3, v30;
	v22 =	vpop (erf)  }
0x44d: {  	v21 =	vsub.f32 v36, v50;
	v20 =	vperm.xlane v1, v29;
	v19 =	vadd.f32 v22, v19;
	v22 =	vpop (erf)  }
0x44e: {  	v7 =	vshrl.u32 v7, $0x17;
	v2 =	vadd.f32 v3, v2;
	v3 =	vadd.f32 v5, v4;
	v4 =	vpop (erf)  }
0x44f: {  	v23 =	vsub.f32 v32, v47;
	[tilespmem:s6+$0x170] =	vst v21;
	v1 =	vadd.f32 v1, v20;
	v21 =	vperm.xlane v0, v30;
	v5 =	vpop (erf)  }
0x450: {  	v4 =	vmul.f32 v4, v6;
	v20 =	vperm.xlane v2, v27;
	v5 =	vadd.f32 v5, v22  }
0x451: {  	v6 =	vsub.f32 v45, v47;
	v0 =	vadd.f32 v0, v21;
	v21 =	vperm.xlane v1, v56  }
0x452: {  	[tilespmem:s6+$0x180] =	vst v23;
	v22 =	vmul.f32 v4, v4;
	v2 =	vadd.f32 v2, v20;
	v5 =	vadd.f32 v5, v19  }
0x453: {  	[tilespmem:s6+$0x190] =	vst v6;
	v6 =	vsub.f32 v41, v47;
	v23 =	vperm.xlane v0, v27;
	v1 =	vadd.f32 v1, v21  }
0x454: {  	v19 =	vmul.f32 $2.000000030e-01, v22;
	v20 =	vperm.xlane v2, v29;
	v3 =	vadd.f32 v5, v3  }
0x455: {  	v31 =	vimm.s32 $0xFFFFFF81;
	[tilespmem:s6+$0x1A0] =	vst v6;
	v6 =	vsub.f32 v33, v47;
	v0 =	vadd.f32 v0, v23  }
0x456: {  	v19 =	vadd.f32 $3.333333430e-01, v19;
	v2 =	vadd.f32 v2, v20;
	v20 =	vperm.xlane v3, v30  }
0x457: {  	v4 =	vadd.f32 v4, v4;
	v21 =	vsel vm0, $0xFFFFFF82, v31;
	[tilespmem:s6+$0x1B0] =	vst v6;
	v6 =	vperm.xlane v0, v29  }
0x458: {  	v5 =	vshrl.u32 v1, $0x17;
	v19 =	vmul.f32 v19, v22;
	v3 =	vadd.f32 v3, v20  }
0x459: {  	v1 =	vand.u32 $0x7FFFFF, v1;
	v0 =	vadd.f32 v0, v6;
	v6 =	vadd.s32 v7, v21  }
0x45a: {  	v7 =	vadd.f32 $1.000000000e+00, v19;
	v6 =	vcvt.s32.f32 v6;
	v20 =	vperm.xlane v3, v27  }
0x45b: {  	v1 =	vor.u32 $0x3F800000, v1;
	v19 =	vperm.xlane v0, v56  }
0x45c: {  	v6 =	vmul.f32 $6.931471820e-01, v6;
	v4 =	vmul.f32 v7, v4;
	v3 =	vadd.f32 v3, v20  }
0x45d: {  	v7 =	vperm.xlane v2, v56;
	v0 =	vadd.f32 v0, v19;
	v19 =	vmul.f32 $5.000000000e-01, v1  }
0x45e: {  	vm13 =	vgt.f32 v1, $1.414213540e+00;
	v50 =	vadd.f32 v4, v6;
	v6 =	vperm.xlane v3, v29  }
0x45f: {  	v2 =	vadd.f32 v2, v7;
	v1 =	vsel vm13, v19, v1  }
0x460: {  	v4 =	vand.u32 $0x7FFFFF, v0;
	v3 =	vadd.f32 v3, v6;
	v6 =	vadd.f32 $1.000000000e+00, v1  }
0x461: {  	v4 =	vor.u32 $0x3F800000, v4  }
0x462: {  	v7 =	vsub.f32 v48, v50;
	v21 =	vand.u32 $0x7FFFFF, v2;
	(erf) = vrcp.f32 v6  }
0x463: {  	v19 =	vmul.f32 $5.000000000e-01, v4;
	v21 =	vor.u32 $0x3F800000, v21;
	v22 =	vperm.xlane v3, v56  }
0x464: {  	v20 =	vsel vm13, $0xFFFFFF82, v31;
	vm14 =	vgt.f32 v4, $1.414213540e+00;
	[tilespmem:s12+$0x270] =	vst v7;
	v7 =	vmul.f32 $5.000000000e-01, v21  }
0x465: {  	vm1 =	vgt.f32 v21, $1.414213540e+00;
	v4 =	vsel vm14, v19, v4;
	v3 =	vadd.f32 v3, v22  }
0x466: {  	v0 =	vshrl.u32 v0, $0x17;
	v6 =	vadd.f32 $1.000000000e+00, v4;
	v7 =	vsel vm1, v7, v21  }
0x467: {  	v21 =	vadd.f32 $1.000000000e+00, v7;
	v22 =	vadd.f32 $-1.000000000e+00, v7;
	v7 =	vand.u32 $0x7FFFFF, v3  }
0x468: {  	v19 =	vsel vm14, $0xFFFFFF82, v31;
	(erf) = vrcp.f32 v6;
	v7 =	vor.u32 $0x3F800000, v7  }
0x469: {  	v2 =	vshrl.u32 v2, $0x17;
	(erf) = vrcp.f32 v21;
	v21 =	vmul.f32 $5.000000000e-01, v7  }
0x46a: {  	v1 =	vadd.f32 $-1.000000000e+00, v1;
	v6 =	vsel vm1, $0xFFFFFF82, v31;
	vm15 =	vgt.f32 v7, $1.414213540e+00  }
0x46b: {  	v0 =	vadd.s32 v0, v19;
	v2 =	vadd.s32 v2, v6;
	v7 =	vsel vm15, v21, v7;
	v19 =	vpop (erf)  }
0x46c: {  	v6 =	vadd.f32 $-1.000000000e+00, v7;
	v7 =	vadd.f32 $1.000000000e+00, v7;
	v19 =	vmul.f32 v19, v1;
	v1 =	vld [tilespmem:$0x1FD00]  }
0x46d: {  	v5 =	vadd.s32 v5, v20  }
0x46e: {  	v26 =	vmovc v63;
	v5 =	vcvt.s32.f32 v5;
	(erf) = vrcp.f32 v7;
	v7 =	vsub.f32 v49, v47  }
0x46f: {  	v63 =	vmovc v39;
	v39 =	vmovc v40;
	v40 =	vmov v42;
	v42 =	vmov v8;
	v8 =	vcvt.s32.f32 v0  }
0x470: {  	[tilespmem:s6+$0x1C0] =	vst v7;
	v7 =	vmul.f32 $6.931471820e-01, v5;
	v5 =	vld [tilespmem:$0x1FD10]  }
0x471: {  	v20 =	vsub.f32 v1, v47;
	v1 =	vmul.f32 $6.931471820e-01, v8;
	v8 =	vld [tilespmem:$0x1FD20]  }
0x472: {  	v3 =	vshrl.u32 v3, $0x17;
	v23 =	vsel vm15, $0xFFFFFF82, v31  }
0x473: {  	v3 =	vadd.s32 v3, v23  }
0x474: {  	v3 =	vcvt.s32.f32 v3;
	_ =	sdelay $0x1  }
0x475: {  	[tilespmem:s6+$0x1D0] =	vst v20;
	v5 =	vsub.f32 v5, v47;
	v20 =	vsub.f32 v8, v47;
	v47 =	vmul.f32 $6.931471820e-01, v3;
	v3 =	vld [tilespmem:$0x1FD30]  }
0x476: {  	v4 =	vadd.f32 $-1.000000000e+00, v4;
	_ =	sdelay $0x2  }
0x477: {  	v0 =	vpop (erf)  }
0x478: {  	v21 =	vmul.f32 v19, v19;
	v0 =	vmul.f32 v0, v4;
	v4 =	vpop (erf);
	v3 =	vsub.f32 v3, v50  }
0x479: {  	v4 =	vmul.f32 v4, v22;
	v8 =	vld [tilespmem:$0x1FD50]  }
0x47a: {  	s11 =	sadd.s32 $0x5, s11;
	v28 =	vmovc v59;
	v59 =	vmovc v16;
	v16 =	vmov v51;
	v48 =	vadd.f32 v19, v19;
	v19 =	vmul.f32 $2.000000030e-01, v21;
	[tilespmem:s12+$0x200] =	vst v3;
	v3 =	vld [tilespmem:$0x1FD60]  }
0x47b: {  	p1 =	slt.u32 s11, $0x78;
	v9 =	vmovc v15;
	v33 =	vmovc v12;
	v12 =	vmov v18;
	v2 =	vcvt.s32.f32 v2;
	v49 =	vmul.f32 v4, v4  }
.Ltmp7:
0x47c: {  	v18 =	vmovc v52;
	v52 =	vmul.f32 v0, v0;
	v51 =	vadd.f32 v0, v0;
	[tilespmem:s6+$0x1E0] =	vst v5;
	v5 =	vadd.f32 $3.333333430e-01, v19;
	(pc) =	sbr.rel @p1 .LBB2_13-.Ltmp7, $4  }
0x47d: {  	v15 =	vmovc v54;
	v17 =	vmovc v60;
	v0 =	vmul.f32 $6.931471820e-01, v2;
	v2 =	vadd.f32 v4, v4;
	v19 =	vmul.f32 $2.000000030e-01, v49  }
0x47e: {  	v60 =	vmovc v58;
	v4 =	vmul.f32 $2.000000030e-01, v52;
	[tilespmem:s6+$0x1F0] =	vst v20;
	v5 =	vmul.f32 v5, v21;
	v21 =	vld [tilespmem:$0x1FD40];
	v20 =	vsub.f32 v8, v50  }
0x47f: {  	v23 =	vmov v53;
	s6 =	smov.u32 s12;
	v53 =	vadd.f32 $3.333333430e-01, v19;
	v19 =	vld [tilespmem:$0x1FD70];
	v45 =	vsub.f32 v3, v50;
	v3 =	vpop (erf)  }
0x480: {  	s28 =	simm.s32 $0x0;
	v58 =	vmovc v14;
	v41 =	vmovc v57;
	v55 =	vadd.f32 $3.333333430e-01, v4;
	v54 =	vadd.f32 $1.000000000e+00, v5;
	s12 =	sadd.s32 $0x280, s12;
	[tilespmem:s6+$0x210] =	vst v20;
	v20 =	vld [tilespmem:$0x1FD80];
	v46 =	vmul.f32 v3, v6  }
0x481: {  	_ = 	snop  }
0x482: {  	v4 =	vsub.f32 v13, v50;
	v3 =	vmul.f32 v55, v52;
	v5 =	vmul.f32 v54, v48  }
0x483: {  	[tilespmem:s6+$0x220] =	vst v45;
	v6 =	vsub.f32 v37, v50;
	v57 =	vsub.f32 v9, v50  }
0x484: {  	[tilespmem:s6+$0x230] =	vst v4;
	v3 =	vadd.f32 $1.000000000e+00, v3;
	v5 =	vadd.f32 v5, v7  }
0x485: {  	v55 =	vsub.f32 v12, v50;
	[tilespmem:s6+$0x240] =	vst v6  }
0x486: {  	[tilespmem:s6+$0x260] =	vst v57;
	v3 =	vmul.f32 v3, v51;
	v9 =	vsub.f32 v62, v5  }
0x487: {  	[tilespmem:s6+$0x250] =	vst v55;
	v48 =	vsub.f32 v58, v5  }
0x488: {  	v36 =	vmul.f32 v53, v49;
	v49 =	vsub.f32 v59, v5;
	v1 =	vadd.f32 v3, v1;
	[tilespmem:s6+$0x80] =	vst v9  }
0x489: {  	v50 =	vsub.f32 v61, v5;
	[tilespmem:s6+$0xD0] =	vst v48  }
0x48a: {  	[tilespmem:s6+$0xE0] =	vst v49;
	v12 =	vsub.f32 v43, v1  }
0x48b: {  	[tilespmem:s6+$0xF0] =	vst v50;
	v13 =	vsub.f32 v19, v1  }
0x48c: {  	v14 =	vsub.f32 v20, v1;
	[tilespmem:s6+$0x0] =	vst v12  }
0x48d: {  	v22 =	vsub.f32 v21, v1;
	[tilespmem:s6+$0x10] =	vst v13  }
0x48e: {  	v32 =	vsub.f32 v42, v1;
	[tilespmem:s6+$0x20] =	vst v14  }
0x48f: {  	v34 =	vsub.f32 v40, v1;
	[tilespmem:s6+$0x30] =	vst v22  }
0x490: {  	v6 =	vadd.f32 $1.000000000e+00, v36;
	v35 =	vsub.f32 v39, v1;
	[tilespmem:s6+$0x40] =	vst v32  }
0x491: {  	v1 =	vsub.f32 v63, v1;
	[tilespmem:s6+$0x50] =	vst v34  }
0x492: {  	v2 =	vmul.f32 v6, v2;
	v39 =	vsub.f32 v33, v5;
	[tilespmem:s6+$0x60] =	vst v35  }
0x493: {  	v37 =	vmul.f32 v46, v46;
	v40 =	vsub.f32 v44, v5;
	[tilespmem:s6+$0x70] =	vst v1  }
0x494: {  	v0 =	vadd.f32 v2, v0;
	v43 =	vsub.f32 v10, v5;
	[tilespmem:s6+$0x90] =	vst v39  }
0x495: {  	v42 =	vmul.f32 $2.000000030e-01, v37;
	v44 =	vsub.f32 v11, v5;
	[tilespmem:s6+$0xA0] =	vst v40  }
0x496: {  	v51 =	vsub.f32 v38, v0;
	[tilespmem:s6+$0xB0] =	vst v43  }
0x497: {  	v45 =	vadd.f32 $3.333333430e-01, v42;
	[tilespmem:s6+$0xC0] =	vst v44  }
0x498: {  	v2 =	vld [tilespmem:$0x1FD90];
	[tilespmem:s6+$0x100] =	vst v51  }
0x499: {  	v3 =	vmul.f32 v45, v37;
	v1 =	vld [tilespmem:$0x1FDA0];
	_ =	sdelay $0x1  }
0x49a: {  	v52 =	vadd.f32 v46, v46;
	v3 =	vadd.f32 $1.000000000e+00, v3;
	_ =	sdelay $0x1  }
0x49b: {  	v2 =	vsub.f32 v2, v0;
	v3 =	vmul.f32 v3, v52  }
0x49c: {  	v1 =	vsub.f32 v1, v0  }
0x49d: {  	v53 =	vsub.f32 v25, v0;
	[tilespmem:s6+$0x110] =	vst v2;
	v3 =	vadd.f32 v3, v47  }
0x49e: {  	v54 =	vsub.f32 v24, v0;
	v2 =	vld [tilespmem:$0x1FDB0];
	[tilespmem:s6+$0x120] =	vst v1  }
0x49f: {  	v1 =	vld [tilespmem:$0x1FDC0];
	[tilespmem:s6+$0x150] =	vst v53;
	v55 =	vsub.f32 v17, v3  }
0x4a0: {  	[tilespmem:s6+$0x160] =	vst v54;
	v57 =	vsub.f32 v41, v3  }
0x4a1: {  	v58 =	vsub.f32 v60, v3;
	[tilespmem:s6+$0x180] =	vst v55  }
0x4a2: {  	v59 =	vsub.f32 v28, v3;
	[tilespmem:s6+$0x190] =	vst v57  }
0x4a3: {  	v60 =	vsub.f32 v23, v3;
	[tilespmem:s6+$0x1A0] =	vst v58  }
0x4a4: {  	v61 =	vsub.f32 v15, v3;
	[tilespmem:s6+$0x1B0] =	vst v59  }
0x4a5: {  	v62 =	vsub.f32 v16, v3;
	[tilespmem:s6+$0x1C0] =	vst v60  }
0x4a6: {  	v63 =	vsub.f32 v18, v3;
	[tilespmem:s6+$0x1D0] =	vst v61  }
0x4a7: {  	[tilespmem:s6+$0x1E0] =	vst v62;
	v2 =	vsub.f32 v2, v0  }
0x4a8: {  	[tilespmem:s6+$0x1F0] =	vst v63;
	v1 =	vsub.f32 v1, v0  }
0x4a9: {  	v0 =	vsub.f32 v26, v0;
	[tilespmem:s6+$0x130] =	vst v2  }
0x4aa: {  	[tilespmem:s6+$0x140] =	vst v1  }
0x4ab: {  	[tilespmem:s6+$0x170] =	vst v0  }
0x4ac: {  	v16 =	vld [tilespmem:$0x1FF90]  }
0x4ad: {  	v17 =	vld [tilespmem:$0x1FFA0]  }
0x4ae: {  	v32 =	vmov v56;
	v18 =	vld [tilespmem:$0x1FFB0]  }
.LBB2_15:
0x4af: {  	s6 =	sshra.s32 s28, $0x2  }
0x4b0: {  	v0 =	vld [tilespmem:s6+$0xDB00]  }
0x4b1: {  	v1 =	vld [tilespmem:s6+$0xDB10]  }
0x4b2: {  	v2 =	vld [tilespmem:s6+$0xDB20]  }
0x4b3: {  	v3 =	vld [tilespmem:s6+$0xDB30]  }
0x4b4: {  	v4 =	vld [tilespmem:s6+$0xDB40]  }
0x4b5: {  	v5 =	vld [tilespmem:s6+$0xDB50];
	v6 =	vmul.f32 $1.442695020e+00, v0  }
0x4b6: {  	v7 =	vld [tilespmem:s6+$0xDB60];
	v8 =	vmul.f32 $1.442695020e+00, v1  }
0x4b7: {  	v9 =	vld [tilespmem:s6+$0xDB70];
	v43 =	vmul.f32 $1.442695020e+00, v2;
	(erf) = vpow2.f32 v6  }
0x4b8: {  	v44 =	vmul.f32 $1.442695020e+00, v3;
	(erf) = vpow2.f32 v8  }
0x4b9: {  	v45 =	vmul.f32 $1.442695020e+00, v4;
	(erf) = vpow2.f32 v43  }
0x4ba: {  	v46 =	vmul.f32 $1.442695020e+00, v5;
	(erf) = vpow2.f32 v44  }
0x4bb: {  	v47 =	vmul.f32 $1.442695020e+00, v7;
	(erf) = vpow2.f32 v45  }
0x4bc: {  	v48 =	vmul.f32 $1.442695020e+00, v9;
	(erf) = vpow2.f32 v46  }
0x4bd: {  	(erf) = vpow2.f32 v47  }
0x4be: {  	(erf) = vpow2.f32 v48;
	_ =	sdelay $0x1  }
0x4bf: {  	v49 =	vpop (erf)  }
0x4c0: {  	v50 =	vpop (erf)  }
0x4c1: {  	v10 =	vpop (erf)  }
0x4c2: {  	v11 =	vpop (erf)  }
0x4c3: {  	v12 =	vpop (erf)  }
0x4c4: {  	v13 =	vpop (erf)  }
0x4c5: {  	v14 =	vpop (erf)  }
0x4c6: {  	v6 =	vadd.f32 v50, v49;
	v51 =	vadd.f32 v11, v10;
	v15 =	vpop (erf)  }
0x4c7: {  	v52 =	vadd.f32 v13, v12;
	v53 =	vadd.f32 v15, v14;
	_ =	sdelay $0x1  }
0x4c8: {  	v6 =	vadd.f32 v51, v6;
	v54 =	vadd.f32 v53, v52;
	_ =	sdelay $0x1  }
0x4c9: {  	v6 =	vadd.f32 v54, v6;
	_ =	sdelay $0x1  }
0x4ca: {  	v8 =	vperm.xlane v6, v16;
	_ =	sdelay $0x1  }
0x4cb: {  	v6 =	vadd.f32 v6, v8;
	_ =	sdelay $0x1  }
0x4cc: {  	v8 =	vperm.xlane v6, v17;
	_ =	sdelay $0x1  }
0x4cd: {  	v6 =	vadd.f32 v6, v8;
	_ =	sdelay $0x1  }
0x4ce: {  	v8 =	vperm.xlane v6, v18;
	_ =	sdelay $0x1  }
0x4cf: {  	v6 =	vadd.f32 v6, v8;
	_ =	sdelay $0x1  }
0x4d0: {  	v8 =	vperm.xlane v6, v32;
	_ =	sdelay $0x1  }
0x4d1: {  	v6 =	vadd.f32 v6, v8;
	_ =	sdelay $0x1  }
0x4d2: {  	v8 =	vand.u32 $0x7FFFFF, v6  }
0x4d3: {  	v8 =	vor.u32 $0x3F800000, v8  }
0x4d4: {  	v55 =	vmul.f32 $5.000000000e-01, v8  }
0x4d5: {  	vm0 =	vgt.f32 v8, $1.414213540e+00  }
0x4d6: {  	v8 =	vsel vm0, v55, v8  }
0x4d7: {  	v10 =	vadd.f32 $1.000000000e+00, v8;
	_ =	sdelay $0x1  }
0x4d8: {  	(erf) = vrcp.f32 v10;
	_ =	sdelay $0x7  }
0x4d9: {  	v8 =	vadd.f32 $-1.000000000e+00, v8  }
0x4da: {  	v10 =	vpop (erf)  }
0x4db: {  	v8 =	vmul.f32 v10, v8;
	_ =	sdelay $0x1  }
0x4dc: {  	v10 =	vmul.f32 v8, v8;
	_ =	sdelay $0x1  }
0x4dd: {  	v56 =	vmul.f32 $2.000000030e-01, v10;
	_ =	sdelay $0x1  }
0x4de: {  	v11 =	vadd.f32 $3.333333430e-01, v56;
	_ =	sdelay $0x1  }
0x4df: {  	v6 =	vshrl.u32 v6, $0x17;
	v57 =	vsel vm0, $0xFFFFFF82, v31;
	v10 =	vmul.f32 v11, v10  }
0x4e0: {  	v6 =	vadd.s32 v6, v57  }
0x4e1: {  	v6 =	vcvt.s32.f32 v6;
	v8 =	vadd.f32 v8, v8;
	v10 =	vadd.f32 $1.000000000e+00, v10;
	_ =	sdelay $0x1  }
0x4e2: {  	v6 =	vmul.f32 $6.931471820e-01, v6;
	v8 =	vmul.f32 v10, v8;
	_ =	sdelay $0x1  }
0x4e3: {  	v6 =	vadd.f32 v8, v6;
	_ =	sdelay $0x1  }
0x4e4: {  	v0 =	vsub.f32 v0, v6  }
0x4e5: {  	v1 =	vsub.f32 v1, v6  }
0x4e6: {  	v58 =	vsub.f32 v2, v6;
	[tilespmem:s6+$0xDB00] =	vst v0  }
0x4e7: {  	v59 =	vsub.f32 v3, v6;
	[tilespmem:s6+$0xDB10] =	vst v1  }
0x4e8: {  	p1 =	sne.s32 s28, $0x400;
	v60 =	vsub.f32 v4, v6;
	[tilespmem:s6+$0xDB20] =	vst v58  }
.Ltmp8:
0x4e9: {  	v61 =	vsub.f32 v5, v6;
	[tilespmem:s6+$0xDB30] =	vst v59;
	(pc) =	sbr.rel @p1 .LBB2_15-.Ltmp8, $4  }
0x4ea: {  	v62 =	vsub.f32 v7, v6;
	[tilespmem:s6+$0xDB40] =	vst v60  }
0x4eb: {  	v63 =	vsub.f32 v9, v6;
	[tilespmem:s6+$0xDB50] =	vst v61  }
0x4ec: {  	[tilespmem:s6+$0xDB60] =	vst v62  }
0x4ed: {  	s28 =	sadd.s32 $0x200, s28;
	[tilespmem:s6+$0xDB70] =	vst v63  }
0x4ee: {  	s6 =	smul.u32 $0x50000, s15;
	_ =	sdelay $0x1  }
0x4ef: {  	s11 =	sadd.s32 s6, s9  }
0x4f0: {  	[hbm4b:s11+s4] =	stream.linear.scatter [tilespmem:s18], [sflag:$0x8], $0x4000, $0x38;
	[tilespmem:$0x15C80] =	vst v63  }
0x4f1: {  	s11 =	simm.s32 @!p0 $0x7  }
0x4f2: {  	_ =	swait.ge @!p0 [sflag:s11], $0x4000  }
0x4f3: {  	s12 =	simm.s32 @!p0 $0x80;
	[sflag:s11] =	ssyncset.done @!p0 $0x0  }
0x4f4: {  	s28 =	simm.s32 @!p0 $0x5C80;
	[sflag:s11] =	ssyncadd.s32 @!p0 $0xFFFFC000;
	s11 =	sadd.s32 @!p0 $0x380, s19  }
0x4f5: {  	[tilespmem:s28], [sflag:$0x2] =	stream.indirect.gather @!p0 [hbm4b:s1+s12], $0x80, s11, s12, $0xb8;
	[tilespmem:$0x15C80] =	vst v63  }
0x4f6: {  	_ =	swait.ge [sflag:s25], $0x4000  }
0x4f7: {  	[sflag:s25] =	ssyncset.done $0x0  }
0x4f8: {  	s11 =	simm.s32 $0xDC80;
	[sflag:s25] =	ssyncadd.s32 $0xFFFFC000  }
0x4f9: {  	v46 =	vld [tilespmem:s11+$0x200]  }
0x4fa: {  	v45 =	vld [tilespmem:s11+$0x210]  }
0x4fb: {  	v8 =	vld [tilespmem:s11+$0x220]  }
0x4fc: {  	v13 =	vld [tilespmem:s11+$0x230]  }
0x4fd: {  	v37 =	vld [tilespmem:s11+$0x240]  }
0x4fe: {  	v12 =	vld [tilespmem:s11+$0x250]  }
0x4ff: {  	v9 =	vld [tilespmem:s11+$0x260];
	v0 =	vmul.f32 $1.442695020e+00, v46  }
0x500: {  	v47 =	vld [tilespmem:s11+$0x270];
	v1 =	vmul.f32 $1.442695020e+00, v45  }
0x501: {  	v19 =	vld [tilespmem:s11+$0x10];
	v2 =	vmul.f32 $1.442695020e+00, v8;
	(erf) = vpow2.f32 v0  }
0x502: {  	v20 =	vld [tilespmem:s11+$0x20];
	v0 =	vmul.f32 $1.442695020e+00, v13;
	(erf) = vpow2.f32 v1  }
0x503: {  	v21 =	vld [tilespmem:s11+$0x30];
	v1 =	vmul.f32 $1.442695020e+00, v37;
	(erf) = vpow2.f32 v2  }
0x504: {  	v42 =	vld [tilespmem:s11+$0x40];
	v2 =	vmul.f32 $1.442695020e+00, v12;
	(erf) = vpow2.f32 v0  }
0x505: {  	v40 =	vld [tilespmem:s11+$0x50];
	v0 =	vmul.f32 $1.442695020e+00, v9;
	(erf) = vpow2.f32 v1  }
0x506: {  	v39 =	vld [tilespmem:s11+$0x60];
	v1 =	vmul.f32 $1.442695020e+00, v47;
	(erf) = vpow2.f32 v2  }
0x507: {  	v63 =	vld [tilespmem:s11+$0x70];
	(erf) = vpow2.f32 v0;
	v0 =	vmul.f32 $1.442695020e+00, v19  }
0x508: {  	v62 =	vld [tilespmem:s11+$0x80];
	(erf) = vpow2.f32 v1;
	v1 =	vmul.f32 $1.442695020e+00, v20  }
0x509: {  	v33 =	vld [tilespmem:s11+$0x90];
	v3 =	vmul.f32 $1.442695020e+00, v21  }
0x50a: {  	v44 =	vld [tilespmem:s11+$0xA0];
	v4 =	vmul.f32 $1.442695020e+00, v42;
	v2 =	vpop (erf)  }
0x50b: {  	v10 =	vld [tilespmem:s11+$0xB0];
	v5 =	vmul.f32 $1.442695020e+00, v40;
	(erf) = vpow2.f32 v0;
	v0 =	vpop (erf)  }
0x50c: {  	v11 =	vld [tilespmem:s11+$0xC0];
	v6 =	vmul.f32 $1.442695020e+00, v39;
	(erf) = vpow2.f32 v1;
	v1 =	vpop (erf)  }
0x50d: {  	v58 =	vld [tilespmem:s11+$0xD0];
	(erf) = vpow2.f32 v3;
	v3 =	vpop (erf)  }
0x50e: {  	v59 =	vld [tilespmem:s11+$0xE0];
	(erf) = vpow2.f32 v4;
	v4 =	vpop (erf)  }
0x50f: {  	v61 =	vld [tilespmem:s11+$0xF0];
	(erf) = vpow2.f32 v5;
	v5 =	vpop (erf)  }
0x510: {  	v38 =	vld [tilespmem:s11+$0x100];
	v7 =	vmul.f32 $1.442695020e+00, v63;
	(erf) = vpow2.f32 v6;
	v6 =	vpop (erf)  }
0x511: {  	v15 =	vld [tilespmem:s11+$0x110];
	v22 =	vmul.f32 $1.442695020e+00, v62;
	v0 =	vadd.f32 v0, v2;
	v1 =	vadd.f32 v3, v1;
	v2 =	vpop (erf)  }
0x512: {  	v16 =	vld [tilespmem:s11+$0x120];
	(erf) = vpow2.f32 v7;
	v3 =	vadd.f32 v5, v4;
	v2 =	vadd.f32 v2, v6  }
0x513: {  	v23 =	vmul.f32 $1.442695020e+00, v33;
	(erf) = vpow2.f32 v22;
	v22 =	vld [tilespmem:s11+$0x130]  }
0x514: {  	v25 =	vld [tilespmem:s11+$0x150];
	v4 =	vmul.f32 $1.442695020e+00, v44;
	v0 =	vadd.f32 v1, v0;
	v1 =	vadd.f32 v2, v3  }
0x515: {  	v5 =	vmul.f32 $1.442695020e+00, v10;
	(erf) = vpow2.f32 v23;
	v23 =	vld [tilespmem:s11+$0x140]  }
0x516: {  	v24 =	vld [tilespmem:s11+$0x160];
	v6 =	vmul.f32 $1.442695020e+00, v59;
	[tilespmem:$0x1FCB0] =	vst v15;
	(erf) = vpow2.f32 v4;
	v0 =	vadd.f32 v1, v0  }
0x517: {  	v4 =	vmul.f32 $1.442695020e+00, v38;
	v26 =	vld [tilespmem:s11+$0x170];
	[tilespmem:$0x1FCC0] =	vst v16;
	v2 =	vmul.f32 $1.442695020e+00, v11  }
0x518: {  	v3 =	vmul.f32 $1.442695020e+00, v58;
	[tilespmem:$0x1FCD0] =	vst v22;
	v7 =	vperm.xlane v0, v30  }
0x519: {  	v48 =	vpop (erf);
	(erf) = vpow2.f32 v5;
	v5 =	vmul.f32 $1.442695020e+00, v15;
	v17 =	vld [tilespmem:s11+$0x180]  }
0x51a: {  	v34 =	vpop (erf);
	v1 =	vmul.f32 $1.442695020e+00, v61;
	(erf) = vpow2.f32 v2;
	[tilespmem:$0x1FCE0] =	vst v23  }
0x51b: {  	v2 =	vmul.f32 $1.442695020e+00, v16;
	v35 =	vmul.f32 $1.442695020e+00, v22;
	v41 =	vld [tilespmem:s11+$0x190];
	v0 =	vadd.f32 v0, v7  }
0x51c: {  	v36 =	vmul.f32 $1.442695020e+00, v23;
	v52 =	vmul.f32 $1.442695020e+00, v26;
	v7 =	vpop (erf)  }
0x51d: {  	v60 =	vld [tilespmem:s11+$0x1A0];
	(erf) = vpow2.f32 v3;
	v28 =	vperm.xlane v0, v27;
	v3 =	vpop (erf)  }
0x51e: {  	v54 =	vmul.f32 $1.442695020e+00, v17;
	(erf) = vpow2.f32 v6;
	v49 =	vpop (erf)  }
0x51f: {  	v43 =	vld [tilespmem:s11+$0x0];
	v6 =	vmul.f32 $1.442695020e+00, v25;
	(erf) = vpow2.f32 v1;
	v0 =	vadd.f32 v0, v28;
	v50 =	vpop (erf)  }
0x520: {  	v55 =	vmul.f32 $1.442695020e+00, v41;
	(erf) = vpow2.f32 v4;
	v51 =	vpop (erf)  }
0x521: {  	(erf) = vpow2.f32 v5;
	v5 =	vperm.xlane v0, v29;
	v4 =	vpop (erf)  }
0x522: {  	v56 =	vmul.f32 $1.442695020e+00, v60;
	v28 =	vld [tilespmem:s11+$0x1B0];
	(erf) = vpow2.f32 v2;
	v53 =	vpop (erf)  }
0x523: {  	v23 =	vld [tilespmem:s11+$0x1C0];
	v1 =	vmul.f32 $1.442695020e+00, v24;
	(erf) = vpow2.f32 v35;
	v0 =	vadd.f32 v0, v5;
	v2 =	vpop (erf)  }
0x524: {  	v15 =	vld [tilespmem:s11+$0x1D0];
	v57 =	vmul.f32 $1.442695020e+00, v43;
	v5 =	vadd.f32 v7, v34;
	v7 =	vpop (erf);
	(erf) = vpow2.f32 v36  }
0x525: {  	v35 =	vpop (erf);
	(erf) = vpow2.f32 v6;
	v6 =	vperm.xlane v0, v32  }
0x526: {  	v4 =	vadd.f32 v53, v4;
	v2 =	vadd.f32 v7, v2;
	v34 =	vpop (erf);
	(erf) = vpow2.f32 v1  }
0x527: {  	v7 =	vmul.f32 $1.442695020e+00, v28;
	v1 =	vpop (erf);
	v0 =	vadd.f32 v0, v6;
	(erf) = vpow2.f32 v52  }
0x528: {  	v6 =	vmul.f32 $1.442695020e+00, v23;
	v52 =	vadd.f32 v34, v35;
	v35 =	vpop (erf);
	(erf) = vpow2.f32 v54  }
0x529: {  	v16 =	vld [tilespmem:s11+$0x1E0];
	v34 =	vmul.f32 $1.442695020e+00, v15;
	v53 =	vpop (erf);
	(erf) = vpow2.f32 v57  }
0x52a: {  	v1 =	vadd.f32 v35, v1;
	v36 =	vand.u32 $0x7FFFFF, v0;
	(erf) = vpow2.f32 v55;
	v55 =	vpop (erf)  }
0x52b: {  	v18 =	vld [tilespmem:s11+$0x1F0];
	v2 =	vadd.f32 v2, v4;
	v54 =	vor.u32 $0x3F800000, v36;
	v4 =	vpop (erf);
	(erf) = vpow2.f32 v56  }
0x52c: {  	v35 =	vmul.f32 $5.000000000e-01, v54;
	v1 =	vadd.f32 v1, v52;
	v52 =	vpop (erf);
	(erf) = vpow2.f32 v7  }
0x52d: {  	vm0 =	vgt.f32 v54, $1.414213540e+00;
	(erf) = vpow2.f32 v6;
	v6 =	vpop (erf)  }
0x52e: {  	v3 =	vadd.f32 v49, v3;
	v36 =	vmul.f32 $1.442695020e+00, v16;
	v7 =	vsel vm0, v35, v54;
	v49 =	vpop (erf)  }
0x52f: {  	v50 =	vadd.f32 v51, v50;
	(erf) = vpow2.f32 v34;
	v56 =	vadd.f32 $1.000000000e+00, v7;
	v34 =	vpop (erf)  }
0x530: {  	v1 =	vadd.f32 v1, v2;
	v2 =	vmul.f32 $1.442695020e+00, v18;
	(erf) = vpow2.f32 v36;
	v35 =	vpop (erf)  }
0x531: {  	v51 =	vadd.f32 v55, v53;
	v4 =	vadd.f32 v52, v4;
	(erf) = vrcp.f32 v56;
	v57 =	vpop (erf)  }
0x532: {  	(erf) = vpow2.f32 v2;
	v2 =	vadd.f32 v49, v6;
	v6 =	vadd.f32 v35, v34;
	v34 =	vpop (erf)  }
0x533: {  	v36 =	vperm.xlane v1, v30;
	v48 =	vadd.f32 v48, v34  }
0x534: {  	v4 =	vadd.f32 v4, v51  }
0x535: {  	v35 =	vpop (erf);
	v5 =	vadd.f32 v5, v48  }
0x536: {  	v2 =	vadd.f32 v6, v2;
	v6 =	vpop (erf)  }
0x537: {  	v3 =	vadd.f32 v50, v3;
	v1 =	vadd.f32 v1, v36;
	v36 =	vpop (erf)  }
0x538: {  	v2 =	vadd.f32 v2, v4;
	v4 =	vpop (erf)  }
0x539: {  	v3 =	vadd.f32 v3, v5;
	v5 =	vpop (erf)  }
0x53a: {  	v54 =	vperm.xlane v1, v27;
	v49 =	vadd.f32 v35, v57;
	v57 =	vpop (erf)  }
0x53b: {  	v7 =	vadd.f32 $-1.000000000e+00, v7;
	v4 =	vadd.f32 v5, v4;
	v5 =	vperm.xlane v3, v30;
	v34 =	vpop (erf)  }
0x53c: {  	v1 =	vadd.f32 v1, v54;
	v56 =	vperm.xlane v2, v30;
	v6 =	vadd.f32 v36, v6;
	v35 =	vpop (erf)  }
0x53d: {  	v3 =	vadd.f32 v3, v5;
	v5 =	vadd.f32 v35, v57  }
0x53e: {  	v36 =	vperm.xlane v1, v29;
	v2 =	vadd.f32 v2, v56;
	v7 =	vmul.f32 v34, v7  }
0x53f: {  	v6 =	vadd.f32 v6, v49;
	v55 =	vperm.xlane v3, v27;
	v4 =	vadd.f32 v5, v4  }
0x540: {  	v1 =	vadd.f32 v1, v36;
	v5 =	vmul.f32 v7, v7  }
0x541: {  	v54 =	vperm.xlane v2, v27;
	v3 =	vadd.f32 v3, v55;
	v4 =	vadd.f32 v4, v6  }
0x542: {  	v0 =	vshrl.u32 v0, $0x17;
	v56 =	vperm.xlane v1, v32;
	v6 =	vmul.f32 $2.000000030e-01, v5  }
0x543: {  	v2 =	vadd.f32 v2, v54;
	v34 =	vperm.xlane v3, v29;
	v35 =	vperm.xlane v4, v30  }
0x544: {  	v52 =	vsel vm0, $0xFFFFFF82, v31;
	v1 =	vadd.f32 v1, v56;
	v6 =	vadd.f32 $3.333333430e-01, v6  }
0x545: {  	v57 =	vperm.xlane v2, v29;
	v3 =	vadd.f32 v3, v34;
	v4 =	vadd.f32 v4, v35  }
0x546: {  	v0 =	vadd.s32 v0, v52;
	v36 =	vand.u32 $0x7FFFFF, v1;
	v5 =	vmul.f32 v6, v5  }
0x547: {  	v2 =	vadd.f32 v2, v57;
	v6 =	vperm.xlane v3, v32;
	v53 =	vperm.xlane v4, v27  }
0x548: {  	v0 =	vcvt.s32.f32 v0;
	v7 =	vadd.f32 v7, v7;
	v49 =	vor.u32 $0x3F800000, v36  }
0x549: {  	v3 =	vadd.f32 v3, v6;
	v6 =	vperm.xlane v2, v32;
	v4 =	vadd.f32 v4, v53  }
0x54a: {  	vm14 =	vgt.f32 v49, $1.414213540e+00;
	v54 =	vmul.f32 $5.000000000e-01, v49;
	v5 =	vadd.f32 $1.000000000e+00, v5  }
0x54b: {  	v55 =	vand.u32 $0x7FFFFF, v3;
	v2 =	vadd.f32 v2, v6;
	v6 =	vperm.xlane v4, v29  }
0x54c: {  	v48 =	vsel vm14, v54, v49;
	v5 =	vmul.f32 v5, v7;
	v7 =	vor.u32 $0x3F800000, v55  }
0x54d: {  	v56 =	vand.u32 $0x7FFFFF, v2;
	v4 =	vadd.f32 v4, v6;
	v6 =	vmul.f32 $5.000000000e-01, v7  }
0x54e: {  	v57 =	vadd.f32 $1.000000000e+00, v48;
	vm1 =	vgt.f32 v7, $1.414213540e+00;
	v49 =	vor.u32 $0x3F800000, v56  }
0x54f: {  	v34 =	vmul.f32 $5.000000000e-01, v49;
	v35 =	vperm.xlane v4, v32;
	v6 =	vsel vm1, v6, v7  }
0x550: {  	v0 =	vmul.f32 $6.931471820e-01, v0;
	vm2 =	vgt.f32 v49, $1.414213540e+00;
	v7 =	vadd.f32 $1.000000000e+00, v6  }
0x551: {  	(erf) = vrcp.f32 v57;
	v49 =	vsel vm2, v34, v49;
	v4 =	vadd.f32 v4, v35  }
0x552: {  	v50 =	vadd.f32 v5, v0;
	v0 =	vadd.f32 $1.000000000e+00, v49;
	(erf) = vrcp.f32 v7  }
0x553: {  	v1 =	vshrl.u32 v1, $0x17;
	v5 =	vand.u32 $0x7FFFFF, v4  }
0x554: {  	v36 =	vsel vm14, $0xFFFFFF82, v31;
	(erf) = vrcp.f32 v0;
	v5 =	vor.u32 $0x3F800000, v5  }
0x555: {  	v1 =	vadd.s32 v1, v36;
	v3 =	vshrl.u32 v3, $0x17;
	v56 =	vmul.f32 $5.000000000e-01, v5  }
0x556: {  	v2 =	vshrl.u32 v2, $0x17;
	v57 =	vsel vm2, $0xFFFFFF82, v31;
	vm15 =	vgt.f32 v5, $1.414213540e+00  }
0x557: {  	v6 =	vadd.f32 $-1.000000000e+00, v6;
	v7 =	vsel vm1, $0xFFFFFF82, v31;
	v5 =	vsel vm15, v56, v5  }
0x558: {  	v0 =	vadd.f32 $-1.000000000e+00, v48;
	v3 =	vadd.s32 v3, v7;
	v7 =	vadd.f32 $1.000000000e+00, v5  }
0x559: {  	v4 =	vshrl.u32 v4, $0x17;
	v3 =	vcvt.s32.f32 v3;
	v34 =	vsel vm15, $0xFFFFFF82, v31  }
0x55a: {  	v35 =	vpop (erf);
	(erf) = vrcp.f32 v7;
	v7 =	vcvt.s32.f32 v1;
	v1 =	vadd.s32 v4, v34  }
0x55b: {  	v2 =	vadd.s32 v2, v57;
	v0 =	vmul.f32 v35, v0;
	v53 =	vcvt.s32.f32 v1;
	v57 =	vpop (erf)  }
0x55c: {  	v4 =	vadd.f32 $-1.000000000e+00, v49;
	v1 =	vmul.f32 $6.931471820e-01, v3;
	v3 =	vmul.f32 v57, v6  }
0x55d: {  	v2 =	vcvt.s32.f32 v2;
	v36 =	vmul.f32 v0, v0;
	v6 =	vpop (erf)  }
0x55e: {  	v47 =	vsub.f32 v47, v50;
	v4 =	vmul.f32 v6, v4;
	v52 =	vmul.f32 v3, v3  }
0x55f: {  	v48 =	vadd.f32 v0, v0;
	v0 =	vmul.f32 $6.931471820e-01, v2;
	v34 =	vmul.f32 $2.000000030e-01, v36  }
0x560: {  	v49 =	vmul.f32 v4, v4;
	v2 =	vadd.f32 v4, v4;
	v4 =	vmul.f32 $2.000000030e-01, v52  }
0x561: {  	v51 =	vadd.f32 v3, v3;
	v3 =	vadd.f32 $3.333333430e-01, v34  }
0x562: {  	v5 =	vadd.f32 $-1.000000000e+00, v5;
	v7 =	vmul.f32 $6.931471820e-01, v7;
	v6 =	vsub.f32 v46, v50  }
0x563: {  	[tilespmem:s11+$0x270] =	vst v47;
	v3 =	vmul.f32 v3, v36;
	v36 =	vsub.f32 v45, v50;
	v35 =	vmul.f32 $2.000000030e-01, v49  }
0x564: {  	v47 =	vmul.f32 $6.931471820e-01, v53;
	[tilespmem:s11+$0x200] =	vst v6;
	v45 =	vsub.f32 v8, v50;
	v55 =	vadd.f32 $3.333333430e-01, v4;
	v4 =	vpop (erf)  }
0x565: {  	s12 =	simm.s32 $0x0;
	s28 =	simm.s32 $0xDF00;
	v56 =	vmovc v32;
	v54 =	vadd.f32 $1.000000000e+00, v3;
	[tilespmem:s11+$0x210] =	vst v36;
	v53 =	vadd.f32 $3.333333430e-01, v35;
	v46 =	vmul.f32 v4, v5  }
.LBB2_17:
0x566: {  	[tilespmem:$0x1FC30] =	vst v16  }
0x567: {  	v8 =	vld [tilespmem:s28+$0x200];
	[tilespmem:s11+$0x220] =	vst v45;
	v4 =	vsub.f32 v13, v50  }
0x568: {  	[tilespmem:$0x1FC20] =	vst v15;
	v3 =	vmul.f32 v55, v52;
	v14 =	vld [tilespmem:s28+$0x210];
	v13 =	vadd.f32 v46, v46  }
0x569: {  	v5 =	vsub.f32 v37, v50;
	v6 =	vmul.f32 v53, v49;
	v22 =	vld [tilespmem:s28+$0x220];
	[tilespmem:s11+$0x230] =	vst v4  }
0x56a: {  	[tilespmem:$0x1FC10] =	vst v13;
	v3 =	vadd.f32 $1.000000000e+00, v3  }
0x56b: {  	v48 =	vmul.f32 v54, v48;
	v4 =	vsub.f32 v12, v50;
	v13 =	vld [tilespmem:s28+$0x230];
	v6 =	vadd.f32 $1.000000000e+00, v6;
	[tilespmem:s11+$0x240] =	vst v5  }
0x56c: {  	[tilespmem:$0x1FC40] =	vst v18;
	v5 =	vsub.f32 v9, v50;
	v37 =	vld [tilespmem:s28+$0x240];
	v3 =	vmul.f32 v3, v51  }
0x56d: {  	v34 =	vld [tilespmem:s28+$0x30];
	v32 =	vadd.f32 v48, v7;
	[tilespmem:s11+$0x250] =	vst v4;
	v4 =	vmul.f32 $1.442695020e+00, v8;
	v2 =	vmul.f32 v6, v2  }
0x56e: {  	v18 =	vld [tilespmem:s28+$0x250];
	[tilespmem:s11+$0x260] =	vst v5;
	v5 =	vmul.f32 $1.442695020e+00, v14;
	v6 =	vmul.f32 $1.442695020e+00, v22;
	v1 =	vadd.f32 v3, v1  }
0x56f: {  	[tilespmem:$0x1FC50] =	vst v8;
	v15 =	vld [tilespmem:s28+$0x260];
	v3 =	vsub.f32 v62, v32;
	(erf) = vpow2.f32 v4;
	v50 =	vadd.f32 v2, v0  }
0x570: {  	[tilespmem:$0x1FC70] =	vst v14;
	v0 =	vld [tilespmem:s28+$0x10];
	v2 =	vmul.f32 $1.442695020e+00, v13;
	(erf) = vpow2.f32 v5;
	v4 =	vsub.f32 v43, v1  }
0x571: {  	v48 =	vld [tilespmem:s28+$0x270];
	[tilespmem:s11+$0x80] =	vst v3;
	v5 =	vmul.f32 $1.442695020e+00, v37;
	(erf) = vpow2.f32 v6;
	v6 =	vsub.f32 v19, v1  }
0x572: {  	v3 =	vld [tilespmem:s28+$0x20];
	(erf) = vpow2.f32 v2;
	[tilespmem:s11+$0x0] =	vst v4;
	v4 =	vsub.f32 v20, v1  }
0x573: {  	v8 =	vmul.f32 $1.442695020e+00, v18;
	v2 =	vld [tilespmem:s28+$0x40];
	(erf) = vpow2.f32 v5;
	[tilespmem:s11+$0x10] =	vst v6;
	v5 =	vsub.f32 v21, v1  }
0x574: {  	v43 =	vld [tilespmem:s28+$0x50];
	[tilespmem:s11+$0x20] =	vst v4  }
0x575: {  	v51 =	vld [tilespmem:s28+$0x60];
	v19 =	vmul.f32 $1.442695020e+00, v15;
	(erf) = vpow2.f32 v8;
	v8 =	vsub.f32 v40, v1;
	v7 =	vmovc v0;
	[tilespmem:s11+$0x30] =	vst v5  }
0x576: {  	v9 =	vmul.f32 $1.442695020e+00, v48;
	v4 =	vsub.f32 v42, v1;
	[tilespmem:$0x1FC90] =	vst v7  }
0x577: {  	v55 =	vmul.f32 v46, v46;
	(erf) = vpow2.f32 v19;
	v7 =	vld [tilespmem:s28+$0x70];
	[tilespmem:s11+$0x50] =	vst v8  }
0x578: {  	v21 =	vmul.f32 $1.442695020e+00, v0;
	(erf) = vpow2.f32 v9;
	v6 =	vmov v3;
	[tilespmem:s11+$0x40] =	vst v4  }
0x579: {  	v57 =	vmul.f32 $2.000000030e-01, v55;
	v12 =	vmul.f32 $1.442695020e+00, v3;
	v4 =	vsub.f32 v39, v1;
	[tilespmem:$0x1FCA0] =	vst v6;
	v5 =	vmovc v34  }
0x57a: {  	v9 =	vmul.f32 $1.442695020e+00, v34;
	(erf) = vpow2.f32 v21;
	v1 =	vsub.f32 v63, v1;
	[tilespmem:$0x1FC60] =	vst v5;
	v0 =	vpop (erf)  }
0x57b: {  	v62 =	vld [tilespmem:s28+$0x80];
	v8 =	vmul.f32 $1.442695020e+00, v2;
	(erf) = vpow2.f32 v12;
	[tilespmem:s11+$0x60] =	vst v4;
	v4 =	vsub.f32 v33, v32;
	v3 =	vpop (erf)  }
0x57c: {  	v14 =	vmul.f32 $1.442695020e+00, v43;
	v12 =	vld [tilespmem:s28+$0x90];
	(erf) = vpow2.f32 v9;
	[tilespmem:s11+$0x70] =	vst v1;
	v1 =	vsub.f32 v44, v32;
	v5 =	vpop (erf)  }
0x57d: {  	v44 =	vld [tilespmem:s28+$0xA0];
	v9 =	vmul.f32 $1.442695020e+00, v51;
	(erf) = vpow2.f32 v8;
	[tilespmem:s11+$0x90] =	vst v4;
	v4 =	vsub.f32 v10, v32;
	v6 =	vpop (erf)  }
0x57e: {  	v8 =	vmul.f32 $1.442695020e+00, v7;
	(erf) = vpow2.f32 v14;
	v10 =	vld [tilespmem:s28+$0xB0];
	[tilespmem:s11+$0xA0] =	vst v1;
	v1 =	vsub.f32 v11, v32;
	v35 =	vpop (erf)  }
0x57f: {  	v46 =	vadd.f32 $3.333333430e-01, v57;
	(erf) = vpow2.f32 v9;
	v11 =	vld [tilespmem:s28+$0xC0];
	[tilespmem:s11+$0xB0] =	vst v4;
	v4 =	vsub.f32 v58, v32;
	v57 =	vpop (erf)  }
0x580: {  	(erf) = vpow2.f32 v8;
	v8 =	vadd.f32 v3, v0;
	v14 =	vld [tilespmem:s28+$0xD0];
	[tilespmem:s11+$0xC0] =	vst v1;
	v1 =	vsub.f32 v59, v32;
	v59 =	vpop (erf)  }
0x581: {  	v19 =	vmul.f32 $1.442695020e+00, v62;
	v3 =	vadd.f32 v6, v5;
	v16 =	vld [tilespmem:s28+$0xE0];
	[tilespmem:s11+$0xD0] =	vst v4;
	v4 =	vsub.f32 v61, v32;
	v5 =	vpop (erf)  }
0x582: {  	v61 =	vld [tilespmem:s28+$0xF0];
	[tilespmem:s11+$0xE0] =	vst v1;
	v1 =	vadd.f32 v57, v35;
	v5 =	vadd.f32 v5, v59  }
0x583: {  	v54 =	vld [tilespmem:s28+$0x100];
	v49 =	vmul.f32 $1.442695020e+00, v12;
	(erf) = vpow2.f32 v19  }
0x584: {  	v32 =	vmov v17;
	v3 =	vadd.f32 v3, v8;
	v17 =	vpop (erf);
	v8 =	vadd.f32 v5, v1  }
0x585: {  	v38 =	vsub.f32 v38, v50;
	v20 =	vld [tilespmem:s28+$0x120];
	v58 =	vmul.f32 $1.442695020e+00, v44;
	v33 =	vpop (erf)  }
0x586: {  	v63 =	vmul.f32 $1.442695020e+00, v10;
	(erf) = vpow2.f32 v49;
	v0 =	vpop (erf);
	v3 =	vadd.f32 v8, v3;
	v8 =	vld [tilespmem:$0x1FCB0]  }
0x587: {  	v21 =	vld [tilespmem:s28+$0x130];
	v34 =	vpop (erf);
	(erf) = vpow2.f32 v58  }
0x588: {  	v19 =	vld [tilespmem:s28+$0x110];
	[tilespmem:s11+$0x100] =	vst v38;
	v38 =	vmul.f32 $1.442695020e+00, v54;
	v1 =	vpop (erf);
	(erf) = vpow2.f32 v63  }
0x589: {  	[tilespmem:s11+$0xF0] =	vst v4;
	v6 =	vmul.f32 $1.442695020e+00, v11;
	v4 =	vmul.f32 $1.442695020e+00, v14  }
0x58a: {  	v9 =	vadd.f32 v0, v33;
	v40 =	vmul.f32 $1.442695020e+00, v16;
	v5 =	vmul.f32 $1.442695020e+00, v61;
	v35 =	vpop (erf)  }
0x58b: {  	v39 =	vadd.f32 v1, v34;
	(erf) = vpow2.f32 v6;
	v49 =	vpop (erf);
	v31 =	vsub.f32 v8, v50  }
0x58c: {  	v34 =	vmov v24;
	v36 =	vperm.xlane v3, v30;
	v24 =	vpop (erf);
	(erf) = vpow2.f32 v4  }
0x58d: {  	v52 =	vmul.f32 $1.442695020e+00, v19;
	v53 =	vadd.f32 v49, v35;
	(erf) = vpow2.f32 v40  }
0x58e: {  	[tilespmem:$0x1FC80] =	vst v22;
	v22 =	vld [tilespmem:s28+$0x140];
	v6 =	vmul.f32 $1.442695020e+00, v20;
	v3 =	vadd.f32 v3, v36;
	(erf) = vpow2.f32 v5  }
0x58f: {  	v0 =	vld [tilespmem:s28+$0x150];
	v8 =	vmov v2;
	v2 =	vadd.f32 v53, v39;
	[tilespmem:s11+$0x110] =	vst v31;
	v31 =	vpop (erf);
	(erf) = vpow2.f32 v38  }
0x590: {  	v39 =	vmov v7;
	v29 =	vperm.xlane v3, v27;
	v27 =	vld [tilespmem:$0x1FCC0];
	v7 =	vpop (erf);
	(erf) = vpow2.f32 v52  }
0x591: {  	v52 =	vpop (erf);
	(erf) = vpow2.f32 v6;
	v6 =	vld [tilespmem:$0x1FCD0]  }
0x592: {  	v58 =	vld [tilespmem:s28+$0x1A0]  }
0x593: {  	v63 =	vld [tilespmem:s28+$0x170]  }
0x594: {  	v1 =	vld [tilespmem:s28+$0x160]  }
0x595: {  	v49 =	vmovc v23;
	v23 =	vmul.f32 $1.442695020e+00, v21;
	v3 =	vadd.f32 v3, v29;
	v29 =	vld [tilespmem:$0x1FFE0];
	v30 =	vsub.f32 v27, v50  }
0x596: {  	v6 =	vsub.f32 v6, v50  }
0x597: {  	v45 =	vmov v41;
	v41 =	vmov v60;
	v60 =	vld [tilespmem:s28+$0x180];
	v4 =	vmul.f32 $1.442695020e+00, v22  }
0x598: {  	v33 =	vmovc v28;
	v35 =	vmov v25;
	v25 =	vmul.f32 $1.442695020e+00, v0;
	v28 =	vmul.f32 $1.442695020e+00, v58;
	[tilespmem:s11+$0x130] =	vst v6;
	v6 =	vld [tilespmem:$0x1FCE0]  }
0x599: {  	v59 =	vld [tilespmem:s28+$0x1B0];
	v5 =	vmul.f32 $1.442695020e+00, v1;
	[tilespmem:s11+$0x120] =	vst v30;
	v30 =	vpop (erf);
	(erf) = vpow2.f32 v23;
	v23 =	vmov v20  }
0x59a: {  	v42 =	vmovc v43;
	v43 =	vld [tilespmem:s28+$0x0];
	v36 =	vmovc v26;
	v26 =	vmul.f32 $1.442695020e+00, v63;
	v38 =	vmov v54;
	v29 =	vperm.xlane v3, v29  }
0x59b: {  	v57 =	vld [tilespmem:s28+$0x190];
	v24 =	vadd.f32 v31, v24;
	v20 =	vmov v21;
	v21 =	vpop (erf);
	(erf) = vpow2.f32 v4  }
0x59c: {  	v53 =	vld [tilespmem:s28+$0x1C0];
	v7 =	vadd.f32 v52, v7;
	v3 =	vadd.f32 v3, v29;
	[tilespmem:$0x1FCC0] =	vst v23;
	v23 =	vpop (erf);
	(erf) = vpow2.f32 v25  }
0x59d: {  	v54 =	vld [tilespmem:s28+$0x1D0];
	v25 =	vpop (erf);
	(erf) = vpow2.f32 v5;
	v5 =	vmov v22;
	v6 =	vsub.f32 v6, v50  }
0x59e: {  	v31 =	vmul.f32 $1.442695020e+00, v59;
	v4 =	vadd.f32 v21, v30;
	v23 =	vadd.f32 v25, v23;
	[tilespmem:$0x1FCE0] =	vst v5  }
0x59f: {  	v27 =	vmovc v19;
	v5 =	vmul.f32 $1.442695020e+00, v43;
	[tilespmem:s11+$0x140] =	vst v6;
	v6 =	vadd.f32 v7, v24;
	v7 =	vperm.xlane v3, v56  }
0x5a0: {  	v40 =	vmovc v51;
	v19 =	vmul.f32 $1.442695020e+00, v60;
	[tilespmem:$0x1FCB0] =	vst v27;
	v27 =	vmul.f32 $1.442695020e+00, v57;
	v4 =	vadd.f32 v23, v4  }
0x5a1: {  	v51 =	vld [tilespmem:s28+$0x1E0];
	[tilespmem:$0x1FCD0] =	vst v20;
	v20 =	vmul.f32 $1.442695020e+00, v53;
	v7 =	vadd.f32 v3, v7;
	v3 =	vpop (erf);
	(erf) = vpow2.f32 v26  }
0x5a2: {  	v21 =	vmul.f32 $1.442695020e+00, v54;
	v4 =	vadd.f32 v4, v6;
	v22 =	vpop (erf);
	(erf) = vpow2.f32 v19  }
0x5a3: {  	v30 =	vld [tilespmem:$0x1FFC0];
	v3 =	vadd.f32 v22, v3;
	v22 =	vand.u32 $0x7FFFFF, v7;
	(erf) = vpow2.f32 v5;
	v5 =	vpop (erf)  }
0x5a4: {  	v52 =	vld [tilespmem:s28+$0x1F0];
	v19 =	vmul.f32 v46, v55;
	v6 =	vor.u32 $0x3F800000, v22;
	(erf) = vpow2.f32 v27;
	v23 =	vpop (erf)  }
0x5a5: {  	v55 =	vmul.f32 $5.000000000e-01, v6;
	(erf) = vpow2.f32 v28;
	v28 =	vadd.f32 v23, v5;
	v23 =	vpop (erf)  }
0x5a6: {  	v24 =	vmul.f32 $1.442695020e+00, v51;
	v27 =	vld [tilespmem:$0x1FFD0];
	vm0 =	vgt.f32 v6, $1.414213540e+00;
	(erf) = vpow2.f32 v31;
	v22 =	vpop (erf)  }
0x5a7: {  	v6 =	vsel vm0, v55, v6;
	(erf) = vpow2.f32 v20;
	v20 =	vadd.f32 v22, v23;
	v23 =	vld [tilespmem:$0x1FC10]  }
0x5a8: {  	v26 =	vperm.xlane v4, v30;
	v22 =	vadd.f32 $1.000000000e+00, v6;
	(erf) = vpow2.f32 v21  }
0x5a9: {  	v25 =	vmul.f32 $1.442695020e+00, v52;
	v19 =	vadd.f32 $1.000000000e+00, v19;
	v5 =	vpop (erf);
	(erf) = vpow2.f32 v24  }
0x5aa: {  	v4 =	vadd.f32 v4, v26;
	v21 =	vpop (erf);
	(erf) = vrcp.f32 v22;
	v22 =	vsub.f32 v35, v50  }
0x5ab: {  	v3 =	vadd.f32 v28, v3;
	v5 =	vadd.f32 v21, v5;
	v21 =	vpop (erf);
	(erf) = vpow2.f32 v25  }
0x5ac: {  	v26 =	vmul.f32 v19, v23;
	v23 =	vperm.xlane v4, v27;
	v24 =	vpop (erf);
	[tilespmem:s11+$0x150] =	vst v22;
	v22 =	vsub.f32 v34, v50  }
0x5ad: {  	v29 =	vld [tilespmem:$0x1FFE0];
	v25 =	vmov v0;
	v0 =	vadd.f32 v17, v24;
	v17 =	vadd.f32 v5, v20;
	v19 =	vpop (erf)  }
0x5ae: {  	v24 =	vmov v1;
	v1 =	vadd.f32 v4, v23;
	v4 =	vadd.f32 v19, v21;
	v19 =	vpop (erf)  }
0x5af: {  	v0 =	vadd.f32 v9, v0;
	v3 =	vadd.f32 v17, v3;
	v5 =	vpop (erf)  }
0x5b0: {  	v6 =	vadd.f32 $-1.000000000e+00, v6;
	v5 =	vadd.f32 v5, v19;
	v19 =	vpop (erf)  }
0x5b1: {  	v47 =	vadd.f32 v26, v47;
	[tilespmem:s11+$0x160] =	vst v22;
	v0 =	vadd.f32 v2, v0;
	v2 =	vperm.xlane v3, v30;
	v22 =	vpop (erf)  }
0x5b2: {  	v21 =	vsub.f32 v36, v50;
	v20 =	vperm.xlane v1, v29;
	v19 =	vadd.f32 v22, v19;
	v22 =	vpop (erf)  }
0x5b3: {  	v7 =	vshrl.u32 v7, $0x17;
	v2 =	vadd.f32 v3, v2;
	v3 =	vadd.f32 v5, v4;
	v4 =	vpop (erf)  }
0x5b4: {  	v23 =	vsub.f32 v32, v47;
	[tilespmem:s11+$0x170] =	vst v21;
	v1 =	vadd.f32 v1, v20;
	v21 =	vperm.xlane v0, v30;
	v5 =	vpop (erf)  }
0x5b5: {  	v4 =	vmul.f32 v4, v6;
	v20 =	vperm.xlane v2, v27;
	v5 =	vadd.f32 v5, v22  }
0x5b6: {  	v6 =	vsub.f32 v45, v47;
	v0 =	vadd.f32 v0, v21;
	v21 =	vperm.xlane v1, v56  }
0x5b7: {  	[tilespmem:s11+$0x180] =	vst v23;
	v22 =	vmul.f32 v4, v4;
	v2 =	vadd.f32 v2, v20;
	v5 =	vadd.f32 v5, v19  }
0x5b8: {  	[tilespmem:s11+$0x190] =	vst v6;
	v6 =	vsub.f32 v41, v47;
	v23 =	vperm.xlane v0, v27;
	v1 =	vadd.f32 v1, v21  }
0x5b9: {  	v19 =	vmul.f32 $2.000000030e-01, v22;
	v20 =	vperm.xlane v2, v29;
	v3 =	vadd.f32 v5, v3  }
0x5ba: {  	v31 =	vimm.s32 $0xFFFFFF81;
	[tilespmem:s11+$0x1A0] =	vst v6;
	v6 =	vsub.f32 v33, v47;
	v0 =	vadd.f32 v0, v23  }
0x5bb: {  	v19 =	vadd.f32 $3.333333430e-01, v19;
	v2 =	vadd.f32 v2, v20;
	v20 =	vperm.xlane v3, v30  }
0x5bc: {  	v4 =	vadd.f32 v4, v4;
	v21 =	vsel vm0, $0xFFFFFF82, v31;
	[tilespmem:s11+$0x1B0] =	vst v6;
	v6 =	vperm.xlane v0, v29  }
0x5bd: {  	v5 =	vshrl.u32 v1, $0x17;
	v19 =	vmul.f32 v19, v22;
	v3 =	vadd.f32 v3, v20  }
0x5be: {  	v1 =	vand.u32 $0x7FFFFF, v1;
	v0 =	vadd.f32 v0, v6;
	v6 =	vadd.s32 v7, v21  }
0x5bf: {  	v7 =	vadd.f32 $1.000000000e+00, v19;
	v6 =	vcvt.s32.f32 v6;
	v20 =	vperm.xlane v3, v27  }
0x5c0: {  	v1 =	vor.u32 $0x3F800000, v1;
	v19 =	vperm.xlane v0, v56  }
0x5c1: {  	v6 =	vmul.f32 $6.931471820e-01, v6;
	v4 =	vmul.f32 v7, v4;
	v3 =	vadd.f32 v3, v20  }
0x5c2: {  	v7 =	vperm.xlane v2, v56;
	v0 =	vadd.f32 v0, v19;
	v19 =	vmul.f32 $5.000000000e-01, v1  }
0x5c3: {  	vm13 =	vgt.f32 v1, $1.414213540e+00;
	v50 =	vadd.f32 v4, v6;
	v6 =	vperm.xlane v3, v29  }
0x5c4: {  	v2 =	vadd.f32 v2, v7;
	v1 =	vsel vm13, v19, v1  }
0x5c5: {  	v4 =	vand.u32 $0x7FFFFF, v0;
	v3 =	vadd.f32 v3, v6;
	v6 =	vadd.f32 $1.000000000e+00, v1  }
0x5c6: {  	v4 =	vor.u32 $0x3F800000, v4  }
0x5c7: {  	v7 =	vsub.f32 v48, v50;
	v21 =	vand.u32 $0x7FFFFF, v2;
	(erf) = vrcp.f32 v6  }
0x5c8: {  	v19 =	vmul.f32 $5.000000000e-01, v4;
	v21 =	vor.u32 $0x3F800000, v21;
	v22 =	vperm.xlane v3, v56  }
0x5c9: {  	v20 =	vsel vm13, $0xFFFFFF82, v31;
	vm14 =	vgt.f32 v4, $1.414213540e+00;
	[tilespmem:s28+$0x270] =	vst v7;
	v7 =	vmul.f32 $5.000000000e-01, v21  }
0x5ca: {  	vm1 =	vgt.f32 v21, $1.414213540e+00;
	v4 =	vsel vm14, v19, v4;
	v3 =	vadd.f32 v3, v22  }
0x5cb: {  	v0 =	vshrl.u32 v0, $0x17;
	v6 =	vadd.f32 $1.000000000e+00, v4;
	v7 =	vsel vm1, v7, v21  }
0x5cc: {  	v21 =	vadd.f32 $1.000000000e+00, v7;
	v22 =	vadd.f32 $-1.000000000e+00, v7;
	v7 =	vand.u32 $0x7FFFFF, v3  }
0x5cd: {  	v19 =	vsel vm14, $0xFFFFFF82, v31;
	(erf) = vrcp.f32 v6;
	v7 =	vor.u32 $0x3F800000, v7  }
0x5ce: {  	v2 =	vshrl.u32 v2, $0x17;
	(erf) = vrcp.f32 v21;
	v21 =	vmul.f32 $5.000000000e-01, v7  }
0x5cf: {  	v1 =	vadd.f32 $-1.000000000e+00, v1;
	v6 =	vsel vm1, $0xFFFFFF82, v31;
	vm15 =	vgt.f32 v7, $1.414213540e+00  }
0x5d0: {  	v0 =	vadd.s32 v0, v19;
	v2 =	vadd.s32 v2, v6;
	v7 =	vsel vm15, v21, v7;
	v19 =	vpop (erf)  }
0x5d1: {  	v6 =	vadd.f32 $-1.000000000e+00, v7;
	v7 =	vadd.f32 $1.000000000e+00, v7;
	v19 =	vmul.f32 v19, v1;
	v1 =	vld [tilespmem:$0x1FC20]  }
0x5d2: {  	v5 =	vadd.s32 v5, v20  }
0x5d3: {  	v26 =	vmovc v63;
	v5 =	vcvt.s32.f32 v5;
	(erf) = vrcp.f32 v7;
	v7 =	vsub.f32 v49, v47  }
0x5d4: {  	v63 =	vmovc v39;
	v39 =	vmovc v40;
	v40 =	vmov v42;
	v42 =	vmov v8;
	v8 =	vcvt.s32.f32 v0  }
0x5d5: {  	[tilespmem:s11+$0x1C0] =	vst v7;
	v7 =	vmul.f32 $6.931471820e-01, v5;
	v5 =	vld [tilespmem:$0x1FC30]  }
0x5d6: {  	v20 =	vsub.f32 v1, v47;
	v1 =	vmul.f32 $6.931471820e-01, v8;
	v8 =	vld [tilespmem:$0x1FC40]  }
0x5d7: {  	v3 =	vshrl.u32 v3, $0x17;
	v23 =	vsel vm15, $0xFFFFFF82, v31  }
0x5d8: {  	v3 =	vadd.s32 v3, v23  }
0x5d9: {  	v3 =	vcvt.s32.f32 v3;
	_ =	sdelay $0x1  }
0x5da: {  	[tilespmem:s11+$0x1D0] =	vst v20;
	v5 =	vsub.f32 v5, v47;
	v20 =	vsub.f32 v8, v47;
	v47 =	vmul.f32 $6.931471820e-01, v3;
	v3 =	vld [tilespmem:$0x1FC50]  }
0x5db: {  	v4 =	vadd.f32 $-1.000000000e+00, v4;
	_ =	sdelay $0x2  }
0x5dc: {  	v0 =	vpop (erf)  }
0x5dd: {  	v21 =	vmul.f32 v19, v19;
	v0 =	vmul.f32 v0, v4;
	v4 =	vpop (erf);
	v3 =	vsub.f32 v3, v50  }
0x5de: {  	v4 =	vmul.f32 v4, v22;
	v8 =	vld [tilespmem:$0x1FC70]  }
0x5df: {  	s12 =	sadd.s32 $0x5, s12;
	v28 =	vmovc v59;
	v59 =	vmovc v16;
	v16 =	vmov v51;
	v48 =	vadd.f32 v19, v19;
	v19 =	vmul.f32 $2.000000030e-01, v21;
	[tilespmem:s28+$0x200] =	vst v3;
	v3 =	vld [tilespmem:$0x1FC80]  }
0x5e0: {  	p1 =	slt.u32 s12, $0x78;
	v9 =	vmovc v15;
	v33 =	vmovc v12;
	v12 =	vmov v18;
	v2 =	vcvt.s32.f32 v2;
	v49 =	vmul.f32 v4, v4  }
.Ltmp9:
0x5e1: {  	v18 =	vmovc v52;
	v52 =	vmul.f32 v0, v0;
	v51 =	vadd.f32 v0, v0;
	[tilespmem:s11+$0x1E0] =	vst v5;
	v5 =	vadd.f32 $3.333333430e-01, v19;
	(pc) =	sbr.rel @p1 .LBB2_17-.Ltmp9, $4  }
0x5e2: {  	v15 =	vmovc v54;
	v17 =	vmovc v60;
	v0 =	vmul.f32 $6.931471820e-01, v2;
	v2 =	vadd.f32 v4, v4;
	v19 =	vmul.f32 $2.000000030e-01, v49  }
0x5e3: {  	v60 =	vmovc v58;
	v4 =	vmul.f32 $2.000000030e-01, v52;
	[tilespmem:s11+$0x1F0] =	vst v20;
	v5 =	vmul.f32 v5, v21;
	v21 =	vld [tilespmem:$0x1FC60];
	v20 =	vsub.f32 v8, v50  }
0x5e4: {  	v23 =	vmov v53;
	s11 =	smov.u32 s28;
	v53 =	vadd.f32 $3.333333430e-01, v19;
	v19 =	vld [tilespmem:$0x1FC90];
	v45 =	vsub.f32 v3, v50;
	v3 =	vpop (erf)  }
0x5e5: {  	s29 =	simm.s32 $0x0;
	v58 =	vmovc v14;
	v41 =	vmovc v57;
	v55 =	vadd.f32 $3.333333430e-01, v4;
	v54 =	vadd.f32 $1.000000000e+00, v5;
	s28 =	sadd.s32 $0x280, s28;
	[tilespmem:s11+$0x210] =	vst v20;
	v20 =	vld [tilespmem:$0x1FCA0];
	v46 =	vmul.f32 v3, v6  }
0x5e6: {  	_ = 	snop  }
0x5e7: {  	v4 =	vsub.f32 v13, v50;
	v3 =	vmul.f32 v55, v52;
	v5 =	vmul.f32 v54, v48  }
0x5e8: {  	[tilespmem:s11+$0x220] =	vst v45;
	v6 =	vsub.f32 v37, v50;
	v57 =	vsub.f32 v9, v50  }
0x5e9: {  	[tilespmem:s11+$0x230] =	vst v4;
	v3 =	vadd.f32 $1.000000000e+00, v3;
	v5 =	vadd.f32 v5, v7  }
0x5ea: {  	v55 =	vsub.f32 v12, v50;
	[tilespmem:s11+$0x240] =	vst v6  }
0x5eb: {  	[tilespmem:s11+$0x260] =	vst v57;
	v3 =	vmul.f32 v3, v51;
	v9 =	vsub.f32 v62, v5  }
0x5ec: {  	[tilespmem:s11+$0x250] =	vst v55;
	v48 =	vsub.f32 v58, v5  }
0x5ed: {  	v36 =	vmul.f32 v53, v49;
	v49 =	vsub.f32 v59, v5;
	v1 =	vadd.f32 v3, v1;
	[tilespmem:s11+$0x80] =	vst v9  }
0x5ee: {  	v50 =	vsub.f32 v61, v5;
	[tilespmem:s11+$0xD0] =	vst v48  }
0x5ef: {  	[tilespmem:s11+$0xE0] =	vst v49;
	v12 =	vsub.f32 v43, v1  }
0x5f0: {  	[tilespmem:s11+$0xF0] =	vst v50;
	v13 =	vsub.f32 v19, v1  }
0x5f1: {  	v14 =	vsub.f32 v20, v1;
	[tilespmem:s11+$0x0] =	vst v12  }
0x5f2: {  	v22 =	vsub.f32 v21, v1;
	[tilespmem:s11+$0x10] =	vst v13  }
0x5f3: {  	v32 =	vsub.f32 v42, v1;
	[tilespmem:s11+$0x20] =	vst v14  }
0x5f4: {  	v34 =	vsub.f32 v40, v1;
	[tilespmem:s11+$0x30] =	vst v22  }
0x5f5: {  	v6 =	vadd.f32 $1.000000000e+00, v36;
	v35 =	vsub.f32 v39, v1;
	[tilespmem:s11+$0x40] =	vst v32  }
0x5f6: {  	v1 =	vsub.f32 v63, v1;
	[tilespmem:s11+$0x50] =	vst v34  }
0x5f7: {  	v2 =	vmul.f32 v6, v2;
	v39 =	vsub.f32 v33, v5;
	[tilespmem:s11+$0x60] =	vst v35  }
0x5f8: {  	v37 =	vmul.f32 v46, v46;
	v40 =	vsub.f32 v44, v5;
	[tilespmem:s11+$0x70] =	vst v1  }
0x5f9: {  	v0 =	vadd.f32 v2, v0;
	v43 =	vsub.f32 v10, v5;
	[tilespmem:s11+$0x90] =	vst v39  }
0x5fa: {  	v42 =	vmul.f32 $2.000000030e-01, v37;
	v44 =	vsub.f32 v11, v5;
	[tilespmem:s11+$0xA0] =	vst v40  }
0x5fb: {  	v51 =	vsub.f32 v38, v0;
	[tilespmem:s11+$0xB0] =	vst v43  }
0x5fc: {  	v45 =	vadd.f32 $3.333333430e-01, v42;
	[tilespmem:s11+$0xC0] =	vst v44  }
0x5fd: {  	v2 =	vld [tilespmem:$0x1FCB0];
	[tilespmem:s11+$0x100] =	vst v51  }
0x5fe: {  	v3 =	vmul.f32 v45, v37;
	v1 =	vld [tilespmem:$0x1FCC0];
	_ =	sdelay $0x1  }
0x5ff: {  	v52 =	vadd.f32 v46, v46;
	v3 =	vadd.f32 $1.000000000e+00, v3;
	_ =	sdelay $0x1  }
0x600: {  	v2 =	vsub.f32 v2, v0;
	v3 =	vmul.f32 v3, v52  }
0x601: {  	v1 =	vsub.f32 v1, v0  }
0x602: {  	v53 =	vsub.f32 v25, v0;
	[tilespmem:s11+$0x110] =	vst v2;
	v3 =	vadd.f32 v3, v47  }
0x603: {  	v54 =	vsub.f32 v24, v0;
	v2 =	vld [tilespmem:$0x1FCD0];
	[tilespmem:s11+$0x120] =	vst v1  }
0x604: {  	v1 =	vld [tilespmem:$0x1FCE0];
	[tilespmem:s11+$0x150] =	vst v53;
	v55 =	vsub.f32 v17, v3  }
0x605: {  	[tilespmem:s11+$0x160] =	vst v54;
	v57 =	vsub.f32 v41, v3  }
0x606: {  	v58 =	vsub.f32 v60, v3;
	[tilespmem:s11+$0x180] =	vst v55  }
0x607: {  	v59 =	vsub.f32 v28, v3;
	[tilespmem:s11+$0x190] =	vst v57  }
0x608: {  	v60 =	vsub.f32 v23, v3;
	[tilespmem:s11+$0x1A0] =	vst v58  }
0x609: {  	v61 =	vsub.f32 v15, v3;
	[tilespmem:s11+$0x1B0] =	vst v59  }
0x60a: {  	v62 =	vsub.f32 v16, v3;
	[tilespmem:s11+$0x1C0] =	vst v60  }
0x60b: {  	v63 =	vsub.f32 v18, v3;
	[tilespmem:s11+$0x1D0] =	vst v61  }
0x60c: {  	[tilespmem:s11+$0x1E0] =	vst v62;
	v2 =	vsub.f32 v2, v0  }
0x60d: {  	[tilespmem:s11+$0x1F0] =	vst v63;
	v1 =	vsub.f32 v1, v0  }
0x60e: {  	v0 =	vsub.f32 v26, v0;
	[tilespmem:s11+$0x130] =	vst v2  }
0x60f: {  	[tilespmem:s11+$0x140] =	vst v1  }
0x610: {  	[tilespmem:s11+$0x170] =	vst v0  }
0x611: {  	v16 =	vld [tilespmem:$0x1FF90]  }
0x612: {  	v17 =	vld [tilespmem:$0x1FFA0]  }
0x613: {  	v32 =	vmov v56;
	v18 =	vld [tilespmem:$0x1FFB0]  }
.LBB2_19:
0x614: {  	s11 =	sshra.s32 s29, $0x2  }
0x615: {  	v0 =	vld [tilespmem:s11+$0x11B00]  }
0x616: {  	v1 =	vld [tilespmem:s11+$0x11B10]  }
0x617: {  	v2 =	vld [tilespmem:s11+$0x11B20]  }
0x618: {  	v3 =	vld [tilespmem:s11+$0x11B30]  }
0x619: {  	v4 =	vld [tilespmem:s11+$0x11B40]  }
0x61a: {  	v5 =	vld [tilespmem:s11+$0x11B50];
	v6 =	vmul.f32 $1.442695020e+00, v0  }
0x61b: {  	v7 =	vld [tilespmem:s11+$0x11B60];
	v8 =	vmul.f32 $1.442695020e+00, v1  }
0x61c: {  	v9 =	vld [tilespmem:s11+$0x11B70];
	v43 =	vmul.f32 $1.442695020e+00, v2;
	(erf) = vpow2.f32 v6  }
0x61d: {  	v44 =	vmul.f32 $1.442695020e+00, v3;
	(erf) = vpow2.f32 v8  }
0x61e: {  	v45 =	vmul.f32 $1.442695020e+00, v4;
	(erf) = vpow2.f32 v43  }
0x61f: {  	v46 =	vmul.f32 $1.442695020e+00, v5;
	(erf) = vpow2.f32 v44  }
0x620: {  	v47 =	vmul.f32 $1.442695020e+00, v7;
	(erf) = vpow2.f32 v45  }
0x621: {  	v48 =	vmul.f32 $1.442695020e+00, v9;
	(erf) = vpow2.f32 v46  }
0x622: {  	(erf) = vpow2.f32 v47  }
0x623: {  	(erf) = vpow2.f32 v48;
	_ =	sdelay $0x1  }
0x624: {  	v49 =	vpop (erf)  }
0x625: {  	v50 =	vpop (erf)  }
0x626: {  	v10 =	vpop (erf)  }
0x627: {  	v11 =	vpop (erf)  }
0x628: {  	v12 =	vpop (erf)  }
0x629: {  	v13 =	vpop (erf)  }
0x62a: {  	v14 =	vpop (erf)  }
0x62b: {  	v6 =	vadd.f32 v50, v49;
	v51 =	vadd.f32 v11, v10;
	v15 =	vpop (erf)  }
0x62c: {  	v52 =	vadd.f32 v13, v12;
	v53 =	vadd.f32 v15, v14;
	_ =	sdelay $0x1  }
0x62d: {  	v6 =	vadd.f32 v51, v6;
	v54 =	vadd.f32 v53, v52;
	_ =	sdelay $0x1  }
0x62e: {  	v6 =	vadd.f32 v54, v6;
	_ =	sdelay $0x1  }
0x62f: {  	v8 =	vperm.xlane v6, v16;
	_ =	sdelay $0x1  }
0x630: {  	v6 =	vadd.f32 v6, v8;
	_ =	sdelay $0x1  }
0x631: {  	v8 =	vperm.xlane v6, v17;
	_ =	sdelay $0x1  }
0x632: {  	v6 =	vadd.f32 v6, v8;
	_ =	sdelay $0x1  }
0x633: {  	v8 =	vperm.xlane v6, v18;
	_ =	sdelay $0x1  }
0x634: {  	v6 =	vadd.f32 v6, v8;
	_ =	sdelay $0x1  }
0x635: {  	v8 =	vperm.xlane v6, v32;
	_ =	sdelay $0x1  }
0x636: {  	v6 =	vadd.f32 v6, v8;
	_ =	sdelay $0x1  }
0x637: {  	v8 =	vand.u32 $0x7FFFFF, v6  }
0x638: {  	v8 =	vor.u32 $0x3F800000, v8  }
0x639: {  	v55 =	vmul.f32 $5.000000000e-01, v8  }
0x63a: {  	vm0 =	vgt.f32 v8, $1.414213540e+00  }
0x63b: {  	v8 =	vsel vm0, v55, v8  }
0x63c: {  	v10 =	vadd.f32 $1.000000000e+00, v8;
	_ =	sdelay $0x1  }
0x63d: {  	(erf) = vrcp.f32 v10;
	_ =	sdelay $0x7  }
0x63e: {  	v8 =	vadd.f32 $-1.000000000e+00, v8  }
0x63f: {  	v10 =	vpop (erf)  }
0x640: {  	v8 =	vmul.f32 v10, v8;
	_ =	sdelay $0x1  }
0x641: {  	v10 =	vmul.f32 v8, v8;
	_ =	sdelay $0x1  }
0x642: {  	v56 =	vmul.f32 $2.000000030e-01, v10;
	_ =	sdelay $0x1  }
0x643: {  	v11 =	vadd.f32 $3.333333430e-01, v56;
	_ =	sdelay $0x1  }
0x644: {  	v6 =	vshrl.u32 v6, $0x17;
	v57 =	vsel vm0, $0xFFFFFF82, v31;
	v10 =	vmul.f32 v11, v10  }
0x645: {  	v6 =	vadd.s32 v6, v57  }
0x646: {  	v6 =	vcvt.s32.f32 v6;
	v8 =	vadd.f32 v8, v8;
	v10 =	vadd.f32 $1.000000000e+00, v10;
	_ =	sdelay $0x1  }
0x647: {  	v6 =	vmul.f32 $6.931471820e-01, v6;
	v8 =	vmul.f32 v10, v8;
	_ =	sdelay $0x1  }
0x648: {  	v6 =	vadd.f32 v8, v6;
	_ =	sdelay $0x1  }
0x649: {  	v0 =	vsub.f32 v0, v6  }
0x64a: {  	v1 =	vsub.f32 v1, v6  }
0x64b: {  	v58 =	vsub.f32 v2, v6;
	[tilespmem:s11+$0x11B00] =	vst v0  }
0x64c: {  	v59 =	vsub.f32 v3, v6;
	[tilespmem:s11+$0x11B10] =	vst v1  }
0x64d: {  	p1 =	sne.s32 s29, $0x400;
	v60 =	vsub.f32 v4, v6;
	[tilespmem:s11+$0x11B20] =	vst v58  }
.Ltmp10:
0x64e: {  	v61 =	vsub.f32 v5, v6;
	[tilespmem:s11+$0x11B30] =	vst v59;
	(pc) =	sbr.rel @p1 .LBB2_19-.Ltmp10, $4  }
0x64f: {  	v62 =	vsub.f32 v7, v6;
	[tilespmem:s11+$0x11B40] =	vst v60  }
0x650: {  	v63 =	vsub.f32 v9, v6;
	[tilespmem:s11+$0x11B50] =	vst v61  }
0x651: {  	[tilespmem:s11+$0x11B60] =	vst v62  }
0x652: {  	s29 =	sadd.s32 $0x200, s29;
	[tilespmem:s11+$0x11B70] =	vst v63  }
0x653: {  	s6 =	sadd.s32 s6, s10  }
0x654: {  	[hbm4b:s6+s4] =	stream.linear.scatter [tilespmem:s20], [sflag:$0x9], $0x4000, $0x38;
	[tilespmem:$0x15C80] =	vst v63  }
0x655: {  	s6 =	simm.s32 @!p0 $0x8  }
0x656: {  	_ =	swait.ge @!p0 [sflag:s6], $0x4000  }
0x657: {  	s11 =	simm.s32 @!p0 $0x80;
	[sflag:s6] =	ssyncset.done @!p0 $0x0  }
0x658: {  	s12 =	simm.s32 @!p0 $0x9C80;
	[sflag:s6] =	ssyncadd.s32 @!p0 $0xFFFFC000;
	s6 =	sadd.s32 @!p0 $0x400, s19  }
0x659: {  	[tilespmem:s12], [sflag:$0x3] =	stream.indirect.gather @!p0 [hbm4b:s1+s11], $0x80, s6, s11, $0xb8;
	[tilespmem:$0x15C80] =	vst v63  }
0x65a: {  	_ =	swait.ge [sflag:s26], $0x4000  }
0x65b: {  	[sflag:s26] =	ssyncset.done $0x0  }
0x65c: {  	s6 =	simm.s32 $0x11C80;
	[sflag:s26] =	ssyncadd.s32 $0xFFFFC000  }
0x65d: {  	v46 =	vld [tilespmem:s6+$0x200]  }
0x65e: {  	v45 =	vld [tilespmem:s6+$0x210]  }
0x65f: {  	v8 =	vld [tilespmem:s6+$0x220]  }
0x660: {  	v13 =	vld [tilespmem:s6+$0x230]  }
0x661: {  	v14 =	vld [tilespmem:s6+$0x240]  }
0x662: {  	v37 =	vld [tilespmem:s6+$0x250]  }
0x663: {  	v9 =	vld [tilespmem:s6+$0x260];
	v0 =	vmul.f32 $1.442695020e+00, v46  }
0x664: {  	v47 =	vld [tilespmem:s6+$0x270];
	v1 =	vmul.f32 $1.442695020e+00, v45  }
0x665: {  	v19 =	vld [tilespmem:s6+$0x10];
	v2 =	vmul.f32 $1.442695020e+00, v8;
	(erf) = vpow2.f32 v0  }
0x666: {  	v20 =	vld [tilespmem:s6+$0x20];
	v0 =	vmul.f32 $1.442695020e+00, v13;
	(erf) = vpow2.f32 v1  }
0x667: {  	v21 =	vld [tilespmem:s6+$0x30];
	v1 =	vmul.f32 $1.442695020e+00, v14;
	(erf) = vpow2.f32 v2  }
0x668: {  	v42 =	vld [tilespmem:s6+$0x40];
	v2 =	vmul.f32 $1.442695020e+00, v37;
	(erf) = vpow2.f32 v0  }
0x669: {  	v40 =	vld [tilespmem:s6+$0x50];
	v0 =	vmul.f32 $1.442695020e+00, v9;
	(erf) = vpow2.f32 v1  }
0x66a: {  	v39 =	vld [tilespmem:s6+$0x60];
	v1 =	vmul.f32 $1.442695020e+00, v47;
	(erf) = vpow2.f32 v2  }
0x66b: {  	v63 =	vld [tilespmem:s6+$0x70];
	(erf) = vpow2.f32 v0;
	v0 =	vmul.f32 $1.442695020e+00, v19  }
0x66c: {  	v62 =	vld [tilespmem:s6+$0x80];
	(erf) = vpow2.f32 v1;
	v1 =	vmul.f32 $1.442695020e+00, v20  }
0x66d: {  	v33 =	vld [tilespmem:s6+$0x90];
	v3 =	vmul.f32 $1.442695020e+00, v21  }
0x66e: {  	v44 =	vld [tilespmem:s6+$0xA0];
	v4 =	vmul.f32 $1.442695020e+00, v42;
	v2 =	vpop (erf)  }
0x66f: {  	v10 =	vld [tilespmem:s6+$0xB0];
	v5 =	vmul.f32 $1.442695020e+00, v40;
	(erf) = vpow2.f32 v0;
	v0 =	vpop (erf)  }
0x670: {  	v11 =	vld [tilespmem:s6+$0xC0];
	v6 =	vmul.f32 $1.442695020e+00, v39;
	(erf) = vpow2.f32 v1;
	v1 =	vpop (erf)  }
0x671: {  	v58 =	vld [tilespmem:s6+$0xD0];
	(erf) = vpow2.f32 v3;
	v3 =	vpop (erf)  }
0x672: {  	v59 =	vld [tilespmem:s6+$0xE0];
	(erf) = vpow2.f32 v4;
	v4 =	vpop (erf)  }
0x673: {  	v61 =	vld [tilespmem:s6+$0xF0];
	(erf) = vpow2.f32 v5;
	v5 =	vpop (erf)  }
0x674: {  	v38 =	vld [tilespmem:s6+$0x100];
	v7 =	vmul.f32 $1.442695020e+00, v63;
	(erf) = vpow2.f32 v6;
	v6 =	vpop (erf)  }
0x675: {  	v15 =	vld [tilespmem:s6+$0x110];
	v22 =	vmul.f32 $1.442695020e+00, v62;
	v0 =	vadd.f32 v0, v2;
	v1 =	vadd.f32 v3, v1;
	v2 =	vpop (erf)  }
0x676: {  	v16 =	vld [tilespmem:s6+$0x120];
	(erf) = vpow2.f32 v7;
	v3 =	vadd.f32 v5, v4;
	v2 =	vadd.f32 v2, v6  }
0x677: {  	v23 =	vmul.f32 $1.442695020e+00, v33;
	(erf) = vpow2.f32 v22;
	v22 =	vld [tilespmem:s6+$0x130]  }
0x678: {  	v25 =	vld [tilespmem:s6+$0x150];
	v4 =	vmul.f32 $1.442695020e+00, v44;
	v0 =	vadd.f32 v1, v0;
	v1 =	vadd.f32 v2, v3  }
0x679: {  	v5 =	vmul.f32 $1.442695020e+00, v10;
	(erf) = vpow2.f32 v23;
	v23 =	vld [tilespmem:s6+$0x140]  }
0x67a: {  	v24 =	vld [tilespmem:s6+$0x160];
	v6 =	vmul.f32 $1.442695020e+00, v59;
	[tilespmem:$0x1FBD0] =	vst v15;
	(erf) = vpow2.f32 v4;
	v0 =	vadd.f32 v1, v0  }
0x67b: {  	v4 =	vmul.f32 $1.442695020e+00, v38;
	v26 =	vld [tilespmem:s6+$0x170];
	[tilespmem:$0x1FBE0] =	vst v16;
	v2 =	vmul.f32 $1.442695020e+00, v11  }
0x67c: {  	v3 =	vmul.f32 $1.442695020e+00, v58;
	[tilespmem:$0x1FBF0] =	vst v22;
	v7 =	vperm.xlane v0, v30  }
0x67d: {  	v48 =	vpop (erf);
	(erf) = vpow2.f32 v5;
	v5 =	vmul.f32 $1.442695020e+00, v15;
	v17 =	vld [tilespmem:s6+$0x180]  }
0x67e: {  	v34 =	vpop (erf);
	v1 =	vmul.f32 $1.442695020e+00, v61;
	(erf) = vpow2.f32 v2;
	[tilespmem:$0x1FC00] =	vst v23  }
0x67f: {  	v2 =	vmul.f32 $1.442695020e+00, v16;
	v35 =	vmul.f32 $1.442695020e+00, v22;
	v41 =	vld [tilespmem:s6+$0x190];
	v0 =	vadd.f32 v0, v7  }
0x680: {  	v36 =	vmul.f32 $1.442695020e+00, v23;
	v52 =	vmul.f32 $1.442695020e+00, v26;
	v7 =	vpop (erf)  }
0x681: {  	v60 =	vld [tilespmem:s6+$0x1A0];
	(erf) = vpow2.f32 v3;
	v28 =	vperm.xlane v0, v27;
	v3 =	vpop (erf)  }
0x682: {  	v54 =	vmul.f32 $1.442695020e+00, v17;
	(erf) = vpow2.f32 v6;
	v49 =	vpop (erf)  }
0x683: {  	v43 =	vld [tilespmem:s6+$0x0];
	v6 =	vmul.f32 $1.442695020e+00, v25;
	(erf) = vpow2.f32 v1;
	v0 =	vadd.f32 v0, v28;
	v50 =	vpop (erf)  }
0x684: {  	v55 =	vmul.f32 $1.442695020e+00, v41;
	(erf) = vpow2.f32 v4;
	v51 =	vpop (erf)  }
0x685: {  	(erf) = vpow2.f32 v5;
	v5 =	vperm.xlane v0, v29;
	v4 =	vpop (erf)  }
0x686: {  	v56 =	vmul.f32 $1.442695020e+00, v60;
	v28 =	vld [tilespmem:s6+$0x1B0];
	(erf) = vpow2.f32 v2;
	v53 =	vpop (erf)  }
0x687: {  	v23 =	vld [tilespmem:s6+$0x1C0];
	v1 =	vmul.f32 $1.442695020e+00, v24;
	(erf) = vpow2.f32 v35;
	v0 =	vadd.f32 v0, v5;
	v2 =	vpop (erf)  }
0x688: {  	v15 =	vld [tilespmem:s6+$0x1D0];
	v57 =	vmul.f32 $1.442695020e+00, v43;
	v5 =	vadd.f32 v7, v34;
	v7 =	vpop (erf);
	(erf) = vpow2.f32 v36  }
0x689: {  	v35 =	vpop (erf);
	(erf) = vpow2.f32 v6;
	v6 =	vperm.xlane v0, v32  }
0x68a: {  	v4 =	vadd.f32 v53, v4;
	v2 =	vadd.f32 v7, v2;
	v34 =	vpop (erf);
	(erf) = vpow2.f32 v1  }
0x68b: {  	v7 =	vmul.f32 $1.442695020e+00, v28;
	v1 =	vpop (erf);
	v0 =	vadd.f32 v0, v6;
	(erf) = vpow2.f32 v52  }
0x68c: {  	v6 =	vmul.f32 $1.442695020e+00, v23;
	v52 =	vadd.f32 v34, v35;
	v35 =	vpop (erf);
	(erf) = vpow2.f32 v54  }
0x68d: {  	v16 =	vld [tilespmem:s6+$0x1E0];
	v34 =	vmul.f32 $1.442695020e+00, v15;
	v53 =	vpop (erf);
	(erf) = vpow2.f32 v57  }
0x68e: {  	v1 =	vadd.f32 v35, v1;
	v36 =	vand.u32 $0x7FFFFF, v0;
	(erf) = vpow2.f32 v55;
	v55 =	vpop (erf)  }
0x68f: {  	v18 =	vld [tilespmem:s6+$0x1F0];
	v2 =	vadd.f32 v2, v4;
	v54 =	vor.u32 $0x3F800000, v36;
	v4 =	vpop (erf);
	(erf) = vpow2.f32 v56  }
0x690: {  	v35 =	vmul.f32 $5.000000000e-01, v54;
	v1 =	vadd.f32 v1, v52;
	v52 =	vpop (erf);
	(erf) = vpow2.f32 v7  }
0x691: {  	vm0 =	vgt.f32 v54, $1.414213540e+00;
	(erf) = vpow2.f32 v6;
	v6 =	vpop (erf)  }
0x692: {  	v3 =	vadd.f32 v49, v3;
	v36 =	vmul.f32 $1.442695020e+00, v16;
	v7 =	vsel vm0, v35, v54;
	v49 =	vpop (erf)  }
0x693: {  	v50 =	vadd.f32 v51, v50;
	(erf) = vpow2.f32 v34;
	v56 =	vadd.f32 $1.000000000e+00, v7;
	v34 =	vpop (erf)  }
0x694: {  	v1 =	vadd.f32 v1, v2;
	v2 =	vmul.f32 $1.442695020e+00, v18;
	(erf) = vpow2.f32 v36;
	v35 =	vpop (erf)  }
0x695: {  	v51 =	vadd.f32 v55, v53;
	v4 =	vadd.f32 v52, v4;
	(erf) = vrcp.f32 v56;
	v57 =	vpop (erf)  }
0x696: {  	(erf) = vpow2.f32 v2;
	v2 =	vadd.f32 v49, v6;
	v6 =	vadd.f32 v35, v34;
	v34 =	vpop (erf)  }
0x697: {  	v36 =	vperm.xlane v1, v30;
	v48 =	vadd.f32 v48, v34  }
0x698: {  	v4 =	vadd.f32 v4, v51  }
0x699: {  	v35 =	vpop (erf);
	v5 =	vadd.f32 v5, v48  }
0x69a: {  	v2 =	vadd.f32 v6, v2;
	v6 =	vpop (erf)  }
0x69b: {  	v3 =	vadd.f32 v50, v3;
	v1 =	vadd.f32 v1, v36;
	v36 =	vpop (erf)  }
0x69c: {  	v2 =	vadd.f32 v2, v4;
	v4 =	vpop (erf)  }
0x69d: {  	v3 =	vadd.f32 v3, v5;
	v5 =	vpop (erf)  }
0x69e: {  	v54 =	vperm.xlane v1, v27;
	v49 =	vadd.f32 v35, v57;
	v57 =	vpop (erf)  }
0x69f: {  	v7 =	vadd.f32 $-1.000000000e+00, v7;
	v4 =	vadd.f32 v5, v4;
	v5 =	vperm.xlane v3, v30;
	v34 =	vpop (erf)  }
0x6a0: {  	v1 =	vadd.f32 v1, v54;
	v56 =	vperm.xlane v2, v30;
	v6 =	vadd.f32 v36, v6;
	v35 =	vpop (erf)  }
0x6a1: {  	v3 =	vadd.f32 v3, v5;
	v5 =	vadd.f32 v35, v57  }
0x6a2: {  	v36 =	vperm.xlane v1, v29;
	v2 =	vadd.f32 v2, v56;
	v7 =	vmul.f32 v34, v7  }
0x6a3: {  	v6 =	vadd.f32 v6, v49;
	v54 =	vperm.xlane v3, v27;
	v4 =	vadd.f32 v5, v4  }
0x6a4: {  	v1 =	vadd.f32 v1, v36;
	v5 =	vmul.f32 v7, v7  }
0x6a5: {  	v53 =	vperm.xlane v2, v27;
	v3 =	vadd.f32 v3, v54;
	v4 =	vadd.f32 v4, v6  }
0x6a6: {  	v0 =	vshrl.u32 v0, $0x17;
	v55 =	vperm.xlane v1, v32;
	v6 =	vmul.f32 $2.000000030e-01, v5  }
0x6a7: {  	v2 =	vadd.f32 v2, v53;
	v57 =	vperm.xlane v3, v29;
	v34 =	vperm.xlane v4, v30  }
0x6a8: {  	v36 =	vsel vm0, $0xFFFFFF82, v31;
	v1 =	vadd.f32 v1, v55;
	v6 =	vadd.f32 $3.333333430e-01, v6  }
0x6a9: {  	v56 =	vperm.xlane v2, v29;
	v3 =	vadd.f32 v3, v57;
	v4 =	vadd.f32 v4, v34  }
0x6aa: {  	v0 =	vadd.s32 v0, v36;
	v35 =	vand.u32 $0x7FFFFF, v1;
	v5 =	vmul.f32 v6, v5  }
0x6ab: {  	v2 =	vadd.f32 v2, v56;
	v6 =	vperm.xlane v3, v32;
	v52 =	vperm.xlane v4, v27  }
0x6ac: {  	v0 =	vcvt.s32.f32 v0;
	v7 =	vadd.f32 v7, v7;
	v49 =	vor.u32 $0x3F800000, v35  }
0x6ad: {  	v3 =	vadd.f32 v3, v6;
	v6 =	vperm.xlane v2, v32;
	v4 =	vadd.f32 v4, v52  }
0x6ae: {  	vm14 =	vgt.f32 v49, $1.414213540e+00;
	v53 =	vmul.f32 $5.000000000e-01, v49;
	v5 =	vadd.f32 $1.000000000e+00, v5  }
0x6af: {  	v54 =	vand.u32 $0x7FFFFF, v3;
	v2 =	vadd.f32 v2, v6;
	v6 =	vperm.xlane v4, v29  }
0x6b0: {  	v48 =	vsel vm14, v53, v49;
	v5 =	vmul.f32 v5, v7;
	v7 =	vor.u32 $0x3F800000, v54  }
0x6b1: {  	v55 =	vand.u32 $0x7FFFFF, v2;
	v4 =	vadd.f32 v4, v6;
	v6 =	vmul.f32 $5.000000000e-01, v7  }
0x6b2: {  	v56 =	vadd.f32 $1.000000000e+00, v48;
	vm1 =	vgt.f32 v7, $1.414213540e+00;
	v49 =	vor.u32 $0x3F800000, v55  }
0x6b3: {  	v57 =	vmul.f32 $5.000000000e-01, v49;
	v32 =	vperm.xlane v4, v32;
	v6 =	vsel vm1, v6, v7  }
0x6b4: {  	v0 =	vmul.f32 $6.931471820e-01, v0;
	vm2 =	vgt.f32 v49, $1.414213540e+00;
	v7 =	vadd.f32 $1.000000000e+00, v6  }
0x6b5: {  	(erf) = vrcp.f32 v56;
	v49 =	vsel vm2, v57, v49;
	v4 =	vadd.f32 v4, v32  }
0x6b6: {  	v50 =	vadd.f32 v5, v0;
	v0 =	vadd.f32 $1.000000000e+00, v49;
	(erf) = vrcp.f32 v7  }
0x6b7: {  	v1 =	vshrl.u32 v1, $0x17;
	v5 =	vand.u32 $0x7FFFFF, v4  }
0x6b8: {  	v34 =	vsel vm14, $0xFFFFFF82, v31;
	(erf) = vrcp.f32 v0;
	v5 =	vor.u32 $0x3F800000, v5  }
0x6b9: {  	v1 =	vadd.s32 v1, v34;
	v3 =	vshrl.u32 v3, $0x17;
	v35 =	vmul.f32 $5.000000000e-01, v5  }
0x6ba: {  	v2 =	vshrl.u32 v2, $0x17;
	v36 =	vsel vm2, $0xFFFFFF82, v31;
	vm15 =	vgt.f32 v5, $1.414213540e+00  }
0x6bb: {  	v6 =	vadd.f32 $-1.000000000e+00, v6;
	v7 =	vsel vm1, $0xFFFFFF82, v31;
	v5 =	vsel vm15, v35, v5  }
0x6bc: {  	v0 =	vadd.f32 $-1.000000000e+00, v48;
	v3 =	vadd.s32 v3, v7;
	v7 =	vadd.f32 $1.000000000e+00, v5  }
0x6bd: {  	v4 =	vshrl.u32 v4, $0x17;
	v3 =	vcvt.s32.f32 v3;
	v55 =	vsel vm15, $0xFFFFFF82, v31  }
0x6be: {  	v56 =	vpop (erf);
	(erf) = vrcp.f32 v7;
	v7 =	vcvt.s32.f32 v1;
	v1 =	vadd.s32 v4, v55  }
0x6bf: {  	v2 =	vadd.s32 v2, v36;
	v0 =	vmul.f32 v56, v0;
	v53 =	vcvt.s32.f32 v1;
	v32 =	vpop (erf)  }
0x6c0: {  	v4 =	vadd.f32 $-1.000000000e+00, v49;
	v1 =	vmul.f32 $6.931471820e-01, v3;
	v3 =	vmul.f32 v32, v6  }
0x6c1: {  	v47 =	vsub.f32 v47, v50;
	v2 =	vcvt.s32.f32 v2;
	v57 =	vmul.f32 v0, v0;
	v6 =	vpop (erf)  }
0x6c2: {  	v36 =	vsub.f32 v45, v50;
	v4 =	vmul.f32 v6, v4;
	v52 =	vmul.f32 v3, v3  }
0x6c3: {  	v48 =	vadd.f32 v0, v0;
	v0 =	vmul.f32 $6.931471820e-01, v2;
	v34 =	vmul.f32 $2.000000030e-01, v57  }
0x6c4: {  	v49 =	vmul.f32 v4, v4;
	v2 =	vadd.f32 v4, v4;
	v4 =	vmul.f32 $2.000000030e-01, v52  }
0x6c5: {  	v51 =	vadd.f32 v3, v3;
	v3 =	vadd.f32 $3.333333430e-01, v34  }
0x6c6: {  	v45 =	vsub.f32 v8, v50;
	v5 =	vadd.f32 $-1.000000000e+00, v5  }
0x6c7: {  	[tilespmem:s6+$0x270] =	vst v47;
	v6 =	vsub.f32 v46, v50;
	v3 =	vmul.f32 v3, v57;
	v35 =	vmul.f32 $2.000000030e-01, v49  }
0x6c8: {  	[tilespmem:s6+$0x210] =	vst v36;
	v7 =	vmul.f32 $6.931471820e-01, v7;
	v47 =	vmul.f32 $6.931471820e-01, v53;
	v55 =	vadd.f32 $3.333333430e-01, v4;
	v4 =	vpop (erf)  }
0x6c9: {  	s11 =	simm.s32 $0x0;
	s12 =	simm.s32 $0x11F00;
	[tilespmem:s6+$0x200] =	vst v6;
	v54 =	vadd.f32 $1.000000000e+00, v3;
	v53 =	vadd.f32 $3.333333430e-01, v35;
	v46 =	vmul.f32 v4, v5  }
.LBB2_21:
0x6ca: {  	v8 =	vld [tilespmem:s12+$0x200];
	[tilespmem:s6+$0x220] =	vst v45;
	v4 =	vsub.f32 v13, v50  }
0x6cb: {  	[tilespmem:$0x1FB50] =	vst v16;
	v5 =	vsub.f32 v14, v50;
	v3 =	vmul.f32 v55, v52;
	v14 =	vld [tilespmem:s12+$0x210];
	v13 =	vadd.f32 v46, v46  }
0x6cc: {  	v6 =	vmul.f32 v53, v49;
	v22 =	vld [tilespmem:s12+$0x220];
	[tilespmem:s6+$0x230] =	vst v4  }
0x6cd: {  	[tilespmem:$0x1FB30] =	vst v13;
	v3 =	vadd.f32 $1.000000000e+00, v3  }
0x6ce: {  	v48 =	vmul.f32 v54, v48;
	v4 =	vsub.f32 v37, v50;
	v13 =	vld [tilespmem:s12+$0x230];
	v6 =	vadd.f32 $1.000000000e+00, v6;
	[tilespmem:s6+$0x240] =	vst v5  }
0x6cf: {  	[tilespmem:$0x1FB40] =	vst v15;
	v5 =	vsub.f32 v9, v50;
	v45 =	vld [tilespmem:s12+$0x240];
	v3 =	vmul.f32 v3, v51  }
0x6d0: {  	v56 =	vld [tilespmem:s12+$0x30];
	v35 =	vadd.f32 v48, v7;
	[tilespmem:s6+$0x250] =	vst v4;
	v4 =	vmul.f32 $1.442695020e+00, v8;
	v2 =	vmul.f32 v6, v2  }
0x6d1: {  	v37 =	vld [tilespmem:s12+$0x250];
	[tilespmem:s6+$0x260] =	vst v5;
	v5 =	vmul.f32 $1.442695020e+00, v14;
	v6 =	vmul.f32 $1.442695020e+00, v22;
	v1 =	vadd.f32 v3, v1  }
0x6d2: {  	[tilespmem:$0x1FB70] =	vst v8;
	v12 =	vld [tilespmem:s12+$0x260];
	v3 =	vsub.f32 v62, v35;
	(erf) = vpow2.f32 v4;
	v50 =	vadd.f32 v2, v0  }
0x6d3: {  	[tilespmem:$0x1FB90] =	vst v14;
	v0 =	vld [tilespmem:s12+$0x10];
	v2 =	vmul.f32 $1.442695020e+00, v13;
	(erf) = vpow2.f32 v5;
	v4 =	vsub.f32 v43, v1  }
0x6d4: {  	v48 =	vld [tilespmem:s12+$0x270];
	[tilespmem:s6+$0x80] =	vst v3;
	v5 =	vmul.f32 $1.442695020e+00, v45;
	(erf) = vpow2.f32 v6;
	v6 =	vsub.f32 v19, v1  }
0x6d5: {  	v3 =	vld [tilespmem:s12+$0x20];
	(erf) = vpow2.f32 v2;
	[tilespmem:s6+$0x0] =	vst v4;
	v4 =	vsub.f32 v20, v1  }
0x6d6: {  	v8 =	vmul.f32 $1.442695020e+00, v37;
	v2 =	vld [tilespmem:s12+$0x40];
	(erf) = vpow2.f32 v5;
	[tilespmem:s6+$0x10] =	vst v6;
	v5 =	vsub.f32 v21, v1  }
0x6d7: {  	v43 =	vld [tilespmem:s12+$0x50];
	[tilespmem:s6+$0x20] =	vst v4  }
0x6d8: {  	v51 =	vld [tilespmem:s12+$0x60];
	v19 =	vmul.f32 $1.442695020e+00, v12;
	(erf) = vpow2.f32 v8;
	v8 =	vsub.f32 v40, v1;
	v7 =	vmovc v0;
	[tilespmem:s6+$0x30] =	vst v5  }
0x6d9: {  	v9 =	vmul.f32 $1.442695020e+00, v48;
	v4 =	vsub.f32 v42, v1;
	[tilespmem:$0x1FBB0] =	vst v7  }
0x6da: {  	(erf) = vpow2.f32 v19;
	v7 =	vld [tilespmem:s12+$0x70];
	[tilespmem:s6+$0x50] =	vst v8  }
0x6db: {  	v21 =	vmul.f32 $1.442695020e+00, v0;
	(erf) = vpow2.f32 v9;
	v6 =	vmov v3;
	[tilespmem:s6+$0x40] =	vst v4  }
0x6dc: {  	v14 =	vmul.f32 $1.442695020e+00, v3;
	v4 =	vsub.f32 v39, v1;
	[tilespmem:$0x1FBC0] =	vst v6;
	v5 =	vmov v56  }
0x6dd: {  	v15 =	vmul.f32 $1.442695020e+00, v56;
	(erf) = vpow2.f32 v21;
	v1 =	vsub.f32 v63, v1;
	[tilespmem:$0x1FB80] =	vst v5;
	v0 =	vpop (erf)  }
0x6de: {  	v62 =	vld [tilespmem:s12+$0x80];
	v8 =	vmul.f32 $1.442695020e+00, v2;
	(erf) = vpow2.f32 v14;
	[tilespmem:s6+$0x60] =	vst v4;
	v4 =	vsub.f32 v33, v35;
	v3 =	vpop (erf)  }
0x6df: {  	v9 =	vld [tilespmem:s12+$0x90];
	v14 =	vmul.f32 $1.442695020e+00, v43;
	(erf) = vpow2.f32 v15;
	[tilespmem:s6+$0x70] =	vst v1;
	v1 =	vsub.f32 v44, v35;
	v5 =	vpop (erf)  }
0x6e0: {  	v44 =	vld [tilespmem:s12+$0xA0];
	v15 =	vmul.f32 $1.442695020e+00, v51;
	(erf) = vpow2.f32 v8;
	[tilespmem:s6+$0x90] =	vst v4;
	v4 =	vsub.f32 v10, v35;
	v6 =	vpop (erf)  }
0x6e1: {  	v8 =	vmul.f32 $1.442695020e+00, v7;
	(erf) = vpow2.f32 v14;
	v10 =	vld [tilespmem:s12+$0xB0];
	[tilespmem:s6+$0xA0] =	vst v1;
	v1 =	vsub.f32 v11, v35;
	v57 =	vpop (erf)  }
0x6e2: {  	v55 =	vmul.f32 v46, v46;
	(erf) = vpow2.f32 v15;
	v11 =	vld [tilespmem:s12+$0xC0];
	[tilespmem:s6+$0xB0] =	vst v4;
	v4 =	vsub.f32 v58, v35;
	v36 =	vpop (erf)  }
0x6e3: {  	(erf) = vpow2.f32 v8;
	v8 =	vadd.f32 v3, v0;
	v14 =	vld [tilespmem:s12+$0xD0];
	[tilespmem:s6+$0xC0] =	vst v1;
	v1 =	vsub.f32 v59, v35;
	v59 =	vpop (erf)  }
0x6e4: {  	v19 =	vmul.f32 $1.442695020e+00, v62;
	v3 =	vadd.f32 v6, v5;
	v16 =	vld [tilespmem:s12+$0xE0];
	[tilespmem:s6+$0xD0] =	vst v4;
	v4 =	vsub.f32 v61, v35;
	v5 =	vpop (erf)  }
0x6e5: {  	v61 =	vld [tilespmem:s12+$0xF0];
	[tilespmem:s6+$0xE0] =	vst v1;
	v1 =	vadd.f32 v36, v57;
	v5 =	vadd.f32 v5, v59  }
0x6e6: {  	v32 =	vmov v17;
	v54 =	vld [tilespmem:s12+$0x100];
	v34 =	vmul.f32 $2.000000030e-01, v55;
	(erf) = vpow2.f32 v19  }
0x6e7: {  	v58 =	vmul.f32 $1.442695020e+00, v9;
	v3 =	vadd.f32 v3, v8;
	v17 =	vpop (erf);
	v8 =	vadd.f32 v5, v1  }
0x6e8: {  	v38 =	vsub.f32 v38, v50;
	v20 =	vld [tilespmem:s12+$0x120];
	v49 =	vmul.f32 $1.442695020e+00, v44;
	v33 =	vpop (erf)  }
0x6e9: {  	v63 =	vmul.f32 $1.442695020e+00, v10;
	(erf) = vpow2.f32 v58;
	v0 =	vpop (erf);
	v3 =	vadd.f32 v8, v3;
	v8 =	vld [tilespmem:$0x1FBD0]  }
0x6ea: {  	v46 =	vadd.f32 $3.333333430e-01, v34;
	v21 =	vld [tilespmem:s12+$0x130];
	v34 =	vpop (erf);
	(erf) = vpow2.f32 v49  }
0x6eb: {  	v19 =	vld [tilespmem:s12+$0x110];
	[tilespmem:s6+$0x100] =	vst v38;
	v38 =	vmul.f32 $1.442695020e+00, v54;
	v1 =	vpop (erf);
	(erf) = vpow2.f32 v63  }
0x6ec: {  	[tilespmem:s6+$0xF0] =	vst v4;
	v6 =	vmul.f32 $1.442695020e+00, v11;
	v4 =	vmul.f32 $1.442695020e+00, v14  }
0x6ed: {  	v40 =	vmul.f32 $1.442695020e+00, v16;
	v5 =	vmul.f32 $1.442695020e+00, v61;
	v35 =	vpop (erf)  }
0x6ee: {  	v39 =	vadd.f32 v1, v34;
	(erf) = vpow2.f32 v6;
	v49 =	vpop (erf);
	v31 =	vsub.f32 v8, v50  }
0x6ef: {  	v34 =	vmov v24;
	v36 =	vperm.xlane v3, v30;
	v24 =	vpop (erf);
	(erf) = vpow2.f32 v4  }
0x6f0: {  	v52 =	vmul.f32 $1.442695020e+00, v19;
	v53 =	vadd.f32 v49, v35;
	(erf) = vpow2.f32 v40  }
0x6f1: {  	[tilespmem:$0x1FBA0] =	vst v22;
	v22 =	vld [tilespmem:s12+$0x140];
	v6 =	vmul.f32 $1.442695020e+00, v20;
	v3 =	vadd.f32 v3, v36;
	(erf) = vpow2.f32 v5  }
0x6f2: {  	v58 =	vld [tilespmem:s12+$0x1A0];
	v8 =	vmov v2;
	v2 =	vadd.f32 v53, v39;
	[tilespmem:s6+$0x110] =	vst v31;
	v31 =	vpop (erf);
	(erf) = vpow2.f32 v38  }
0x6f3: {  	v39 =	vmov v7;
	v29 =	vperm.xlane v3, v27;
	v27 =	vld [tilespmem:$0x1FBE0];
	v7 =	vpop (erf);
	(erf) = vpow2.f32 v52  }
0x6f4: {  	v52 =	vpop (erf);
	(erf) = vpow2.f32 v6;
	v6 =	vld [tilespmem:$0x1FBF0]  }
0x6f5: {  	v56 =	vadd.f32 v0, v33;
	v0 =	vld [tilespmem:s12+$0x150]  }
0x6f6: {  	v63 =	vld [tilespmem:s12+$0x170]  }
0x6f7: {  	v1 =	vld [tilespmem:s12+$0x160]  }
0x6f8: {  	v3 =	vadd.f32 v3, v29;
	v29 =	vld [tilespmem:$0x1FFE0]  }
0x6f9: {  	[tilespmem:$0x1FB60] =	vst v18;
	v18 =	vmovc v41;
	v41 =	vmov v60;
	v60 =	vld [tilespmem:s12+$0x180];
	v30 =	vsub.f32 v27, v50;
	v6 =	vsub.f32 v6, v50  }
0x6fa: {  	v42 =	vmovc v43;
	v43 =	vld [tilespmem:s12+$0x0];
	v33 =	vmovc v28;
	v28 =	vmul.f32 $1.442695020e+00, v58;
	v49 =	vmov v23;
	v23 =	vmul.f32 $1.442695020e+00, v21  }
0x6fb: {  	v4 =	vmul.f32 $1.442695020e+00, v22;
	v35 =	vmovc v25;
	v25 =	vmul.f32 $1.442695020e+00, v0;
	v38 =	vmov v20;
	[tilespmem:s6+$0x130] =	vst v6;
	v6 =	vld [tilespmem:$0x1FC00]  }
0x6fc: {  	v59 =	vld [tilespmem:s12+$0x1B0];
	v5 =	vmul.f32 $1.442695020e+00, v1;
	v36 =	vmov v26;
	v26 =	vmul.f32 $1.442695020e+00, v63;
	[tilespmem:$0x1FBE0] =	vst v38  }
0x6fd: {  	v15 =	vmov v54;
	v38 =	vld [tilespmem:$0x1FFF0];
	[tilespmem:s6+$0x120] =	vst v30;
	v29 =	vperm.xlane v3, v29;
	v30 =	vpop (erf);
	(erf) = vpow2.f32 v23  }
0x6fe: {  	v53 =	vld [tilespmem:s12+$0x1C0];
	v20 =	vmov v21;
	v24 =	vadd.f32 v31, v24;
	v21 =	vpop (erf);
	(erf) = vpow2.f32 v4  }
0x6ff: {  	v57 =	vld [tilespmem:s12+$0x190];
	v7 =	vadd.f32 v52, v7;
	v3 =	vadd.f32 v3, v29;
	v23 =	vpop (erf);
	(erf) = vpow2.f32 v25  }
0x700: {  	v54 =	vld [tilespmem:s12+$0x1D0];
	v25 =	vpop (erf);
	(erf) = vpow2.f32 v5;
	v5 =	vmov v22;
	v6 =	vsub.f32 v6, v50  }
0x701: {  	v31 =	vmul.f32 $1.442695020e+00, v59;
	v4 =	vadd.f32 v21, v30;
	v23 =	vadd.f32 v25, v23;
	[tilespmem:$0x1FC00] =	vst v5  }
0x702: {  	v5 =	vmul.f32 $1.442695020e+00, v43;
	[tilespmem:s6+$0x140] =	vst v6;
	v6 =	vadd.f32 v7, v24;
	v7 =	vperm.xlane v3, v38  }
0x703: {  	v40 =	vmovc v51;
	v27 =	vmovc v19;
	v19 =	vmul.f32 $1.442695020e+00, v60;
	[tilespmem:$0x1FBF0] =	vst v20;
	v20 =	vmul.f32 $1.442695020e+00, v53;
	v4 =	vadd.f32 v23, v4  }
0x704: {  	v51 =	vld [tilespmem:s12+$0x1E0];
	[tilespmem:$0x1FBD0] =	vst v27;
	v27 =	vmul.f32 $1.442695020e+00, v57;
	v7 =	vadd.f32 v3, v7;
	v3 =	vpop (erf);
	(erf) = vpow2.f32 v26  }
0x705: {  	v21 =	vmul.f32 $1.442695020e+00, v54;
	v4 =	vadd.f32 v4, v6;
	v22 =	vpop (erf);
	(erf) = vpow2.f32 v19  }
0x706: {  	v30 =	vld [tilespmem:$0x1FFC0];
	v3 =	vadd.f32 v22, v3;
	v22 =	vand.u32 $0x7FFFFF, v7;
	(erf) = vpow2.f32 v5;
	v5 =	vpop (erf)  }
0x707: {  	v52 =	vld [tilespmem:s12+$0x1F0];
	v19 =	vmul.f32 v46, v55;
	v6 =	vor.u32 $0x3F800000, v22;
	(erf) = vpow2.f32 v27;
	v23 =	vpop (erf)  }
0x708: {  	v55 =	vmul.f32 $5.000000000e-01, v6;
	(erf) = vpow2.f32 v28;
	v28 =	vadd.f32 v23, v5;
	v23 =	vpop (erf)  }
0x709: {  	v24 =	vmul.f32 $1.442695020e+00, v51;
	v27 =	vld [tilespmem:$0x1FFD0];
	vm0 =	vgt.f32 v6, $1.414213540e+00;
	(erf) = vpow2.f32 v31;
	v22 =	vpop (erf)  }
0x70a: {  	v6 =	vsel vm0, v55, v6;
	(erf) = vpow2.f32 v20;
	v20 =	vadd.f32 v22, v23;
	v23 =	vld [tilespmem:$0x1FB30]  }
0x70b: {  	v26 =	vperm.xlane v4, v30;
	v22 =	vadd.f32 $1.000000000e+00, v6;
	(erf) = vpow2.f32 v21  }
0x70c: {  	v25 =	vmul.f32 $1.442695020e+00, v52;
	v19 =	vadd.f32 $1.000000000e+00, v19;
	v5 =	vpop (erf);
	(erf) = vpow2.f32 v24  }
0x70d: {  	v4 =	vadd.f32 v4, v26;
	v21 =	vpop (erf);
	(erf) = vrcp.f32 v22;
	v22 =	vsub.f32 v35, v50  }
0x70e: {  	v3 =	vadd.f32 v28, v3;
	v5 =	vadd.f32 v21, v5;
	v21 =	vpop (erf);
	(erf) = vpow2.f32 v25  }
0x70f: {  	v26 =	vmul.f32 v19, v23;
	v23 =	vperm.xlane v4, v27;
	v24 =	vpop (erf);
	[tilespmem:s6+$0x150] =	vst v22;
	v22 =	vsub.f32 v34, v50  }
0x710: {  	v29 =	vld [tilespmem:$0x1FFE0];
	v25 =	vmov v0;
	v0 =	vadd.f32 v17, v24;
	v17 =	vadd.f32 v5, v20;
	v19 =	vpop (erf)  }
0x711: {  	v24 =	vmov v1;
	v1 =	vadd.f32 v4, v23;
	v4 =	vadd.f32 v19, v21;
	v19 =	vpop (erf)  }
0x712: {  	v0 =	vadd.f32 v56, v0;
	v3 =	vadd.f32 v17, v3;
	v5 =	vpop (erf)  }
0x713: {  	v6 =	vadd.f32 $-1.000000000e+00, v6;
	v5 =	vadd.f32 v5, v19;
	v19 =	vpop (erf)  }
0x714: {  	v47 =	vadd.f32 v26, v47;
	[tilespmem:s6+$0x160] =	vst v22;
	v0 =	vadd.f32 v2, v0;
	v2 =	vperm.xlane v3, v30;
	v22 =	vpop (erf)  }
0x715: {  	v21 =	vsub.f32 v36, v50;
	v20 =	vperm.xlane v1, v29;
	v19 =	vadd.f32 v22, v19;
	v22 =	vpop (erf)  }
0x716: {  	v7 =	vshrl.u32 v7, $0x17;
	v2 =	vadd.f32 v3, v2;
	v3 =	vadd.f32 v5, v4;
	v4 =	vpop (erf)  }
0x717: {  	v23 =	vsub.f32 v32, v47;
	[tilespmem:s6+$0x170] =	vst v21;
	v1 =	vadd.f32 v1, v20;
	v21 =	vperm.xlane v0, v30;
	v5 =	vpop (erf)  }
0x718: {  	v4 =	vmul.f32 v4, v6;
	v20 =	vperm.xlane v2, v27;
	v5 =	vadd.f32 v5, v22  }
0x719: {  	v6 =	vsub.f32 v18, v47;
	v0 =	vadd.f32 v0, v21;
	v21 =	vperm.xlane v1, v38  }
0x71a: {  	[tilespmem:s6+$0x180] =	vst v23;
	v22 =	vmul.f32 v4, v4;
	v2 =	vadd.f32 v2, v20;
	v5 =	vadd.f32 v5, v19  }
0x71b: {  	[tilespmem:s6+$0x190] =	vst v6;
	v6 =	vsub.f32 v41, v47;
	v23 =	vperm.xlane v0, v27;
	v1 =	vadd.f32 v1, v21  }
0x71c: {  	v19 =	vmul.f32 $2.000000030e-01, v22;
	v20 =	vperm.xlane v2, v29;
	v3 =	vadd.f32 v5, v3  }
0x71d: {  	v31 =	vimm.s32 $0xFFFFFF81;
	[tilespmem:s6+$0x1A0] =	vst v6;
	v6 =	vsub.f32 v33, v47;
	v0 =	vadd.f32 v0, v23  }
0x71e: {  	v19 =	vadd.f32 $3.333333430e-01, v19;
	v2 =	vadd.f32 v2, v20;
	v20 =	vperm.xlane v3, v30  }
0x71f: {  	v4 =	vadd.f32 v4, v4;
	v21 =	vsel vm0, $0xFFFFFF82, v31;
	[tilespmem:s6+$0x1B0] =	vst v6;
	v6 =	vperm.xlane v0, v29  }
0x720: {  	v5 =	vshrl.u32 v1, $0x17;
	v19 =	vmul.f32 v19, v22;
	v3 =	vadd.f32 v3, v20  }
0x721: {  	v1 =	vand.u32 $0x7FFFFF, v1;
	v0 =	vadd.f32 v0, v6;
	v6 =	vadd.s32 v7, v21  }
0x722: {  	v7 =	vadd.f32 $1.000000000e+00, v19;
	v6 =	vcvt.s32.f32 v6;
	v20 =	vperm.xlane v3, v27  }
0x723: {  	v1 =	vor.u32 $0x3F800000, v1;
	v19 =	vperm.xlane v0, v38  }
0x724: {  	v6 =	vmul.f32 $6.931471820e-01, v6;
	v4 =	vmul.f32 v7, v4;
	v3 =	vadd.f32 v3, v20  }
0x725: {  	v7 =	vperm.xlane v2, v38;
	v0 =	vadd.f32 v0, v19;
	v19 =	vmul.f32 $5.000000000e-01, v1  }
0x726: {  	vm13 =	vgt.f32 v1, $1.414213540e+00;
	v50 =	vadd.f32 v4, v6;
	v6 =	vperm.xlane v3, v29  }
0x727: {  	v2 =	vadd.f32 v2, v7;
	v1 =	vsel vm13, v19, v1  }
0x728: {  	v4 =	vand.u32 $0x7FFFFF, v0;
	v3 =	vadd.f32 v3, v6;
	v6 =	vadd.f32 $1.000000000e+00, v1  }
0x729: {  	v4 =	vor.u32 $0x3F800000, v4  }
0x72a: {  	v7 =	vsub.f32 v48, v50;
	v21 =	vand.u32 $0x7FFFFF, v2;
	(erf) = vrcp.f32 v6  }
0x72b: {  	v19 =	vmul.f32 $5.000000000e-01, v4;
	v21 =	vor.u32 $0x3F800000, v21;
	v22 =	vperm.xlane v3, v38  }
0x72c: {  	v20 =	vsel vm13, $0xFFFFFF82, v31;
	vm14 =	vgt.f32 v4, $1.414213540e+00;
	[tilespmem:s12+$0x270] =	vst v7;
	v7 =	vmul.f32 $5.000000000e-01, v21  }
0x72d: {  	vm1 =	vgt.f32 v21, $1.414213540e+00;
	v4 =	vsel vm14, v19, v4;
	v3 =	vadd.f32 v3, v22  }
0x72e: {  	v0 =	vshrl.u32 v0, $0x17;
	v6 =	vadd.f32 $1.000000000e+00, v4;
	v7 =	vsel vm1, v7, v21  }
0x72f: {  	v21 =	vadd.f32 $1.000000000e+00, v7;
	v22 =	vadd.f32 $-1.000000000e+00, v7;
	v7 =	vand.u32 $0x7FFFFF, v3  }
0x730: {  	v19 =	vsel vm14, $0xFFFFFF82, v31;
	(erf) = vrcp.f32 v6;
	v7 =	vor.u32 $0x3F800000, v7  }
0x731: {  	v2 =	vshrl.u32 v2, $0x17;
	(erf) = vrcp.f32 v21;
	v21 =	vmul.f32 $5.000000000e-01, v7  }
0x732: {  	v1 =	vadd.f32 $-1.000000000e+00, v1;
	v6 =	vsel vm1, $0xFFFFFF82, v31;
	vm15 =	vgt.f32 v7, $1.414213540e+00  }
0x733: {  	v0 =	vadd.s32 v0, v19;
	v2 =	vadd.s32 v2, v6;
	v7 =	vsel vm15, v21, v7;
	v19 =	vpop (erf)  }
0x734: {  	v6 =	vadd.f32 $-1.000000000e+00, v7;
	v7 =	vadd.f32 $1.000000000e+00, v7;
	v19 =	vmul.f32 v19, v1;
	v1 =	vld [tilespmem:$0x1FB40]  }
0x735: {  	v5 =	vadd.s32 v5, v20  }
0x736: {  	v26 =	vmovc v63;
	v5 =	vcvt.s32.f32 v5;
	(erf) = vrcp.f32 v7;
	v7 =	vsub.f32 v49, v47  }
0x737: {  	v63 =	vmovc v39;
	v39 =	vmovc v40;
	v40 =	vmov v42;
	v42 =	vmov v8;
	v8 =	vcvt.s32.f32 v0  }
0x738: {  	[tilespmem:s6+$0x1C0] =	vst v7;
	v7 =	vmul.f32 $6.931471820e-01, v5;
	v5 =	vld [tilespmem:$0x1FB50]  }
0x739: {  	v20 =	vsub.f32 v1, v47;
	v1 =	vmul.f32 $6.931471820e-01, v8;
	v8 =	vld [tilespmem:$0x1FB60]  }
0x73a: {  	v3 =	vshrl.u32 v3, $0x17;
	v23 =	vsel vm15, $0xFFFFFF82, v31  }
0x73b: {  	v3 =	vadd.s32 v3, v23  }
0x73c: {  	v3 =	vcvt.s32.f32 v3;
	_ =	sdelay $0x1  }
0x73d: {  	[tilespmem:s6+$0x1D0] =	vst v20;
	v5 =	vsub.f32 v5, v47;
	v20 =	vsub.f32 v8, v47;
	v47 =	vmul.f32 $6.931471820e-01, v3;
	v3 =	vld [tilespmem:$0x1FB70]  }
0x73e: {  	v4 =	vadd.f32 $-1.000000000e+00, v4;
	_ =	sdelay $0x2  }
0x73f: {  	v0 =	vpop (erf)  }
0x740: {  	v21 =	vmul.f32 v19, v19;
	v0 =	vmul.f32 v0, v4;
	v4 =	vpop (erf);
	v3 =	vsub.f32 v3, v50  }
0x741: {  	v28 =	vmov v59;
	v4 =	vmul.f32 v4, v22;
	v8 =	vld [tilespmem:$0x1FB90]  }
0x742: {  	s11 =	sadd.s32 $0x5, s11;
	v59 =	vmovc v16;
	v16 =	vmovc v51;
	v17 =	vmov v60;
	v48 =	vadd.f32 v19, v19;
	v19 =	vmul.f32 $2.000000030e-01, v21;
	[tilespmem:s12+$0x200] =	vst v3;
	v3 =	vld [tilespmem:$0x1FBA0]  }
0x743: {  	p1 =	slt.u32 s11, $0x78;
	v60 =	vmovc v58;
	v58 =	vmovc v14;
	v14 =	vmov v45;
	v2 =	vcvt.s32.f32 v2;
	v49 =	vmul.f32 v4, v4  }
.Ltmp11:
0x744: {  	v18 =	vmovc v52;
	v52 =	vmul.f32 v0, v0;
	v51 =	vadd.f32 v0, v0;
	[tilespmem:s6+$0x1E0] =	vst v5;
	v5 =	vadd.f32 $3.333333430e-01, v19;
	(pc) =	sbr.rel @p1 .LBB2_21-.Ltmp11, $4  }
0x745: {  	v41 =	vmovc v57;
	v33 =	vmovc v9;
	v0 =	vmul.f32 $6.931471820e-01, v2;
	v2 =	vadd.f32 v4, v4;
	v19 =	vmul.f32 $2.000000030e-01, v49  }
0x746: {  	v9 =	vmovc v12;
	v4 =	vmul.f32 $2.000000030e-01, v52;
	[tilespmem:s6+$0x1F0] =	vst v20;
	v5 =	vmul.f32 v5, v21;
	v21 =	vld [tilespmem:$0x1FB80];
	v20 =	vsub.f32 v8, v50  }
0x747: {  	v23 =	vmov v53;
	s6 =	smov.u32 s12;
	v53 =	vadd.f32 $3.333333430e-01, v19;
	v19 =	vld [tilespmem:$0x1FBB0];
	v45 =	vsub.f32 v3, v50;
	v3 =	vpop (erf)  }
0x748: {  	s19 =	simm.s32 $0x0;
	v38 =	vmovc v15;
	v15 =	vmovc v54;
	v55 =	vadd.f32 $3.333333430e-01, v4;
	v54 =	vadd.f32 $1.000000000e+00, v5;
	s12 =	sadd.s32 $0x280, s12;
	[tilespmem:s6+$0x210] =	vst v20;
	v20 =	vld [tilespmem:$0x1FBC0];
	v46 =	vmul.f32 v3, v6  }
0x749: {  	_ = 	snop  }
0x74a: {  	v4 =	vsub.f32 v13, v50;
	v5 =	vmul.f32 v54, v48  }
0x74b: {  	[tilespmem:s6+$0x220] =	vst v45;
	v6 =	vsub.f32 v14, v50;
	v3 =	vmul.f32 v55, v52  }
0x74c: {  	v57 =	vsub.f32 v37, v50;
	[tilespmem:s6+$0x230] =	vst v4;
	v5 =	vadd.f32 v5, v7  }
0x74d: {  	v12 =	vsub.f32 v9, v50;
	[tilespmem:s6+$0x240] =	vst v6;
	v3 =	vadd.f32 $1.000000000e+00, v3  }
0x74e: {  	[tilespmem:s6+$0x250] =	vst v57;
	v13 =	vsub.f32 v62, v5  }
0x74f: {  	[tilespmem:s6+$0x260] =	vst v12;
	v3 =	vmul.f32 v3, v51;
	v45 =	vsub.f32 v11, v5  }
0x750: {  	v37 =	vmul.f32 v53, v49;
	v49 =	vsub.f32 v58, v5;
	[tilespmem:s6+$0x80] =	vst v13  }
0x751: {  	v50 =	vsub.f32 v59, v5;
	v1 =	vadd.f32 v3, v1;
	[tilespmem:s6+$0xC0] =	vst v45  }
0x752: {  	v51 =	vsub.f32 v61, v5;
	[tilespmem:s6+$0xD0] =	vst v49  }
0x753: {  	[tilespmem:s6+$0xE0] =	vst v50;
	v14 =	vsub.f32 v43, v1  }
0x754: {  	[tilespmem:s6+$0xF0] =	vst v51;
	v22 =	vsub.f32 v19, v1  }
0x755: {  	v27 =	vsub.f32 v20, v1;
	[tilespmem:s6+$0x0] =	vst v14  }
0x756: {  	v32 =	vsub.f32 v21, v1;
	[tilespmem:s6+$0x10] =	vst v22  }
0x757: {  	v34 =	vsub.f32 v42, v1;
	[tilespmem:s6+$0x20] =	vst v27  }
0x758: {  	v6 =	vadd.f32 $1.000000000e+00, v37;
	v35 =	vsub.f32 v40, v1;
	[tilespmem:s6+$0x30] =	vst v32  }
0x759: {  	v36 =	vsub.f32 v39, v1;
	[tilespmem:s6+$0x40] =	vst v34  }
0x75a: {  	v2 =	vmul.f32 v6, v2;
	v1 =	vsub.f32 v63, v1;
	[tilespmem:s6+$0x50] =	vst v35  }
0x75b: {  	v39 =	vmul.f32 v46, v46;
	v40 =	vsub.f32 v33, v5;
	[tilespmem:s6+$0x60] =	vst v36  }
0x75c: {  	v0 =	vadd.f32 v2, v0;
	v42 =	vsub.f32 v44, v5;
	[tilespmem:s6+$0x70] =	vst v1  }
0x75d: {  	v44 =	vsub.f32 v10, v5;
	v43 =	vmul.f32 $2.000000030e-01, v39;
	[tilespmem:s6+$0x90] =	vst v40  }
0x75e: {  	v52 =	vsub.f32 v38, v0;
	[tilespmem:s6+$0xA0] =	vst v42  }
0x75f: {  	[tilespmem:s6+$0xB0] =	vst v44;
	v48 =	vadd.f32 $3.333333430e-01, v43  }
0x760: {  	v2 =	vld [tilespmem:$0x1FBD0];
	[tilespmem:s6+$0x100] =	vst v52  }
0x761: {  	v1 =	vld [tilespmem:$0x1FBE0];
	v3 =	vmul.f32 v48, v39;
	_ =	sdelay $0x1  }
0x762: {  	v53 =	vadd.f32 v46, v46;
	v3 =	vadd.f32 $1.000000000e+00, v3;
	_ =	sdelay $0x1  }
0x763: {  	v2 =	vsub.f32 v2, v0;
	v3 =	vmul.f32 v3, v53  }
0x764: {  	v1 =	vsub.f32 v1, v0  }
0x765: {  	v54 =	vsub.f32 v25, v0;
	[tilespmem:s6+$0x110] =	vst v2;
	v3 =	vadd.f32 v3, v47  }
0x766: {  	v55 =	vsub.f32 v24, v0;
	v2 =	vld [tilespmem:$0x1FBF0];
	[tilespmem:s6+$0x120] =	vst v1  }
0x767: {  	v1 =	vld [tilespmem:$0x1FC00];
	[tilespmem:s6+$0x150] =	vst v54;
	v56 =	vsub.f32 v17, v3  }
0x768: {  	[tilespmem:s6+$0x160] =	vst v55;
	v57 =	vsub.f32 v41, v3  }
0x769: {  	v58 =	vsub.f32 v60, v3;
	[tilespmem:s6+$0x180] =	vst v56  }
0x76a: {  	v59 =	vsub.f32 v28, v3;
	[tilespmem:s6+$0x190] =	vst v57  }
0x76b: {  	v60 =	vsub.f32 v23, v3;
	[tilespmem:s6+$0x1A0] =	vst v58  }
0x76c: {  	v61 =	vsub.f32 v15, v3;
	[tilespmem:s6+$0x1B0] =	vst v59  }
0x76d: {  	v62 =	vsub.f32 v16, v3;
	[tilespmem:s6+$0x1C0] =	vst v60  }
0x76e: {  	v63 =	vsub.f32 v18, v3;
	[tilespmem:s6+$0x1D0] =	vst v61  }
0x76f: {  	v2 =	vsub.f32 v2, v0;
	[tilespmem:s6+$0x1E0] =	vst v62  }
0x770: {  	[tilespmem:s6+$0x1F0] =	vst v63;
	v1 =	vsub.f32 v1, v0  }
0x771: {  	v0 =	vsub.f32 v26, v0;
	[tilespmem:s6+$0x130] =	vst v2  }
0x772: {  	[tilespmem:s6+$0x140] =	vst v1  }
0x773: {  	[tilespmem:s6+$0x170] =	vst v0  }
0x774: {  	v16 =	vld [tilespmem:$0x1FF90]  }
0x775: {  	v17 =	vld [tilespmem:$0x1FFA0]  }
0x776: {  	v18 =	vld [tilespmem:$0x1FFB0]  }
0x777: {  	v32 =	vld [tilespmem:$0x1FFF0]  }
.LBB2_23:
0x778: {  	s6 =	sshra.s32 s19, $0x2  }
0x779: {  	v0 =	vld [tilespmem:s6+$0x15B00]  }
0x77a: {  	v1 =	vld [tilespmem:s6+$0x15B10]  }
0x77b: {  	v2 =	vld [tilespmem:s6+$0x15B20]  }
0x77c: {  	v3 =	vld [tilespmem:s6+$0x15B30]  }
0x77d: {  	v4 =	vld [tilespmem:s6+$0x15B40]  }
0x77e: {  	v5 =	vld [tilespmem:s6+$0x15B50];
	v6 =	vmul.f32 $1.442695020e+00, v0  }
0x77f: {  	v7 =	vld [tilespmem:s6+$0x15B60];
	v8 =	vmul.f32 $1.442695020e+00, v1  }
0x780: {  	v9 =	vld [tilespmem:s6+$0x15B70];
	v43 =	vmul.f32 $1.442695020e+00, v2;
	(erf) = vpow2.f32 v6  }
0x781: {  	v44 =	vmul.f32 $1.442695020e+00, v3;
	(erf) = vpow2.f32 v8  }
0x782: {  	v45 =	vmul.f32 $1.442695020e+00, v4;
	(erf) = vpow2.f32 v43  }
0x783: {  	v46 =	vmul.f32 $1.442695020e+00, v5;
	(erf) = vpow2.f32 v44  }
0x784: {  	v47 =	vmul.f32 $1.442695020e+00, v7;
	(erf) = vpow2.f32 v45  }
0x785: {  	v48 =	vmul.f32 $1.442695020e+00, v9;
	(erf) = vpow2.f32 v46  }
0x786: {  	(erf) = vpow2.f32 v47  }
0x787: {  	(erf) = vpow2.f32 v48;
	_ =	sdelay $0x1  }
0x788: {  	v49 =	vpop (erf)  }
0x789: {  	v50 =	vpop (erf)  }
0x78a: {  	v10 =	vpop (erf)  }
0x78b: {  	v11 =	vpop (erf)  }
0x78c: {  	v12 =	vpop (erf)  }
0x78d: {  	v13 =	vpop (erf)  }
0x78e: {  	v14 =	vpop (erf)  }
0x78f: {  	v6 =	vadd.f32 v50, v49;
	v51 =	vadd.f32 v11, v10;
	v15 =	vpop (erf)  }
0x790: {  	v52 =	vadd.f32 v13, v12;
	v53 =	vadd.f32 v15, v14;
	_ =	sdelay $0x1  }
0x791: {  	v6 =	vadd.f32 v51, v6;
	v54 =	vadd.f32 v53, v52;
	_ =	sdelay $0x1  }
0x792: {  	v6 =	vadd.f32 v54, v6;
	_ =	sdelay $0x1  }
0x793: {  	v8 =	vperm.xlane v6, v16;
	_ =	sdelay $0x1  }
0x794: {  	v6 =	vadd.f32 v6, v8;
	_ =	sdelay $0x1  }
0x795: {  	v8 =	vperm.xlane v6, v17;
	_ =	sdelay $0x1  }
0x796: {  	v6 =	vadd.f32 v6, v8;
	_ =	sdelay $0x1  }
0x797: {  	v8 =	vperm.xlane v6, v18;
	_ =	sdelay $0x1  }
0x798: {  	v6 =	vadd.f32 v6, v8;
	_ =	sdelay $0x1  }
0x799: {  	v8 =	vperm.xlane v6, v32;
	_ =	sdelay $0x1  }
0x79a: {  	v6 =	vadd.f32 v6, v8;
	_ =	sdelay $0x1  }
0x79b: {  	v8 =	vand.u32 $0x7FFFFF, v6  }
0x79c: {  	v8 =	vor.u32 $0x3F800000, v8  }
0x79d: {  	v55 =	vmul.f32 $5.000000000e-01, v8  }
0x79e: {  	vm0 =	vgt.f32 v8, $1.414213540e+00  }
0x79f: {  	v8 =	vsel vm0, v55, v8  }
0x7a0: {  	v10 =	vadd.f32 $1.000000000e+00, v8;
	_ =	sdelay $0x1  }
0x7a1: {  	(erf) = vrcp.f32 v10;
	_ =	sdelay $0x7  }
0x7a2: {  	v8 =	vadd.f32 $-1.000000000e+00, v8  }
0x7a3: {  	v10 =	vpop (erf)  }
0x7a4: {  	v8 =	vmul.f32 v10, v8;
	_ =	sdelay $0x1  }
0x7a5: {  	v10 =	vmul.f32 v8, v8;
	_ =	sdelay $0x1  }
0x7a6: {  	v56 =	vmul.f32 $2.000000030e-01, v10;
	_ =	sdelay $0x1  }
0x7a7: {  	v11 =	vadd.f32 $3.333333430e-01, v56;
	_ =	sdelay $0x1  }
0x7a8: {  	v6 =	vshrl.u32 v6, $0x17;
	v57 =	vsel vm0, $0xFFFFFF82, v31;
	v10 =	vmul.f32 v11, v10  }
0x7a9: {  	v6 =	vadd.s32 v6, v57  }
0x7aa: {  	v6 =	vcvt.s32.f32 v6;
	v8 =	vadd.f32 v8, v8;
	v10 =	vadd.f32 $1.000000000e+00, v10;
	_ =	sdelay $0x1  }
0x7ab: {  	v6 =	vmul.f32 $6.931471820e-01, v6;
	v8 =	vmul.f32 v10, v8;
	_ =	sdelay $0x1  }
0x7ac: {  	v6 =	vadd.f32 v8, v6;
	_ =	sdelay $0x1  }
0x7ad: {  	v0 =	vsub.f32 v0, v6  }
0x7ae: {  	v1 =	vsub.f32 v1, v6  }
0x7af: {  	v58 =	vsub.f32 v2, v6;
	[tilespmem:s6+$0x15B00] =	vst v0  }
0x7b0: {  	v59 =	vsub.f32 v3, v6;
	[tilespmem:s6+$0x15B10] =	vst v1  }
0x7b1: {  	p1 =	sne.s32 s19, $0x400;
	v60 =	vsub.f32 v4, v6;
	[tilespmem:s6+$0x15B20] =	vst v58  }
.Ltmp12:
0x7b2: {  	v61 =	vsub.f32 v5, v6;
	[tilespmem:s6+$0x15B30] =	vst v59;
	(pc) =	sbr.rel @p1 .LBB2_23-.Ltmp12, $4  }
0x7b3: {  	v62 =	vsub.f32 v7, v6;
	[tilespmem:s6+$0x15B40] =	vst v60  }
0x7b4: {  	v63 =	vsub.f32 v9, v6;
	[tilespmem:s6+$0x15B50] =	vst v61  }
0x7b5: {  	[tilespmem:s6+$0x15B60] =	vst v62  }
0x7b6: {  	s19 =	sadd.s32 $0x200, s19;
	[tilespmem:s6+$0x15B70] =	vst v63  }
.Ltmp13:
0x7b7: {  	(pc) =	sbr.rel @p0 .LBB2_26-.Ltmp13, $4  }
0x7b8: {  	_ = 	snop  }
0x7b9: {  	s6 =	sshll.u32 s17, $0x10  }
0x7ba: {  	s6 =	sadd.s32 s6, s8  }
0x7bb: {  	[hbm4b:s6+s4] =	stream.linear.scatter [tilespmem:s22], [sflag:$0xA], $0x4000, $0x38;
	[tilespmem:$0x15C80] =	vst v63  }
0x7bc: {  	s6 =	smul.u32 $0xA00, s15  }
.Ltmp14:
0x7bd: {  	_ = 	snop;
	(pc) =	sbr.rel .LBB2_4-.Ltmp14, $4  }
0x7be: {  	_ =	swait.ge [sflag:s31], $0x4000  }
0x7bf: {  	[sflag:s31] =	ssyncset.done $0x0;
	s6 =	sshra.s32 s6, $0x2  }
0x7c0: {  	s15 =	sadd.s32 $0x1, s15;
	[sflag:s31] =	ssyncadd.s32 $0xFFFFC000;
	s6 =	sadd.s32 $0x480, s6  }
0x7c1: {  	[tilespmem:s20], [sflag:$0x4] =	stream.indirect.gather [hbm4b:s1+s13], $0x80, s6, s13, $0xb8;
	[tilespmem:$0x15C80] =	vst v63  }
.LBB2_27:
0x7c2: {  	_ =	sfence.sel $0x180000  }
0x7c3: {  	[bflag:$0x0] =	sbarrier.arrive $0xFFFF  }
0x7c4: {  	_ =	strace $0x90000047  }
0x7c5: {  	s0 =	stileid.u32;
	[bflag:$0x2] =	sbarrier.arrive $0xFFFF  }
0x7c6: {  	p0 =	sne.s32 s0, $0x0;
	s0 =	rddreg [dreg:$0x3]  }
0x7c7: {  	s0 =	sadd.s32 @!p0 $0x100000, s0  }
0x7c8: {  	[sflag:s0] =	ssyncadd.tile.s32 @!p0 $0x1;
	_ =	shalt  }
.Lfunc_end2:
_tile_overlayer_lowered:
.L_overlay_start_2:
0x7c9: {  	(tag) =	ssettag $0x2  }
0x7ca: {  	s0 =	rddreg [dreg:$0x0];
	s2 =	stileid.u32  }
0x7cb: {  	s1 =	rddreg [dreg:$0x1];
	p0 =	sne.s32 s2, $0x0  }
0x7cc: {  	s3 =	rddreg [dreg:$0x2];
	[bflag:$0x3] =	sbarrier.arrive $0xFFFF;
	s2 =	simm.s32 @!p0 $0x1C0B  }
0x7cd: {  	[timem:s3], [sflag:s2] =	dma.local @!p0 [hbm:s0], s1  }
0x7ce: {  	s0 =	simm.s32 @!p0 $0xB  }
0x7cf: {  	_ =	swait.ge @!p0 [sflag:s0], s1  }
0x7d0: {  	s1 =	ssub.s32 @!p0 $0x0, s1;
	[sflag:s0] =	ssyncset.done @!p0 $0x0  }
0x7d1: {  	[sflag:s0] =	ssyncadd.s32 @!p0 s1  }
0x7d2: {  	[bflag:$0x3] =	sbarrier.arrive $0xFFFF  }
0x7d3: {  	_ =	shalt  }

</sc_bundles>
